<compile_context>
chip_gen: v7x
topology: tpu7x:2x2x1
jax: 0.10.2.dev20260603
libtpu: 0.0.44.dev20260713+nightly
codegen_flags: <defaults>
</compile_context>

<pallas_src>
import functools

import jax
import jax.numpy as jnp
from jax import lax
from jax.experimental import pallas as pl
from jax.experimental.pallas import tpu as pltpu
from jax.experimental.pallas import tpu_sc as plsc

N = 10000
E = 320000
D = 128
BN_EPS = 1e-5

NC = 2
NS = 16
NW = NC * NS
EPW = E // NW
CHUNK = 80
NCHUNK = EPW // CHUNK
NSLOT = 3
NIDX = 4
N_PAD = 10240
ROWS_PER_TILE = N_PAD // NS
RB = 128
CNT_PER_TILE = N_PAD // NS


def _sc_agg_body(p_hbm, eflat_hbm, out_acc, out_cnt,
                 sbuf, dbuf, rows, cbuf, ones_v, acc_sh, cnt_sh,
                 gsem, isem, ssem, osem):
    cid = lax.axis_index("c")
    sid = lax.axis_index("s")
    wid = cid * NS + sid

    for _j in range(2):
        _off = pl.multiple_of(wid * EPW + _j * CHUNK, 8)
        pltpu.async_copy(eflat_hbm.at[pl.ds(_off, CHUNK)],
                         sbuf.at[_j % NIDX], isem.at[_j % NIDX])
        _off2 = pl.multiple_of(E + wid * EPW + _j * CHUNK, 8)
        pltpu.async_copy(eflat_hbm.at[pl.ds(_off2, CHUNK)],
                         dbuf.at[_j % NIDX], isem.at[_j % NIDX])

    def zrow(k, _):
        r = k // (D // 16)
        c = (k % (D // 16)) * 16
        rows[r, pl.ds(c, 16)] = jnp.zeros((16,), jnp.float32)
        return 0
    lax.fori_loop(0, RB * (D // 16), zrow, 0)

    def zcnt(k, _):
        cbuf[pl.ds(k * 16, 16)] = jnp.zeros((16,), jnp.float32)
        return 0
    lax.fori_loop(0, CNT_PER_TILE // 16, zcnt, 0)

    def orow(k, _):
        ones_v[pl.ds(k * 16, 16)] = jnp.ones((16,), jnp.float32)
        return 0
    lax.fori_loop(0, 8, orow, 0)

    zb = rows.at[pl.ds(0, RB)]
    for k in range(ROWS_PER_TILE // RB):
        pltpu.sync_copy(zb, acc_sh.at[pl.ds(sid * ROWS_PER_TILE + k * RB, RB)])
    pltpu.sync_copy(cbuf, cnt_sh.at[pl.ds(sid * CNT_PER_TILE, CNT_PER_TILE)])
    plsc.subcore_barrier()

    def row_slot(j):
        return rows.at[pl.ds((j % NSLOT) * CHUNK, CHUNK)]

    def fire_idx(j):
        off = pl.multiple_of(wid * EPW + j * CHUNK, 8)
        pltpu.async_copy(eflat_hbm.at[pl.ds(off, CHUNK)],
                         sbuf.at[j % NIDX], isem.at[j % NIDX])
        off2 = pl.multiple_of(E + wid * EPW + j * CHUNK, 8)
        pltpu.async_copy(eflat_hbm.at[pl.ds(off2, CHUNK)],
                         dbuf.at[j % NIDX], isem.at[j % NIDX])

    def wait_idx(j):
        off = pl.multiple_of(wid * EPW + j * CHUNK, 8)
        pltpu.make_async_copy(eflat_hbm.at[pl.ds(off, CHUNK)],
                              sbuf.at[j % NIDX], isem.at[j % NIDX]).wait()
        pltpu.make_async_copy(eflat_hbm.at[pl.ds(off, CHUNK)],
                              dbuf.at[j % NIDX], isem.at[j % NIDX]).wait()

    def fire_gather(j):
        pltpu.async_copy(p_hbm.at[sbuf.at[j % NIDX]], row_slot(j),
                         gsem.at[j % NSLOT])

    def wait_gather(j):
        pltpu.make_async_copy(p_hbm.at[sbuf.at[j % NIDX]], row_slot(j),
                              gsem.at[j % NSLOT]).wait()

    def fire_scatter(j):
        dst = dbuf.at[j % NIDX]
        pltpu.async_copy(row_slot(j), acc_sh.at[dst], ssem.at[j % NSLOT],
                         add=True)
        pltpu.async_copy(ones_v.at[pl.ds(0, CHUNK)], cnt_sh.at[dst],
                         osem.at[j % NSLOT], add=True)

    def wait_scatter(j):
        dst = dbuf.at[j % NIDX]
        pltpu.make_async_copy(row_slot(j), acc_sh.at[dst],
                              ssem.at[j % NSLOT]).wait()
        pltpu.make_async_copy(ones_v.at[pl.ds(0, CHUNK)], cnt_sh.at[dst],
                              osem.at[j % NSLOT]).wait()

    wait_idx(0)
    fire_gather(0)
    for j in range(2):
        fire_idx(j + 2)
        wait_idx(j + 1)
        fire_gather(j + 1)
        wait_gather(j)
        fire_scatter(j)

    def chunk_body(j, _):
        wait_scatter(j - 2)
        fire_idx(j + 2)
        wait_idx(j + 1)
        fire_gather(j + 1)
        wait_gather(j)
        fire_scatter(j)
        return 0
    lax.fori_loop(2, NCHUNK - 2, chunk_body, 0)
    for j in range(NCHUNK - 2, NCHUNK):
        wait_scatter(j - 2)
        if j + 1 < NCHUNK:
            wait_idx(j + 1)
            fire_gather(j + 1)
        wait_gather(j)
        fire_scatter(j)
    wait_scatter(NCHUNK - 2)
    wait_scatter(NCHUNK - 1)
    plsc.subcore_barrier()

    for k in range(ROWS_PER_TILE // RB):
        r0 = sid * ROWS_PER_TILE + k * RB
        pltpu.sync_copy(acc_sh.at[pl.ds(r0, RB)], zb)
        pltpu.sync_copy(zb, out_acc.at[cid, pl.ds(r0, RB)])
    c0 = sid * CNT_PER_TILE
    pltpu.sync_copy(cnt_sh.at[pl.ds(c0, CNT_PER_TILE)], cbuf)
    pltpu.sync_copy(cbuf, out_cnt.at[cid, pl.ds(c0, CNT_PER_TILE)])


_sc_aggregate = functools.partial(
    pl.kernel,
    out_type=(
        jax.ShapeDtypeStruct((NC, N_PAD, D), jnp.float32),
        jax.ShapeDtypeStruct((NC, N_PAD), jnp.float32),
    ),
    mesh=plsc.VectorSubcoreMesh(
        core_axis_name="c", subcore_axis_name="s",
        num_cores=NC, num_subcores=NS,
    ),
    scratch_types=[
        pltpu.VMEM((NIDX, CHUNK), jnp.int32),
        pltpu.VMEM((NIDX, CHUNK), jnp.int32),
        pltpu.VMEM((NSLOT * CHUNK, D), jnp.float32),
        pltpu.VMEM((CNT_PER_TILE,), jnp.float32),
        pltpu.VMEM((128,), jnp.float32),
        pltpu.VMEM_SHARED((N_PAD, D), jnp.float32),
        pltpu.VMEM_SHARED((N_PAD,), jnp.float32),
        pltpu.SemaphoreType.DMA((NSLOT,)),
        pltpu.SemaphoreType.DMA((NIDX,)),
        pltpu.SemaphoreType.DMA((NSLOT,)),
        pltpu.SemaphoreType.DMA((NSLOT,)),
    ],
)(_sc_agg_body)



BLK = 2048
GRID = (N + BLK - 1) // BLK


def _proj_body(x_ref, w_ref, a_ref, b_ref):
    xb = x_ref[...].astype(jnp.bfloat16)
    xw = jnp.dot(xb, w_ref[...], preferred_element_type=jnp.float32)
    a_ref[...] = xw[:, :D]
    b_ref[...] = xw[:, D:]


def _project(x, wcat):
    return pl.pallas_call(
        _proj_body,
        grid=(GRID,),
        in_specs=[
            pl.BlockSpec((BLK, D), lambda i: (i, 0)),
            pl.BlockSpec((D, 2 * D), lambda i: (0, 0)),
        ],
        out_specs=[
            pl.BlockSpec((BLK, D), lambda i: (i, 0)),
            pl.BlockSpec((BLK, D), lambda i: (i, 0)),
        ],
        out_shape=[
            jax.ShapeDtypeStruct((N, D), jnp.float32),
            jax.ShapeDtypeStruct((N, D), jnp.float32),
        ],
    )(x, wcat)


def _mid_body(sp_ref, cnt_ref, xr_ref, b1_ref, bnm_ref, bna_ref, w2_ref,
              p2_ref, hr_ref):
    s = sp_ref[0] + sp_ref[1]
    cnt = cnt_ref[0] + cnt_ref[1]
    inv = 1.0 / jnp.maximum(cnt, 1.0)
    h = s * inv + b1_ref[...] + xr_ref[...]
    h = h * bnm_ref[...] + bna_ref[...]
    h = jnp.maximum(h, 0.0)
    hw = jnp.dot(h.astype(jnp.bfloat16), w2_ref[...],
                 preferred_element_type=jnp.float32)
    p2_ref[...] = hw[:, :D]
    hr_ref[...] = hw[:, D:]


def _mid(s1p, cnt2, xr, b1r, bnm, bna, w2cat):
    return pl.pallas_call(
        _mid_body,
        grid=(GRID,),
        in_specs=[
            pl.BlockSpec((2, BLK, D), lambda i: (0, i, 0)),
            pl.BlockSpec((2, BLK, 1), lambda i: (0, i, 0)),
            pl.BlockSpec((BLK, D), lambda i: (i, 0)),
            pl.BlockSpec((1, D), lambda i: (0, 0)),
            pl.BlockSpec((1, D), lambda i: (0, 0)),
            pl.BlockSpec((1, D), lambda i: (0, 0)),
            pl.BlockSpec((D, 2 * D), lambda i: (0, 0)),
        ],
        out_specs=[
            pl.BlockSpec((BLK, D), lambda i: (i, 0)),
            pl.BlockSpec((BLK, D), lambda i: (i, 0)),
        ],
        out_shape=[
            jax.ShapeDtypeStruct((N, D), jnp.float32),
            jax.ShapeDtypeStruct((N, D), jnp.float32),
        ],
    )(s1p, cnt2, xr, b1r, bnm, bna, w2cat)


def _final_body(sp_ref, cnt_ref, hr_ref, b2_ref, out_ref):
    s = sp_ref[0] + sp_ref[1]
    cnt = cnt_ref[0] + cnt_ref[1]
    inv = 1.0 / jnp.maximum(cnt, 1.0)
    out_ref[...] = s * inv + b2_ref[...] + hr_ref[...]


def _final(s2p, cnt2, hr, b2r):
    return pl.pallas_call(
        _final_body,
        grid=(GRID,),
        in_specs=[
            pl.BlockSpec((2, BLK, D), lambda i: (0, i, 0)),
            pl.BlockSpec((2, BLK, 1), lambda i: (0, i, 0)),
            pl.BlockSpec((BLK, D), lambda i: (i, 0)),
            pl.BlockSpec((1, D), lambda i: (0, 0)),
        ],
        out_specs=pl.BlockSpec((BLK, D), lambda i: (i, 0)),
        out_shape=jax.ShapeDtypeStruct((N, D), jnp.float32),
    )(s2p, cnt2, hr, b2r)


def kernel(x, edge_index, W1l, b1, W1r, gamma, beta, run_mean, run_var, W2l, b2, W2r):
    eflat = edge_index.reshape(2 * E)

    bnm = (gamma * lax.rsqrt(run_var + BN_EPS)).reshape(1, D)
    bna = (beta - run_mean * bnm[0]).reshape(1, D)
    b1r = b1.reshape(1, D)
    b2r = b2.reshape(1, D)
    w1cat = jnp.concatenate([W1l, W1r], axis=1).astype(jnp.bfloat16)
    w2cat = jnp.concatenate([W2l, W2r], axis=1).astype(jnp.bfloat16)

    p1, xr = _project(x, w1cat)
    s1p, cntp = _sc_aggregate(p1, eflat)
    cnt2 = cntp[:, :, None]

    p2, hr = _mid(s1p, cnt2, xr, b1r, bnm, bna, w2cat)

    s2p, _ = _sc_aggregate(p2, eflat)
    return _final(s2p, cnt2, hr, b2r)

# --- scband reference (transcript-rebuilt; emitter-appended) ---
"""Pipeline reference for scband-graph-sagemodel-6279242187332 (READ-ONLY COPY).

The authoritative reference and input builder live on the scoring server;
editing this copy changes nothing except your own understanding.
"""

import jax, jax.numpy as jnp
import numpy as np

N = 10000
E = 320000
D_IN = 128
D_HID = 128
D_OUT = 128
BN_EPS = 1e-5


def setup_inputs(seed: int = 0) -> dict:
    key = jax.random.key(seed)
    ks = jax.random.split(key, 14)
    x = jax.random.normal(ks[0], (N, D_IN), dtype=jnp.float32)
    edge_index = jax.random.randint(ks[1], (2, E), 0, N, dtype=jnp.int32)
    # SAGEConv layer 1: lin_l (neighbor agg, with bias) and lin_r (root, no bias)
    s1 = 1.0 / np.sqrt(D_IN)
    W1l = jax.random.uniform(ks[2], (D_IN, D_HID), dtype=jnp.float32, minval=-s1, maxval=s1)
    b1 = jax.random.uniform(ks[3], (D_HID,), dtype=jnp.float32, minval=-s1, maxval=s1)
    W1r = jax.random.uniform(ks[4], (D_IN, D_HID), dtype=jnp.float32, minval=-s1, maxval=s1)
    # BatchNorm1d(hidden) params + running stats (eval mode)
    gamma = jnp.ones((D_HID,), dtype=jnp.float32)
    beta = jnp.zeros((D_HID,), dtype=jnp.float32)
    run_mean = 0.1 * jax.random.normal(ks[5], (D_HID,), dtype=jnp.float32)
    run_var = jax.random.uniform(ks[6], (D_HID,), dtype=jnp.float32, minval=0.5, maxval=1.5)
    # SAGEConv layer 2
    s2 = 1.0 / np.sqrt(D_HID)
    W2l = jax.random.uniform(ks[7], (D_HID, D_OUT), dtype=jnp.float32, minval=-s2, maxval=s2)
    b2 = jax.random.uniform(ks[8], (D_OUT,), dtype=jnp.float32, minval=-s2, maxval=s2)
    W2r = jax.random.uniform(ks[9], (D_HID, D_OUT), dtype=jnp.float32, minval=-s2, maxval=s2)
    return {
        "x": x, "edge_index": edge_index,
        "W1l": W1l, "b1": b1, "W1r": W1r,
        "gamma": gamma, "beta": beta, "run_mean": run_mean, "run_var": run_var,
        "W2l": W2l, "b2": b2, "W2r": W2r,
    }


def _sage_mean_agg(x, src, dst, num_nodes):
    msg = jnp.take(x, src, axis=0)
    agg = jax.ops.segment_sum(msg, dst, num_segments=num_nodes)
    cnt = jax.ops.segment_sum(jnp.ones((src.shape[0], 1), dtype=x.dtype), dst, num_segments=num_nodes)
    return agg / jnp.maximum(cnt, 1.0)


def reference(x, edge_index, W1l, b1, W1r, gamma, beta, run_mean, run_var, W2l, b2, W2r):
    src = edge_index[0]
    dst = edge_index[1]
    # Layer 1: SAGEConv(in, hidden) = lin_l(mean_j x_j) + lin_r(x_i)
    agg1 = _sage_mean_agg(x, src, dst, N)
    h = agg1 @ W1l + b1 + x @ W1r
    # BatchNorm1d (eval mode, running stats)
    h = (h - run_mean) / jnp.sqrt(run_var + BN_EPS) * gamma + beta
    # ReLU; dropout is identity in eval mode
    h = jax.nn.relu(h)
    # Layer 2: SAGEConv(hidden, out)
    agg2 = _sage_mean_agg(h, src, dst, N)
    out = agg2 @ W2l + b2 + h @ W2r
    return out

if __name__ == "__main__":
    import jax
    _d = setup_inputs()
    print(jax.jit(kernel)(*tuple(_d.values())))

</pallas_src>

<mosaic_0001>
#map = affine_map<(d0, d1) -> (0, 0)>
#map1 = affine_map<(d0, d1) -> (0)>
#map2 = affine_map<(d0, d1) -> (0, 0, 0)>
module attributes {stable_mosaic.version = 14 : i64} {
  func.func @_sc_agg_body(%arg0: i32, %arg1: i32, %arg2: memref<10000x128xf32, #tpu.memory_space<hbm>>, %arg3: memref<640000xi32, #tpu.memory_space<hbm>>, %arg4: memref<2x10240x128xf32, #tpu.memory_space<hbm>>, %arg5: memref<2x10240xf32, #tpu.memory_space<hbm>>, %arg6: memref<4x80xi32, #tpu.memory_space<vmem>>, %arg7: memref<4x80xi32, #tpu.memory_space<vmem>>, %arg8: memref<240x128xf32, #tpu.memory_space<vmem>>, %arg9: memref<640xf32, #tpu.memory_space<vmem>>, %arg10: memref<128xf32, #tpu.memory_space<vmem>>, %arg11: memref<10240x128xf32, #tpu.memory_space<vmem_shared>>, %arg12: memref<10240xf32, #tpu.memory_space<vmem_shared>>, %arg13: memref<3x!tpu.dma_semaphore, #tpu.memory_space<semaphore_mem>>, %arg14: memref<4x!tpu.dma_semaphore, #tpu.memory_space<semaphore_mem>>, %arg15: memref<3x!tpu.dma_semaphore, #tpu.memory_space<semaphore_mem>>, %arg16: memref<3x!tpu.dma_semaphore, #tpu.memory_space<semaphore_mem>>) attributes {dimension_semantics = [#tpu.dimension_semantics<core_parallel>, #tpu.dimension_semantics<subcore_parallel>], iteration_bounds = array<i64: 2, 16>, scalar_prefetch = 0 : i64, scratch_operands = 11 : i64, tpu.core_type = #tpu.core_type<sc_vector_subcore>, window_params = [{transform_indices = #map}, {transform_indices = #map1}, {transform_indices = #map2}, {transform_indices = #map}]} {
    %mul3A = arith.constant 16 : i32
    %mul3A_0 = arith.muli %arg0, %mul3A : i32
    %add3A = arith.addi %mul3A_0, %arg1 : i32
    %mul3A_1 = arith.constant 10000 : i32
    %mul3A_2 = arith.muli %add3A, %mul3A_1 : i32
    %add3A_3 = arith.constant 0 : i32
    %add3A_4 = arith.addi %mul3A_2, %add3A_3 : i32
    %multiple_of3A = tpu.assume_multiple %add3A_4, 8 : i32
    %dma_start3A = arith.constant 0 : i32
    %dma_start3A_5 = arith.constant 0 : i32
    %dma_start3A_6 = arith.constant 0 : i32
    %dma_start3A_7 = tpu.memref_slice %arg6[%dma_start3A, %dma_start3A_6] : memref<4x80xi32, #tpu.memory_space<vmem>> -> memref<1x80xi32, #tpu.memory_space<vmem>>
    %dma_start3A_8 = tpu.memref_squeeze %dma_start3A_7 : memref<1x80xi32, #tpu.memory_space<vmem>> -> memref<80xi32, #tpu.memory_space<vmem>>
    %dma_start3A_9 = tpu.memref_slice %arg3[%multiple_of3A] : memref<640000xi32, #tpu.memory_space<hbm>> -> memref<80xi32, #tpu.memory_space<hbm>>
    %dma_start3A_10 = tpu.memref_slice %arg14[%dma_start3A_5] : memref<4x!tpu.dma_semaphore, #tpu.memory_space<semaphore_mem>> -> memref<1x!tpu.dma_semaphore, #tpu.memory_space<semaphore_mem>>
    %dma_start3A_11 = tpu.memref_squeeze %dma_start3A_10 : memref<1x!tpu.dma_semaphore, #tpu.memory_space<semaphore_mem>> -> memref<!tpu.dma_semaphore, #tpu.memory_space<semaphore_mem>>
    %dma_start3A_12 = arith.constant 0 : i32
    %dma_start3A_13 = tpu.memref_slice %arg6[%dma_start3A, %dma_start3A_12] : memref<4x80xi32, #tpu.memory_space<vmem>> -> memref<1x80xi32, #tpu.memory_space<vmem>>
    %dma_start3A_14 = tpu.memref_squeeze %dma_start3A_13 : memref<1x80xi32, #tpu.memory_space<vmem>> -> memref<80xi32, #tpu.memory_space<vmem>>
    %dma_start3A_15 = tpu.memref_slice %arg3[%multiple_of3A] : memref<640000xi32, #tpu.memory_space<hbm>> -> memref<80xi32, #tpu.memory_space<hbm>>
    tpu.enqueue_dma source(%dma_start3A_15 : memref<80xi32, #tpu.memory_space<hbm>>) target(%dma_start3A_14 : memref<80xi32, #tpu.memory_space<vmem>>) target_semaphore(%dma_start3A_11 : memref<!tpu.dma_semaphore, #tpu.memory_space<semaphore_mem>>)
    %mul3A_16 = arith.constant 10000 : i32
    %mul3A_17 = arith.muli %add3A, %mul3A_16 : i32
    %add3A_18 = arith.constant 320000 : i32
    %add3A_19 = arith.addi %add3A_18, %mul3A_17 : i32
    %add3A_20 = arith.constant 0 : i32
    %add3A_21 = arith.addi %add3A_19, %add3A_20 : i32
    %multiple_of3A_22 = tpu.assume_multiple %add3A_21, 8 : i32
    %dma_start3A_23 = arith.constant 0 : i32
    %dma_start3A_24 = arith.constant 0 : i32
    %dma_start3A_25 = arith.constant 0 : i32
    %dma_start3A_26 = tpu.memref_slice %arg7[%dma_start3A_23, %dma_start3A_25] : memref<4x80xi32, #tpu.memory_space<vmem>> -> memref<1x80xi32, #tpu.memory_space<vmem>>
    %dma_start3A_27 = tpu.memref_squeeze %dma_start3A_26 : memref<1x80xi32, #tpu.memory_space<vmem>> -> memref<80xi32, #tpu.memory_space<vmem>>
    %dma_start3A_28 = tpu.memref_slice %arg3[%multiple_of3A_22] : memref<640000xi32, #tpu.memory_space<hbm>> -> memref<80xi32, #tpu.memory_space<hbm>>
    %dma_start3A_29 = tpu.memref_slice %arg14[%dma_start3A_24] : memref<4x!tpu.dma_semaphore, #tpu.memory_space<semaphore_mem>> -> memref<1x!tpu.dma_semaphore, #tpu.memory_space<semaphore_mem>>
    %dma_start3A_30 = tpu.memref_squeeze %dma_start3A_29 : memref<1x!tpu.dma_semaphore, #tpu.memory_space<semaphore_mem>> -> memref<!tpu.dma_semaphore, #tpu.memory_space<semaphore_mem>>
    %dma_start3A_31 = arith.constant 0 : i32
    %dma_start3A_32 = tpu.memref_slice %arg7[%dma_start3A_23, %dma_start3A_31] : memref<4x80xi32, #tpu.memory_space<vmem>> -> memref<1x80xi32, #tpu.memory_space<vmem>>
    %dma_start3A_33 = tpu.memref_squeeze %dma_start3A_32 : memref<1x80xi32, #tpu.memory_space<vmem>> -> memref<80xi32, #tpu.memory_space<vmem>>
    %dma_start3A_34 = tpu.memref_slice %arg3[%multiple_of3A_22] : memref<640000xi32, #tpu.memory_space<hbm>> -> memref<80xi32, #tpu.memory_space<hbm>>
    tpu.enqueue_dma source(%dma_start3A_34 : memref<80xi32, #tpu.memory_space<hbm>>) target(%dma_start3A_33 : memref<80xi32, #tpu.memory_space<vmem>>) target_semaphore(%dma_start3A_30 : memref<!tpu.dma_semaphore, #tpu.memory_space<semaphore_mem>>)
    %mul3A_35 = arith.constant 10000 : i32
    %mul3A_36 = arith.muli %add3A, %mul3A_35 : i32
    %add3A_37 = arith.constant 80 : i32
    %add3A_38 = arith.addi %mul3A_36, %add3A_37 : i32
    %multiple_of3A_39 = tpu.assume_multiple %add3A_38, 8 : i32
    %dma_start3A_40 = arith.constant 1 : i32
    %dma_start3A_41 = arith.constant 1 : i32
    %dma_start3A_42 = arith.constant 0 : i32
    %dma_start3A_43 = tpu.memref_slice %arg6[%dma_start3A_40, %dma_start3A_42] : memref<4x80xi32, #tpu.memory_space<vmem>> -> memref<1x80xi32, #tpu.memory_space<vmem>>
    %dma_start3A_44 = tpu.memref_squeeze %dma_start3A_43 : memref<1x80xi32, #tpu.memory_space<vmem>> -> memref<80xi32, #tpu.memory_space<vmem>>
    %dma_start3A_45 = tpu.memref_slice %arg3[%multiple_of3A_39] : memref<640000xi32, #tpu.memory_space<hbm>> -> memref<80xi32, #tpu.memory_space<hbm>>
    %dma_start3A_46 = tpu.memref_slice %arg14[%dma_start3A_41] : memref<4x!tpu.dma_semaphore, #tpu.memory_space<semaphore_mem>> -> memref<1x!tpu.dma_semaphore, #tpu.memory_space<semaphore_mem>>
    %dma_start3A_47 = tpu.memref_squeeze %dma_start3A_46 : memref<1x!tpu.dma_semaphore, #tpu.memory_space<semaphore_mem>> -> memref<!tpu.dma_semaphore, #tpu.memory_space<semaphore_mem>>
    %dma_start3A_48 = arith.constant 0 : i32
    %dma_start3A_49 = tpu.memref_slice %arg6[%dma_start3A_40, %dma_start3A_48] : memref<4x80xi32, #tpu.memory_space<vmem>> -> memref<1x80xi32, #tpu.memory_space<vmem>>
    %dma_start3A_50 = tpu.memref_squeeze %dma_start3A_49 : memref<1x80xi32, #tpu.memory_space<vmem>> -> memref<80xi32, #tpu.memory_space<vmem>>
    %dma_start3A_51 = tpu.memref_slice %arg3[%multiple_of3A_39] : memref<640000xi32, #tpu.memory_space<hbm>> -> memref<80xi32, #tpu.memory_space<hbm>>
    tpu.enqueue_dma source(%dma_start3A_51 : memref<80xi32, #tpu.memory_space<hbm>>) target(%dma_start3A_50 : memref<80xi32, #tpu.memory_space<vmem>>) target_semaphore(%dma_start3A_47 : memref<!tpu.dma_semaphore, #tpu.memory_space<semaphore_mem>>)
    %mul3A_52 = arith.constant 10000 : i32
    %mul3A_53 = arith.muli %add3A, %mul3A_52 : i32
    %add3A_54 = arith.constant 320000 : i32
    %add3A_55 = arith.addi %add3A_54, %mul3A_53 : i32
    %add3A_56 = arith.constant 80 : i32
    %add3A_57 = arith.addi %add3A_55, %add3A_56 : i32
    %multiple_of3A_58 = tpu.assume_multiple %add3A_57, 8 : i32
    %dma_start3A_59 = arith.constant 1 : i32
    %dma_start3A_60 = arith.constant 1 : i32
    %dma_start3A_61 = arith.constant 0 : i32
    %dma_start3A_62 = tpu.memref_slice %arg7[%dma_start3A_59, %dma_start3A_61] : memref<4x80xi32, #tpu.memory_space<vmem>> -> memref<1x80xi32, #tpu.memory_space<vmem>>
    %dma_start3A_63 = tpu.memref_squeeze %dma_start3A_62 : memref<1x80xi32, #tpu.memory_space<vmem>> -> memref<80xi32, #tpu.memory_space<vmem>>
    %dma_start3A_64 = tpu.memref_slice %arg3[%multiple_of3A_58] : memref<640000xi32, #tpu.memory_space<hbm>> -> memref<80xi32, #tpu.memory_space<hbm>>
    %dma_start3A_65 = tpu.memref_slice %arg14[%dma_start3A_60] : memref<4x!tpu.dma_semaphore, #tpu.memory_space<semaphore_mem>> -> memref<1x!tpu.dma_semaphore, #tpu.memory_space<semaphore_mem>>
    %dma_start3A_66 = tpu.memref_squeeze %dma_start3A_65 : memref<1x!tpu.dma_semaphore, #tpu.memory_space<semaphore_mem>> -> memref<!tpu.dma_semaphore, #tpu.memory_space<semaphore_mem>>
    %dma_start3A_67 = arith.constant 0 : i32
    %dma_start3A_68 = tpu.memref_slice %arg7[%dma_start3A_59, %dma_start3A_67] : memref<4x80xi32, #tpu.memory_space<vmem>> -> memref<1x80xi32, #tpu.memory_space<vmem>>
    %dma_start3A_69 = tpu.memref_squeeze %dma_start3A_68 : memref<1x80xi32, #tpu.memory_space<vmem>> -> memref<80xi32, #tpu.memory_space<vmem>>
    %dma_start3A_70 = tpu.memref_slice %arg3[%multiple_of3A_58] : memref<640000xi32, #tpu.memory_space<hbm>> -> memref<80xi32, #tpu.memory_space<hbm>>
    tpu.enqueue_dma source(%dma_start3A_70 : memref<80xi32, #tpu.memory_space<hbm>>) target(%dma_start3A_69 : memref<80xi32, #tpu.memory_space<vmem>>) target_semaphore(%dma_start3A_66 : memref<!tpu.dma_semaphore, #tpu.memory_space<semaphore_mem>>)
    %scan3A = arith.constant 0 : i32
    %scan3A_71 = arith.constant 0 : i32
    %scan3A_72 = arith.constant 1024 : i32
    %scan3A_73 = arith.addi %scan3A_71, %scan3A_72 : i32
    %scan3A_74 = arith.constant 1 : i32
    %scan3A_75 = scf.for %scan3A_626 = %scan3A_71 to %scan3A_73 step %scan3A_74 iter_args(%scan3A_627 = %scan3A) -> (i32)  : i32 {
      %jit3A = arith.constant 8 : i32
      %div3A = arith.divsi %scan3A_626, %jit3A : i32
      %sign3A = arith.constant 0 : i32
      %sign3A_628 = arith.cmpi sgt, %scan3A_626, %sign3A : i32
      %sign3A_629 = arith.extui %sign3A_628 : i1 to i32
      %sign3A_630 = arith.constant 0 : i32
      %sign3A_631 = arith.cmpi slt, %scan3A_626, %sign3A_630 : i32
      %sign3A_632 = arith.extui %sign3A_631 : i1 to i32
      %sign3A_633 = arith.subi %sign3A_629, %sign3A_632 : i32
      %sign3A_634 = arith.constant 0 : i32
      %sign3A_635 = arith.cmpi sgt, %jit3A, %sign3A_634 : i32
      %sign3A_636 = arith.extui %sign3A_635 : i1 to i32
      %sign3A_637 = arith.constant 0 : i32
      %sign3A_638 = arith.cmpi slt, %jit3A, %sign3A_637 : i32
      %sign3A_639 = arith.extui %sign3A_638 : i1 to i32
      %sign3A_640 = arith.subi %sign3A_636, %sign3A_639 : i32
      %ne3A = arith.cmpi ne, %sign3A_633, %sign3A_640 : i32
      %rem3A = arith.remsi %scan3A_626, %jit3A : i32
      %ne3A_641 = arith.constant 0 : i32
      %ne3A_642 = arith.cmpi ne, %rem3A, %ne3A_641 : i32
      %and3A = arith.andi %ne3A, %ne3A_642 : i1
      %sub3A = arith.constant 1 : i32
      %sub3A_643 = arith.subi %div3A, %sub3A : i32
      %select_n3A = arith.select %and3A, %sub3A_643, %div3A : i32
      %jit3A_644 = arith.constant 8 : i32
      %eq3A = arith.constant 0 : i32
      %eq3A_645 = arith.cmpi eq, %jit3A_644, %eq3A : i32
      %jit3A_646 = arith.constant 1 : i32
      %select_n3A_647 = arith.select %eq3A_645, %jit3A_646, %jit3A_644 : i32
      %rem3A_648 = arith.remsi %scan3A_626, %select_n3A_647 : i32
      %ne3A_649 = arith.constant 0 : i32
      %ne3A_650 = arith.cmpi ne, %rem3A_648, %ne3A_649 : i32
      %lt3A = arith.constant 0 : i32
      %lt3A_651 = arith.cmpi slt, %rem3A_648, %lt3A : i32
      %lt3A_652 = arith.constant 0 : i32
      %lt3A_653 = arith.cmpi slt, %select_n3A_647, %lt3A_652 : i32
      %ne3A_654 = arith.xori %lt3A_651, %lt3A_653 : i1
      %and3A_655 = arith.andi %ne3A_654, %ne3A_650 : i1
      %add3A_656 = arith.addi %rem3A_648, %select_n3A_647 : i32
      %select_n3A_657 = arith.select %and3A_655, %add3A_656, %rem3A_648 : i32
      %mul3A_658 = arith.constant 16 : i32
      %mul3A_659 = arith.muli %select_n3A_657, %mul3A_658 : i32
      %broadcast_in_dim3A = arith.constant 0.000000e+00 : f32
      %broadcast_in_dim3A_660 = vector.broadcast %broadcast_in_dim3A : f32 to vector<16xf32>
      %swap3A = arith.index_cast %select_n3A : i32 to index
      %swap3A_661 = arith.index_cast %mul3A_659 : i32 to index
      %swap3A_662 = tpu.vector_load %arg8[%swap3A, %swap3A_661] {strides = array<i32>} : memref<240x128xf32, #tpu.memory_space<vmem>>, vector<1x16xf32>,
      %swap3A_663 = vector.shape_cast %swap3A_662 : vector<1x16xf32> to vector<16xf32>
      %swap3A_664 = vector.shape_cast %broadcast_in_dim3A_660 : vector<16xf32> to vector<1x16xf32>
      tpu.vector_store %arg8[%swap3A, %swap3A_661], %swap3A_664 {strides = array<i32>} : memref<240x128xf32, #tpu.memory_space<vmem>>, vector<1x16xf32>,
      %scan3A_665 = arith.constant 0 : i32
      scf.yield %scan3A_665 : i32
    }
    %scan3A_76 = arith.constant 1024 : i32
    %scan3A_77 = arith.constant 0 : i32
    %scan3A_78 = arith.constant 0 : i32
    %scan3A_79 = arith.constant 40 : i32
    %scan3A_80 = arith.addi %scan3A_78, %scan3A_79 : i32
    %scan3A_81 = arith.constant 1 : i32
    %scan3A_82 = scf.for %scan3A_626 = %scan3A_78 to %scan3A_80 step %scan3A_81 iter_args(%scan3A_627 = %scan3A_77) -> (i32)  : i32 {
      %broadcast_in_dim3A = arith.constant 0.000000e+00 : f32
      %broadcast_in_dim3A_628 = vector.broadcast %broadcast_in_dim3A : f32 to vector<16xf32>
      %mul3A_629 = arith.constant 16 : i32
      %mul3A_630 = arith.muli %scan3A_626, %mul3A_629 : i32
      %swap3A = arith.index_cast %mul3A_630 : i32 to index
      %swap3A_631 = tpu.vector_load %arg9[%swap3A] {strides = array<i32>} : memref<640xf32, #tpu.memory_space<vmem>>, vector<16xf32>,
      %swap3A_632 = vector.shape_cast %swap3A_631 : vector<16xf32> to vector<16xf32>
      %swap3A_633 = vector.shape_cast %broadcast_in_dim3A_628 : vector<16xf32> to vector<16xf32>
      tpu.vector_store %arg9[%swap3A], %swap3A_633 {strides = array<i32>} : memref<640xf32, #tpu.memory_space<vmem>>, vector<16xf32>,
      %scan3A_634 = arith.constant 0 : i32
      scf.yield %scan3A_634 : i32
    }
    %scan3A_83 = arith.constant 40 : i32
    %scan3A_84 = arith.constant 0 : i32
    %scan3A_85 = arith.constant 0 : i32
    %scan3A_86 = arith.constant 8 : i32
    %scan3A_87 = arith.addi %scan3A_85, %scan3A_86 : i32
    %scan3A_88 = arith.constant 1 : i32
    %scan3A_89 = scf.for %scan3A_626 = %scan3A_85 to %scan3A_87 step %scan3A_88 iter_args(%scan3A_627 = %scan3A_84) -> (i32)  : i32 {
      %broadcast_in_dim3A = arith.constant 1.000000e+00 : f32
      %broadcast_in_dim3A_628 = vector.broadcast %broadcast_in_dim3A : f32 to vector<16xf32>
      %mul3A_629 = arith.constant 16 : i32
      %mul3A_630 = arith.muli %scan3A_626, %mul3A_629 : i32
      %swap3A = arith.index_cast %mul3A_630 : i32 to index
      %swap3A_631 = tpu.vector_load %arg10[%swap3A] {strides = array<i32>} : memref<128xf32, #tpu.memory_space<vmem>>, vector<16xf32>,
      %swap3A_632 = vector.shape_cast %swap3A_631 : vector<16xf32> to vector<16xf32>
      %swap3A_633 = vector.shape_cast %broadcast_in_dim3A_628 : vector<16xf32> to vector<16xf32>
      tpu.vector_store %arg10[%swap3A], %swap3A_633 {strides = array<i32>} : memref<128xf32, #tpu.memory_space<vmem>>, vector<16xf32>,
      %scan3A_634 = arith.constant 0 : i32
      scf.yield %scan3A_634 : i32
    }
    %scan3A_90 = arith.constant 8 : i32
    %mul3A_91 = arith.constant 640 : i32
    %mul3A_92 = arith.muli %arg1, %mul3A_91 : i32
    %add3A_93 = arith.constant 0 : i32
    %add3A_94 = arith.addi %mul3A_92, %add3A_93 : i32
    "tpu.region"() ({
      %run_scoped3A = tpu.sem_alloc : memref<!tpu.dma_semaphore, #tpu.memory_space<semaphore_mem>>
      %dma_start3A_626 = arith.constant 0 : i32
      %dma_start3A_627 = arith.constant 0 : i32
      %dma_start3A_628 = tpu.memref_slice %arg8[%dma_start3A_626, %dma_start3A_627] : memref<240x128xf32, #tpu.memory_space<vmem>> -> memref<128x128xf32, #tpu.memory_space<vmem>>
      %dma_start3A_629 = arith.constant 0 : i32
      %dma_start3A_630 = tpu.memref_slice %arg11[%add3A_94, %dma_start3A_629] : memref<10240x128xf32, #tpu.memory_space<vmem_shared>> -> memref<128x128xf32, #tpu.memory_space<vmem_shared>>
      %dma_start3A_631 = arith.constant 0 : i32
      %dma_start3A_632 = tpu.memref_slice %arg11[%add3A_94, %dma_start3A_631] : memref<10240x128xf32, #tpu.memory_space<vmem_shared>> -> memref<128x128xf32, #tpu.memory_space<vmem_shared>>
      %dma_start3A_633 = arith.constant 0 : i32
      %dma_start3A_634 = arith.constant 0 : i32
      %dma_start3A_635 = tpu.memref_slice %arg8[%dma_start3A_633, %dma_start3A_634] : memref<240x128xf32, #tpu.memory_space<vmem>> -> memref<128x128xf32, #tpu.memory_space<vmem>>
      tpu.enqueue_dma source(%dma_start3A_635 : memref<128x128xf32, #tpu.memory_space<vmem>>) target(%dma_start3A_632 : memref<128x128xf32, #tpu.memory_space<vmem_shared>>) target_semaphore(%run_scoped3A : memref<!tpu.dma_semaphore, #tpu.memory_space<semaphore_mem>>)
      %dma_wait3A_636 = arith.constant 0 : i32
      %dma_wait3A_637 = arith.constant 0 : i32
      %dma_wait3A_638 = tpu.memref_slice %arg8[%dma_wait3A_636, %dma_wait3A_637] : memref<240x128xf32, #tpu.memory_space<vmem>> -> memref<128x128xf32, #tpu.memory_space<vmem>>
      %dma_wait3A_639 = arith.constant 0 : i32
      %dma_wait3A_640 = tpu.memref_slice %arg11[%add3A_94, %dma_wait3A_639] : memref<10240x128xf32, #tpu.memory_space<vmem_shared>> -> memref<128x128xf32, #tpu.memory_space<vmem_shared>>
      %dma_wait3A_641 = arith.constant 0 : i32
      %dma_wait3A_642 = tpu.memref_slice %arg11[%add3A_94, %dma_wait3A_641] : memref<10240x128xf32, #tpu.memory_space<vmem_shared>> -> memref<128x128xf32, #tpu.memory_space<vmem_shared>>
      %dma_wait3A_643 = arith.constant 0 : i32
      %dma_wait3A_644 = arith.constant 0 : i32
      %dma_wait3A_645 = tpu.memref_slice %arg8[%dma_wait3A_643, %dma_wait3A_644] : memref<240x128xf32, #tpu.memory_space<vmem>> -> memref<128x128xf32, #tpu.memory_space<vmem>>
      tpu.wait_dma2 semaphore(%run_scoped3A : memref<!tpu.dma_semaphore, #tpu.memory_space<semaphore_mem>>) src(%dma_wait3A_645 : memref<128x128xf32, #tpu.memory_space<vmem>>) dst(%dma_wait3A_642 : memref<128x128xf32, #tpu.memory_space<vmem_shared>>)
      tpu.yield
    }) : () -> ()
    %mul3A_95 = arith.constant 640 : i32
    %mul3A_96 = arith.muli %arg1, %mul3A_95 : i32
    %add3A_97 = arith.constant 128 : i32
    %add3A_98 = arith.addi %mul3A_96, %add3A_97 : i32
    "tpu.region"() ({
      %run_scoped3A = tpu.sem_alloc : memref<!tpu.dma_semaphore, #tpu.memory_space<semaphore_mem>>
      %dma_start3A_626 = arith.constant 0 : i32
      %dma_start3A_627 = arith.constant 0 : i32
      %dma_start3A_628 = tpu.memref_slice %arg8[%dma_start3A_626, %dma_start3A_627] : memref<240x128xf32, #tpu.memory_space<vmem>> -> memref<128x128xf32, #tpu.memory_space<vmem>>
      %dma_start3A_629 = arith.constant 0 : i32
      %dma_start3A_630 = tpu.memref_slice %arg11[%add3A_98, %dma_start3A_629] : memref<10240x128xf32, #tpu.memory_space<vmem_shared>> -> memref<128x128xf32, #tpu.memory_space<vmem_shared>>
      %dma_start3A_631 = arith.constant 0 : i32
      %dma_start3A_632 = tpu.memref_slice %arg11[%add3A_98, %dma_start3A_631] : memref<10240x128xf32, #tpu.memory_space<vmem_shared>> -> memref<128x128xf32, #tpu.memory_space<vmem_shared>>
      %dma_start3A_633 = arith.constant 0 : i32
      %dma_start3A_634 = arith.constant 0 : i32
      %dma_start3A_635 = tpu.memref_slice %arg8[%dma_start3A_633, %dma_start3A_634] : memref<240x128xf32, #tpu.memory_space<vmem>> -> memref<128x128xf32, #tpu.memory_space<vmem>>
      tpu.enqueue_dma source(%dma_start3A_635 : memref<128x128xf32, #tpu.memory_space<vmem>>) target(%dma_start3A_632 : memref<128x128xf32, #tpu.memory_space<vmem_shared>>) target_semaphore(%run_scoped3A : memref<!tpu.dma_semaphore, #tpu.memory_space<semaphore_mem>>)
      %dma_wait3A_636 = arith.constant 0 : i32
      %dma_wait3A_637 = arith.constant 0 : i32
      %dma_wait3A_638 = tpu.memref_slice %arg8[%dma_wait3A_636, %dma_wait3A_637] : memref<240x128xf32, #tpu.memory_space<vmem>> -> memref<128x128xf32, #tpu.memory_space<vmem>>
      %dma_wait3A_639 = arith.constant 0 : i32
      %dma_wait3A_640 = tpu.memref_slice %arg11[%add3A_98, %dma_wait3A_639] : memref<10240x128xf32, #tpu.memory_space<vmem_shared>> -> memref<128x128xf32, #tpu.memory_space<vmem_shared>>
      %dma_wait3A_641 = arith.constant 0 : i32
      %dma_wait3A_642 = tpu.memref_slice %arg11[%add3A_98, %dma_wait3A_641] : memref<10240x128xf32, #tpu.memory_space<vmem_shared>> -> memref<128x128xf32, #tpu.memory_space<vmem_shared>>
      %dma_wait3A_643 = arith.constant 0 : i32
      %dma_wait3A_644 = arith.constant 0 : i32
      %dma_wait3A_645 = tpu.memref_slice %arg8[%dma_wait3A_643, %dma_wait3A_644] : memref<240x128xf32, #tpu.memory_space<vmem>> -> memref<128x128xf32, #tpu.memory_space<vmem>>
      tpu.wait_dma2 semaphore(%run_scoped3A : memref<!tpu.dma_semaphore, #tpu.memory_space<semaphore_mem>>) src(%dma_wait3A_645 : memref<128x128xf32, #tpu.memory_space<vmem>>) dst(%dma_wait3A_642 : memref<128x128xf32, #tpu.memory_space<vmem_shared>>)
      tpu.yield
    }) : () -> ()
    %mul3A_99 = arith.constant 640 : i32
    %mul3A_100 = arith.muli %arg1, %mul3A_99 : i32
    %add3A_101 = arith.constant 256 : i32
    %add3A_102 = arith.addi %mul3A_100, %add3A_101 : i32
    "tpu.region"() ({
      %run_scoped3A = tpu.sem_alloc : memref<!tpu.dma_semaphore, #tpu.memory_space<semaphore_mem>>
      %dma_start3A_626 = arith.constant 0 : i32
      %dma_start3A_627 = arith.constant 0 : i32
      %dma_start3A_628 = tpu.memref_slice %arg8[%dma_start3A_626, %dma_start3A_627] : memref<240x128xf32, #tpu.memory_space<vmem>> -> memref<128x128xf32, #tpu.memory_space<vmem>>
      %dma_start3A_629 = arith.constant 0 : i32
      %dma_start3A_630 = tpu.memref_slice %arg11[%add3A_102, %dma_start3A_629] : memref<10240x128xf32, #tpu.memory_space<vmem_shared>> -> memref<128x128xf32, #tpu.memory_space<vmem_shared>>
      %dma_start3A_631 = arith.constant 0 : i32
      %dma_start3A_632 = tpu.memref_slice %arg11[%add3A_102, %dma_start3A_631] : memref<10240x128xf32, #tpu.memory_space<vmem_shared>> -> memref<128x128xf32, #tpu.memory_space<vmem_shared>>
      %dma_start3A_633 = arith.constant 0 : i32
      %dma_start3A_634 = arith.constant 0 : i32
      %dma_start3A_635 = tpu.memref_slice %arg8[%dma_start3A_633, %dma_start3A_634] : memref<240x128xf32, #tpu.memory_space<vmem>> -> memref<128x128xf32, #tpu.memory_space<vmem>>
      tpu.enqueue_dma source(%dma_start3A_635 : memref<128x128xf32, #tpu.memory_space<vmem>>) target(%dma_start3A_632 : memref<128x128xf32, #tpu.memory_space<vmem_shared>>) target_semaphore(%run_scoped3A : memref<!tpu.dma_semaphore, #tpu.memory_space<semaphore_mem>>)
      %dma_wait3A_636 = arith.constant 0 : i32
      %dma_wait3A_637 = arith.constant 0 : i32
      %dma_wait3A_638 = tpu.memref_slice %arg8[%dma_wait3A_636, %dma_wait3A_637] : memref<240x128xf32, #tpu.memory_space<vmem>> -> memref<128x128xf32, #tpu.memory_space<vmem>>
      %dma_wait3A_639 = arith.constant 0 : i32
      %dma_wait3A_640 = tpu.memref_slice %arg11[%add3A_102, %dma_wait3A_639] : memref<10240x128xf32, #tpu.memory_space<vmem_shared>> -> memref<128x128xf32, #tpu.memory_space<vmem_shared>>
      %dma_wait3A_641 = arith.constant 0 : i32
      %dma_wait3A_642 = tpu.memref_slice %arg11[%add3A_102, %dma_wait3A_641] : memref<10240x128xf32, #tpu.memory_space<vmem_shared>> -> memref<128x128xf32, #tpu.memory_space<vmem_shared>>
      %dma_wait3A_643 = arith.constant 0 : i32
      %dma_wait3A_644 = arith.constant 0 : i32
      %dma_wait3A_645 = tpu.memref_slice %arg8[%dma_wait3A_643, %dma_wait3A_644] : memref<240x128xf32, #tpu.memory_space<vmem>> -> memref<128x128xf32, #tpu.memory_space<vmem>>
      tpu.wait_dma2 semaphore(%run_scoped3A : memref<!tpu.dma_semaphore, #tpu.memory_space<semaphore_mem>>) src(%dma_wait3A_645 : memref<128x128xf32, #tpu.memory_space<vmem>>) dst(%dma_wait3A_642 : memref<128x128xf32, #tpu.memory_space<vmem_shared>>)
      tpu.yield
    }) : () -> ()
    %mul3A_103 = arith.constant 640 : i32
    %mul3A_104 = arith.muli %arg1, %mul3A_103 : i32
    %add3A_105 = arith.constant 384 : i32
    %add3A_106 = arith.addi %mul3A_104, %add3A_105 : i32
    "tpu.region"() ({
      %run_scoped3A = tpu.sem_alloc : memref<!tpu.dma_semaphore, #tpu.memory_space<semaphore_mem>>
      %dma_start3A_626 = arith.constant 0 : i32
      %dma_start3A_627 = arith.constant 0 : i32
      %dma_start3A_628 = tpu.memref_slice %arg8[%dma_start3A_626, %dma_start3A_627] : memref<240x128xf32, #tpu.memory_space<vmem>> -> memref<128x128xf32, #tpu.memory_space<vmem>>
      %dma_start3A_629 = arith.constant 0 : i32
      %dma_start3A_630 = tpu.memref_slice %arg11[%add3A_106, %dma_start3A_629] : memref<10240x128xf32, #tpu.memory_space<vmem_shared>> -> memref<128x128xf32, #tpu.memory_space<vmem_shared>>
      %dma_start3A_631 = arith.constant 0 : i32
      %dma_start3A_632 = tpu.memref_slice %arg11[%add3A_106, %dma_start3A_631] : memref<10240x128xf32, #tpu.memory_space<vmem_shared>> -> memref<128x128xf32, #tpu.memory_space<vmem_shared>>
      %dma_start3A_633 = arith.constant 0 : i32
      %dma_start3A_634 = arith.constant 0 : i32
      %dma_start3A_635 = tpu.memref_slice %arg8[%dma_start3A_633, %dma_start3A_634] : memref<240x128xf32, #tpu.memory_space<vmem>> -> memref<128x128xf32, #tpu.memory_space<vmem>>
      tpu.enqueue_dma source(%dma_start3A_635 : memref<128x128xf32, #tpu.memory_space<vmem>>) target(%dma_start3A_632 : memref<128x128xf32, #tpu.memory_space<vmem_shared>>) target_semaphore(%run_scoped3A : memref<!tpu.dma_semaphore, #tpu.memory_space<semaphore_mem>>)
      %dma_wait3A_636 = arith.constant 0 : i32
      %dma_wait3A_637 = arith.constant 0 : i32
      %dma_wait3A_638 = tpu.memref_slice %arg8[%dma_wait3A_636, %dma_wait3A_637] : memref<240x128xf32, #tpu.memory_space<vmem>> -> memref<128x128xf32, #tpu.memory_space<vmem>>
      %dma_wait3A_639 = arith.constant 0 : i32
      %dma_wait3A_640 = tpu.memref_slice %arg11[%add3A_106, %dma_wait3A_639] : memref<10240x128xf32, #tpu.memory_space<vmem_shared>> -> memref<128x128xf32, #tpu.memory_space<vmem_shared>>
      %dma_wait3A_641 = arith.constant 0 : i32
      %dma_wait3A_642 = tpu.memref_slice %arg11[%add3A_106, %dma_wait3A_641] : memref<10240x128xf32, #tpu.memory_space<vmem_shared>> -> memref<128x128xf32, #tpu.memory_space<vmem_shared>>
      %dma_wait3A_643 = arith.constant 0 : i32
      %dma_wait3A_644 = arith.constant 0 : i32
      %dma_wait3A_645 = tpu.memref_slice %arg8[%dma_wait3A_643, %dma_wait3A_644] : memref<240x128xf32, #tpu.memory_space<vmem>> -> memref<128x128xf32, #tpu.memory_space<vmem>>
      tpu.wait_dma2 semaphore(%run_scoped3A : memref<!tpu.dma_semaphore, #tpu.memory_space<semaphore_mem>>) src(%dma_wait3A_645 : memref<128x128xf32, #tpu.memory_space<vmem>>) dst(%dma_wait3A_642 : memref<128x128xf32, #tpu.memory_space<vmem_shared>>)
      tpu.yield
    }) : () -> ()
    %mul3A_107 = arith.constant 640 : i32
    %mul3A_108 = arith.muli %arg1, %mul3A_107 : i32
    %add3A_109 = arith.constant 512 : i32
    %add3A_110 = arith.addi %mul3A_108, %add3A_109 : i32
    "tpu.region"() ({
      %run_scoped3A = tpu.sem_alloc : memref<!tpu.dma_semaphore, #tpu.memory_space<semaphore_mem>>
      %dma_start3A_626 = arith.constant 0 : i32
      %dma_start3A_627 = arith.constant 0 : i32
      %dma_start3A_628 = tpu.memref_slice %arg8[%dma_start3A_626, %dma_start3A_627] : memref<240x128xf32, #tpu.memory_space<vmem>> -> memref<128x128xf32, #tpu.memory_space<vmem>>
      %dma_start3A_629 = arith.constant 0 : i32
      %dma_start3A_630 = tpu.memref_slice %arg11[%add3A_110, %dma_start3A_629] : memref<10240x128xf32, #tpu.memory_space<vmem_shared>> -> memref<128x128xf32, #tpu.memory_space<vmem_shared>>
      %dma_start3A_631 = arith.constant 0 : i32
      %dma_start3A_632 = tpu.memref_slice %arg11[%add3A_110, %dma_start3A_631] : memref<10240x128xf32, #tpu.memory_space<vmem_shared>> -> memref<128x128xf32, #tpu.memory_space<vmem_shared>>
      %dma_start3A_633 = arith.constant 0 : i32
      %dma_start3A_634 = arith.constant 0 : i32
      %dma_start3A_635 = tpu.memref_slice %arg8[%dma_start3A_633, %dma_start3A_634] : memref<240x128xf32, #tpu.memory_space<vmem>> -> memref<128x128xf32, #tpu.memory_space<vmem>>
      tpu.enqueue_dma source(%dma_start3A_635 : memref<128x128xf32, #tpu.memory_space<vmem>>) target(%dma_start3A_632 : memref<128x128xf32, #tpu.memory_space<vmem_shared>>) target_semaphore(%run_scoped3A : memref<!tpu.dma_semaphore, #tpu.memory_space<semaphore_mem>>)
      %dma_wait3A_636 = arith.constant 0 : i32
      %dma_wait3A_637 = arith.constant 0 : i32
      %dma_wait3A_638 = tpu.memref_slice %arg8[%dma_wait3A_636, %dma_wait3A_637] : memref<240x128xf32, #tpu.memory_space<vmem>> -> memref<128x128xf32, #tpu.memory_space<vmem>>
      %dma_wait3A_639 = arith.constant 0 : i32
      %dma_wait3A_640 = tpu.memref_slice %arg11[%add3A_110, %dma_wait3A_639] : memref<10240x128xf32, #tpu.memory_space<vmem_shared>> -> memref<128x128xf32, #tpu.memory_space<vmem_shared>>
      %dma_wait3A_641 = arith.constant 0 : i32
      %dma_wait3A_642 = tpu.memref_slice %arg11[%add3A_110, %dma_wait3A_641] : memref<10240x128xf32, #tpu.memory_space<vmem_shared>> -> memref<128x128xf32, #tpu.memory_space<vmem_shared>>
      %dma_wait3A_643 = arith.constant 0 : i32
      %dma_wait3A_644 = arith.constant 0 : i32
      %dma_wait3A_645 = tpu.memref_slice %arg8[%dma_wait3A_643, %dma_wait3A_644] : memref<240x128xf32, #tpu.memory_space<vmem>> -> memref<128x128xf32, #tpu.memory_space<vmem>>
      tpu.wait_dma2 semaphore(%run_scoped3A : memref<!tpu.dma_semaphore, #tpu.memory_space<semaphore_mem>>) src(%dma_wait3A_645 : memref<128x128xf32, #tpu.memory_space<vmem>>) dst(%dma_wait3A_642 : memref<128x128xf32, #tpu.memory_space<vmem_shared>>)
      tpu.yield
    }) : () -> ()
    %mul3A_111 = arith.constant 640 : i32
    %mul3A_112 = arith.muli %arg1, %mul3A_111 : i32
    "tpu.region"() ({
      %run_scoped3A = tpu.sem_alloc : memref<!tpu.dma_semaphore, #tpu.memory_space<semaphore_mem>>
      %dma_start3A_626 = tpu.memref_slice %arg12[%mul3A_112] : memref<10240xf32, #tpu.memory_space<vmem_shared>> -> memref<640xf32, #tpu.memory_space<vmem_shared>>
      %dma_start3A_627 = tpu.memref_slice %arg12[%mul3A_112] : memref<10240xf32, #tpu.memory_space<vmem_shared>> -> memref<640xf32, #tpu.memory_space<vmem_shared>>
      tpu.enqueue_dma source(%arg9 : memref<640xf32, #tpu.memory_space<vmem>>) target(%dma_start3A_627 : memref<640xf32, #tpu.memory_space<vmem_shared>>) target_semaphore(%run_scoped3A : memref<!tpu.dma_semaphore, #tpu.memory_space<semaphore_mem>>)
      %dma_wait3A_628 = tpu.memref_slice %arg12[%mul3A_112] : memref<10240xf32, #tpu.memory_space<vmem_shared>> -> memref<640xf32, #tpu.memory_space<vmem_shared>>
      %dma_wait3A_629 = tpu.memref_slice %arg12[%mul3A_112] : memref<10240xf32, #tpu.memory_space<vmem_shared>> -> memref<640xf32, #tpu.memory_space<vmem_shared>>
      tpu.wait_dma2 semaphore(%run_scoped3A : memref<!tpu.dma_semaphore, #tpu.memory_space<semaphore_mem>>) src(%arg9 : memref<640xf32, #tpu.memory_space<vmem>>) dst(%dma_wait3A_629 : memref<640xf32, #tpu.memory_space<vmem_shared>>)
      tpu.yield
    }) : () -> ()
    %barrier3A = arith.constant 0 : index
    tpu.barrier barrier_id(%barrier3A)
    %mul3A_113 = arith.constant 10000 : i32
    %mul3A_114 = arith.muli %add3A, %mul3A_113 : i32
    %add3A_115 = arith.constant 0 : i32
    %add3A_116 = arith.addi %mul3A_114, %add3A_115 : i32
    %multiple_of3A_117 = tpu.assume_multiple %add3A_116, 8 : i32
    %dma_wait3A = arith.constant 0 : i32
    %dma_wait3A_118 = arith.constant 0 : i32
    %dma_wait3A_119 = arith.constant 0 : i32
    %dma_wait3A_120 = tpu.memref_slice %arg6[%dma_wait3A, %dma_wait3A_119] : memref<4x80xi32, #tpu.memory_space<vmem>> -> memref<1x80xi32, #tpu.memory_space<vmem>>
    %dma_wait3A_121 = tpu.memref_squeeze %dma_wait3A_120 : memref<1x80xi32, #tpu.memory_space<vmem>> -> memref<80xi32, #tpu.memory_space<vmem>>
    %dma_wait3A_122 = tpu.memref_slice %arg3[%multiple_of3A_117] : memref<640000xi32, #tpu.memory_space<hbm>> -> memref<80xi32, #tpu.memory_space<hbm>>
    %dma_wait3A_123 = tpu.memref_slice %arg14[%dma_wait3A_118] : memref<4x!tpu.dma_semaphore, #tpu.memory_space<semaphore_mem>> -> memref<1x!tpu.dma_semaphore, #tpu.memory_space<semaphore_mem>>
    %dma_wait3A_124 = tpu.memref_squeeze %dma_wait3A_123 : memref<1x!tpu.dma_semaphore, #tpu.memory_space<semaphore_mem>> -> memref<!tpu.dma_semaphore, #tpu.memory_space<semaphore_mem>>
    %dma_wait3A_125 = arith.constant 0 : i32
    %dma_wait3A_126 = tpu.memref_slice %arg6[%dma_wait3A, %dma_wait3A_125] : memref<4x80xi32, #tpu.memory_space<vmem>> -> memref<1x80xi32, #tpu.memory_space<vmem>>
    %dma_wait3A_127 = tpu.memref_squeeze %dma_wait3A_126 : memref<1x80xi32, #tpu.memory_space<vmem>> -> memref<80xi32, #tpu.memory_space<vmem>>
    %dma_wait3A_128 = tpu.memref_slice %arg3[%multiple_of3A_117] : memref<640000xi32, #tpu.memory_space<hbm>> -> memref<80xi32, #tpu.memory_space<hbm>>
    tpu.wait_dma2 semaphore(%dma_wait3A_124 : memref<!tpu.dma_semaphore, #tpu.memory_space<semaphore_mem>>) src(%dma_wait3A_128 : memref<80xi32, #tpu.memory_space<hbm>>) dst(%dma_wait3A_127 : memref<80xi32, #tpu.memory_space<vmem>>)
    %dma_wait3A_129 = arith.constant 0 : i32
    %dma_wait3A_130 = arith.constant 0 : i32
    %dma_wait3A_131 = arith.constant 0 : i32
    %dma_wait3A_132 = tpu.memref_slice %arg7[%dma_wait3A_129, %dma_wait3A_131] : memref<4x80xi32, #tpu.memory_space<vmem>> -> memref<1x80xi32, #tpu.memory_space<vmem>>
    %dma_wait3A_133 = tpu.memref_squeeze %dma_wait3A_132 : memref<1x80xi32, #tpu.memory_space<vmem>> -> memref<80xi32, #tpu.memory_space<vmem>>
    %dma_wait3A_134 = tpu.memref_slice %arg3[%multiple_of3A_117] : memref<640000xi32, #tpu.memory_space<hbm>> -> memref<80xi32, #tpu.memory_space<hbm>>
    %dma_wait3A_135 = tpu.memref_slice %arg14[%dma_wait3A_130] : memref<4x!tpu.dma_semaphore, #tpu.memory_space<semaphore_mem>> -> memref<1x!tpu.dma_semaphore, #tpu.memory_space<semaphore_mem>>
    %dma_wait3A_136 = tpu.memref_squeeze %dma_wait3A_135 : memref<1x!tpu.dma_semaphore, #tpu.memory_space<semaphore_mem>> -> memref<!tpu.dma_semaphore, #tpu.memory_space<semaphore_mem>>
    %dma_wait3A_137 = arith.constant 0 : i32
    %dma_wait3A_138 = tpu.memref_slice %arg7[%dma_wait3A_129, %dma_wait3A_137] : memref<4x80xi32, #tpu.memory_space<vmem>> -> memref<1x80xi32, #tpu.memory_space<vmem>>
    %dma_wait3A_139 = tpu.memref_squeeze %dma_wait3A_138 : memref<1x80xi32, #tpu.memory_space<vmem>> -> memref<80xi32, #tpu.memory_space<vmem>>
    %dma_wait3A_140 = tpu.memref_slice %arg3[%multiple_of3A_117] : memref<640000xi32, #tpu.memory_space<hbm>> -> memref<80xi32, #tpu.memory_space<hbm>>
    tpu.wait_dma2 semaphore(%dma_wait3A_136 : memref<!tpu.dma_semaphore, #tpu.memory_space<semaphore_mem>>) src(%dma_wait3A_140 : memref<80xi32, #tpu.memory_space<hbm>>) dst(%dma_wait3A_139 : memref<80xi32, #tpu.memory_space<vmem>>)
    %dma_start3A_141 = arith.constant 0 : i32
    %dma_start3A_142 = arith.constant 0 : i32
    %dma_start3A_143 = arith.constant 0 : i32
    %dma_start3A_144 = arith.constant 0 : i32
    %dma_start3A_145 = tpu.memref_slice %arg8[%dma_start3A_143, %dma_start3A_144] : memref<240x128xf32, #tpu.memory_space<vmem>> -> memref<80x128xf32, #tpu.memory_space<vmem>>
    %dma_start3A_146 = arith.constant 0 : i32
    %dma_start3A_147 = tpu.memref_slice %arg6[%dma_start3A_141, %dma_start3A_146] : memref<4x80xi32, #tpu.memory_space<vmem>> -> memref<1x80xi32, #tpu.memory_space<vmem>>
    %dma_start3A_148 = tpu.memref_squeeze %dma_start3A_147 : memref<1x80xi32, #tpu.memory_space<vmem>> -> memref<80xi32, #tpu.memory_space<vmem>>
    %dma_start3A_149 = arith.constant 0 : i32
    %dma_start3A_150 = arith.constant 0 : i32
    %dma_start3A_151 = tpu.memref_slice %arg2[%dma_start3A_149, %dma_start3A_150] : memref<10000x128xf32, #tpu.memory_space<hbm>> -> memref<10000x128xf32, #tpu.memory_space<hbm>>
    %dma_start3A_152 = tpu.memref_slice %arg13[%dma_start3A_142] : memref<3x!tpu.dma_semaphore, #tpu.memory_space<semaphore_mem>> -> memref<1x!tpu.dma_semaphore, #tpu.memory_space<semaphore_mem>>
    %dma_start3A_153 = tpu.memref_squeeze %dma_start3A_152 : memref<1x!tpu.dma_semaphore, #tpu.memory_space<semaphore_mem>> -> memref<!tpu.dma_semaphore, #tpu.memory_space<semaphore_mem>>
    tpu.enqueue_indirect_dma source(%dma_start3A_151 : memref<10000x128xf32, #tpu.memory_space<hbm>>) target(%dma_start3A_145 : memref<80x128xf32, #tpu.memory_space<vmem>>) offsets(%dma_start3A_148 : memref<80xi32, #tpu.memory_space<vmem>>) semaphore(%dma_start3A_153 : memref<!tpu.dma_semaphore, #tpu.memory_space<semaphore_mem>>)
    %mul3A_154 = arith.constant 10000 : i32
    %mul3A_155 = arith.muli %add3A, %mul3A_154 : i32
    %add3A_156 = arith.constant 160 : i32
    %add3A_157 = arith.addi %mul3A_155, %add3A_156 : i32
    %multiple_of3A_158 = tpu.assume_multiple %add3A_157, 8 : i32
    %dma_start3A_159 = arith.constant 2 : i32
    %dma_start3A_160 = arith.constant 2 : i32
    %dma_start3A_161 = arith.constant 0 : i32
    %dma_start3A_162 = tpu.memref_slice %arg6[%dma_start3A_159, %dma_start3A_161] : memref<4x80xi32, #tpu.memory_space<vmem>> -> memref<1x80xi32, #tpu.memory_space<vmem>>
    %dma_start3A_163 = tpu.memref_squeeze %dma_start3A_162 : memref<1x80xi32, #tpu.memory_space<vmem>> -> memref<80xi32, #tpu.memory_space<vmem>>
    %dma_start3A_164 = tpu.memref_slice %arg3[%multiple_of3A_158] : memref<640000xi32, #tpu.memory_space<hbm>> -> memref<80xi32, #tpu.memory_space<hbm>>
    %dma_start3A_165 = tpu.memref_slice %arg14[%dma_start3A_160] : memref<4x!tpu.dma_semaphore, #tpu.memory_space<semaphore_mem>> -> memref<1x!tpu.dma_semaphore, #tpu.memory_space<semaphore_mem>>
    %dma_start3A_166 = tpu.memref_squeeze %dma_start3A_165 : memref<1x!tpu.dma_semaphore, #tpu.memory_space<semaphore_mem>> -> memref<!tpu.dma_semaphore, #tpu.memory_space<semaphore_mem>>
    %dma_start3A_167 = arith.constant 0 : i32
    %dma_start3A_168 = tpu.memref_slice %arg6[%dma_start3A_159, %dma_start3A_167] : memref<4x80xi32, #tpu.memory_space<vmem>> -> memref<1x80xi32, #tpu.memory_space<vmem>>
    %dma_start3A_169 = tpu.memref_squeeze %dma_start3A_168 : memref<1x80xi32, #tpu.memory_space<vmem>> -> memref<80xi32, #tpu.memory_space<vmem>>
    %dma_start3A_170 = tpu.memref_slice %arg3[%multiple_of3A_158] : memref<640000xi32, #tpu.memory_space<hbm>> -> memref<80xi32, #tpu.memory_space<hbm>>
    tpu.enqueue_dma source(%dma_start3A_170 : memref<80xi32, #tpu.memory_space<hbm>>) target(%dma_start3A_169 : memref<80xi32, #tpu.memory_space<vmem>>) target_semaphore(%dma_start3A_166 : memref<!tpu.dma_semaphore, #tpu.memory_space<semaphore_mem>>)
    %mul3A_171 = arith.constant 10000 : i32
    %mul3A_172 = arith.muli %add3A, %mul3A_171 : i32
    %add3A_173 = arith.constant 320000 : i32
    %add3A_174 = arith.addi %add3A_173, %mul3A_172 : i32
    %add3A_175 = arith.constant 160 : i32
    %add3A_176 = arith.addi %add3A_174, %add3A_175 : i32
    %multiple_of3A_177 = tpu.assume_multiple %add3A_176, 8 : i32
    %dma_start3A_178 = arith.constant 2 : i32
    %dma_start3A_179 = arith.constant 2 : i32
    %dma_start3A_180 = arith.constant 0 : i32
    %dma_start3A_181 = tpu.memref_slice %arg7[%dma_start3A_178, %dma_start3A_180] : memref<4x80xi32, #tpu.memory_space<vmem>> -> memref<1x80xi32, #tpu.memory_space<vmem>>
    %dma_start3A_182 = tpu.memref_squeeze %dma_start3A_181 : memref<1x80xi32, #tpu.memory_space<vmem>> -> memref<80xi32, #tpu.memory_space<vmem>>
    %dma_start3A_183 = tpu.memref_slice %arg3[%multiple_of3A_177] : memref<640000xi32, #tpu.memory_space<hbm>> -> memref<80xi32, #tpu.memory_space<hbm>>
    %dma_start3A_184 = tpu.memref_slice %arg14[%dma_start3A_179] : memref<4x!tpu.dma_semaphore, #tpu.memory_space<semaphore_mem>> -> memref<1x!tpu.dma_semaphore, #tpu.memory_space<semaphore_mem>>
    %dma_start3A_185 = tpu.memref_squeeze %dma_start3A_184 : memref<1x!tpu.dma_semaphore, #tpu.memory_space<semaphore_mem>> -> memref<!tpu.dma_semaphore, #tpu.memory_space<semaphore_mem>>
    %dma_start3A_186 = arith.constant 0 : i32
    %dma_start3A_187 = tpu.memref_slice %arg7[%dma_start3A_178, %dma_start3A_186] : memref<4x80xi32, #tpu.memory_space<vmem>> -> memref<1x80xi32, #tpu.memory_space<vmem>>
    %dma_start3A_188 = tpu.memref_squeeze %dma_start3A_187 : memref<1x80xi32, #tpu.memory_space<vmem>> -> memref<80xi32, #tpu.memory_space<vmem>>
    %dma_start3A_189 = tpu.memref_slice %arg3[%multiple_of3A_177] : memref<640000xi32, #tpu.memory_space<hbm>> -> memref<80xi32, #tpu.memory_space<hbm>>
    tpu.enqueue_dma source(%dma_start3A_189 : memref<80xi32, #tpu.memory_space<hbm>>) target(%dma_start3A_188 : memref<80xi32, #tpu.memory_space<vmem>>) target_semaphore(%dma_start3A_185 : memref<!tpu.dma_semaphore, #tpu.memory_space<semaphore_mem>>)
    %mul3A_190 = arith.constant 10000 : i32
    %mul3A_191 = arith.muli %add3A, %mul3A_190 : i32
    %add3A_192 = arith.constant 80 : i32
    %add3A_193 = arith.addi %mul3A_191, %add3A_192 : i32
    %multiple_of3A_194 = tpu.assume_multiple %add3A_193, 8 : i32
    %dma_wait3A_195 = arith.constant 1 : i32
    %dma_wait3A_196 = arith.constant 1 : i32
    %dma_wait3A_197 = arith.constant 0 : i32
    %dma_wait3A_198 = tpu.memref_slice %arg6[%dma_wait3A_195, %dma_wait3A_197] : memref<4x80xi32, #tpu.memory_space<vmem>> -> memref<1x80xi32, #tpu.memory_space<vmem>>
    %dma_wait3A_199 = tpu.memref_squeeze %dma_wait3A_198 : memref<1x80xi32, #tpu.memory_space<vmem>> -> memref<80xi32, #tpu.memory_space<vmem>>
    %dma_wait3A_200 = tpu.memref_slice %arg3[%multiple_of3A_194] : memref<640000xi32, #tpu.memory_space<hbm>> -> memref<80xi32, #tpu.memory_space<hbm>>
    %dma_wait3A_201 = tpu.memref_slice %arg14[%dma_wait3A_196] : memref<4x!tpu.dma_semaphore, #tpu.memory_space<semaphore_mem>> -> memref<1x!tpu.dma_semaphore, #tpu.memory_space<semaphore_mem>>
    %dma_wait3A_202 = tpu.memref_squeeze %dma_wait3A_201 : memref<1x!tpu.dma_semaphore, #tpu.memory_space<semaphore_mem>> -> memref<!tpu.dma_semaphore, #tpu.memory_space<semaphore_mem>>
    %dma_wait3A_203 = arith.constant 0 : i32
    %dma_wait3A_204 = tpu.memref_slice %arg6[%dma_wait3A_195, %dma_wait3A_203] : memref<4x80xi32, #tpu.memory_space<vmem>> -> memref<1x80xi32, #tpu.memory_space<vmem>>
    %dma_wait3A_205 = tpu.memref_squeeze %dma_wait3A_204 : memref<1x80xi32, #tpu.memory_space<vmem>> -> memref<80xi32, #tpu.memory_space<vmem>>
    %dma_wait3A_206 = tpu.memref_slice %arg3[%multiple_of3A_194] : memref<640000xi32, #tpu.memory_space<hbm>> -> memref<80xi32, #tpu.memory_space<hbm>>
    tpu.wait_dma2 semaphore(%dma_wait3A_202 : memref<!tpu.dma_semaphore, #tpu.memory_space<semaphore_mem>>) src(%dma_wait3A_206 : memref<80xi32, #tpu.memory_space<hbm>>) dst(%dma_wait3A_205 : memref<80xi32, #tpu.memory_space<vmem>>)
    %dma_wait3A_207 = arith.constant 1 : i32
    %dma_wait3A_208 = arith.constant 1 : i32
    %dma_wait3A_209 = arith.constant 0 : i32
    %dma_wait3A_210 = tpu.memref_slice %arg7[%dma_wait3A_207, %dma_wait3A_209] : memref<4x80xi32, #tpu.memory_space<vmem>> -> memref<1x80xi32, #tpu.memory_space<vmem>>
    %dma_wait3A_211 = tpu.memref_squeeze %dma_wait3A_210 : memref<1x80xi32, #tpu.memory_space<vmem>> -> memref<80xi32, #tpu.memory_space<vmem>>
    %dma_wait3A_212 = tpu.memref_slice %arg3[%multiple_of3A_194] : memref<640000xi32, #tpu.memory_space<hbm>> -> memref<80xi32, #tpu.memory_space<hbm>>
    %dma_wait3A_213 = tpu.memref_slice %arg14[%dma_wait3A_208] : memref<4x!tpu.dma_semaphore, #tpu.memory_space<semaphore_mem>> -> memref<1x!tpu.dma_semaphore, #tpu.memory_space<semaphore_mem>>
    %dma_wait3A_214 = tpu.memref_squeeze %dma_wait3A_213 : memref<1x!tpu.dma_semaphore, #tpu.memory_space<semaphore_mem>> -> memref<!tpu.dma_semaphore, #tpu.memory_space<semaphore_mem>>
    %dma_wait3A_215 = arith.constant 0 : i32
    %dma_wait3A_216 = tpu.memref_slice %arg7[%dma_wait3A_207, %dma_wait3A_215] : memref<4x80xi32, #tpu.memory_space<vmem>> -> memref<1x80xi32, #tpu.memory_space<vmem>>
    %dma_wait3A_217 = tpu.memref_squeeze %dma_wait3A_216 : memref<1x80xi32, #tpu.memory_space<vmem>> -> memref<80xi32, #tpu.memory_space<vmem>>
    %dma_wait3A_218 = tpu.memref_slice %arg3[%multiple_of3A_194] : memref<640000xi32, #tpu.memory_space<hbm>> -> memref<80xi32, #tpu.memory_space<hbm>>
    tpu.wait_dma2 semaphore(%dma_wait3A_214 : memref<!tpu.dma_semaphore, #tpu.memory_space<semaphore_mem>>) src(%dma_wait3A_218 : memref<80xi32, #tpu.memory_space<hbm>>) dst(%dma_wait3A_217 : memref<80xi32, #tpu.memory_space<vmem>>)
    %dma_start3A_219 = arith.constant 1 : i32
    %dma_start3A_220 = arith.constant 1 : i32
    %dma_start3A_221 = arith.constant 80 : i32
    %dma_start3A_222 = arith.constant 0 : i32
    %dma_start3A_223 = tpu.memref_slice %arg8[%dma_start3A_221, %dma_start3A_222] : memref<240x128xf32, #tpu.memory_space<vmem>> -> memref<80x128xf32, #tpu.memory_space<vmem>>
    %dma_start3A_224 = arith.constant 0 : i32
    %dma_start3A_225 = tpu.memref_slice %arg6[%dma_start3A_219, %dma_start3A_224] : memref<4x80xi32, #tpu.memory_space<vmem>> -> memref<1x80xi32, #tpu.memory_space<vmem>>
    %dma_start3A_226 = tpu.memref_squeeze %dma_start3A_225 : memref<1x80xi32, #tpu.memory_space<vmem>> -> memref<80xi32, #tpu.memory_space<vmem>>
    %dma_start3A_227 = arith.constant 0 : i32
    %dma_start3A_228 = arith.constant 0 : i32
    %dma_start3A_229 = tpu.memref_slice %arg2[%dma_start3A_227, %dma_start3A_228] : memref<10000x128xf32, #tpu.memory_space<hbm>> -> memref<10000x128xf32, #tpu.memory_space<hbm>>
    %dma_start3A_230 = tpu.memref_slice %arg13[%dma_start3A_220] : memref<3x!tpu.dma_semaphore, #tpu.memory_space<semaphore_mem>> -> memref<1x!tpu.dma_semaphore, #tpu.memory_space<semaphore_mem>>
    %dma_start3A_231 = tpu.memref_squeeze %dma_start3A_230 : memref<1x!tpu.dma_semaphore, #tpu.memory_space<semaphore_mem>> -> memref<!tpu.dma_semaphore, #tpu.memory_space<semaphore_mem>>
    tpu.enqueue_indirect_dma source(%dma_start3A_229 : memref<10000x128xf32, #tpu.memory_space<hbm>>) target(%dma_start3A_223 : memref<80x128xf32, #tpu.memory_space<vmem>>) offsets(%dma_start3A_226 : memref<80xi32, #tpu.memory_space<vmem>>) semaphore(%dma_start3A_231 : memref<!tpu.dma_semaphore, #tpu.memory_space<semaphore_mem>>)
    %dma_wait3A_232 = arith.constant 0 : i32
    %dma_wait3A_233 = arith.constant 0 : i32
    %dma_wait3A_234 = arith.constant 0 : i32
    %dma_wait3A_235 = arith.constant 0 : i32
    %dma_wait3A_236 = tpu.memref_slice %arg8[%dma_wait3A_234, %dma_wait3A_235] : memref<240x128xf32, #tpu.memory_space<vmem>> -> memref<80x128xf32, #tpu.memory_space<vmem>>
    %dma_wait3A_237 = arith.constant 0 : i32
    %dma_wait3A_238 = tpu.memref_slice %arg6[%dma_wait3A_232, %dma_wait3A_237] : memref<4x80xi32, #tpu.memory_space<vmem>> -> memref<1x80xi32, #tpu.memory_space<vmem>>
    %dma_wait3A_239 = tpu.memref_squeeze %dma_wait3A_238 : memref<1x80xi32, #tpu.memory_space<vmem>> -> memref<80xi32, #tpu.memory_space<vmem>>
    %dma_wait3A_240 = arith.constant 0 : i32
    %dma_wait3A_241 = arith.constant 0 : i32
    %dma_wait3A_242 = tpu.memref_slice %arg2[%dma_wait3A_240, %dma_wait3A_241] : memref<10000x128xf32, #tpu.memory_space<hbm>> -> memref<10000x128xf32, #tpu.memory_space<hbm>>
    %dma_wait3A_243 = tpu.memref_slice %arg13[%dma_wait3A_233] : memref<3x!tpu.dma_semaphore, #tpu.memory_space<semaphore_mem>> -> memref<1x!tpu.dma_semaphore, #tpu.memory_space<semaphore_mem>>
    %dma_wait3A_244 = tpu.memref_squeeze %dma_wait3A_243 : memref<1x!tpu.dma_semaphore, #tpu.memory_space<semaphore_mem>> -> memref<!tpu.dma_semaphore, #tpu.memory_space<semaphore_mem>>
    tpu.wait_indirect_dma semaphore(%dma_wait3A_244 : memref<!tpu.dma_semaphore, #tpu.memory_space<semaphore_mem>>) src(%dma_wait3A_242 : memref<10000x128xf32, #tpu.memory_space<hbm>>) dst(%dma_wait3A_236 : memref<80x128xf32, #tpu.memory_space<vmem>>)
    %dma_start3A_245 = arith.constant 0 : i32
    %dma_start3A_246 = arith.constant 0 : i32
    %dma_start3A_247 = arith.constant 0 : i32
    %dma_start3A_248 = arith.constant 0 : i32
    %dma_start3A_249 = tpu.memref_slice %arg8[%dma_start3A_247, %dma_start3A_248] : memref<240x128xf32, #tpu.memory_space<vmem>> -> memref<80x128xf32, #tpu.memory_space<vmem>>
    %dma_start3A_250 = arith.constant 0 : i32
    %dma_start3A_251 = tpu.memref_slice %arg7[%dma_start3A_245, %dma_start3A_250] : memref<4x80xi32, #tpu.memory_space<vmem>> -> memref<1x80xi32, #tpu.memory_space<vmem>>
    %dma_start3A_252 = tpu.memref_squeeze %dma_start3A_251 : memref<1x80xi32, #tpu.memory_space<vmem>> -> memref<80xi32, #tpu.memory_space<vmem>>
    %dma_start3A_253 = arith.constant 0 : i32
    %dma_start3A_254 = arith.constant 0 : i32
    %dma_start3A_255 = tpu.memref_slice %arg11[%dma_start3A_253, %dma_start3A_254] : memref<10240x128xf32, #tpu.memory_space<vmem_shared>> -> memref<10240x128xf32, #tpu.memory_space<vmem_shared>>
    %dma_start3A_256 = tpu.memref_slice %arg15[%dma_start3A_246] : memref<3x!tpu.dma_semaphore, #tpu.memory_space<semaphore_mem>> -> memref<1x!tpu.dma_semaphore, #tpu.memory_space<semaphore_mem>>
    %dma_start3A_257 = tpu.memref_squeeze %dma_start3A_256 : memref<1x!tpu.dma_semaphore, #tpu.memory_space<semaphore_mem>> -> memref<!tpu.dma_semaphore, #tpu.memory_space<semaphore_mem>>
    tpu.enqueue_indirect_dma source(%dma_start3A_249 : memref<80x128xf32, #tpu.memory_space<vmem>>) target(%dma_start3A_255 : memref<10240x128xf32, #tpu.memory_space<vmem_shared>>) offsets(%dma_start3A_252 : memref<80xi32, #tpu.memory_space<vmem>>) semaphore(%dma_start3A_257 : memref<!tpu.dma_semaphore, #tpu.memory_space<semaphore_mem>>) {add = true}
    %dma_start3A_258 = arith.constant 0 : i32
    %dma_start3A_259 = arith.constant 0 : i32
    %dma_start3A_260 = arith.constant 0 : i32
    %dma_start3A_261 = tpu.memref_slice %arg10[%dma_start3A_260] : memref<128xf32, #tpu.memory_space<vmem>> -> memref<80xf32, #tpu.memory_space<vmem>>
    %dma_start3A_262 = arith.constant 0 : i32
    %dma_start3A_263 = tpu.memref_slice %arg7[%dma_start3A_258, %dma_start3A_262] : memref<4x80xi32, #tpu.memory_space<vmem>> -> memref<1x80xi32, #tpu.memory_space<vmem>>
    %dma_start3A_264 = tpu.memref_squeeze %dma_start3A_263 : memref<1x80xi32, #tpu.memory_space<vmem>> -> memref<80xi32, #tpu.memory_space<vmem>>
    %dma_start3A_265 = arith.constant 0 : i32
    %dma_start3A_266 = tpu.memref_slice %arg12[%dma_start3A_265] : memref<10240xf32, #tpu.memory_space<vmem_shared>> -> memref<10240xf32, #tpu.memory_space<vmem_shared>>
    %dma_start3A_267 = tpu.memref_slice %arg16[%dma_start3A_259] : memref<3x!tpu.dma_semaphore, #tpu.memory_space<semaphore_mem>> -> memref<1x!tpu.dma_semaphore, #tpu.memory_space<semaphore_mem>>
    %dma_start3A_268 = tpu.memref_squeeze %dma_start3A_267 : memref<1x!tpu.dma_semaphore, #tpu.memory_space<semaphore_mem>> -> memref<!tpu.dma_semaphore, #tpu.memory_space<semaphore_mem>>
    tpu.enqueue_indirect_dma source(%dma_start3A_261 : memref<80xf32, #tpu.memory_space<vmem>>) target(%dma_start3A_266 : memref<10240xf32, #tpu.memory_space<vmem_shared>>) offsets(%dma_start3A_264 : memref<80xi32, #tpu.memory_space<vmem>>) semaphore(%dma_start3A_268 : memref<!tpu.dma_semaphore, #tpu.memory_space<semaphore_mem>>) {add = true}
    %mul3A_269 = arith.constant 10000 : i32
    %mul3A_270 = arith.muli %add3A, %mul3A_269 : i32
    %add3A_271 = arith.constant 240 : i32
    %add3A_272 = arith.addi %mul3A_270, %add3A_271 : i32
    %multiple_of3A_273 = tpu.assume_multiple %add3A_272, 8 : i32
    %dma_start3A_274 = arith.constant 3 : i32
    %dma_start3A_275 = arith.constant 3 : i32
    %dma_start3A_276 = arith.constant 0 : i32
    %dma_start3A_277 = tpu.memref_slice %arg6[%dma_start3A_274, %dma_start3A_276] : memref<4x80xi32, #tpu.memory_space<vmem>> -> memref<1x80xi32, #tpu.memory_space<vmem>>
    %dma_start3A_278 = tpu.memref_squeeze %dma_start3A_277 : memref<1x80xi32, #tpu.memory_space<vmem>> -> memref<80xi32, #tpu.memory_space<vmem>>
    %dma_start3A_279 = tpu.memref_slice %arg3[%multiple_of3A_273] : memref<640000xi32, #tpu.memory_space<hbm>> -> memref<80xi32, #tpu.memory_space<hbm>>
    %dma_start3A_280 = tpu.memref_slice %arg14[%dma_start3A_275] : memref<4x!tpu.dma_semaphore, #tpu.memory_space<semaphore_mem>> -> memref<1x!tpu.dma_semaphore, #tpu.memory_space<semaphore_mem>>
    %dma_start3A_281 = tpu.memref_squeeze %dma_start3A_280 : memref<1x!tpu.dma_semaphore, #tpu.memory_space<semaphore_mem>> -> memref<!tpu.dma_semaphore, #tpu.memory_space<semaphore_mem>>
    %dma_start3A_282 = arith.constant 0 : i32
    %dma_start3A_283 = tpu.memref_slice %arg6[%dma_start3A_274, %dma_start3A_282] : memref<4x80xi32, #tpu.memory_space<vmem>> -> memref<1x80xi32, #tpu.memory_space<vmem>>
    %dma_start3A_284 = tpu.memref_squeeze %dma_start3A_283 : memref<1x80xi32, #tpu.memory_space<vmem>> -> memref<80xi32, #tpu.memory_space<vmem>>
    %dma_start3A_285 = tpu.memref_slice %arg3[%multiple_of3A_273] : memref<640000xi32, #tpu.memory_space<hbm>> -> memref<80xi32, #tpu.memory_space<hbm>>
    tpu.enqueue_dma source(%dma_start3A_285 : memref<80xi32, #tpu.memory_space<hbm>>) target(%dma_start3A_284 : memref<80xi32, #tpu.memory_space<vmem>>) target_semaphore(%dma_start3A_281 : memref<!tpu.dma_semaphore, #tpu.memory_space<semaphore_mem>>)
    %mul3A_286 = arith.constant 10000 : i32
    %mul3A_287 = arith.muli %add3A, %mul3A_286 : i32
    %add3A_288 = arith.constant 320000 : i32
    %add3A_289 = arith.addi %add3A_288, %mul3A_287 : i32
    %add3A_290 = arith.constant 240 : i32
    %add3A_291 = arith.addi %add3A_289, %add3A_290 : i32
    %multiple_of3A_292 = tpu.assume_multiple %add3A_291, 8 : i32
    %dma_start3A_293 = arith.constant 3 : i32
    %dma_start3A_294 = arith.constant 3 : i32
    %dma_start3A_295 = arith.constant 0 : i32
    %dma_start3A_296 = tpu.memref_slice %arg7[%dma_start3A_293, %dma_start3A_295] : memref<4x80xi32, #tpu.memory_space<vmem>> -> memref<1x80xi32, #tpu.memory_space<vmem>>
    %dma_start3A_297 = tpu.memref_squeeze %dma_start3A_296 : memref<1x80xi32, #tpu.memory_space<vmem>> -> memref<80xi32, #tpu.memory_space<vmem>>
    %dma_start3A_298 = tpu.memref_slice %arg3[%multiple_of3A_292] : memref<640000xi32, #tpu.memory_space<hbm>> -> memref<80xi32, #tpu.memory_space<hbm>>
    %dma_start3A_299 = tpu.memref_slice %arg14[%dma_start3A_294] : memref<4x!tpu.dma_semaphore, #tpu.memory_space<semaphore_mem>> -> memref<1x!tpu.dma_semaphore, #tpu.memory_space<semaphore_mem>>
    %dma_start3A_300 = tpu.memref_squeeze %dma_start3A_299 : memref<1x!tpu.dma_semaphore, #tpu.memory_space<semaphore_mem>> -> memref<!tpu.dma_semaphore, #tpu.memory_space<semaphore_mem>>
    %dma_start3A_301 = arith.constant 0 : i32
    %dma_start3A_302 = tpu.memref_slice %arg7[%dma_start3A_293, %dma_start3A_301] : memref<4x80xi32, #tpu.memory_space<vmem>> -> memref<1x80xi32, #tpu.memory_space<vmem>>
    %dma_start3A_303 = tpu.memref_squeeze %dma_start3A_302 : memref<1x80xi32, #tpu.memory_space<vmem>> -> memref<80xi32, #tpu.memory_space<vmem>>
    %dma_start3A_304 = tpu.memref_slice %arg3[%multiple_of3A_292] : memref<640000xi32, #tpu.memory_space<hbm>> -> memref<80xi32, #tpu.memory_space<hbm>>
    tpu.enqueue_dma source(%dma_start3A_304 : memref<80xi32, #tpu.memory_space<hbm>>) target(%dma_start3A_303 : memref<80xi32, #tpu.memory_space<vmem>>) target_semaphore(%dma_start3A_300 : memref<!tpu.dma_semaphore, #tpu.memory_space<semaphore_mem>>)
    %mul3A_305 = arith.constant 10000 : i32
    %mul3A_306 = arith.muli %add3A, %mul3A_305 : i32
    %add3A_307 = arith.constant 160 : i32
    %add3A_308 = arith.addi %mul3A_306, %add3A_307 : i32
    %multiple_of3A_309 = tpu.assume_multiple %add3A_308, 8 : i32
    %dma_wait3A_310 = arith.constant 2 : i32
    %dma_wait3A_311 = arith.constant 2 : i32
    %dma_wait3A_312 = arith.constant 0 : i32
    %dma_wait3A_313 = tpu.memref_slice %arg6[%dma_wait3A_310, %dma_wait3A_312] : memref<4x80xi32, #tpu.memory_space<vmem>> -> memref<1x80xi32, #tpu.memory_space<vmem>>
    %dma_wait3A_314 = tpu.memref_squeeze %dma_wait3A_313 : memref<1x80xi32, #tpu.memory_space<vmem>> -> memref<80xi32, #tpu.memory_space<vmem>>
    %dma_wait3A_315 = tpu.memref_slice %arg3[%multiple_of3A_309] : memref<640000xi32, #tpu.memory_space<hbm>> -> memref<80xi32, #tpu.memory_space<hbm>>
    %dma_wait3A_316 = tpu.memref_slice %arg14[%dma_wait3A_311] : memref<4x!tpu.dma_semaphore, #tpu.memory_space<semaphore_mem>> -> memref<1x!tpu.dma_semaphore, #tpu.memory_space<semaphore_mem>>
    %dma_wait3A_317 = tpu.memref_squeeze %dma_wait3A_316 : memref<1x!tpu.dma_semaphore, #tpu.memory_space<semaphore_mem>> -> memref<!tpu.dma_semaphore, #tpu.memory_space<semaphore_mem>>
    %dma_wait3A_318 = arith.constant 0 : i32
    %dma_wait3A_319 = tpu.memref_slice %arg6[%dma_wait3A_310, %dma_wait3A_318] : memref<4x80xi32, #tpu.memory_space<vmem>> -> memref<1x80xi32, #tpu.memory_space<vmem>>
    %dma_wait3A_320 = tpu.memref_squeeze %dma_wait3A_319 : memref<1x80xi32, #tpu.memory_space<vmem>> -> memref<80xi32, #tpu.memory_space<vmem>>
    %dma_wait3A_321 = tpu.memref_slice %arg3[%multiple_of3A_309] : memref<640000xi32, #tpu.memory_space<hbm>> -> memref<80xi32, #tpu.memory_space<hbm>>
    tpu.wait_dma2 semaphore(%dma_wait3A_317 : memref<!tpu.dma_semaphore, #tpu.memory_space<semaphore_mem>>) src(%dma_wait3A_321 : memref<80xi32, #tpu.memory_space<hbm>>) dst(%dma_wait3A_320 : memref<80xi32, #tpu.memory_space<vmem>>)
    %dma_wait3A_322 = arith.constant 2 : i32
    %dma_wait3A_323 = arith.constant 2 : i32
    %dma_wait3A_324 = arith.constant 0 : i32
    %dma_wait3A_325 = tpu.memref_slice %arg7[%dma_wait3A_322, %dma_wait3A_324] : memref<4x80xi32, #tpu.memory_space<vmem>> -> memref<1x80xi32, #tpu.memory_space<vmem>>
    %dma_wait3A_326 = tpu.memref_squeeze %dma_wait3A_325 : memref<1x80xi32, #tpu.memory_space<vmem>> -> memref<80xi32, #tpu.memory_space<vmem>>
    %dma_wait3A_327 = tpu.memref_slice %arg3[%multiple_of3A_309] : memref<640000xi32, #tpu.memory_space<hbm>> -> memref<80xi32, #tpu.memory_space<hbm>>
    %dma_wait3A_328 = tpu.memref_slice %arg14[%dma_wait3A_323] : memref<4x!tpu.dma_semaphore, #tpu.memory_space<semaphore_mem>> -> memref<1x!tpu.dma_semaphore, #tpu.memory_space<semaphore_mem>>
    %dma_wait3A_329 = tpu.memref_squeeze %dma_wait3A_328 : memref<1x!tpu.dma_semaphore, #tpu.memory_space<semaphore_mem>> -> memref<!tpu.dma_semaphore, #tpu.memory_space<semaphore_mem>>
    %dma_wait3A_330 = arith.constant 0 : i32
    %dma_wait3A_331 = tpu.memref_slice %arg7[%dma_wait3A_322, %dma_wait3A_330] : memref<4x80xi32, #tpu.memory_space<vmem>> -> memref<1x80xi32, #tpu.memory_space<vmem>>
    %dma_wait3A_332 = tpu.memref_squeeze %dma_wait3A_331 : memref<1x80xi32, #tpu.memory_space<vmem>> -> memref<80xi32, #tpu.memory_space<vmem>>
    %dma_wait3A_333 = tpu.memref_slice %arg3[%multiple_of3A_309] : memref<640000xi32, #tpu.memory_space<hbm>> -> memref<80xi32, #tpu.memory_space<hbm>>
    tpu.wait_dma2 semaphore(%dma_wait3A_329 : memref<!tpu.dma_semaphore, #tpu.memory_space<semaphore_mem>>) src(%dma_wait3A_333 : memref<80xi32, #tpu.memory_space<hbm>>) dst(%dma_wait3A_332 : memref<80xi32, #tpu.memory_space<vmem>>)
    %dma_start3A_334 = arith.constant 2 : i32
    %dma_start3A_335 = arith.constant 2 : i32
    %dma_start3A_336 = arith.constant 160 : i32
    %dma_start3A_337 = arith.constant 0 : i32
    %dma_start3A_338 = tpu.memref_slice %arg8[%dma_start3A_336, %dma_start3A_337] : memref<240x128xf32, #tpu.memory_space<vmem>> -> memref<80x128xf32, #tpu.memory_space<vmem>>
    %dma_start3A_339 = arith.constant 0 : i32
    %dma_start3A_340 = tpu.memref_slice %arg6[%dma_start3A_334, %dma_start3A_339] : memref<4x80xi32, #tpu.memory_space<vmem>> -> memref<1x80xi32, #tpu.memory_space<vmem>>
    %dma_start3A_341 = tpu.memref_squeeze %dma_start3A_340 : memref<1x80xi32, #tpu.memory_space<vmem>> -> memref<80xi32, #tpu.memory_space<vmem>>
    %dma_start3A_342 = arith.constant 0 : i32
    %dma_start3A_343 = arith.constant 0 : i32
    %dma_start3A_344 = tpu.memref_slice %arg2[%dma_start3A_342, %dma_start3A_343] : memref<10000x128xf32, #tpu.memory_space<hbm>> -> memref<10000x128xf32, #tpu.memory_space<hbm>>
    %dma_start3A_345 = tpu.memref_slice %arg13[%dma_start3A_335] : memref<3x!tpu.dma_semaphore, #tpu.memory_space<semaphore_mem>> -> memref<1x!tpu.dma_semaphore, #tpu.memory_space<semaphore_mem>>
    %dma_start3A_346 = tpu.memref_squeeze %dma_start3A_345 : memref<1x!tpu.dma_semaphore, #tpu.memory_space<semaphore_mem>> -> memref<!tpu.dma_semaphore, #tpu.memory_space<semaphore_mem>>
    tpu.enqueue_indirect_dma source(%dma_start3A_344 : memref<10000x128xf32, #tpu.memory_space<hbm>>) target(%dma_start3A_338 : memref<80x128xf32, #tpu.memory_space<vmem>>) offsets(%dma_start3A_341 : memref<80xi32, #tpu.memory_space<vmem>>) semaphore(%dma_start3A_346 : memref<!tpu.dma_semaphore, #tpu.memory_space<semaphore_mem>>)
    %dma_wait3A_347 = arith.constant 1 : i32
    %dma_wait3A_348 = arith.constant 1 : i32
    %dma_wait3A_349 = arith.constant 80 : i32
    %dma_wait3A_350 = arith.constant 0 : i32
    %dma_wait3A_351 = tpu.memref_slice %arg8[%dma_wait3A_349, %dma_wait3A_350] : memref<240x128xf32, #tpu.memory_space<vmem>> -> memref<80x128xf32, #tpu.memory_space<vmem>>
    %dma_wait3A_352 = arith.constant 0 : i32
    %dma_wait3A_353 = tpu.memref_slice %arg6[%dma_wait3A_347, %dma_wait3A_352] : memref<4x80xi32, #tpu.memory_space<vmem>> -> memref<1x80xi32, #tpu.memory_space<vmem>>
    %dma_wait3A_354 = tpu.memref_squeeze %dma_wait3A_353 : memref<1x80xi32, #tpu.memory_space<vmem>> -> memref<80xi32, #tpu.memory_space<vmem>>
    %dma_wait3A_355 = arith.constant 0 : i32
    %dma_wait3A_356 = arith.constant 0 : i32
    %dma_wait3A_357 = tpu.memref_slice %arg2[%dma_wait3A_355, %dma_wait3A_356] : memref<10000x128xf32, #tpu.memory_space<hbm>> -> memref<10000x128xf32, #tpu.memory_space<hbm>>
    %dma_wait3A_358 = tpu.memref_slice %arg13[%dma_wait3A_348] : memref<3x!tpu.dma_semaphore, #tpu.memory_space<semaphore_mem>> -> memref<1x!tpu.dma_semaphore, #tpu.memory_space<semaphore_mem>>
    %dma_wait3A_359 = tpu.memref_squeeze %dma_wait3A_358 : memref<1x!tpu.dma_semaphore, #tpu.memory_space<semaphore_mem>> -> memref<!tpu.dma_semaphore, #tpu.memory_space<semaphore_mem>>
    tpu.wait_indirect_dma semaphore(%dma_wait3A_359 : memref<!tpu.dma_semaphore, #tpu.memory_space<semaphore_mem>>) src(%dma_wait3A_357 : memref<10000x128xf32, #tpu.memory_space<hbm>>) dst(%dma_wait3A_351 : memref<80x128xf32, #tpu.memory_space<vmem>>)
    %dma_start3A_360 = arith.constant 1 : i32
    %dma_start3A_361 = arith.constant 1 : i32
    %dma_start3A_362 = arith.constant 80 : i32
    %dma_start3A_363 = arith.constant 0 : i32
    %dma_start3A_364 = tpu.memref_slice %arg8[%dma_start3A_362, %dma_start3A_363] : memref<240x128xf32, #tpu.memory_space<vmem>> -> memref<80x128xf32, #tpu.memory_space<vmem>>
    %dma_start3A_365 = arith.constant 0 : i32
    %dma_start3A_366 = tpu.memref_slice %arg7[%dma_start3A_360, %dma_start3A_365] : memref<4x80xi32, #tpu.memory_space<vmem>> -> memref<1x80xi32, #tpu.memory_space<vmem>>
    %dma_start3A_367 = tpu.memref_squeeze %dma_start3A_366 : memref<1x80xi32, #tpu.memory_space<vmem>> -> memref<80xi32, #tpu.memory_space<vmem>>
    %dma_start3A_368 = arith.constant 0 : i32
    %dma_start3A_369 = arith.constant 0 : i32
    %dma_start3A_370 = tpu.memref_slice %arg11[%dma_start3A_368, %dma_start3A_369] : memref<10240x128xf32, #tpu.memory_space<vmem_shared>> -> memref<10240x128xf32, #tpu.memory_space<vmem_shared>>
    %dma_start3A_371 = tpu.memref_slice %arg15[%dma_start3A_361] : memref<3x!tpu.dma_semaphore, #tpu.memory_space<semaphore_mem>> -> memref<1x!tpu.dma_semaphore, #tpu.memory_space<semaphore_mem>>
    %dma_start3A_372 = tpu.memref_squeeze %dma_start3A_371 : memref<1x!tpu.dma_semaphore, #tpu.memory_space<semaphore_mem>> -> memref<!tpu.dma_semaphore, #tpu.memory_space<semaphore_mem>>
    tpu.enqueue_indirect_dma source(%dma_start3A_364 : memref<80x128xf32, #tpu.memory_space<vmem>>) target(%dma_start3A_370 : memref<10240x128xf32, #tpu.memory_space<vmem_shared>>) offsets(%dma_start3A_367 : memref<80xi32, #tpu.memory_space<vmem>>) semaphore(%dma_start3A_372 : memref<!tpu.dma_semaphore, #tpu.memory_space<semaphore_mem>>) {add = true}
    %dma_start3A_373 = arith.constant 1 : i32
    %dma_start3A_374 = arith.constant 1 : i32
    %dma_start3A_375 = arith.constant 0 : i32
    %dma_start3A_376 = tpu.memref_slice %arg10[%dma_start3A_375] : memref<128xf32, #tpu.memory_space<vmem>> -> memref<80xf32, #tpu.memory_space<vmem>>
    %dma_start3A_377 = arith.constant 0 : i32
    %dma_start3A_378 = tpu.memref_slice %arg7[%dma_start3A_373, %dma_start3A_377] : memref<4x80xi32, #tpu.memory_space<vmem>> -> memref<1x80xi32, #tpu.memory_space<vmem>>
    %dma_start3A_379 = tpu.memref_squeeze %dma_start3A_378 : memref<1x80xi32, #tpu.memory_space<vmem>> -> memref<80xi32, #tpu.memory_space<vmem>>
    %dma_start3A_380 = arith.constant 0 : i32
    %dma_start3A_381 = tpu.memref_slice %arg12[%dma_start3A_380] : memref<10240xf32, #tpu.memory_space<vmem_shared>> -> memref<10240xf32, #tpu.memory_space<vmem_shared>>
    %dma_start3A_382 = tpu.memref_slice %arg16[%dma_start3A_374] : memref<3x!tpu.dma_semaphore, #tpu.memory_space<semaphore_mem>> -> memref<1x!tpu.dma_semaphore, #tpu.memory_space<semaphore_mem>>
    %dma_start3A_383 = tpu.memref_squeeze %dma_start3A_382 : memref<1x!tpu.dma_semaphore, #tpu.memory_space<semaphore_mem>> -> memref<!tpu.dma_semaphore, #tpu.memory_space<semaphore_mem>>
    tpu.enqueue_indirect_dma source(%dma_start3A_376 : memref<80xf32, #tpu.memory_space<vmem>>) target(%dma_start3A_381 : memref<10240xf32, #tpu.memory_space<vmem_shared>>) offsets(%dma_start3A_379 : memref<80xi32, #tpu.memory_space<vmem>>) semaphore(%dma_start3A_383 : memref<!tpu.dma_semaphore, #tpu.memory_space<semaphore_mem>>) {add = true}
    %scan3A_384 = arith.constant 0 : i32
    %scan3A_385 = arith.constant 2 : i32
    %scan3A_386 = arith.constant 121 : i32
    %scan3A_387 = arith.addi %scan3A_385, %scan3A_386 : i32
    %scan3A_388 = arith.constant 1 : i32
    %scan3A_389 = scf.for %scan3A_626 = %scan3A_385 to %scan3A_387 step %scan3A_388 iter_args(%scan3A_627 = %scan3A_384) -> (i32)  : i32 {
      %sub3A = arith.constant 2 : i32
      %sub3A_628 = arith.subi %scan3A_626, %sub3A : i32
      %jit3A = arith.constant 4 : i32
      %eq3A = arith.constant 0 : i32
      %eq3A_629 = arith.cmpi eq, %jit3A, %eq3A : i32
      %jit3A_630 = arith.constant 1 : i32
      %select_n3A = arith.select %eq3A_629, %jit3A_630, %jit3A : i32
      %rem3A = arith.remsi %sub3A_628, %select_n3A : i32
      %ne3A = arith.constant 0 : i32
      %ne3A_631 = arith.cmpi ne, %rem3A, %ne3A : i32
      %lt3A = arith.constant 0 : i32
      %lt3A_632 = arith.cmpi slt, %rem3A, %lt3A : i32
      %lt3A_633 = arith.constant 0 : i32
      %lt3A_634 = arith.cmpi slt, %select_n3A, %lt3A_633 : i32
      %ne3A_635 = arith.xori %lt3A_632, %lt3A_634 : i1
      %and3A = arith.andi %ne3A_635, %ne3A_631 : i1
      %add3A_636 = arith.addi %rem3A, %select_n3A : i32
      %select_n3A_637 = arith.select %and3A, %add3A_636, %rem3A : i32
      %jit3A_638 = arith.constant 3 : i32
      %eq3A_639 = arith.constant 0 : i32
      %eq3A_640 = arith.cmpi eq, %jit3A_638, %eq3A_639 : i32
      %jit3A_641 = arith.constant 1 : i32
      %select_n3A_642 = arith.select %eq3A_640, %jit3A_641, %jit3A_638 : i32
      %rem3A_643 = arith.remsi %sub3A_628, %select_n3A_642 : i32
      %ne3A_644 = arith.constant 0 : i32
      %ne3A_645 = arith.cmpi ne, %rem3A_643, %ne3A_644 : i32
      %lt3A_646 = arith.constant 0 : i32
      %lt3A_647 = arith.cmpi slt, %rem3A_643, %lt3A_646 : i32
      %lt3A_648 = arith.constant 0 : i32
      %lt3A_649 = arith.cmpi slt, %select_n3A_642, %lt3A_648 : i32
      %ne3A_650 = arith.xori %lt3A_647, %lt3A_649 : i1
      %and3A_651 = arith.andi %ne3A_650, %ne3A_645 : i1
      %add3A_652 = arith.addi %rem3A_643, %select_n3A_642 : i32
      %select_n3A_653 = arith.select %and3A_651, %add3A_652, %rem3A_643 : i32
      %mul3A_654 = arith.constant 80 : i32
      %mul3A_655 = arith.muli %select_n3A_653, %mul3A_654 : i32
      %jit3A_656 = arith.constant 3 : i32
      %eq3A_657 = arith.constant 0 : i32
      %eq3A_658 = arith.cmpi eq, %jit3A_656, %eq3A_657 : i32
      %jit3A_659 = arith.constant 1 : i32
      %select_n3A_660 = arith.select %eq3A_658, %jit3A_659, %jit3A_656 : i32
      %rem3A_661 = arith.remsi %sub3A_628, %select_n3A_660 : i32
      %ne3A_662 = arith.constant 0 : i32
      %ne3A_663 = arith.cmpi ne, %rem3A_661, %ne3A_662 : i32
      %lt3A_664 = arith.constant 0 : i32
      %lt3A_665 = arith.cmpi slt, %rem3A_661, %lt3A_664 : i32
      %lt3A_666 = arith.constant 0 : i32
      %lt3A_667 = arith.cmpi slt, %select_n3A_660, %lt3A_666 : i32
      %ne3A_668 = arith.xori %lt3A_665, %lt3A_667 : i1
      %and3A_669 = arith.andi %ne3A_668, %ne3A_663 : i1
      %add3A_670 = arith.addi %rem3A_661, %select_n3A_660 : i32
      %select_n3A_671 = arith.select %and3A_669, %add3A_670, %rem3A_661 : i32
      %dma_wait3A_672 = arith.constant 0 : i32
      %dma_wait3A_673 = tpu.memref_slice %arg8[%mul3A_655, %dma_wait3A_672] : memref<240x128xf32, #tpu.memory_space<vmem>> -> memref<80x128xf32, #tpu.memory_space<vmem>>
      %dma_wait3A_674 = arith.constant 0 : i32
      %dma_wait3A_675 = tpu.memref_slice %arg7[%select_n3A_637, %dma_wait3A_674] : memref<4x80xi32, #tpu.memory_space<vmem>> -> memref<1x80xi32, #tpu.memory_space<vmem>>
      %dma_wait3A_676 = tpu.memref_squeeze %dma_wait3A_675 : memref<1x80xi32, #tpu.memory_space<vmem>> -> memref<80xi32, #tpu.memory_space<vmem>>
      %dma_wait3A_677 = arith.constant 0 : i32
      %dma_wait3A_678 = arith.constant 0 : i32
      %dma_wait3A_679 = tpu.memref_slice %arg11[%dma_wait3A_677, %dma_wait3A_678] : memref<10240x128xf32, #tpu.memory_space<vmem_shared>> -> memref<10240x128xf32, #tpu.memory_space<vmem_shared>>
      %dma_wait3A_680 = tpu.memref_slice %arg15[%select_n3A_671] : memref<3x!tpu.dma_semaphore, #tpu.memory_space<semaphore_mem>> -> memref<1x!tpu.dma_semaphore, #tpu.memory_space<semaphore_mem>>
      %dma_wait3A_681 = tpu.memref_squeeze %dma_wait3A_680 : memref<1x!tpu.dma_semaphore, #tpu.memory_space<semaphore_mem>> -> memref<!tpu.dma_semaphore, #tpu.memory_space<semaphore_mem>>
      tpu.wait_indirect_dma semaphore(%dma_wait3A_681 : memref<!tpu.dma_semaphore, #tpu.memory_space<semaphore_mem>>) src(%dma_wait3A_673 : memref<80x128xf32, #tpu.memory_space<vmem>>) dst(%dma_wait3A_679 : memref<10240x128xf32, #tpu.memory_space<vmem_shared>>)
      %jit3A_682 = arith.constant 3 : i32
      %eq3A_683 = arith.constant 0 : i32
      %eq3A_684 = arith.cmpi eq, %jit3A_682, %eq3A_683 : i32
      %jit3A_685 = arith.constant 1 : i32
      %select_n3A_686 = arith.select %eq3A_684, %jit3A_685, %jit3A_682 : i32
      %rem3A_687 = arith.remsi %sub3A_628, %select_n3A_686 : i32
      %ne3A_688 = arith.constant 0 : i32
      %ne3A_689 = arith.cmpi ne, %rem3A_687, %ne3A_688 : i32
      %lt3A_690 = arith.constant 0 : i32
      %lt3A_691 = arith.cmpi slt, %rem3A_687, %lt3A_690 : i32
      %lt3A_692 = arith.constant 0 : i32
      %lt3A_693 = arith.cmpi slt, %select_n3A_686, %lt3A_692 : i32
      %ne3A_694 = arith.xori %lt3A_691, %lt3A_693 : i1
      %and3A_695 = arith.andi %ne3A_694, %ne3A_689 : i1
      %add3A_696 = arith.addi %rem3A_687, %select_n3A_686 : i32
      %select_n3A_697 = arith.select %and3A_695, %add3A_696, %rem3A_687 : i32
      %dma_wait3A_698 = arith.constant 0 : i32
      %dma_wait3A_699 = tpu.memref_slice %arg10[%dma_wait3A_698] : memref<128xf32, #tpu.memory_space<vmem>> -> memref<80xf32, #tpu.memory_space<vmem>>
      %dma_wait3A_700 = arith.constant 0 : i32
      %dma_wait3A_701 = tpu.memref_slice %arg7[%select_n3A_637, %dma_wait3A_700] : memref<4x80xi32, #tpu.memory_space<vmem>> -> memref<1x80xi32, #tpu.memory_space<vmem>>
      %dma_wait3A_702 = tpu.memref_squeeze %dma_wait3A_701 : memref<1x80xi32, #tpu.memory_space<vmem>> -> memref<80xi32, #tpu.memory_space<vmem>>
      %dma_wait3A_703 = arith.constant 0 : i32
      %dma_wait3A_704 = tpu.memref_slice %arg12[%dma_wait3A_703] : memref<10240xf32, #tpu.memory_space<vmem_shared>> -> memref<10240xf32, #tpu.memory_space<vmem_shared>>
      %dma_wait3A_705 = tpu.memref_slice %arg16[%select_n3A_697] : memref<3x!tpu.dma_semaphore, #tpu.memory_space<semaphore_mem>> -> memref<1x!tpu.dma_semaphore, #tpu.memory_space<semaphore_mem>>
      %dma_wait3A_706 = tpu.memref_squeeze %dma_wait3A_705 : memref<1x!tpu.dma_semaphore, #tpu.memory_space<semaphore_mem>> -> memref<!tpu.dma_semaphore, #tpu.memory_space<semaphore_mem>>
      tpu.wait_indirect_dma semaphore(%dma_wait3A_706 : memref<!tpu.dma_semaphore, #tpu.memory_space<semaphore_mem>>) src(%dma_wait3A_699 : memref<80xf32, #tpu.memory_space<vmem>>) dst(%dma_wait3A_704 : memref<10240xf32, #tpu.memory_space<vmem_shared>>)
      %add3A_707 = arith.constant 2 : i32
      %add3A_708 = arith.addi %scan3A_626, %add3A_707 : i32
      %mul3A_709 = arith.constant 10000 : i32
      %mul3A_710 = arith.muli %add3A, %mul3A_709 : i32
      %mul3A_711 = arith.constant 80 : i32
      %mul3A_712 = arith.muli %add3A_708, %mul3A_711 : i32
      %add3A_713 = arith.addi %mul3A_710, %mul3A_712 : i32
      %multiple_of3A_714 = tpu.assume_multiple %add3A_713, 8 : i32
      %jit3A_715 = arith.constant 4 : i32
      %eq3A_716 = arith.constant 0 : i32
      %eq3A_717 = arith.cmpi eq, %jit3A_715, %eq3A_716 : i32
      %jit3A_718 = arith.constant 1 : i32
      %select_n3A_719 = arith.select %eq3A_717, %jit3A_718, %jit3A_715 : i32
      %rem3A_720 = arith.remsi %add3A_708, %select_n3A_719 : i32
      %ne3A_721 = arith.constant 0 : i32
      %ne3A_722 = arith.cmpi ne, %rem3A_720, %ne3A_721 : i32
      %lt3A_723 = arith.constant 0 : i32
      %lt3A_724 = arith.cmpi slt, %rem3A_720, %lt3A_723 : i32
      %lt3A_725 = arith.constant 0 : i32
      %lt3A_726 = arith.cmpi slt, %select_n3A_719, %lt3A_725 : i32
      %ne3A_727 = arith.xori %lt3A_724, %lt3A_726 : i1
      %and3A_728 = arith.andi %ne3A_727, %ne3A_722 : i1
      %add3A_729 = arith.addi %rem3A_720, %select_n3A_719 : i32
      %select_n3A_730 = arith.select %and3A_728, %add3A_729, %rem3A_720 : i32
      %jit3A_731 = arith.constant 4 : i32
      %eq3A_732 = arith.constant 0 : i32
      %eq3A_733 = arith.cmpi eq, %jit3A_731, %eq3A_732 : i32
      %jit3A_734 = arith.constant 1 : i32
      %select_n3A_735 = arith.select %eq3A_733, %jit3A_734, %jit3A_731 : i32
      %rem3A_736 = arith.remsi %add3A_708, %select_n3A_735 : i32
      %ne3A_737 = arith.constant 0 : i32
      %ne3A_738 = arith.cmpi ne, %rem3A_736, %ne3A_737 : i32
      %lt3A_739 = arith.constant 0 : i32
      %lt3A_740 = arith.cmpi slt, %rem3A_736, %lt3A_739 : i32
      %lt3A_741 = arith.constant 0 : i32
      %lt3A_742 = arith.cmpi slt, %select_n3A_735, %lt3A_741 : i32
      %ne3A_743 = arith.xori %lt3A_740, %lt3A_742 : i1
      %and3A_744 = arith.andi %ne3A_743, %ne3A_738 : i1
      %add3A_745 = arith.addi %rem3A_736, %select_n3A_735 : i32
      %select_n3A_746 = arith.select %and3A_744, %add3A_745, %rem3A_736 : i32
      %dma_start3A_747 = arith.constant 0 : i32
      %dma_start3A_748 = tpu.memref_slice %arg6[%select_n3A_730, %dma_start3A_747] : memref<4x80xi32, #tpu.memory_space<vmem>> -> memref<1x80xi32, #tpu.memory_space<vmem>>
      %dma_start3A_749 = tpu.memref_squeeze %dma_start3A_748 : memref<1x80xi32, #tpu.memory_space<vmem>> -> memref<80xi32, #tpu.memory_space<vmem>>
      %dma_start3A_750 = tpu.memref_slice %arg3[%multiple_of3A_714] : memref<640000xi32, #tpu.memory_space<hbm>> -> memref<80xi32, #tpu.memory_space<hbm>>
      %dma_start3A_751 = tpu.memref_slice %arg14[%select_n3A_746] : memref<4x!tpu.dma_semaphore, #tpu.memory_space<semaphore_mem>> -> memref<1x!tpu.dma_semaphore, #tpu.memory_space<semaphore_mem>>
      %dma_start3A_752 = tpu.memref_squeeze %dma_start3A_751 : memref<1x!tpu.dma_semaphore, #tpu.memory_space<semaphore_mem>> -> memref<!tpu.dma_semaphore, #tpu.memory_space<semaphore_mem>>
      %dma_start3A_753 = arith.constant 0 : i32
      %dma_start3A_754 = tpu.memref_slice %arg6[%select_n3A_730, %dma_start3A_753] : memref<4x80xi32, #tpu.memory_space<vmem>> -> memref<1x80xi32, #tpu.memory_space<vmem>>
      %dma_start3A_755 = tpu.memref_squeeze %dma_start3A_754 : memref<1x80xi32, #tpu.memory_space<vmem>> -> memref<80xi32, #tpu.memory_space<vmem>>
      %dma_start3A_756 = tpu.memref_slice %arg3[%multiple_of3A_714] : memref<640000xi32, #tpu.memory_space<hbm>> -> memref<80xi32, #tpu.memory_space<hbm>>
      tpu.enqueue_dma source(%dma_start3A_756 : memref<80xi32, #tpu.memory_space<hbm>>) target(%dma_start3A_755 : memref<80xi32, #tpu.memory_space<vmem>>) target_semaphore(%dma_start3A_752 : memref<!tpu.dma_semaphore, #tpu.memory_space<semaphore_mem>>)
      %mul3A_757 = arith.constant 10000 : i32
      %mul3A_758 = arith.muli %add3A, %mul3A_757 : i32
      %add3A_759 = arith.constant 320000 : i32
      %add3A_760 = arith.addi %add3A_759, %mul3A_758 : i32
      %mul3A_761 = arith.constant 80 : i32
      %mul3A_762 = arith.muli %add3A_708, %mul3A_761 : i32
      %add3A_763 = arith.addi %add3A_760, %mul3A_762 : i32
      %multiple_of3A_764 = tpu.assume_multiple %add3A_763, 8 : i32
      %jit3A_765 = arith.constant 4 : i32
      %eq3A_766 = arith.constant 0 : i32
      %eq3A_767 = arith.cmpi eq, %jit3A_765, %eq3A_766 : i32
      %jit3A_768 = arith.constant 1 : i32
      %select_n3A_769 = arith.select %eq3A_767, %jit3A_768, %jit3A_765 : i32
      %rem3A_770 = arith.remsi %add3A_708, %select_n3A_769 : i32
      %ne3A_771 = arith.constant 0 : i32
      %ne3A_772 = arith.cmpi ne, %rem3A_770, %ne3A_771 : i32
      %lt3A_773 = arith.constant 0 : i32
      %lt3A_774 = arith.cmpi slt, %rem3A_770, %lt3A_773 : i32
      %lt3A_775 = arith.constant 0 : i32
      %lt3A_776 = arith.cmpi slt, %select_n3A_769, %lt3A_775 : i32
      %ne3A_777 = arith.xori %lt3A_774, %lt3A_776 : i1
      %and3A_778 = arith.andi %ne3A_777, %ne3A_772 : i1
      %add3A_779 = arith.addi %rem3A_770, %select_n3A_769 : i32
      %select_n3A_780 = arith.select %and3A_778, %add3A_779, %rem3A_770 : i32
      %jit3A_781 = arith.constant 4 : i32
      %eq3A_782 = arith.constant 0 : i32
      %eq3A_783 = arith.cmpi eq, %jit3A_781, %eq3A_782 : i32
      %jit3A_784 = arith.constant 1 : i32
      %select_n3A_785 = arith.select %eq3A_783, %jit3A_784, %jit3A_781 : i32
      %rem3A_786 = arith.remsi %add3A_708, %select_n3A_785 : i32
      %ne3A_787 = arith.constant 0 : i32
      %ne3A_788 = arith.cmpi ne, %rem3A_786, %ne3A_787 : i32
      %lt3A_789 = arith.constant 0 : i32
      %lt3A_790 = arith.cmpi slt, %rem3A_786, %lt3A_789 : i32
      %lt3A_791 = arith.constant 0 : i32
      %lt3A_792 = arith.cmpi slt, %select_n3A_785, %lt3A_791 : i32
      %ne3A_793 = arith.xori %lt3A_790, %lt3A_792 : i1
      %and3A_794 = arith.andi %ne3A_793, %ne3A_788 : i1
      %add3A_795 = arith.addi %rem3A_786, %select_n3A_785 : i32
      %select_n3A_796 = arith.select %and3A_794, %add3A_795, %rem3A_786 : i32
      %dma_start3A_797 = arith.constant 0 : i32
      %dma_start3A_798 = tpu.memref_slice %arg7[%select_n3A_780, %dma_start3A_797] : memref<4x80xi32, #tpu.memory_space<vmem>> -> memref<1x80xi32, #tpu.memory_space<vmem>>
      %dma_start3A_799 = tpu.memref_squeeze %dma_start3A_798 : memref<1x80xi32, #tpu.memory_space<vmem>> -> memref<80xi32, #tpu.memory_space<vmem>>
      %dma_start3A_800 = tpu.memref_slice %arg3[%multiple_of3A_764] : memref<640000xi32, #tpu.memory_space<hbm>> -> memref<80xi32, #tpu.memory_space<hbm>>
      %dma_start3A_801 = tpu.memref_slice %arg14[%select_n3A_796] : memref<4x!tpu.dma_semaphore, #tpu.memory_space<semaphore_mem>> -> memref<1x!tpu.dma_semaphore, #tpu.memory_space<semaphore_mem>>
      %dma_start3A_802 = tpu.memref_squeeze %dma_start3A_801 : memref<1x!tpu.dma_semaphore, #tpu.memory_space<semaphore_mem>> -> memref<!tpu.dma_semaphore, #tpu.memory_space<semaphore_mem>>
      %dma_start3A_803 = arith.constant 0 : i32
      %dma_start3A_804 = tpu.memref_slice %arg7[%select_n3A_780, %dma_start3A_803] : memref<4x80xi32, #tpu.memory_space<vmem>> -> memref<1x80xi32, #tpu.memory_space<vmem>>
      %dma_start3A_805 = tpu.memref_squeeze %dma_start3A_804 : memref<1x80xi32, #tpu.memory_space<vmem>> -> memref<80xi32, #tpu.memory_space<vmem>>
      %dma_start3A_806 = tpu.memref_slice %arg3[%multiple_of3A_764] : memref<640000xi32, #tpu.memory_space<hbm>> -> memref<80xi32, #tpu.memory_space<hbm>>
      tpu.enqueue_dma source(%dma_start3A_806 : memref<80xi32, #tpu.memory_space<hbm>>) target(%dma_start3A_805 : memref<80xi32, #tpu.memory_space<vmem>>) target_semaphore(%dma_start3A_802 : memref<!tpu.dma_semaphore, #tpu.memory_space<semaphore_mem>>)
      %add3A_807 = arith.constant 1 : i32
      %add3A_808 = arith.addi %scan3A_626, %add3A_807 : i32
      %mul3A_809 = arith.constant 10000 : i32
      %mul3A_810 = arith.muli %add3A, %mul3A_809 : i32
      %mul3A_811 = arith.constant 80 : i32
      %mul3A_812 = arith.muli %add3A_808, %mul3A_811 : i32
      %add3A_813 = arith.addi %mul3A_810, %mul3A_812 : i32
      %multiple_of3A_814 = tpu.assume_multiple %add3A_813, 8 : i32
      %jit3A_815 = arith.constant 4 : i32
      %eq3A_816 = arith.constant 0 : i32
      %eq3A_817 = arith.cmpi eq, %jit3A_815, %eq3A_816 : i32
      %jit3A_818 = arith.constant 1 : i32
      %select_n3A_819 = arith.select %eq3A_817, %jit3A_818, %jit3A_815 : i32
      %rem3A_820 = arith.remsi %add3A_808, %select_n3A_819 : i32
      %ne3A_821 = arith.constant 0 : i32
      %ne3A_822 = arith.cmpi ne, %rem3A_820, %ne3A_821 : i32
      %lt3A_823 = arith.constant 0 : i32
      %lt3A_824 = arith.cmpi slt, %rem3A_820, %lt3A_823 : i32
      %lt3A_825 = arith.constant 0 : i32
      %lt3A_826 = arith.cmpi slt, %select_n3A_819, %lt3A_825 : i32
      %ne3A_827 = arith.xori %lt3A_824, %lt3A_826 : i1
      %and3A_828 = arith.andi %ne3A_827, %ne3A_822 : i1
      %add3A_829 = arith.addi %rem3A_820, %select_n3A_819 : i32
      %select_n3A_830 = arith.select %and3A_828, %add3A_829, %rem3A_820 : i32
      %jit3A_831 = arith.constant 4 : i32
      %eq3A_832 = arith.constant 0 : i32
      %eq3A_833 = arith.cmpi eq, %jit3A_831, %eq3A_832 : i32
      %jit3A_834 = arith.constant 1 : i32
      %select_n3A_835 = arith.select %eq3A_833, %jit3A_834, %jit3A_831 : i32
      %rem3A_836 = arith.remsi %add3A_808, %select_n3A_835 : i32
      %ne3A_837 = arith.constant 0 : i32
      %ne3A_838 = arith.cmpi ne, %rem3A_836, %ne3A_837 : i32
      %lt3A_839 = arith.constant 0 : i32
      %lt3A_840 = arith.cmpi slt, %rem3A_836, %lt3A_839 : i32
      %lt3A_841 = arith.constant 0 : i32
      %lt3A_842 = arith.cmpi slt, %select_n3A_835, %lt3A_841 : i32
      %ne3A_843 = arith.xori %lt3A_840, %lt3A_842 : i1
      %and3A_844 = arith.andi %ne3A_843, %ne3A_838 : i1
      %add3A_845 = arith.addi %rem3A_836, %select_n3A_835 : i32
      %select_n3A_846 = arith.select %and3A_844, %add3A_845, %rem3A_836 : i32
      %dma_wait3A_847 = arith.constant 0 : i32
      %dma_wait3A_848 = tpu.memref_slice %arg6[%select_n3A_830, %dma_wait3A_847] : memref<4x80xi32, #tpu.memory_space<vmem>> -> memref<1x80xi32, #tpu.memory_space<vmem>>
      %dma_wait3A_849 = tpu.memref_squeeze %dma_wait3A_848 : memref<1x80xi32, #tpu.memory_space<vmem>> -> memref<80xi32, #tpu.memory_space<vmem>>
      %dma_wait3A_850 = tpu.memref_slice %arg3[%multiple_of3A_814] : memref<640000xi32, #tpu.memory_space<hbm>> -> memref<80xi32, #tpu.memory_space<hbm>>
      %dma_wait3A_851 = tpu.memref_slice %arg14[%select_n3A_846] : memref<4x!tpu.dma_semaphore, #tpu.memory_space<semaphore_mem>> -> memref<1x!tpu.dma_semaphore, #tpu.memory_space<semaphore_mem>>
      %dma_wait3A_852 = tpu.memref_squeeze %dma_wait3A_851 : memref<1x!tpu.dma_semaphore, #tpu.memory_space<semaphore_mem>> -> memref<!tpu.dma_semaphore, #tpu.memory_space<semaphore_mem>>
      %dma_wait3A_853 = arith.constant 0 : i32
      %dma_wait3A_854 = tpu.memref_slice %arg6[%select_n3A_830, %dma_wait3A_853] : memref<4x80xi32, #tpu.memory_space<vmem>> -> memref<1x80xi32, #tpu.memory_space<vmem>>
      %dma_wait3A_855 = tpu.memref_squeeze %dma_wait3A_854 : memref<1x80xi32, #tpu.memory_space<vmem>> -> memref<80xi32, #tpu.memory_space<vmem>>
      %dma_wait3A_856 = tpu.memref_slice %arg3[%multiple_of3A_814] : memref<640000xi32, #tpu.memory_space<hbm>> -> memref<80xi32, #tpu.memory_space<hbm>>
      tpu.wait_dma2 semaphore(%dma_wait3A_852 : memref<!tpu.dma_semaphore, #tpu.memory_space<semaphore_mem>>) src(%dma_wait3A_856 : memref<80xi32, #tpu.memory_space<hbm>>) dst(%dma_wait3A_855 : memref<80xi32, #tpu.memory_space<vmem>>)
      %jit3A_857 = arith.constant 4 : i32
      %eq3A_858 = arith.constant 0 : i32
      %eq3A_859 = arith.cmpi eq, %jit3A_857, %eq3A_858 : i32
      %jit3A_860 = arith.constant 1 : i32
      %select_n3A_861 = arith.select %eq3A_859, %jit3A_860, %jit3A_857 : i32
      %rem3A_862 = arith.remsi %add3A_808, %select_n3A_861 : i32
      %ne3A_863 = arith.constant 0 : i32
      %ne3A_864 = arith.cmpi ne, %rem3A_862, %ne3A_863 : i32
      %lt3A_865 = arith.constant 0 : i32
      %lt3A_866 = arith.cmpi slt, %rem3A_862, %lt3A_865 : i32
      %lt3A_867 = arith.constant 0 : i32
      %lt3A_868 = arith.cmpi slt, %select_n3A_861, %lt3A_867 : i32
      %ne3A_869 = arith.xori %lt3A_866, %lt3A_868 : i1
      %and3A_870 = arith.andi %ne3A_869, %ne3A_864 : i1
      %add3A_871 = arith.addi %rem3A_862, %select_n3A_861 : i32
      %select_n3A_872 = arith.select %and3A_870, %add3A_871, %rem3A_862 : i32
      %jit3A_873 = arith.constant 4 : i32
      %eq3A_874 = arith.constant 0 : i32
      %eq3A_875 = arith.cmpi eq, %jit3A_873, %eq3A_874 : i32
      %jit3A_876 = arith.constant 1 : i32
      %select_n3A_877 = arith.select %eq3A_875, %jit3A_876, %jit3A_873 : i32
      %rem3A_878 = arith.remsi %add3A_808, %select_n3A_877 : i32
      %ne3A_879 = arith.constant 0 : i32
      %ne3A_880 = arith.cmpi ne, %rem3A_878, %ne3A_879 : i32
      %lt3A_881 = arith.constant 0 : i32
      %lt3A_882 = arith.cmpi slt, %rem3A_878, %lt3A_881 : i32
      %lt3A_883 = arith.constant 0 : i32
      %lt3A_884 = arith.cmpi slt, %select_n3A_877, %lt3A_883 : i32
      %ne3A_885 = arith.xori %lt3A_882, %lt3A_884 : i1
      %and3A_886 = arith.andi %ne3A_885, %ne3A_880 : i1
      %add3A_887 = arith.addi %rem3A_878, %select_n3A_877 : i32
      %select_n3A_888 = arith.select %and3A_886, %add3A_887, %rem3A_878 : i32
      %dma_wait3A_889 = arith.constant 0 : i32
      %dma_wait3A_890 = tpu.memref_slice %arg7[%select_n3A_872, %dma_wait3A_889] : memref<4x80xi32, #tpu.memory_space<vmem>> -> memref<1x80xi32, #tpu.memory_space<vmem>>
      %dma_wait3A_891 = tpu.memref_squeeze %dma_wait3A_890 : memref<1x80xi32, #tpu.memory_space<vmem>> -> memref<80xi32, #tpu.memory_space<vmem>>
      %dma_wait3A_892 = tpu.memref_slice %arg3[%multiple_of3A_814] : memref<640000xi32, #tpu.memory_space<hbm>> -> memref<80xi32, #tpu.memory_space<hbm>>
      %dma_wait3A_893 = tpu.memref_slice %arg14[%select_n3A_888] : memref<4x!tpu.dma_semaphore, #tpu.memory_space<semaphore_mem>> -> memref<1x!tpu.dma_semaphore, #tpu.memory_space<semaphore_mem>>
      %dma_wait3A_894 = tpu.memref_squeeze %dma_wait3A_893 : memref<1x!tpu.dma_semaphore, #tpu.memory_space<semaphore_mem>> -> memref<!tpu.dma_semaphore, #tpu.memory_space<semaphore_mem>>
      %dma_wait3A_895 = arith.constant 0 : i32
      %dma_wait3A_896 = tpu.memref_slice %arg7[%select_n3A_872, %dma_wait3A_895] : memref<4x80xi32, #tpu.memory_space<vmem>> -> memref<1x80xi32, #tpu.memory_space<vmem>>
      %dma_wait3A_897 = tpu.memref_squeeze %dma_wait3A_896 : memref<1x80xi32, #tpu.memory_space<vmem>> -> memref<80xi32, #tpu.memory_space<vmem>>
      %dma_wait3A_898 = tpu.memref_slice %arg3[%multiple_of3A_814] : memref<640000xi32, #tpu.memory_space<hbm>> -> memref<80xi32, #tpu.memory_space<hbm>>
      tpu.wait_dma2 semaphore(%dma_wait3A_894 : memref<!tpu.dma_semaphore, #tpu.memory_space<semaphore_mem>>) src(%dma_wait3A_898 : memref<80xi32, #tpu.memory_space<hbm>>) dst(%dma_wait3A_897 : memref<80xi32, #tpu.memory_space<vmem>>)
      %add3A_899 = arith.constant 1 : i32
      %add3A_900 = arith.addi %scan3A_626, %add3A_899 : i32
      %jit3A_901 = arith.constant 4 : i32
      %eq3A_902 = arith.constant 0 : i32
      %eq3A_903 = arith.cmpi eq, %jit3A_901, %eq3A_902 : i32
      %jit3A_904 = arith.constant 1 : i32
      %select_n3A_905 = arith.select %eq3A_903, %jit3A_904, %jit3A_901 : i32
      %rem3A_906 = arith.remsi %add3A_900, %select_n3A_905 : i32
      %ne3A_907 = arith.constant 0 : i32
      %ne3A_908 = arith.cmpi ne, %rem3A_906, %ne3A_907 : i32
      %lt3A_909 = arith.constant 0 : i32
      %lt3A_910 = arith.cmpi slt, %rem3A_906, %lt3A_909 : i32
      %lt3A_911 = arith.constant 0 : i32
      %lt3A_912 = arith.cmpi slt, %select_n3A_905, %lt3A_911 : i32
      %ne3A_913 = arith.xori %lt3A_910, %lt3A_912 : i1
      %and3A_914 = arith.andi %ne3A_913, %ne3A_908 : i1
      %add3A_915 = arith.addi %rem3A_906, %select_n3A_905 : i32
      %select_n3A_916 = arith.select %and3A_914, %add3A_915, %rem3A_906 : i32
      %jit3A_917 = arith.constant 3 : i32
      %eq3A_918 = arith.constant 0 : i32
      %eq3A_919 = arith.cmpi eq, %jit3A_917, %eq3A_918 : i32
      %jit3A_920 = arith.constant 1 : i32
      %select_n3A_921 = arith.select %eq3A_919, %jit3A_920, %jit3A_917 : i32
      %rem3A_922 = arith.remsi %add3A_900, %select_n3A_921 : i32
      %ne3A_923 = arith.constant 0 : i32
      %ne3A_924 = arith.cmpi ne, %rem3A_922, %ne3A_923 : i32
      %lt3A_925 = arith.constant 0 : i32
      %lt3A_926 = arith.cmpi slt, %rem3A_922, %lt3A_925 : i32
      %lt3A_927 = arith.constant 0 : i32
      %lt3A_928 = arith.cmpi slt, %select_n3A_921, %lt3A_927 : i32
      %ne3A_929 = arith.xori %lt3A_926, %lt3A_928 : i1
      %and3A_930 = arith.andi %ne3A_929, %ne3A_924 : i1
      %add3A_931 = arith.addi %rem3A_922, %select_n3A_921 : i32
      %select_n3A_932 = arith.select %and3A_930, %add3A_931, %rem3A_922 : i32
      %mul3A_933 = arith.constant 80 : i32
      %mul3A_934 = arith.muli %select_n3A_932, %mul3A_933 : i32
      %jit3A_935 = arith.constant 3 : i32
      %eq3A_936 = arith.constant 0 : i32
      %eq3A_937 = arith.cmpi eq, %jit3A_935, %eq3A_936 : i32
      %jit3A_938 = arith.constant 1 : i32
      %select_n3A_939 = arith.select %eq3A_937, %jit3A_938, %jit3A_935 : i32
      %rem3A_940 = arith.remsi %add3A_900, %select_n3A_939 : i32
      %ne3A_941 = arith.constant 0 : i32
      %ne3A_942 = arith.cmpi ne, %rem3A_940, %ne3A_941 : i32
      %lt3A_943 = arith.constant 0 : i32
      %lt3A_944 = arith.cmpi slt, %rem3A_940, %lt3A_943 : i32
      %lt3A_945 = arith.constant 0 : i32
      %lt3A_946 = arith.cmpi slt, %select_n3A_939, %lt3A_945 : i32
      %ne3A_947 = arith.xori %lt3A_944, %lt3A_946 : i1
      %and3A_948 = arith.andi %ne3A_947, %ne3A_942 : i1
      %add3A_949 = arith.addi %rem3A_940, %select_n3A_939 : i32
      %select_n3A_950 = arith.select %and3A_948, %add3A_949, %rem3A_940 : i32
      %dma_start3A_951 = arith.constant 0 : i32
      %dma_start3A_952 = tpu.memref_slice %arg8[%mul3A_934, %dma_start3A_951] : memref<240x128xf32, #tpu.memory_space<vmem>> -> memref<80x128xf32, #tpu.memory_space<vmem>>
      %dma_start3A_953 = arith.constant 0 : i32
      %dma_start3A_954 = tpu.memref_slice %arg6[%select_n3A_916, %dma_start3A_953] : memref<4x80xi32, #tpu.memory_space<vmem>> -> memref<1x80xi32, #tpu.memory_space<vmem>>
      %dma_start3A_955 = tpu.memref_squeeze %dma_start3A_954 : memref<1x80xi32, #tpu.memory_space<vmem>> -> memref<80xi32, #tpu.memory_space<vmem>>
      %dma_start3A_956 = arith.constant 0 : i32
      %dma_start3A_957 = arith.constant 0 : i32
      %dma_start3A_958 = tpu.memref_slice %arg2[%dma_start3A_956, %dma_start3A_957] : memref<10000x128xf32, #tpu.memory_space<hbm>> -> memref<10000x128xf32, #tpu.memory_space<hbm>>
      %dma_start3A_959 = tpu.memref_slice %arg13[%select_n3A_950] : memref<3x!tpu.dma_semaphore, #tpu.memory_space<semaphore_mem>> -> memref<1x!tpu.dma_semaphore, #tpu.memory_space<semaphore_mem>>
      %dma_start3A_960 = tpu.memref_squeeze %dma_start3A_959 : memref<1x!tpu.dma_semaphore, #tpu.memory_space<semaphore_mem>> -> memref<!tpu.dma_semaphore, #tpu.memory_space<semaphore_mem>>
      tpu.enqueue_indirect_dma source(%dma_start3A_958 : memref<10000x128xf32, #tpu.memory_space<hbm>>) target(%dma_start3A_952 : memref<80x128xf32, #tpu.memory_space<vmem>>) offsets(%dma_start3A_955 : memref<80xi32, #tpu.memory_space<vmem>>) semaphore(%dma_start3A_960 : memref<!tpu.dma_semaphore, #tpu.memory_space<semaphore_mem>>)
      %jit3A_961 = arith.constant 4 : i32
      %eq3A_962 = arith.constant 0 : i32
      %eq3A_963 = arith.cmpi eq, %jit3A_961, %eq3A_962 : i32
      %jit3A_964 = arith.constant 1 : i32
      %select_n3A_965 = arith.select %eq3A_963, %jit3A_964, %jit3A_961 : i32
      %rem3A_966 = arith.remsi %scan3A_626, %select_n3A_965 : i32
      %ne3A_967 = arith.constant 0 : i32
      %ne3A_968 = arith.cmpi ne, %rem3A_966, %ne3A_967 : i32
      %lt3A_969 = arith.constant 0 : i32
      %lt3A_970 = arith.cmpi slt, %rem3A_966, %lt3A_969 : i32
      %lt3A_971 = arith.constant 0 : i32
      %lt3A_972 = arith.cmpi slt, %select_n3A_965, %lt3A_971 : i32
      %ne3A_973 = arith.xori %lt3A_970, %lt3A_972 : i1
      %and3A_974 = arith.andi %ne3A_973, %ne3A_968 : i1
      %add3A_975 = arith.addi %rem3A_966, %select_n3A_965 : i32
      %select_n3A_976 = arith.select %and3A_974, %add3A_975, %rem3A_966 : i32
      %jit3A_977 = arith.constant 3 : i32
      %eq3A_978 = arith.constant 0 : i32
      %eq3A_979 = arith.cmpi eq, %jit3A_977, %eq3A_978 : i32
      %jit3A_980 = arith.constant 1 : i32
      %select_n3A_981 = arith.select %eq3A_979, %jit3A_980, %jit3A_977 : i32
      %rem3A_982 = arith.remsi %scan3A_626, %select_n3A_981 : i32
      %ne3A_983 = arith.constant 0 : i32
      %ne3A_984 = arith.cmpi ne, %rem3A_982, %ne3A_983 : i32
      %lt3A_985 = arith.constant 0 : i32
      %lt3A_986 = arith.cmpi slt, %rem3A_982, %lt3A_985 : i32
      %lt3A_987 = arith.constant 0 : i32
      %lt3A_988 = arith.cmpi slt, %select_n3A_981, %lt3A_987 : i32
      %ne3A_989 = arith.xori %lt3A_986, %lt3A_988 : i1
      %and3A_990 = arith.andi %ne3A_989, %ne3A_984 : i1
      %add3A_991 = arith.addi %rem3A_982, %select_n3A_981 : i32
      %select_n3A_992 = arith.select %and3A_990, %add3A_991, %rem3A_982 : i32
      %mul3A_993 = arith.constant 80 : i32
      %mul3A_994 = arith.muli %select_n3A_992, %mul3A_993 : i32
      %jit3A_995 = arith.constant 3 : i32
      %eq3A_996 = arith.constant 0 : i32
      %eq3A_997 = arith.cmpi eq, %jit3A_995, %eq3A_996 : i32
      %jit3A_998 = arith.constant 1 : i32
      %select_n3A_999 = arith.select %eq3A_997, %jit3A_998, %jit3A_995 : i32
      %rem3A_1000 = arith.remsi %scan3A_626, %select_n3A_999 : i32
      %ne3A_1001 = arith.constant 0 : i32
      %ne3A_1002 = arith.cmpi ne, %rem3A_1000, %ne3A_1001 : i32
      %lt3A_1003 = arith.constant 0 : i32
      %lt3A_1004 = arith.cmpi slt, %rem3A_1000, %lt3A_1003 : i32
      %lt3A_1005 = arith.constant 0 : i32
      %lt3A_1006 = arith.cmpi slt, %select_n3A_999, %lt3A_1005 : i32
      %ne3A_1007 = arith.xori %lt3A_1004, %lt3A_1006 : i1
      %and3A_1008 = arith.andi %ne3A_1007, %ne3A_1002 : i1
      %add3A_1009 = arith.addi %rem3A_1000, %select_n3A_999 : i32
      %select_n3A_1010 = arith.select %and3A_1008, %add3A_1009, %rem3A_1000 : i32
      %dma_wait3A_1011 = arith.constant 0 : i32
      %dma_wait3A_1012 = tpu.memref_slice %arg8[%mul3A_994, %dma_wait3A_1011] : memref<240x128xf32, #tpu.memory_space<vmem>> -> memref<80x128xf32, #tpu.memory_space<vmem>>
      %dma_wait3A_1013 = arith.constant 0 : i32
      %dma_wait3A_1014 = tpu.memref_slice %arg6[%select_n3A_976, %dma_wait3A_1013] : memref<4x80xi32, #tpu.memory_space<vmem>> -> memref<1x80xi32, #tpu.memory_space<vmem>>
      %dma_wait3A_1015 = tpu.memref_squeeze %dma_wait3A_1014 : memref<1x80xi32, #tpu.memory_space<vmem>> -> memref<80xi32, #tpu.memory_space<vmem>>
      %dma_wait3A_1016 = arith.constant 0 : i32
      %dma_wait3A_1017 = arith.constant 0 : i32
      %dma_wait3A_1018 = tpu.memref_slice %arg2[%dma_wait3A_1016, %dma_wait3A_1017] : memref<10000x128xf32, #tpu.memory_space<hbm>> -> memref<10000x128xf32, #tpu.memory_space<hbm>>
      %dma_wait3A_1019 = tpu.memref_slice %arg13[%select_n3A_1010] : memref<3x!tpu.dma_semaphore, #tpu.memory_space<semaphore_mem>> -> memref<1x!tpu.dma_semaphore, #tpu.memory_space<semaphore_mem>>
      %dma_wait3A_1020 = tpu.memref_squeeze %dma_wait3A_1019 : memref<1x!tpu.dma_semaphore, #tpu.memory_space<semaphore_mem>> -> memref<!tpu.dma_semaphore, #tpu.memory_space<semaphore_mem>>
      tpu.wait_indirect_dma semaphore(%dma_wait3A_1020 : memref<!tpu.dma_semaphore, #tpu.memory_space<semaphore_mem>>) src(%dma_wait3A_1018 : memref<10000x128xf32, #tpu.memory_space<hbm>>) dst(%dma_wait3A_1012 : memref<80x128xf32, #tpu.memory_space<vmem>>)
      %jit3A_1021 = arith.constant 4 : i32
      %eq3A_1022 = arith.constant 0 : i32
      %eq3A_1023 = arith.cmpi eq, %jit3A_1021, %eq3A_1022 : i32
      %jit3A_1024 = arith.constant 1 : i32
      %select_n3A_1025 = arith.select %eq3A_1023, %jit3A_1024, %jit3A_1021 : i32
      %rem3A_1026 = arith.remsi %scan3A_626, %select_n3A_1025 : i32
      %ne3A_1027 = arith.constant 0 : i32
      %ne3A_1028 = arith.cmpi ne, %rem3A_1026, %ne3A_1027 : i32
      %lt3A_1029 = arith.constant 0 : i32
      %lt3A_1030 = arith.cmpi slt, %rem3A_1026, %lt3A_1029 : i32
      %lt3A_1031 = arith.constant 0 : i32
      %lt3A_1032 = arith.cmpi slt, %select_n3A_1025, %lt3A_1031 : i32
      %ne3A_1033 = arith.xori %lt3A_1030, %lt3A_1032 : i1
      %and3A_1034 = arith.andi %ne3A_1033, %ne3A_1028 : i1
      %add3A_1035 = arith.addi %rem3A_1026, %select_n3A_1025 : i32
      %select_n3A_1036 = arith.select %and3A_1034, %add3A_1035, %rem3A_1026 : i32
      %jit3A_1037 = arith.constant 3 : i32
      %eq3A_1038 = arith.constant 0 : i32
      %eq3A_1039 = arith.cmpi eq, %jit3A_1037, %eq3A_1038 : i32
      %jit3A_1040 = arith.constant 1 : i32
      %select_n3A_1041 = arith.select %eq3A_1039, %jit3A_1040, %jit3A_1037 : i32
      %rem3A_1042 = arith.remsi %scan3A_626, %select_n3A_1041 : i32
      %ne3A_1043 = arith.constant 0 : i32
      %ne3A_1044 = arith.cmpi ne, %rem3A_1042, %ne3A_1043 : i32
      %lt3A_1045 = arith.constant 0 : i32
      %lt3A_1046 = arith.cmpi slt, %rem3A_1042, %lt3A_1045 : i32
      %lt3A_1047 = arith.constant 0 : i32
      %lt3A_1048 = arith.cmpi slt, %select_n3A_1041, %lt3A_1047 : i32
      %ne3A_1049 = arith.xori %lt3A_1046, %lt3A_1048 : i1
      %and3A_1050 = arith.andi %ne3A_1049, %ne3A_1044 : i1
      %add3A_1051 = arith.addi %rem3A_1042, %select_n3A_1041 : i32
      %select_n3A_1052 = arith.select %and3A_1050, %add3A_1051, %rem3A_1042 : i32
      %mul3A_1053 = arith.constant 80 : i32
      %mul3A_1054 = arith.muli %select_n3A_1052, %mul3A_1053 : i32
      %jit3A_1055 = arith.constant 3 : i32
      %eq3A_1056 = arith.constant 0 : i32
      %eq3A_1057 = arith.cmpi eq, %jit3A_1055, %eq3A_1056 : i32
      %jit3A_1058 = arith.constant 1 : i32
      %select_n3A_1059 = arith.select %eq3A_1057, %jit3A_1058, %jit3A_1055 : i32
      %rem3A_1060 = arith.remsi %scan3A_626, %select_n3A_1059 : i32
      %ne3A_1061 = arith.constant 0 : i32
      %ne3A_1062 = arith.cmpi ne, %rem3A_1060, %ne3A_1061 : i32
      %lt3A_1063 = arith.constant 0 : i32
      %lt3A_1064 = arith.cmpi slt, %rem3A_1060, %lt3A_1063 : i32
      %lt3A_1065 = arith.constant 0 : i32
      %lt3A_1066 = arith.cmpi slt, %select_n3A_1059, %lt3A_1065 : i32
      %ne3A_1067 = arith.xori %lt3A_1064, %lt3A_1066 : i1
      %and3A_1068 = arith.andi %ne3A_1067, %ne3A_1062 : i1
      %add3A_1069 = arith.addi %rem3A_1060, %select_n3A_1059 : i32
      %select_n3A_1070 = arith.select %and3A_1068, %add3A_1069, %rem3A_1060 : i32
      %dma_start3A_1071 = arith.constant 0 : i32
      %dma_start3A_1072 = tpu.memref_slice %arg8[%mul3A_1054, %dma_start3A_1071] : memref<240x128xf32, #tpu.memory_space<vmem>> -> memref<80x128xf32, #tpu.memory_space<vmem>>
      %dma_start3A_1073 = arith.constant 0 : i32
      %dma_start3A_1074 = tpu.memref_slice %arg7[%select_n3A_1036, %dma_start3A_1073] : memref<4x80xi32, #tpu.memory_space<vmem>> -> memref<1x80xi32, #tpu.memory_space<vmem>>
      %dma_start3A_1075 = tpu.memref_squeeze %dma_start3A_1074 : memref<1x80xi32, #tpu.memory_space<vmem>> -> memref<80xi32, #tpu.memory_space<vmem>>
      %dma_start3A_1076 = arith.constant 0 : i32
      %dma_start3A_1077 = arith.constant 0 : i32
      %dma_start3A_1078 = tpu.memref_slice %arg11[%dma_start3A_1076, %dma_start3A_1077] : memref<10240x128xf32, #tpu.memory_space<vmem_shared>> -> memref<10240x128xf32, #tpu.memory_space<vmem_shared>>
      %dma_start3A_1079 = tpu.memref_slice %arg15[%select_n3A_1070] : memref<3x!tpu.dma_semaphore, #tpu.memory_space<semaphore_mem>> -> memref<1x!tpu.dma_semaphore, #tpu.memory_space<semaphore_mem>>
      %dma_start3A_1080 = tpu.memref_squeeze %dma_start3A_1079 : memref<1x!tpu.dma_semaphore, #tpu.memory_space<semaphore_mem>> -> memref<!tpu.dma_semaphore, #tpu.memory_space<semaphore_mem>>
      tpu.enqueue_indirect_dma source(%dma_start3A_1072 : memref<80x128xf32, #tpu.memory_space<vmem>>) target(%dma_start3A_1078 : memref<10240x128xf32, #tpu.memory_space<vmem_shared>>) offsets(%dma_start3A_1075 : memref<80xi32, #tpu.memory_space<vmem>>) semaphore(%dma_start3A_1080 : memref<!tpu.dma_semaphore, #tpu.memory_space<semaphore_mem>>) {add = true}
      %jit3A_1081 = arith.constant 3 : i32
      %eq3A_1082 = arith.constant 0 : i32
      %eq3A_1083 = arith.cmpi eq, %jit3A_1081, %eq3A_1082 : i32
      %jit3A_1084 = arith.constant 1 : i32
      %select_n3A_1085 = arith.select %eq3A_1083, %jit3A_1084, %jit3A_1081 : i32
      %rem3A_1086 = arith.remsi %scan3A_626, %select_n3A_1085 : i32
      %ne3A_1087 = arith.constant 0 : i32
      %ne3A_1088 = arith.cmpi ne, %rem3A_1086, %ne3A_1087 : i32
      %lt3A_1089 = arith.constant 0 : i32
      %lt3A_1090 = arith.cmpi slt, %rem3A_1086, %lt3A_1089 : i32
      %lt3A_1091 = arith.constant 0 : i32
      %lt3A_1092 = arith.cmpi slt, %select_n3A_1085, %lt3A_1091 : i32
      %ne3A_1093 = arith.xori %lt3A_1090, %lt3A_1092 : i1
      %and3A_1094 = arith.andi %ne3A_1093, %ne3A_1088 : i1
      %add3A_1095 = arith.addi %rem3A_1086, %select_n3A_1085 : i32
      %select_n3A_1096 = arith.select %and3A_1094, %add3A_1095, %rem3A_1086 : i32
      %dma_start3A_1097 = arith.constant 0 : i32
      %dma_start3A_1098 = tpu.memref_slice %arg10[%dma_start3A_1097] : memref<128xf32, #tpu.memory_space<vmem>> -> memref<80xf32, #tpu.memory_space<vmem>>
      %dma_start3A_1099 = arith.constant 0 : i32
      %dma_start3A_1100 = tpu.memref_slice %arg7[%select_n3A_1036, %dma_start3A_1099] : memref<4x80xi32, #tpu.memory_space<vmem>> -> memref<1x80xi32, #tpu.memory_space<vmem>>
      %dma_start3A_1101 = tpu.memref_squeeze %dma_start3A_1100 : memref<1x80xi32, #tpu.memory_space<vmem>> -> memref<80xi32, #tpu.memory_space<vmem>>
      %dma_start3A_1102 = arith.constant 0 : i32
      %dma_start3A_1103 = tpu.memref_slice %arg12[%dma_start3A_1102] : memref<10240xf32, #tpu.memory_space<vmem_shared>> -> memref<10240xf32, #tpu.memory_space<vmem_shared>>
      %dma_start3A_1104 = tpu.memref_slice %arg16[%select_n3A_1096] : memref<3x!tpu.dma_semaphore, #tpu.memory_space<semaphore_mem>> -> memref<1x!tpu.dma_semaphore, #tpu.memory_space<semaphore_mem>>
      %dma_start3A_1105 = tpu.memref_squeeze %dma_start3A_1104 : memref<1x!tpu.dma_semaphore, #tpu.memory_space<semaphore_mem>> -> memref<!tpu.dma_semaphore, #tpu.memory_space<semaphore_mem>>
      tpu.enqueue_indirect_dma source(%dma_start3A_1098 : memref<80xf32, #tpu.memory_space<vmem>>) target(%dma_start3A_1103 : memref<10240xf32, #tpu.memory_space<vmem_shared>>) offsets(%dma_start3A_1101 : memref<80xi32, #tpu.memory_space<vmem>>) semaphore(%dma_start3A_1105 : memref<!tpu.dma_semaphore, #tpu.memory_space<semaphore_mem>>) {add = true}
      %scan3A_1106 = arith.constant 0 : i32
      scf.yield %scan3A_1106 : i32
    }
    %scan3A_390 = arith.constant 121 : i32
    %dma_wait3A_391 = arith.constant 1 : i32
    %dma_wait3A_392 = arith.constant 1 : i32
    %dma_wait3A_393 = arith.constant 80 : i32
    %dma_wait3A_394 = arith.constant 0 : i32
    %dma_wait3A_395 = tpu.memref_slice %arg8[%dma_wait3A_393, %dma_wait3A_394] : memref<240x128xf32, #tpu.memory_space<vmem>> -> memref<80x128xf32, #tpu.memory_space<vmem>>
    %dma_wait3A_396 = arith.constant 0 : i32
    %dma_wait3A_397 = tpu.memref_slice %arg7[%dma_wait3A_391, %dma_wait3A_396] : memref<4x80xi32, #tpu.memory_space<vmem>> -> memref<1x80xi32, #tpu.memory_space<vmem>>
    %dma_wait3A_398 = tpu.memref_squeeze %dma_wait3A_397 : memref<1x80xi32, #tpu.memory_space<vmem>> -> memref<80xi32, #tpu.memory_space<vmem>>
    %dma_wait3A_399 = arith.constant 0 : i32
    %dma_wait3A_400 = arith.constant 0 : i32
    %dma_wait3A_401 = tpu.memref_slice %arg11[%dma_wait3A_399, %dma_wait3A_400] : memref<10240x128xf32, #tpu.memory_space<vmem_shared>> -> memref<10240x128xf32, #tpu.memory_space<vmem_shared>>
    %dma_wait3A_402 = tpu.memref_slice %arg15[%dma_wait3A_392] : memref<3x!tpu.dma_semaphore, #tpu.memory_space<semaphore_mem>> -> memref<1x!tpu.dma_semaphore, #tpu.memory_space<semaphore_mem>>
    %dma_wait3A_403 = tpu.memref_squeeze %dma_wait3A_402 : memref<1x!tpu.dma_semaphore, #tpu.memory_space<semaphore_mem>> -> memref<!tpu.dma_semaphore, #tpu.memory_space<semaphore_mem>>
    tpu.wait_indirect_dma semaphore(%dma_wait3A_403 : memref<!tpu.dma_semaphore, #tpu.memory_space<semaphore_mem>>) src(%dma_wait3A_395 : memref<80x128xf32, #tpu.memory_space<vmem>>) dst(%dma_wait3A_401 : memref<10240x128xf32, #tpu.memory_space<vmem_shared>>)
    %dma_wait3A_404 = arith.constant 1 : i32
    %dma_wait3A_405 = arith.constant 1 : i32
    %dma_wait3A_406 = arith.constant 0 : i32
    %dma_wait3A_407 = tpu.memref_slice %arg10[%dma_wait3A_406] : memref<128xf32, #tpu.memory_space<vmem>> -> memref<80xf32, #tpu.memory_space<vmem>>
    %dma_wait3A_408 = arith.constant 0 : i32
    %dma_wait3A_409 = tpu.memref_slice %arg7[%dma_wait3A_404, %dma_wait3A_408] : memref<4x80xi32, #tpu.memory_space<vmem>> -> memref<1x80xi32, #tpu.memory_space<vmem>>
    %dma_wait3A_410 = tpu.memref_squeeze %dma_wait3A_409 : memref<1x80xi32, #tpu.memory_space<vmem>> -> memref<80xi32, #tpu.memory_space<vmem>>
    %dma_wait3A_411 = arith.constant 0 : i32
    %dma_wait3A_412 = tpu.memref_slice %arg12[%dma_wait3A_411] : memref<10240xf32, #tpu.memory_space<vmem_shared>> -> memref<10240xf32, #tpu.memory_space<vmem_shared>>
    %dma_wait3A_413 = tpu.memref_slice %arg16[%dma_wait3A_405] : memref<3x!tpu.dma_semaphore, #tpu.memory_space<semaphore_mem>> -> memref<1x!tpu.dma_semaphore, #tpu.memory_space<semaphore_mem>>
    %dma_wait3A_414 = tpu.memref_squeeze %dma_wait3A_413 : memref<1x!tpu.dma_semaphore, #tpu.memory_space<semaphore_mem>> -> memref<!tpu.dma_semaphore, #tpu.memory_space<semaphore_mem>>
    tpu.wait_indirect_dma semaphore(%dma_wait3A_414 : memref<!tpu.dma_semaphore, #tpu.memory_space<semaphore_mem>>) src(%dma_wait3A_407 : memref<80xf32, #tpu.memory_space<vmem>>) dst(%dma_wait3A_412 : memref<10240xf32, #tpu.memory_space<vmem_shared>>)
    %mul3A_415 = arith.constant 10000 : i32
    %mul3A_416 = arith.muli %add3A, %mul3A_415 : i32
    %add3A_417 = arith.constant 9920 : i32
    %add3A_418 = arith.addi %mul3A_416, %add3A_417 : i32
    %multiple_of3A_419 = tpu.assume_multiple %add3A_418, 8 : i32
    %dma_wait3A_420 = arith.constant 0 : i32
    %dma_wait3A_421 = arith.constant 0 : i32
    %dma_wait3A_422 = arith.constant 0 : i32
    %dma_wait3A_423 = tpu.memref_slice %arg6[%dma_wait3A_420, %dma_wait3A_422] : memref<4x80xi32, #tpu.memory_space<vmem>> -> memref<1x80xi32, #tpu.memory_space<vmem>>
    %dma_wait3A_424 = tpu.memref_squeeze %dma_wait3A_423 : memref<1x80xi32, #tpu.memory_space<vmem>> -> memref<80xi32, #tpu.memory_space<vmem>>
    %dma_wait3A_425 = tpu.memref_slice %arg3[%multiple_of3A_419] : memref<640000xi32, #tpu.memory_space<hbm>> -> memref<80xi32, #tpu.memory_space<hbm>>
    %dma_wait3A_426 = tpu.memref_slice %arg14[%dma_wait3A_421] : memref<4x!tpu.dma_semaphore, #tpu.memory_space<semaphore_mem>> -> memref<1x!tpu.dma_semaphore, #tpu.memory_space<semaphore_mem>>
    %dma_wait3A_427 = tpu.memref_squeeze %dma_wait3A_426 : memref<1x!tpu.dma_semaphore, #tpu.memory_space<semaphore_mem>> -> memref<!tpu.dma_semaphore, #tpu.memory_space<semaphore_mem>>
    %dma_wait3A_428 = arith.constant 0 : i32
    %dma_wait3A_429 = tpu.memref_slice %arg6[%dma_wait3A_420, %dma_wait3A_428] : memref<4x80xi32, #tpu.memory_space<vmem>> -> memref<1x80xi32, #tpu.memory_space<vmem>>
    %dma_wait3A_430 = tpu.memref_squeeze %dma_wait3A_429 : memref<1x80xi32, #tpu.memory_space<vmem>> -> memref<80xi32, #tpu.memory_space<vmem>>
    %dma_wait3A_431 = tpu.memref_slice %arg3[%multiple_of3A_419] : memref<640000xi32, #tpu.memory_space<hbm>> -> memref<80xi32, #tpu.memory_space<hbm>>
    tpu.wait_dma2 semaphore(%dma_wait3A_427 : memref<!tpu.dma_semaphore, #tpu.memory_space<semaphore_mem>>) src(%dma_wait3A_431 : memref<80xi32, #tpu.memory_space<hbm>>) dst(%dma_wait3A_430 : memref<80xi32, #tpu.memory_space<vmem>>)
    %dma_wait3A_432 = arith.constant 0 : i32
    %dma_wait3A_433 = arith.constant 0 : i32
    %dma_wait3A_434 = arith.constant 0 : i32
    %dma_wait3A_435 = tpu.memref_slice %arg7[%dma_wait3A_432, %dma_wait3A_434] : memref<4x80xi32, #tpu.memory_space<vmem>> -> memref<1x80xi32, #tpu.memory_space<vmem>>
    %dma_wait3A_436 = tpu.memref_squeeze %dma_wait3A_435 : memref<1x80xi32, #tpu.memory_space<vmem>> -> memref<80xi32, #tpu.memory_space<vmem>>
    %dma_wait3A_437 = tpu.memref_slice %arg3[%multiple_of3A_419] : memref<640000xi32, #tpu.memory_space<hbm>> -> memref<80xi32, #tpu.memory_space<hbm>>
    %dma_wait3A_438 = tpu.memref_slice %arg14[%dma_wait3A_433] : memref<4x!tpu.dma_semaphore, #tpu.memory_space<semaphore_mem>> -> memref<1x!tpu.dma_semaphore, #tpu.memory_space<semaphore_mem>>
    %dma_wait3A_439 = tpu.memref_squeeze %dma_wait3A_438 : memref<1x!tpu.dma_semaphore, #tpu.memory_space<semaphore_mem>> -> memref<!tpu.dma_semaphore, #tpu.memory_space<semaphore_mem>>
    %dma_wait3A_440 = arith.constant 0 : i32
    %dma_wait3A_441 = tpu.memref_slice %arg7[%dma_wait3A_432, %dma_wait3A_440] : memref<4x80xi32, #tpu.memory_space<vmem>> -> memref<1x80xi32, #tpu.memory_space<vmem>>
    %dma_wait3A_442 = tpu.memref_squeeze %dma_wait3A_441 : memref<1x80xi32, #tpu.memory_space<vmem>> -> memref<80xi32, #tpu.memory_space<vmem>>
    %dma_wait3A_443 = tpu.memref_slice %arg3[%multiple_of3A_419] : memref<640000xi32, #tpu.memory_space<hbm>> -> memref<80xi32, #tpu.memory_space<hbm>>
    tpu.wait_dma2 semaphore(%dma_wait3A_439 : memref<!tpu.dma_semaphore, #tpu.memory_space<semaphore_mem>>) src(%dma_wait3A_443 : memref<80xi32, #tpu.memory_space<hbm>>) dst(%dma_wait3A_442 : memref<80xi32, #tpu.memory_space<vmem>>)
    %dma_start3A_444 = arith.constant 0 : i32
    %dma_start3A_445 = arith.constant 1 : i32
    %dma_start3A_446 = arith.constant 80 : i32
    %dma_start3A_447 = arith.constant 0 : i32
    %dma_start3A_448 = tpu.memref_slice %arg8[%dma_start3A_446, %dma_start3A_447] : memref<240x128xf32, #tpu.memory_space<vmem>> -> memref<80x128xf32, #tpu.memory_space<vmem>>
    %dma_start3A_449 = arith.constant 0 : i32
    %dma_start3A_450 = tpu.memref_slice %arg6[%dma_start3A_444, %dma_start3A_449] : memref<4x80xi32, #tpu.memory_space<vmem>> -> memref<1x80xi32, #tpu.memory_space<vmem>>
    %dma_start3A_451 = tpu.memref_squeeze %dma_start3A_450 : memref<1x80xi32, #tpu.memory_space<vmem>> -> memref<80xi32, #tpu.memory_space<vmem>>
    %dma_start3A_452 = arith.constant 0 : i32
    %dma_start3A_453 = arith.constant 0 : i32
    %dma_start3A_454 = tpu.memref_slice %arg2[%dma_start3A_452, %dma_start3A_453] : memref<10000x128xf32, #tpu.memory_space<hbm>> -> memref<10000x128xf32, #tpu.memory_space<hbm>>
    %dma_start3A_455 = tpu.memref_slice %arg13[%dma_start3A_445] : memref<3x!tpu.dma_semaphore, #tpu.memory_space<semaphore_mem>> -> memref<1x!tpu.dma_semaphore, #tpu.memory_space<semaphore_mem>>
    %dma_start3A_456 = tpu.memref_squeeze %dma_start3A_455 : memref<1x!tpu.dma_semaphore, #tpu.memory_space<semaphore_mem>> -> memref<!tpu.dma_semaphore, #tpu.memory_space<semaphore_mem>>
    tpu.enqueue_indirect_dma source(%dma_start3A_454 : memref<10000x128xf32, #tpu.memory_space<hbm>>) target(%dma_start3A_448 : memref<80x128xf32, #tpu.memory_space<vmem>>) offsets(%dma_start3A_451 : memref<80xi32, #tpu.memory_space<vmem>>) semaphore(%dma_start3A_456 : memref<!tpu.dma_semaphore, #tpu.memory_space<semaphore_mem>>)
    %dma_wait3A_457 = arith.constant 3 : i32
    %dma_wait3A_458 = arith.constant 0 : i32
    %dma_wait3A_459 = arith.constant 0 : i32
    %dma_wait3A_460 = arith.constant 0 : i32
    %dma_wait3A_461 = tpu.memref_slice %arg8[%dma_wait3A_459, %dma_wait3A_460] : memref<240x128xf32, #tpu.memory_space<vmem>> -> memref<80x128xf32, #tpu.memory_space<vmem>>
    %dma_wait3A_462 = arith.constant 0 : i32
    %dma_wait3A_463 = tpu.memref_slice %arg6[%dma_wait3A_457, %dma_wait3A_462] : memref<4x80xi32, #tpu.memory_space<vmem>> -> memref<1x80xi32, #tpu.memory_space<vmem>>
    %dma_wait3A_464 = tpu.memref_squeeze %dma_wait3A_463 : memref<1x80xi32, #tpu.memory_space<vmem>> -> memref<80xi32, #tpu.memory_space<vmem>>
    %dma_wait3A_465 = arith.constant 0 : i32
    %dma_wait3A_466 = arith.constant 0 : i32
    %dma_wait3A_467 = tpu.memref_slice %arg2[%dma_wait3A_465, %dma_wait3A_466] : memref<10000x128xf32, #tpu.memory_space<hbm>> -> memref<10000x128xf32, #tpu.memory_space<hbm>>
    %dma_wait3A_468 = tpu.memref_slice %arg13[%dma_wait3A_458] : memref<3x!tpu.dma_semaphore, #tpu.memory_space<semaphore_mem>> -> memref<1x!tpu.dma_semaphore, #tpu.memory_space<semaphore_mem>>
    %dma_wait3A_469 = tpu.memref_squeeze %dma_wait3A_468 : memref<1x!tpu.dma_semaphore, #tpu.memory_space<semaphore_mem>> -> memref<!tpu.dma_semaphore, #tpu.memory_space<semaphore_mem>>
    tpu.wait_indirect_dma semaphore(%dma_wait3A_469 : memref<!tpu.dma_semaphore, #tpu.memory_space<semaphore_mem>>) src(%dma_wait3A_467 : memref<10000x128xf32, #tpu.memory_space<hbm>>) dst(%dma_wait3A_461 : memref<80x128xf32, #tpu.memory_space<vmem>>)
    %dma_start3A_470 = arith.constant 3 : i32
    %dma_start3A_471 = arith.constant 0 : i32
    %dma_start3A_472 = arith.constant 0 : i32
    %dma_start3A_473 = arith.constant 0 : i32
    %dma_start3A_474 = tpu.memref_slice %arg8[%dma_start3A_472, %dma_start3A_473] : memref<240x128xf32, #tpu.memory_space<vmem>> -> memref<80x128xf32, #tpu.memory_space<vmem>>
    %dma_start3A_475 = arith.constant 0 : i32
    %dma_start3A_476 = tpu.memref_slice %arg7[%dma_start3A_470, %dma_start3A_475] : memref<4x80xi32, #tpu.memory_space<vmem>> -> memref<1x80xi32, #tpu.memory_space<vmem>>
    %dma_start3A_477 = tpu.memref_squeeze %dma_start3A_476 : memref<1x80xi32, #tpu.memory_space<vmem>> -> memref<80xi32, #tpu.memory_space<vmem>>
    %dma_start3A_478 = arith.constant 0 : i32
    %dma_start3A_479 = arith.constant 0 : i32
    %dma_start3A_480 = tpu.memref_slice %arg11[%dma_start3A_478, %dma_start3A_479] : memref<10240x128xf32, #tpu.memory_space<vmem_shared>> -> memref<10240x128xf32, #tpu.memory_space<vmem_shared>>
    %dma_start3A_481 = tpu.memref_slice %arg15[%dma_start3A_471] : memref<3x!tpu.dma_semaphore, #tpu.memory_space<semaphore_mem>> -> memref<1x!tpu.dma_semaphore, #tpu.memory_space<semaphore_mem>>
    %dma_start3A_482 = tpu.memref_squeeze %dma_start3A_481 : memref<1x!tpu.dma_semaphore, #tpu.memory_space<semaphore_mem>> -> memref<!tpu.dma_semaphore, #tpu.memory_space<semaphore_mem>>
    tpu.enqueue_indirect_dma source(%dma_start3A_474 : memref<80x128xf32, #tpu.memory_space<vmem>>) target(%dma_start3A_480 : memref<10240x128xf32, #tpu.memory_space<vmem_shared>>) offsets(%dma_start3A_477 : memref<80xi32, #tpu.memory_space<vmem>>) semaphore(%dma_start3A_482 : memref<!tpu.dma_semaphore, #tpu.memory_space<semaphore_mem>>) {add = true}
    %dma_start3A_483 = arith.constant 3 : i32
    %dma_start3A_484 = arith.constant 0 : i32
    %dma_start3A_485 = arith.constant 0 : i32
    %dma_start3A_486 = tpu.memref_slice %arg10[%dma_start3A_485] : memref<128xf32, #tpu.memory_space<vmem>> -> memref<80xf32, #tpu.memory_space<vmem>>
    %dma_start3A_487 = arith.constant 0 : i32
    %dma_start3A_488 = tpu.memref_slice %arg7[%dma_start3A_483, %dma_start3A_487] : memref<4x80xi32, #tpu.memory_space<vmem>> -> memref<1x80xi32, #tpu.memory_space<vmem>>
    %dma_start3A_489 = tpu.memref_squeeze %dma_start3A_488 : memref<1x80xi32, #tpu.memory_space<vmem>> -> memref<80xi32, #tpu.memory_space<vmem>>
    %dma_start3A_490 = arith.constant 0 : i32
    %dma_start3A_491 = tpu.memref_slice %arg12[%dma_start3A_490] : memref<10240xf32, #tpu.memory_space<vmem_shared>> -> memref<10240xf32, #tpu.memory_space<vmem_shared>>
    %dma_start3A_492 = tpu.memref_slice %arg16[%dma_start3A_484] : memref<3x!tpu.dma_semaphore, #tpu.memory_space<semaphore_mem>> -> memref<1x!tpu.dma_semaphore, #tpu.memory_space<semaphore_mem>>
    %dma_start3A_493 = tpu.memref_squeeze %dma_start3A_492 : memref<1x!tpu.dma_semaphore, #tpu.memory_space<semaphore_mem>> -> memref<!tpu.dma_semaphore, #tpu.memory_space<semaphore_mem>>
    tpu.enqueue_indirect_dma source(%dma_start3A_486 : memref<80xf32, #tpu.memory_space<vmem>>) target(%dma_start3A_491 : memref<10240xf32, #tpu.memory_space<vmem_shared>>) offsets(%dma_start3A_489 : memref<80xi32, #tpu.memory_space<vmem>>) semaphore(%dma_start3A_493 : memref<!tpu.dma_semaphore, #tpu.memory_space<semaphore_mem>>) {add = true}
    %dma_wait3A_494 = arith.constant 2 : i32
    %dma_wait3A_495 = arith.constant 2 : i32
    %dma_wait3A_496 = arith.constant 160 : i32
    %dma_wait3A_497 = arith.constant 0 : i32
    %dma_wait3A_498 = tpu.memref_slice %arg8[%dma_wait3A_496, %dma_wait3A_497] : memref<240x128xf32, #tpu.memory_space<vmem>> -> memref<80x128xf32, #tpu.memory_space<vmem>>
    %dma_wait3A_499 = arith.constant 0 : i32
    %dma_wait3A_500 = tpu.memref_slice %arg7[%dma_wait3A_494, %dma_wait3A_499] : memref<4x80xi32, #tpu.memory_space<vmem>> -> memref<1x80xi32, #tpu.memory_space<vmem>>
    %dma_wait3A_501 = tpu.memref_squeeze %dma_wait3A_500 : memref<1x80xi32, #tpu.memory_space<vmem>> -> memref<80xi32, #tpu.memory_space<vmem>>
    %dma_wait3A_502 = arith.constant 0 : i32
    %dma_wait3A_503 = arith.constant 0 : i32
    %dma_wait3A_504 = tpu.memref_slice %arg11[%dma_wait3A_502, %dma_wait3A_503] : memref<10240x128xf32, #tpu.memory_space<vmem_shared>> -> memref<10240x128xf32, #tpu.memory_space<vmem_shared>>
    %dma_wait3A_505 = tpu.memref_slice %arg15[%dma_wait3A_495] : memref<3x!tpu.dma_semaphore, #tpu.memory_space<semaphore_mem>> -> memref<1x!tpu.dma_semaphore, #tpu.memory_space<semaphore_mem>>
    %dma_wait3A_506 = tpu.memref_squeeze %dma_wait3A_505 : memref<1x!tpu.dma_semaphore, #tpu.memory_space<semaphore_mem>> -> memref<!tpu.dma_semaphore, #tpu.memory_space<semaphore_mem>>
    tpu.wait_indirect_dma semaphore(%dma_wait3A_506 : memref<!tpu.dma_semaphore, #tpu.memory_space<semaphore_mem>>) src(%dma_wait3A_498 : memref<80x128xf32, #tpu.memory_space<vmem>>) dst(%dma_wait3A_504 : memref<10240x128xf32, #tpu.memory_space<vmem_shared>>)
    %dma_wait3A_507 = arith.constant 2 : i32
    %dma_wait3A_508 = arith.constant 2 : i32
    %dma_wait3A_509 = arith.constant 0 : i32
    %dma_wait3A_510 = tpu.memref_slice %arg10[%dma_wait3A_509] : memref<128xf32, #tpu.memory_space<vmem>> -> memref<80xf32, #tpu.memory_space<vmem>>
    %dma_wait3A_511 = arith.constant 0 : i32
    %dma_wait3A_512 = tpu.memref_slice %arg7[%dma_wait3A_507, %dma_wait3A_511] : memref<4x80xi32, #tpu.memory_space<vmem>> -> memref<1x80xi32, #tpu.memory_space<vmem>>
    %dma_wait3A_513 = tpu.memref_squeeze %dma_wait3A_512 : memref<1x80xi32, #tpu.memory_space<vmem>> -> memref<80xi32, #tpu.memory_space<vmem>>
    %dma_wait3A_514 = arith.constant 0 : i32
    %dma_wait3A_515 = tpu.memref_slice %arg12[%dma_wait3A_514] : memref<10240xf32, #tpu.memory_space<vmem_shared>> -> memref<10240xf32, #tpu.memory_space<vmem_shared>>
    %dma_wait3A_516 = tpu.memref_slice %arg16[%dma_wait3A_508] : memref<3x!tpu.dma_semaphore, #tpu.memory_space<semaphore_mem>> -> memref<1x!tpu.dma_semaphore, #tpu.memory_space<semaphore_mem>>
    %dma_wait3A_517 = tpu.memref_squeeze %dma_wait3A_516 : memref<1x!tpu.dma_semaphore, #tpu.memory_space<semaphore_mem>> -> memref<!tpu.dma_semaphore, #tpu.memory_space<semaphore_mem>>
    tpu.wait_indirect_dma semaphore(%dma_wait3A_517 : memref<!tpu.dma_semaphore, #tpu.memory_space<semaphore_mem>>) src(%dma_wait3A_510 : memref<80xf32, #tpu.memory_space<vmem>>) dst(%dma_wait3A_515 : memref<10240xf32, #tpu.memory_space<vmem_shared>>)
    %dma_wait3A_518 = arith.constant 0 : i32
    %dma_wait3A_519 = arith.constant 1 : i32
    %dma_wait3A_520 = arith.constant 80 : i32
    %dma_wait3A_521 = arith.constant 0 : i32
    %dma_wait3A_522 = tpu.memref_slice %arg8[%dma_wait3A_520, %dma_wait3A_521] : memref<240x128xf32, #tpu.memory_space<vmem>> -> memref<80x128xf32, #tpu.memory_space<vmem>>
    %dma_wait3A_523 = arith.constant 0 : i32
    %dma_wait3A_524 = tpu.memref_slice %arg6[%dma_wait3A_518, %dma_wait3A_523] : memref<4x80xi32, #tpu.memory_space<vmem>> -> memref<1x80xi32, #tpu.memory_space<vmem>>
    %dma_wait3A_525 = tpu.memref_squeeze %dma_wait3A_524 : memref<1x80xi32, #tpu.memory_space<vmem>> -> memref<80xi32, #tpu.memory_space<vmem>>
    %dma_wait3A_526 = arith.constant 0 : i32
    %dma_wait3A_527 = arith.constant 0 : i32
    %dma_wait3A_528 = tpu.memref_slice %arg2[%dma_wait3A_526, %dma_wait3A_527] : memref<10000x128xf32, #tpu.memory_space<hbm>> -> memref<10000x128xf32, #tpu.memory_space<hbm>>
    %dma_wait3A_529 = tpu.memref_slice %arg13[%dma_wait3A_519] : memref<3x!tpu.dma_semaphore, #tpu.memory_space<semaphore_mem>> -> memref<1x!tpu.dma_semaphore, #tpu.memory_space<semaphore_mem>>
    %dma_wait3A_530 = tpu.memref_squeeze %dma_wait3A_529 : memref<1x!tpu.dma_semaphore, #tpu.memory_space<semaphore_mem>> -> memref<!tpu.dma_semaphore, #tpu.memory_space<semaphore_mem>>
    tpu.wait_indirect_dma semaphore(%dma_wait3A_530 : memref<!tpu.dma_semaphore, #tpu.memory_space<semaphore_mem>>) src(%dma_wait3A_528 : memref<10000x128xf32, #tpu.memory_space<hbm>>) dst(%dma_wait3A_522 : memref<80x128xf32, #tpu.memory_space<vmem>>)
    %dma_start3A_531 = arith.constant 0 : i32
    %dma_start3A_532 = arith.constant 1 : i32
    %dma_start3A_533 = arith.constant 80 : i32
    %dma_start3A_534 = arith.constant 0 : i32
    %dma_start3A_535 = tpu.memref_slice %arg8[%dma_start3A_533, %dma_start3A_534] : memref<240x128xf32, #tpu.memory_space<vmem>> -> memref<80x128xf32, #tpu.memory_space<vmem>>
    %dma_start3A_536 = arith.constant 0 : i32
    %dma_start3A_537 = tpu.memref_slice %arg7[%dma_start3A_531, %dma_start3A_536] : memref<4x80xi32, #tpu.memory_space<vmem>> -> memref<1x80xi32, #tpu.memory_space<vmem>>
    %dma_start3A_538 = tpu.memref_squeeze %dma_start3A_537 : memref<1x80xi32, #tpu.memory_space<vmem>> -> memref<80xi32, #tpu.memory_space<vmem>>
    %dma_start3A_539 = arith.constant 0 : i32
    %dma_start3A_540 = arith.constant 0 : i32
    %dma_start3A_541 = tpu.memref_slice %arg11[%dma_start3A_539, %dma_start3A_540] : memref<10240x128xf32, #tpu.memory_space<vmem_shared>> -> memref<10240x128xf32, #tpu.memory_space<vmem_shared>>
    %dma_start3A_542 = tpu.memref_slice %arg15[%dma_start3A_532] : memref<3x!tpu.dma_semaphore, #tpu.memory_space<semaphore_mem>> -> memref<1x!tpu.dma_semaphore, #tpu.memory_space<semaphore_mem>>
    %dma_start3A_543 = tpu.memref_squeeze %dma_start3A_542 : memref<1x!tpu.dma_semaphore, #tpu.memory_space<semaphore_mem>> -> memref<!tpu.dma_semaphore, #tpu.memory_space<semaphore_mem>>
    tpu.enqueue_indirect_dma source(%dma_start3A_535 : memref<80x128xf32, #tpu.memory_space<vmem>>) target(%dma_start3A_541 : memref<10240x128xf32, #tpu.memory_space<vmem_shared>>) offsets(%dma_start3A_538 : memref<80xi32, #tpu.memory_space<vmem>>) semaphore(%dma_start3A_543 : memref<!tpu.dma_semaphore, #tpu.memory_space<semaphore_mem>>) {add = true}
    %dma_start3A_544 = arith.constant 0 : i32
    %dma_start3A_545 = arith.constant 1 : i32
    %dma_start3A_546 = arith.constant 0 : i32
    %dma_start3A_547 = tpu.memref_slice %arg10[%dma_start3A_546] : memref<128xf32, #tpu.memory_space<vmem>> -> memref<80xf32, #tpu.memory_space<vmem>>
    %dma_start3A_548 = arith.constant 0 : i32
    %dma_start3A_549 = tpu.memref_slice %arg7[%dma_start3A_544, %dma_start3A_548] : memref<4x80xi32, #tpu.memory_space<vmem>> -> memref<1x80xi32, #tpu.memory_space<vmem>>
    %dma_start3A_550 = tpu.memref_squeeze %dma_start3A_549 : memref<1x80xi32, #tpu.memory_space<vmem>> -> memref<80xi32, #tpu.memory_space<vmem>>
    %dma_start3A_551 = arith.constant 0 : i32
    %dma_start3A_552 = tpu.memref_slice %arg12[%dma_start3A_551] : memref<10240xf32, #tpu.memory_space<vmem_shared>> -> memref<10240xf32, #tpu.memory_space<vmem_shared>>
    %dma_start3A_553 = tpu.memref_slice %arg16[%dma_start3A_545] : memref<3x!tpu.dma_semaphore, #tpu.memory_space<semaphore_mem>> -> memref<1x!tpu.dma_semaphore, #tpu.memory_space<semaphore_mem>>
    %dma_start3A_554 = tpu.memref_squeeze %dma_start3A_553 : memref<1x!tpu.dma_semaphore, #tpu.memory_space<semaphore_mem>> -> memref<!tpu.dma_semaphore, #tpu.memory_space<semaphore_mem>>
    tpu.enqueue_indirect_dma source(%dma_start3A_547 : memref<80xf32, #tpu.memory_space<vmem>>) target(%dma_start3A_552 : memref<10240xf32, #tpu.memory_space<vmem_shared>>) offsets(%dma_start3A_550 : memref<80xi32, #tpu.memory_space<vmem>>) semaphore(%dma_start3A_554 : memref<!tpu.dma_semaphore, #tpu.memory_space<semaphore_mem>>) {add = true}
    %dma_wait3A_555 = arith.constant 3 : i32
    %dma_wait3A_556 = arith.constant 0 : i32
    %dma_wait3A_557 = arith.constant 0 : i32
    %dma_wait3A_558 = arith.constant 0 : i32
    %dma_wait3A_559 = tpu.memref_slice %arg8[%dma_wait3A_557, %dma_wait3A_558] : memref<240x128xf32, #tpu.memory_space<vmem>> -> memref<80x128xf32, #tpu.memory_space<vmem>>
    %dma_wait3A_560 = arith.constant 0 : i32
    %dma_wait3A_561 = tpu.memref_slice %arg7[%dma_wait3A_555, %dma_wait3A_560] : memref<4x80xi32, #tpu.memory_space<vmem>> -> memref<1x80xi32, #tpu.memory_space<vmem>>
    %dma_wait3A_562 = tpu.memref_squeeze %dma_wait3A_561 : memref<1x80xi32, #tpu.memory_space<vmem>> -> memref<80xi32, #tpu.memory_space<vmem>>
    %dma_wait3A_563 = arith.constant 0 : i32
    %dma_wait3A_564 = arith.constant 0 : i32
    %dma_wait3A_565 = tpu.memref_slice %arg11[%dma_wait3A_563, %dma_wait3A_564] : memref<10240x128xf32, #tpu.memory_space<vmem_shared>> -> memref<10240x128xf32, #tpu.memory_space<vmem_shared>>
    %dma_wait3A_566 = tpu.memref_slice %arg15[%dma_wait3A_556] : memref<3x!tpu.dma_semaphore, #tpu.memory_space<semaphore_mem>> -> memref<1x!tpu.dma_semaphore, #tpu.memory_space<semaphore_mem>>
    %dma_wait3A_567 = tpu.memref_squeeze %dma_wait3A_566 : memref<1x!tpu.dma_semaphore, #tpu.memory_space<semaphore_mem>> -> memref<!tpu.dma_semaphore, #tpu.memory_space<semaphore_mem>>
    tpu.wait_indirect_dma semaphore(%dma_wait3A_567 : memref<!tpu.dma_semaphore, #tpu.memory_space<semaphore_mem>>) src(%dma_wait3A_559 : memref<80x128xf32, #tpu.memory_space<vmem>>) dst(%dma_wait3A_565 : memref<10240x128xf32, #tpu.memory_space<vmem_shared>>)
    %dma_wait3A_568 = arith.constant 3 : i32
    %dma_wait3A_569 = arith.constant 0 : i32
    %dma_wait3A_570 = arith.constant 0 : i32
    %dma_wait3A_571 = tpu.memref_slice %arg10[%dma_wait3A_570] : memref<128xf32, #tpu.memory_space<vmem>> -> memref<80xf32, #tpu.memory_space<vmem>>
    %dma_wait3A_572 = arith.constant 0 : i32
    %dma_wait3A_573 = tpu.memref_slice %arg7[%dma_wait3A_568, %dma_wait3A_572] : memref<4x80xi32, #tpu.memory_space<vmem>> -> memref<1x80xi32, #tpu.memory_space<vmem>>
    %dma_wait3A_574 = tpu.memref_squeeze %dma_wait3A_573 : memref<1x80xi32, #tpu.memory_space<vmem>> -> memref<80xi32, #tpu.memory_space<vmem>>
    %dma_wait3A_575 = arith.constant 0 : i32
    %dma_wait3A_576 = tpu.memref_slice %arg12[%dma_wait3A_575] : memref<10240xf32, #tpu.memory_space<vmem_shared>> -> memref<10240xf32, #tpu.memory_space<vmem_shared>>
    %dma_wait3A_577 = tpu.memref_slice %arg16[%dma_wait3A_569] : memref<3x!tpu.dma_semaphore, #tpu.memory_space<semaphore_mem>> -> memref<1x!tpu.dma_semaphore, #tpu.memory_space<semaphore_mem>>
    %dma_wait3A_578 = tpu.memref_squeeze %dma_wait3A_577 : memref<1x!tpu.dma_semaphore, #tpu.memory_space<semaphore_mem>> -> memref<!tpu.dma_semaphore, #tpu.memory_space<semaphore_mem>>
    tpu.wait_indirect_dma semaphore(%dma_wait3A_578 : memref<!tpu.dma_semaphore, #tpu.memory_space<semaphore_mem>>) src(%dma_wait3A_571 : memref<80xf32, #tpu.memory_space<vmem>>) dst(%dma_wait3A_576 : memref<10240xf32, #tpu.memory_space<vmem_shared>>)
    %dma_wait3A_579 = arith.constant 0 : i32
    %dma_wait3A_580 = arith.constant 1 : i32
    %dma_wait3A_581 = arith.constant 80 : i32
    %dma_wait3A_582 = arith.constant 0 : i32
    %dma_wait3A_583 = tpu.memref_slice %arg8[%dma_wait3A_581, %dma_wait3A_582] : memref<240x128xf32, #tpu.memory_space<vmem>> -> memref<80x128xf32, #tpu.memory_space<vmem>>
    %dma_wait3A_584 = arith.constant 0 : i32
    %dma_wait3A_585 = tpu.memref_slice %arg7[%dma_wait3A_579, %dma_wait3A_584] : memref<4x80xi32, #tpu.memory_space<vmem>> -> memref<1x80xi32, #tpu.memory_space<vmem>>
    %dma_wait3A_586 = tpu.memref_squeeze %dma_wait3A_585 : memref<1x80xi32, #tpu.memory_space<vmem>> -> memref<80xi32, #tpu.memory_space<vmem>>
    %dma_wait3A_587 = arith.constant 0 : i32
    %dma_wait3A_588 = arith.constant 0 : i32
    %dma_wait3A_589 = tpu.memref_slice %arg11[%dma_wait3A_587, %dma_wait3A_588] : memref<10240x128xf32, #tpu.memory_space<vmem_shared>> -> memref<10240x128xf32, #tpu.memory_space<vmem_shared>>
    %dma_wait3A_590 = tpu.memref_slice %arg15[%dma_wait3A_580] : memref<3x!tpu.dma_semaphore, #tpu.memory_space<semaphore_mem>> -> memref<1x!tpu.dma_semaphore, #tpu.memory_space<semaphore_mem>>
    %dma_wait3A_591 = tpu.memref_squeeze %dma_wait3A_590 : memref<1x!tpu.dma_semaphore, #tpu.memory_space<semaphore_mem>> -> memref<!tpu.dma_semaphore, #tpu.memory_space<semaphore_mem>>
    tpu.wait_indirect_dma semaphore(%dma_wait3A_591 : memref<!tpu.dma_semaphore, #tpu.memory_space<semaphore_mem>>) src(%dma_wait3A_583 : memref<80x128xf32, #tpu.memory_space<vmem>>) dst(%dma_wait3A_589 : memref<10240x128xf32, #tpu.memory_space<vmem_shared>>)
    %dma_wait3A_592 = arith.constant 0 : i32
    %dma_wait3A_593 = arith.constant 1 : i32
    %dma_wait3A_594 = arith.constant 0 : i32
    %dma_wait3A_595 = tpu.memref_slice %arg10[%dma_wait3A_594] : memref<128xf32, #tpu.memory_space<vmem>> -> memref<80xf32, #tpu.memory_space<vmem>>
    %dma_wait3A_596 = arith.constant 0 : i32
    %dma_wait3A_597 = tpu.memref_slice %arg7[%dma_wait3A_592, %dma_wait3A_596] : memref<4x80xi32, #tpu.memory_space<vmem>> -> memref<1x80xi32, #tpu.memory_space<vmem>>
    %dma_wait3A_598 = tpu.memref_squeeze %dma_wait3A_597 : memref<1x80xi32, #tpu.memory_space<vmem>> -> memref<80xi32, #tpu.memory_space<vmem>>
    %dma_wait3A_599 = arith.constant 0 : i32
    %dma_wait3A_600 = tpu.memref_slice %arg12[%dma_wait3A_599] : memref<10240xf32, #tpu.memory_space<vmem_shared>> -> memref<10240xf32, #tpu.memory_space<vmem_shared>>
    %dma_wait3A_601 = tpu.memref_slice %arg16[%dma_wait3A_593] : memref<3x!tpu.dma_semaphore, #tpu.memory_space<semaphore_mem>> -> memref<1x!tpu.dma_semaphore, #tpu.memory_space<semaphore_mem>>
    %dma_wait3A_602 = tpu.memref_squeeze %dma_wait3A_601 : memref<1x!tpu.dma_semaphore, #tpu.memory_space<semaphore_mem>> -> memref<!tpu.dma_semaphore, #tpu.memory_space<semaphore_mem>>
    tpu.wait_indirect_dma semaphore(%dma_wait3A_602 : memref<!tpu.dma_semaphore, #tpu.memory_space<semaphore_mem>>) src(%dma_wait3A_595 : memref<80xf32, #tpu.memory_space<vmem>>) dst(%dma_wait3A_600 : memref<10240xf32, #tpu.memory_space<vmem_shared>>)
    %barrier3A_603 = arith.constant 0 : index
    tpu.barrier barrier_id(%barrier3A_603)
    %mul3A_604 = arith.constant 640 : i32
    %mul3A_605 = arith.muli %arg1, %mul3A_604 : i32
    %add3A_606 = arith.constant 0 : i32
    %add3A_607 = arith.addi %mul3A_605, %add3A_606 : i32
    "tpu.region"() ({
      %run_scoped3A = tpu.sem_alloc : memref<!tpu.dma_semaphore, #tpu.memory_space<semaphore_mem>>
      %dma_start3A_626 = arith.constant 0 : i32
      %dma_start3A_627 = arith.constant 0 : i32
      %dma_start3A_628 = tpu.memref_slice %arg8[%dma_start3A_626, %dma_start3A_627] : memref<240x128xf32, #tpu.memory_space<vmem>> -> memref<128x128xf32, #tpu.memory_space<vmem>>
      %dma_start3A_629 = arith.constant 0 : i32
      %dma_start3A_630 = tpu.memref_slice %arg11[%add3A_607, %dma_start3A_629] : memref<10240x128xf32, #tpu.memory_space<vmem_shared>> -> memref<128x128xf32, #tpu.memory_space<vmem_shared>>
      %dma_start3A_631 = arith.constant 0 : i32
      %dma_start3A_632 = arith.constant 0 : i32
      %dma_start3A_633 = tpu.memref_slice %arg8[%dma_start3A_631, %dma_start3A_632] : memref<240x128xf32, #tpu.memory_space<vmem>> -> memref<128x128xf32, #tpu.memory_space<vmem>>
      %dma_start3A_634 = arith.constant 0 : i32
      %dma_start3A_635 = tpu.memref_slice %arg11[%add3A_607, %dma_start3A_634] : memref<10240x128xf32, #tpu.memory_space<vmem_shared>> -> memref<128x128xf32, #tpu.memory_space<vmem_shared>>
      tpu.enqueue_dma source(%dma_start3A_635 : memref<128x128xf32, #tpu.memory_space<vmem_shared>>) target(%dma_start3A_633 : memref<128x128xf32, #tpu.memory_space<vmem>>) target_semaphore(%run_scoped3A : memref<!tpu.dma_semaphore, #tpu.memory_space<semaphore_mem>>)
      %dma_wait3A_636 = arith.constant 0 : i32
      %dma_wait3A_637 = arith.constant 0 : i32
      %dma_wait3A_638 = tpu.memref_slice %arg8[%dma_wait3A_636, %dma_wait3A_637] : memref<240x128xf32, #tpu.memory_space<vmem>> -> memref<128x128xf32, #tpu.memory_space<vmem>>
      %dma_wait3A_639 = arith.constant 0 : i32
      %dma_wait3A_640 = tpu.memref_slice %arg11[%add3A_607, %dma_wait3A_639] : memref<10240x128xf32, #tpu.memory_space<vmem_shared>> -> memref<128x128xf32, #tpu.memory_space<vmem_shared>>
      %dma_wait3A_641 = arith.constant 0 : i32
      %dma_wait3A_642 = arith.constant 0 : i32
      %dma_wait3A_643 = tpu.memref_slice %arg8[%dma_wait3A_641, %dma_wait3A_642] : memref<240x128xf32, #tpu.memory_space<vmem>> -> memref<128x128xf32, #tpu.memory_space<vmem>>
      %dma_wait3A_644 = arith.constant 0 : i32
      %dma_wait3A_645 = tpu.memref_slice %arg11[%add3A_607, %dma_wait3A_644] : memref<10240x128xf32, #tpu.memory_space<vmem_shared>> -> memref<128x128xf32, #tpu.memory_space<vmem_shared>>
      tpu.wait_dma2 semaphore(%run_scoped3A : memref<!tpu.dma_semaphore, #tpu.memory_space<semaphore_mem>>) src(%dma_wait3A_645 : memref<128x128xf32, #tpu.memory_space<vmem_shared>>) dst(%dma_wait3A_643 : memref<128x128xf32, #tpu.memory_space<vmem>>)
      tpu.yield
    }) : () -> ()
    "tpu.region"() ({
      %run_scoped3A = tpu.sem_alloc : memref<!tpu.dma_semaphore, #tpu.memory_space<semaphore_mem>>
      %dma_start3A_626 = arith.constant 0 : i32
      %dma_start3A_627 = arith.constant 0 : i32
      %dma_start3A_628 = tpu.memref_slice %arg8[%dma_start3A_626, %dma_start3A_627] : memref<240x128xf32, #tpu.memory_space<vmem>> -> memref<128x128xf32, #tpu.memory_space<vmem>>
      %dma_start3A_629 = arith.constant 0 : i32
      %dma_start3A_630 = tpu.memref_slice %arg4[%arg0, %add3A_607, %dma_start3A_629] : memref<2x10240x128xf32, #tpu.memory_space<hbm>> -> memref<1x128x128xf32, #tpu.memory_space<hbm>>
      %dma_start3A_631 = tpu.memref_squeeze %dma_start3A_630 : memref<1x128x128xf32, #tpu.memory_space<hbm>> -> memref<128x128xf32, #tpu.memory_space<hbm>>
      %dma_start3A_632 = arith.constant 0 : i32
      %dma_start3A_633 = tpu.memref_slice %arg4[%arg0, %add3A_607, %dma_start3A_632] : memref<2x10240x128xf32, #tpu.memory_space<hbm>> -> memref<1x128x128xf32, #tpu.memory_space<hbm>>
      %dma_start3A_634 = tpu.memref_squeeze %dma_start3A_633 : memref<1x128x128xf32, #tpu.memory_space<hbm>> -> memref<128x128xf32, #tpu.memory_space<hbm>>
      %dma_start3A_635 = arith.constant 0 : i32
      %dma_start3A_636 = arith.constant 0 : i32
      %dma_start3A_637 = tpu.memref_slice %arg8[%dma_start3A_635, %dma_start3A_636] : memref<240x128xf32, #tpu.memory_space<vmem>> -> memref<128x128xf32, #tpu.memory_space<vmem>>
      tpu.enqueue_dma source(%dma_start3A_637 : memref<128x128xf32, #tpu.memory_space<vmem>>) target(%dma_start3A_634 : memref<128x128xf32, #tpu.memory_space<hbm>>) target_semaphore(%run_scoped3A : memref<!tpu.dma_semaphore, #tpu.memory_space<semaphore_mem>>)
      %dma_wait3A_638 = arith.constant 0 : i32
      %dma_wait3A_639 = arith.constant 0 : i32
      %dma_wait3A_640 = tpu.memref_slice %arg8[%dma_wait3A_638, %dma_wait3A_639] : memref<240x128xf32, #tpu.memory_space<vmem>> -> memref<128x128xf32, #tpu.memory_space<vmem>>
      %dma_wait3A_641 = arith.constant 0 : i32
      %dma_wait3A_642 = tpu.memref_slice %arg4[%arg0, %add3A_607, %dma_wait3A_641] : memref<2x10240x128xf32, #tpu.memory_space<hbm>> -> memref<1x128x128xf32, #tpu.memory_space<hbm>>
      %dma_wait3A_643 = tpu.memref_squeeze %dma_wait3A_642 : memref<1x128x128xf32, #tpu.memory_space<hbm>> -> memref<128x128xf32, #tpu.memory_space<hbm>>
      %dma_wait3A_644 = arith.constant 0 : i32
      %dma_wait3A_645 = tpu.memref_slice %arg4[%arg0, %add3A_607, %dma_wait3A_644] : memref<2x10240x128xf32, #tpu.memory_space<hbm>> -> memref<1x128x128xf32, #tpu.memory_space<hbm>>
      %dma_wait3A_646 = tpu.memref_squeeze %dma_wait3A_645 : memref<1x128x128xf32, #tpu.memory_space<hbm>> -> memref<128x128xf32, #tpu.memory_space<hbm>>
      %dma_wait3A_647 = arith.constant 0 : i32
      %dma_wait3A_648 = arith.constant 0 : i32
      %dma_wait3A_649 = tpu.memref_slice %arg8[%dma_wait3A_647, %dma_wait3A_648] : memref<240x128xf32, #tpu.memory_space<vmem>> -> memref<128x128xf32, #tpu.memory_space<vmem>>
      tpu.wait_dma2 semaphore(%run_scoped3A : memref<!tpu.dma_semaphore, #tpu.memory_space<semaphore_mem>>) src(%dma_wait3A_649 : memref<128x128xf32, #tpu.memory_space<vmem>>) dst(%dma_wait3A_646 : memref<128x128xf32, #tpu.memory_space<hbm>>)
      tpu.yield
    }) : () -> ()
    %mul3A_608 = arith.constant 640 : i32
    %mul3A_609 = arith.muli %arg1, %mul3A_608 : i32
    %add3A_610 = arith.constant 128 : i32
    %add3A_611 = arith.addi %mul3A_609, %add3A_610 : i32
    "tpu.region"() ({
      %run_scoped3A = tpu.sem_alloc : memref<!tpu.dma_semaphore, #tpu.memory_space<semaphore_mem>>
      %dma_start3A_626 = arith.constant 0 : i32
      %dma_start3A_627 = arith.constant 0 : i32
      %dma_start3A_628 = tpu.memref_slice %arg8[%dma_start3A_626, %dma_start3A_627] : memref<240x128xf32, #tpu.memory_space<vmem>> -> memref<128x128xf32, #tpu.memory_space<vmem>>
      %dma_start3A_629 = arith.constant 0 : i32
      %dma_start3A_630 = tpu.memref_slice %arg11[%add3A_611, %dma_start3A_629] : memref<10240x128xf32, #tpu.memory_space<vmem_shared>> -> memref<128x128xf32, #tpu.memory_space<vmem_shared>>
      %dma_start3A_631 = arith.constant 0 : i32
      %dma_start3A_632 = arith.constant 0 : i32
      %dma_start3A_633 = tpu.memref_slice %arg8[%dma_start3A_631, %dma_start3A_632] : memref<240x128xf32, #tpu.memory_space<vmem>> -> memref<128x128xf32, #tpu.memory_space<vmem>>
      %dma_start3A_634 = arith.constant 0 : i32
      %dma_start3A_635 = tpu.memref_slice %arg11[%add3A_611, %dma_start3A_634] : memref<10240x128xf32, #tpu.memory_space<vmem_shared>> -> memref<128x128xf32, #tpu.memory_space<vmem_shared>>
      tpu.enqueue_dma source(%dma_start3A_635 : memref<128x128xf32, #tpu.memory_space<vmem_shared>>) target(%dma_start3A_633 : memref<128x128xf32, #tpu.memory_space<vmem>>) target_semaphore(%run_scoped3A : memref<!tpu.dma_semaphore, #tpu.memory_space<semaphore_mem>>)
      %dma_wait3A_636 = arith.constant 0 : i32
      %dma_wait3A_637 = arith.constant 0 : i32
      %dma_wait3A_638 = tpu.memref_slice %arg8[%dma_wait3A_636, %dma_wait3A_637] : memref<240x128xf32, #tpu.memory_space<vmem>> -> memref<128x128xf32, #tpu.memory_space<vmem>>
      %dma_wait3A_639 = arith.constant 0 : i32
      %dma_wait3A_640 = tpu.memref_slice %arg11[%add3A_611, %dma_wait3A_639] : memref<10240x128xf32, #tpu.memory_space<vmem_shared>> -> memref<128x128xf32, #tpu.memory_space<vmem_shared>>
      %dma_wait3A_641 = arith.constant 0 : i32
      %dma_wait3A_642 = arith.constant 0 : i32
      %dma_wait3A_643 = tpu.memref_slice %arg8[%dma_wait3A_641, %dma_wait3A_642] : memref<240x128xf32, #tpu.memory_space<vmem>> -> memref<128x128xf32, #tpu.memory_space<vmem>>
      %dma_wait3A_644 = arith.constant 0 : i32
      %dma_wait3A_645 = tpu.memref_slice %arg11[%add3A_611, %dma_wait3A_644] : memref<10240x128xf32, #tpu.memory_space<vmem_shared>> -> memref<128x128xf32, #tpu.memory_space<vmem_shared>>
      tpu.wait_dma2 semaphore(%run_scoped3A : memref<!tpu.dma_semaphore, #tpu.memory_space<semaphore_mem>>) src(%dma_wait3A_645 : memref<128x128xf32, #tpu.memory_space<vmem_shared>>) dst(%dma_wait3A_643 : memref<128x128xf32, #tpu.memory_space<vmem>>)
      tpu.yield
    }) : () -> ()
    "tpu.region"() ({
      %run_scoped3A = tpu.sem_alloc : memref<!tpu.dma_semaphore, #tpu.memory_space<semaphore_mem>>
      %dma_start3A_626 = arith.constant 0 : i32
      %dma_start3A_627 = arith.constant 0 : i32
      %dma_start3A_628 = tpu.memref_slice %arg8[%dma_start3A_626, %dma_start3A_627] : memref<240x128xf32, #tpu.memory_space<vmem>> -> memref<128x128xf32, #tpu.memory_space<vmem>>
      %dma_start3A_629 = arith.constant 0 : i32
      %dma_start3A_630 = tpu.memref_slice %arg4[%arg0, %add3A_611, %dma_start3A_629] : memref<2x10240x128xf32, #tpu.memory_space<hbm>> -> memref<1x128x128xf32, #tpu.memory_space<hbm>>
      %dma_start3A_631 = tpu.memref_squeeze %dma_start3A_630 : memref<1x128x128xf32, #tpu.memory_space<hbm>> -> memref<128x128xf32, #tpu.memory_space<hbm>>
      %dma_start3A_632 = arith.constant 0 : i32
      %dma_start3A_633 = tpu.memref_slice %arg4[%arg0, %add3A_611, %dma_start3A_632] : memref<2x10240x128xf32, #tpu.memory_space<hbm>> -> memref<1x128x128xf32, #tpu.memory_space<hbm>>
      %dma_start3A_634 = tpu.memref_squeeze %dma_start3A_633 : memref<1x128x128xf32, #tpu.memory_space<hbm>> -> memref<128x128xf32, #tpu.memory_space<hbm>>
      %dma_start3A_635 = arith.constant 0 : i32
      %dma_start3A_636 = arith.constant 0 : i32
      %dma_start3A_637 = tpu.memref_slice %arg8[%dma_start3A_635, %dma_start3A_636] : memref<240x128xf32, #tpu.memory_space<vmem>> -> memref<128x128xf32, #tpu.memory_space<vmem>>
      tpu.enqueue_dma source(%dma_start3A_637 : memref<128x128xf32, #tpu.memory_space<vmem>>) target(%dma_start3A_634 : memref<128x128xf32, #tpu.memory_space<hbm>>) target_semaphore(%run_scoped3A : memref<!tpu.dma_semaphore, #tpu.memory_space<semaphore_mem>>)
      %dma_wait3A_638 = arith.constant 0 : i32
      %dma_wait3A_639 = arith.constant 0 : i32
      %dma_wait3A_640 = tpu.memref_slice %arg8[%dma_wait3A_638, %dma_wait3A_639] : memref<240x128xf32, #tpu.memory_space<vmem>> -> memref<128x128xf32, #tpu.memory_space<vmem>>
      %dma_wait3A_641 = arith.constant 0 : i32
      %dma_wait3A_642 = tpu.memref_slice %arg4[%arg0, %add3A_611, %dma_wait3A_641] : memref<2x10240x128xf32, #tpu.memory_space<hbm>> -> memref<1x128x128xf32, #tpu.memory_space<hbm>>
      %dma_wait3A_643 = tpu.memref_squeeze %dma_wait3A_642 : memref<1x128x128xf32, #tpu.memory_space<hbm>> -> memref<128x128xf32, #tpu.memory_space<hbm>>
      %dma_wait3A_644 = arith.constant 0 : i32
      %dma_wait3A_645 = tpu.memref_slice %arg4[%arg0, %add3A_611, %dma_wait3A_644] : memref<2x10240x128xf32, #tpu.memory_space<hbm>> -> memref<1x128x128xf32, #tpu.memory_space<hbm>>
      %dma_wait3A_646 = tpu.memref_squeeze %dma_wait3A_645 : memref<1x128x128xf32, #tpu.memory_space<hbm>> -> memref<128x128xf32, #tpu.memory_space<hbm>>
      %dma_wait3A_647 = arith.constant 0 : i32
      %dma_wait3A_648 = arith.constant 0 : i32
      %dma_wait3A_649 = tpu.memref_slice %arg8[%dma_wait3A_647, %dma_wait3A_648] : memref<240x128xf32, #tpu.memory_space<vmem>> -> memref<128x128xf32, #tpu.memory_space<vmem>>
      tpu.wait_dma2 semaphore(%run_scoped3A : memref<!tpu.dma_semaphore, #tpu.memory_space<semaphore_mem>>) src(%dma_wait3A_649 : memref<128x128xf32, #tpu.memory_space<vmem>>) dst(%dma_wait3A_646 : memref<128x128xf32, #tpu.memory_space<hbm>>)
      tpu.yield
    }) : () -> ()
    %mul3A_612 = arith.constant 640 : i32
    %mul3A_613 = arith.muli %arg1, %mul3A_612 : i32
    %add3A_614 = arith.constant 256 : i32
    %add3A_615 = arith.addi %mul3A_613, %add3A_614 : i32
    "tpu.region"() ({
      %run_scoped3A = tpu.sem_alloc : memref<!tpu.dma_semaphore, #tpu.memory_space<semaphore_mem>>
      %dma_start3A_626 = arith.constant 0 : i32
      %dma_start3A_627 = arith.constant 0 : i32
      %dma_start3A_628 = tpu.memref_slice %arg8[%dma_start3A_626, %dma_start3A_627] : memref<240x128xf32, #tpu.memory_space<vmem>> -> memref<128x128xf32, #tpu.memory_space<vmem>>
      %dma_start3A_629 = arith.constant 0 : i32
      %dma_start3A_630 = tpu.memref_slice %arg11[%add3A_615, %dma_start3A_629] : memref<10240x128xf32, #tpu.memory_space<vmem_shared>> -> memref<128x128xf32, #tpu.memory_space<vmem_shared>>
      %dma_start3A_631 = arith.constant 0 : i32
      %dma_start3A_632 = arith.constant 0 : i32
      %dma_start3A_633 = tpu.memref_slice %arg8[%dma_start3A_631, %dma_start3A_632] : memref<240x128xf32, #tpu.memory_space<vmem>> -> memref<128x128xf32, #tpu.memory_space<vmem>>
      %dma_start3A_634 = arith.constant 0 : i32
      %dma_start3A_635 = tpu.memref_slice %arg11[%add3A_615, %dma_start3A_634] : memref<10240x128xf32, #tpu.memory_space<vmem_shared>> -> memref<128x128xf32, #tpu.memory_space<vmem_shared>>
      tpu.enqueue_dma source(%dma_start3A_635 : memref<128x128xf32, #tpu.memory_space<vmem_shared>>) target(%dma_start3A_633 : memref<128x128xf32, #tpu.memory_space<vmem>>) target_semaphore(%run_scoped3A : memref<!tpu.dma_semaphore, #tpu.memory_space<semaphore_mem>>)
      %dma_wait3A_636 = arith.constant 0 : i32
      %dma_wait3A_637 = arith.constant 0 : i32
      %dma_wait3A_638 = tpu.memref_slice %arg8[%dma_wait3A_636, %dma_wait3A_637] : memref<240x128xf32, #tpu.memory_space<vmem>> -> memref<128x128xf32, #tpu.memory_space<vmem>>
      %dma_wait3A_639 = arith.constant 0 : i32
      %dma_wait3A_640 = tpu.memref_slice %arg11[%add3A_615, %dma_wait3A_639] : memref<10240x128xf32, #tpu.memory_space<vmem_shared>> -> memref<128x128xf32, #tpu.memory_space<vmem_shared>>
      %dma_wait3A_641 = arith.constant 0 : i32
      %dma_wait3A_642 = arith.constant 0 : i32
      %dma_wait3A_643 = tpu.memref_slice %arg8[%dma_wait3A_641, %dma_wait3A_642] : memref<240x128xf32, #tpu.memory_space<vmem>> -> memref<128x128xf32, #tpu.memory_space<vmem>>
      %dma_wait3A_644 = arith.constant 0 : i32
      %dma_wait3A_645 = tpu.memref_slice %arg11[%add3A_615, %dma_wait3A_644] : memref<10240x128xf32, #tpu.memory_space<vmem_shared>> -> memref<128x128xf32, #tpu.memory_space<vmem_shared>>
      tpu.wait_dma2 semaphore(%run_scoped3A : memref<!tpu.dma_semaphore, #tpu.memory_space<semaphore_mem>>) src(%dma_wait3A_645 : memref<128x128xf32, #tpu.memory_space<vmem_shared>>) dst(%dma_wait3A_643 : memref<128x128xf32, #tpu.memory_space<vmem>>)
      tpu.yield
    }) : () -> ()
    "tpu.region"() ({
      %run_scoped3A = tpu.sem_alloc : memref<!tpu.dma_semaphore, #tpu.memory_space<semaphore_mem>>
      %dma_start3A_626 = arith.constant 0 : i32
      %dma_start3A_627 = arith.constant 0 : i32
      %dma_start3A_628 = tpu.memref_slice %arg8[%dma_start3A_626, %dma_start3A_627] : memref<240x128xf32, #tpu.memory_space<vmem>> -> memref<128x128xf32, #tpu.memory_space<vmem>>
      %dma_start3A_629 = arith.constant 0 : i32
      %dma_start3A_630 = tpu.memref_slice %arg4[%arg0, %add3A_615, %dma_start3A_629] : memref<2x10240x128xf32, #tpu.memory_space<hbm>> -> memref<1x128x128xf32, #tpu.memory_space<hbm>>
      %dma_start3A_631 = tpu.memref_squeeze %dma_start3A_630 : memref<1x128x128xf32, #tpu.memory_space<hbm>> -> memref<128x128xf32, #tpu.memory_space<hbm>>
      %dma_start3A_632 = arith.constant 0 : i32
      %dma_start3A_633 = tpu.memref_slice %arg4[%arg0, %add3A_615, %dma_start3A_632] : memref<2x10240x128xf32, #tpu.memory_space<hbm>> -> memref<1x128x128xf32, #tpu.memory_space<hbm>>
      %dma_start3A_634 = tpu.memref_squeeze %dma_start3A_633 : memref<1x128x128xf32, #tpu.memory_space<hbm>> -> memref<128x128xf32, #tpu.memory_space<hbm>>
      %dma_start3A_635 = arith.constant 0 : i32
      %dma_start3A_636 = arith.constant 0 : i32
      %dma_start3A_637 = tpu.memref_slice %arg8[%dma_start3A_635, %dma_start3A_636] : memref<240x128xf32, #tpu.memory_space<vmem>> -> memref<128x128xf32, #tpu.memory_space<vmem>>
      tpu.enqueue_dma source(%dma_start3A_637 : memref<128x128xf32, #tpu.memory_space<vmem>>) target(%dma_start3A_634 : memref<128x128xf32, #tpu.memory_space<hbm>>) target_semaphore(%run_scoped3A : memref<!tpu.dma_semaphore, #tpu.memory_space<semaphore_mem>>)
      %dma_wait3A_638 = arith.constant 0 : i32
      %dma_wait3A_639 = arith.constant 0 : i32
      %dma_wait3A_640 = tpu.memref_slice %arg8[%dma_wait3A_638, %dma_wait3A_639] : memref<240x128xf32, #tpu.memory_space<vmem>> -> memref<128x128xf32, #tpu.memory_space<vmem>>
      %dma_wait3A_641 = arith.constant 0 : i32
      %dma_wait3A_642 = tpu.memref_slice %arg4[%arg0, %add3A_615, %dma_wait3A_641] : memref<2x10240x128xf32, #tpu.memory_space<hbm>> -> memref<1x128x128xf32, #tpu.memory_space<hbm>>
      %dma_wait3A_643 = tpu.memref_squeeze %dma_wait3A_642 : memref<1x128x128xf32, #tpu.memory_space<hbm>> -> memref<128x128xf32, #tpu.memory_space<hbm>>
      %dma_wait3A_644 = arith.constant 0 : i32
      %dma_wait3A_645 = tpu.memref_slice %arg4[%arg0, %add3A_615, %dma_wait3A_644] : memref<2x10240x128xf32, #tpu.memory_space<hbm>> -> memref<1x128x128xf32, #tpu.memory_space<hbm>>
      %dma_wait3A_646 = tpu.memref_squeeze %dma_wait3A_645 : memref<1x128x128xf32, #tpu.memory_space<hbm>> -> memref<128x128xf32, #tpu.memory_space<hbm>>
      %dma_wait3A_647 = arith.constant 0 : i32
      %dma_wait3A_648 = arith.constant 0 : i32
      %dma_wait3A_649 = tpu.memref_slice %arg8[%dma_wait3A_647, %dma_wait3A_648] : memref<240x128xf32, #tpu.memory_space<vmem>> -> memref<128x128xf32, #tpu.memory_space<vmem>>
      tpu.wait_dma2 semaphore(%run_scoped3A : memref<!tpu.dma_semaphore, #tpu.memory_space<semaphore_mem>>) src(%dma_wait3A_649 : memref<128x128xf32, #tpu.memory_space<vmem>>) dst(%dma_wait3A_646 : memref<128x128xf32, #tpu.memory_space<hbm>>)
      tpu.yield
    }) : () -> ()
    %mul3A_616 = arith.constant 640 : i32
    %mul3A_617 = arith.muli %arg1, %mul3A_616 : i32
    %add3A_618 = arith.constant 384 : i32
    %add3A_619 = arith.addi %mul3A_617, %add3A_618 : i32
    "tpu.region"() ({
      %run_scoped3A = tpu.sem_alloc : memref<!tpu.dma_semaphore, #tpu.memory_space<semaphore_mem>>
      %dma_start3A_626 = arith.constant 0 : i32
      %dma_start3A_627 = arith.constant 0 : i32
      %dma_start3A_628 = tpu.memref_slice %arg8[%dma_start3A_626, %dma_start3A_627] : memref<240x128xf32, #tpu.memory_space<vmem>> -> memref<128x128xf32, #tpu.memory_space<vmem>>
      %dma_start3A_629 = arith.constant 0 : i32
      %dma_start3A_630 = tpu.memref_slice %arg11[%add3A_619, %dma_start3A_629] : memref<10240x128xf32, #tpu.memory_space<vmem_shared>> -> memref<128x128xf32, #tpu.memory_space<vmem_shared>>
      %dma_start3A_631 = arith.constant 0 : i32
      %dma_start3A_632 = arith.constant 0 : i32
      %dma_start3A_633 = tpu.memref_slice %arg8[%dma_start3A_631, %dma_start3A_632] : memref<240x128xf32, #tpu.memory_space<vmem>> -> memref<128x128xf32, #tpu.memory_space<vmem>>
      %dma_start3A_634 = arith.constant 0 : i32
      %dma_start3A_635 = tpu.memref_slice %arg11[%add3A_619, %dma_start3A_634] : memref<10240x128xf32, #tpu.memory_space<vmem_shared>> -> memref<128x128xf32, #tpu.memory_space<vmem_shared>>
      tpu.enqueue_dma source(%dma_start3A_635 : memref<128x128xf32, #tpu.memory_space<vmem_shared>>) target(%dma_start3A_633 : memref<128x128xf32, #tpu.memory_space<vmem>>) target_semaphore(%run_scoped3A : memref<!tpu.dma_semaphore, #tpu.memory_space<semaphore_mem>>)
      %dma_wait3A_636 = arith.constant 0 : i32
      %dma_wait3A_637 = arith.constant 0 : i32
      %dma_wait3A_638 = tpu.memref_slice %arg8[%dma_wait3A_636, %dma_wait3A_637] : memref<240x128xf32, #tpu.memory_space<vmem>> -> memref<128x128xf32, #tpu.memory_space<vmem>>
      %dma_wait3A_639 = arith.constant 0 : i32
      %dma_wait3A_640 = tpu.memref_slice %arg11[%add3A_619, %dma_wait3A_639] : memref<10240x128xf32, #tpu.memory_space<vmem_shared>> -> memref<128x128xf32, #tpu.memory_space<vmem_shared>>
      %dma_wait3A_641 = arith.constant 0 : i32
      %dma_wait3A_642 = arith.constant 0 : i32
      %dma_wait3A_643 = tpu.memref_slice %arg8[%dma_wait3A_641, %dma_wait3A_642] : memref<240x128xf32, #tpu.memory_space<vmem>> -> memref<128x128xf32, #tpu.memory_space<vmem>>
      %dma_wait3A_644 = arith.constant 0 : i32
      %dma_wait3A_645 = tpu.memref_slice %arg11[%add3A_619, %dma_wait3A_644] : memref<10240x128xf32, #tpu.memory_space<vmem_shared>> -> memref<128x128xf32, #tpu.memory_space<vmem_shared>>
      tpu.wait_dma2 semaphore(%run_scoped3A : memref<!tpu.dma_semaphore, #tpu.memory_space<semaphore_mem>>) src(%dma_wait3A_645 : memref<128x128xf32, #tpu.memory_space<vmem_shared>>) dst(%dma_wait3A_643 : memref<128x128xf32, #tpu.memory_space<vmem>>)
      tpu.yield
    }) : () -> ()
    "tpu.region"() ({
      %run_scoped3A = tpu.sem_alloc : memref<!tpu.dma_semaphore, #tpu.memory_space<semaphore_mem>>
      %dma_start3A_626 = arith.constant 0 : i32
      %dma_start3A_627 = arith.constant 0 : i32
      %dma_start3A_628 = tpu.memref_slice %arg8[%dma_start3A_626, %dma_start3A_627] : memref<240x128xf32, #tpu.memory_space<vmem>> -> memref<128x128xf32, #tpu.memory_space<vmem>>
      %dma_start3A_629 = arith.constant 0 : i32
      %dma_start3A_630 = tpu.memref_slice %arg4[%arg0, %add3A_619, %dma_start3A_629] : memref<2x10240x128xf32, #tpu.memory_space<hbm>> -> memref<1x128x128xf32, #tpu.memory_space<hbm>>
      %dma_start3A_631 = tpu.memref_squeeze %dma_start3A_630 : memref<1x128x128xf32, #tpu.memory_space<hbm>> -> memref<128x128xf32, #tpu.memory_space<hbm>>
      %dma_start3A_632 = arith.constant 0 : i32
      %dma_start3A_633 = tpu.memref_slice %arg4[%arg0, %add3A_619, %dma_start3A_632] : memref<2x10240x128xf32, #tpu.memory_space<hbm>> -> memref<1x128x128xf32, #tpu.memory_space<hbm>>
      %dma_start3A_634 = tpu.memref_squeeze %dma_start3A_633 : memref<1x128x128xf32, #tpu.memory_space<hbm>> -> memref<128x128xf32, #tpu.memory_space<hbm>>
      %dma_start3A_635 = arith.constant 0 : i32
      %dma_start3A_636 = arith.constant 0 : i32
      %dma_start3A_637 = tpu.memref_slice %arg8[%dma_start3A_635, %dma_start3A_636] : memref<240x128xf32, #tpu.memory_space<vmem>> -> memref<128x128xf32, #tpu.memory_space<vmem>>
      tpu.enqueue_dma source(%dma_start3A_637 : memref<128x128xf32, #tpu.memory_space<vmem>>) target(%dma_start3A_634 : memref<128x128xf32, #tpu.memory_space<hbm>>) target_semaphore(%run_scoped3A : memref<!tpu.dma_semaphore, #tpu.memory_space<semaphore_mem>>)
      %dma_wait3A_638 = arith.constant 0 : i32
      %dma_wait3A_639 = arith.constant 0 : i32
      %dma_wait3A_640 = tpu.memref_slice %arg8[%dma_wait3A_638, %dma_wait3A_639] : memref<240x128xf32, #tpu.memory_space<vmem>> -> memref<128x128xf32, #tpu.memory_space<vmem>>
      %dma_wait3A_641 = arith.constant 0 : i32
      %dma_wait3A_642 = tpu.memref_slice %arg4[%arg0, %add3A_619, %dma_wait3A_641] : memref<2x10240x128xf32, #tpu.memory_space<hbm>> -> memref<1x128x128xf32, #tpu.memory_space<hbm>>
      %dma_wait3A_643 = tpu.memref_squeeze %dma_wait3A_642 : memref<1x128x128xf32, #tpu.memory_space<hbm>> -> memref<128x128xf32, #tpu.memory_space<hbm>>
      %dma_wait3A_644 = arith.constant 0 : i32
      %dma_wait3A_645 = tpu.memref_slice %arg4[%arg0, %add3A_619, %dma_wait3A_644] : memref<2x10240x128xf32, #tpu.memory_space<hbm>> -> memref<1x128x128xf32, #tpu.memory_space<hbm>>
      %dma_wait3A_646 = tpu.memref_squeeze %dma_wait3A_645 : memref<1x128x128xf32, #tpu.memory_space<hbm>> -> memref<128x128xf32, #tpu.memory_space<hbm>>
      %dma_wait3A_647 = arith.constant 0 : i32
      %dma_wait3A_648 = arith.constant 0 : i32
      %dma_wait3A_649 = tpu.memref_slice %arg8[%dma_wait3A_647, %dma_wait3A_648] : memref<240x128xf32, #tpu.memory_space<vmem>> -> memref<128x128xf32, #tpu.memory_space<vmem>>
      tpu.wait_dma2 semaphore(%run_scoped3A : memref<!tpu.dma_semaphore, #tpu.memory_space<semaphore_mem>>) src(%dma_wait3A_649 : memref<128x128xf32, #tpu.memory_space<vmem>>) dst(%dma_wait3A_646 : memref<128x128xf32, #tpu.memory_space<hbm>>)
      tpu.yield
    }) : () -> ()
    %mul3A_620 = arith.constant 640 : i32
    %mul3A_621 = arith.muli %arg1, %mul3A_620 : i32
    %add3A_622 = arith.constant 512 : i32
    %add3A_623 = arith.addi %mul3A_621, %add3A_622 : i32
    "tpu.region"() ({
      %run_scoped3A = tpu.sem_alloc : memref<!tpu.dma_semaphore, #tpu.memory_space<semaphore_mem>>
      %dma_start3A_626 = arith.constant 0 : i32
      %dma_start3A_627 = arith.constant 0 : i32
      %dma_start3A_628 = tpu.memref_slice %arg8[%dma_start3A_626, %dma_start3A_627] : memref<240x128xf32, #tpu.memory_space<vmem>> -> memref<128x128xf32, #tpu.memory_space<vmem>>
      %dma_start3A_629 = arith.constant 0 : i32
      %dma_start3A_630 = tpu.memref_slice %arg11[%add3A_623, %dma_start3A_629] : memref<10240x128xf32, #tpu.memory_space<vmem_shared>> -> memref<128x128xf32, #tpu.memory_space<vmem_shared>>
      %dma_start3A_631 = arith.constant 0 : i32
      %dma_start3A_632 = arith.constant 0 : i32
      %dma_start3A_633 = tpu.memref_slice %arg8[%dma_start3A_631, %dma_start3A_632] : memref<240x128xf32, #tpu.memory_space<vmem>> -> memref<128x128xf32, #tpu.memory_space<vmem>>
      %dma_start3A_634 = arith.constant 0 : i32
      %dma_start3A_635 = tpu.memref_slice %arg11[%add3A_623, %dma_start3A_634] : memref<10240x128xf32, #tpu.memory_space<vmem_shared>> -> memref<128x128xf32, #tpu.memory_space<vmem_shared>>
      tpu.enqueue_dma source(%dma_start3A_635 : memref<128x128xf32, #tpu.memory_space<vmem_shared>>) target(%dma_start3A_633 : memref<128x128xf32, #tpu.memory_space<vmem>>) target_semaphore(%run_scoped3A : memref<!tpu.dma_semaphore, #tpu.memory_space<semaphore_mem>>)
      %dma_wait3A_636 = arith.constant 0 : i32
      %dma_wait3A_637 = arith.constant 0 : i32
      %dma_wait3A_638 = tpu.memref_slice %arg8[%dma_wait3A_636, %dma_wait3A_637] : memref<240x128xf32, #tpu.memory_space<vmem>> -> memref<128x128xf32, #tpu.memory_space<vmem>>
      %dma_wait3A_639 = arith.constant 0 : i32
      %dma_wait3A_640 = tpu.memref_slice %arg11[%add3A_623, %dma_wait3A_639] : memref<10240x128xf32, #tpu.memory_space<vmem_shared>> -> memref<128x128xf32, #tpu.memory_space<vmem_shared>>
      %dma_wait3A_641 = arith.constant 0 : i32
      %dma_wait3A_642 = arith.constant 0 : i32
      %dma_wait3A_643 = tpu.memref_slice %arg8[%dma_wait3A_641, %dma_wait3A_642] : memref<240x128xf32, #tpu.memory_space<vmem>> -> memref<128x128xf32, #tpu.memory_space<vmem>>
      %dma_wait3A_644 = arith.constant 0 : i32
      %dma_wait3A_645 = tpu.memref_slice %arg11[%add3A_623, %dma_wait3A_644] : memref<10240x128xf32, #tpu.memory_space<vmem_shared>> -> memref<128x128xf32, #tpu.memory_space<vmem_shared>>
      tpu.wait_dma2 semaphore(%run_scoped3A : memref<!tpu.dma_semaphore, #tpu.memory_space<semaphore_mem>>) src(%dma_wait3A_645 : memref<128x128xf32, #tpu.memory_space<vmem_shared>>) dst(%dma_wait3A_643 : memref<128x128xf32, #tpu.memory_space<vmem>>)
      tpu.yield
    }) : () -> ()
    "tpu.region"() ({
      %run_scoped3A = tpu.sem_alloc : memref<!tpu.dma_semaphore, #tpu.memory_space<semaphore_mem>>
      %dma_start3A_626 = arith.constant 0 : i32
      %dma_start3A_627 = arith.constant 0 : i32
      %dma_start3A_628 = tpu.memref_slice %arg8[%dma_start3A_626, %dma_start3A_627] : memref<240x128xf32, #tpu.memory_space<vmem>> -> memref<128x128xf32, #tpu.memory_space<vmem>>
      %dma_start3A_629 = arith.constant 0 : i32
      %dma_start3A_630 = tpu.memref_slice %arg4[%arg0, %add3A_623, %dma_start3A_629] : memref<2x10240x128xf32, #tpu.memory_space<hbm>> -> memref<1x128x128xf32, #tpu.memory_space<hbm>>
      %dma_start3A_631 = tpu.memref_squeeze %dma_start3A_630 : memref<1x128x128xf32, #tpu.memory_space<hbm>> -> memref<128x128xf32, #tpu.memory_space<hbm>>
      %dma_start3A_632 = arith.constant 0 : i32
      %dma_start3A_633 = tpu.memref_slice %arg4[%arg0, %add3A_623, %dma_start3A_632] : memref<2x10240x128xf32, #tpu.memory_space<hbm>> -> memref<1x128x128xf32, #tpu.memory_space<hbm>>
      %dma_start3A_634 = tpu.memref_squeeze %dma_start3A_633 : memref<1x128x128xf32, #tpu.memory_space<hbm>> -> memref<128x128xf32, #tpu.memory_space<hbm>>
      %dma_start3A_635 = arith.constant 0 : i32
      %dma_start3A_636 = arith.constant 0 : i32
      %dma_start3A_637 = tpu.memref_slice %arg8[%dma_start3A_635, %dma_start3A_636] : memref<240x128xf32, #tpu.memory_space<vmem>> -> memref<128x128xf32, #tpu.memory_space<vmem>>
      tpu.enqueue_dma source(%dma_start3A_637 : memref<128x128xf32, #tpu.memory_space<vmem>>) target(%dma_start3A_634 : memref<128x128xf32, #tpu.memory_space<hbm>>) target_semaphore(%run_scoped3A : memref<!tpu.dma_semaphore, #tpu.memory_space<semaphore_mem>>)
      %dma_wait3A_638 = arith.constant 0 : i32
      %dma_wait3A_639 = arith.constant 0 : i32
      %dma_wait3A_640 = tpu.memref_slice %arg8[%dma_wait3A_638, %dma_wait3A_639] : memref<240x128xf32, #tpu.memory_space<vmem>> -> memref<128x128xf32, #tpu.memory_space<vmem>>
      %dma_wait3A_641 = arith.constant 0 : i32
      %dma_wait3A_642 = tpu.memref_slice %arg4[%arg0, %add3A_623, %dma_wait3A_641] : memref<2x10240x128xf32, #tpu.memory_space<hbm>> -> memref<1x128x128xf32, #tpu.memory_space<hbm>>
      %dma_wait3A_643 = tpu.memref_squeeze %dma_wait3A_642 : memref<1x128x128xf32, #tpu.memory_space<hbm>> -> memref<128x128xf32, #tpu.memory_space<hbm>>
      %dma_wait3A_644 = arith.constant 0 : i32
      %dma_wait3A_645 = tpu.memref_slice %arg4[%arg0, %add3A_623, %dma_wait3A_644] : memref<2x10240x128xf32, #tpu.memory_space<hbm>> -> memref<1x128x128xf32, #tpu.memory_space<hbm>>
      %dma_wait3A_646 = tpu.memref_squeeze %dma_wait3A_645 : memref<1x128x128xf32, #tpu.memory_space<hbm>> -> memref<128x128xf32, #tpu.memory_space<hbm>>
      %dma_wait3A_647 = arith.constant 0 : i32
      %dma_wait3A_648 = arith.constant 0 : i32
      %dma_wait3A_649 = tpu.memref_slice %arg8[%dma_wait3A_647, %dma_wait3A_648] : memref<240x128xf32, #tpu.memory_space<vmem>> -> memref<128x128xf32, #tpu.memory_space<vmem>>
      tpu.wait_dma2 semaphore(%run_scoped3A : memref<!tpu.dma_semaphore, #tpu.memory_space<semaphore_mem>>) src(%dma_wait3A_649 : memref<128x128xf32, #tpu.memory_space<vmem>>) dst(%dma_wait3A_646 : memref<128x128xf32, #tpu.memory_space<hbm>>)
      tpu.yield
    }) : () -> ()
    %mul3A_624 = arith.constant 640 : i32
    %mul3A_625 = arith.muli %arg1, %mul3A_624 : i32
    "tpu.region"() ({
      %run_scoped3A = tpu.sem_alloc : memref<!tpu.dma_semaphore, #tpu.memory_space<semaphore_mem>>
      %dma_start3A_626 = tpu.memref_slice %arg12[%mul3A_625] : memref<10240xf32, #tpu.memory_space<vmem_shared>> -> memref<640xf32, #tpu.memory_space<vmem_shared>>
      %dma_start3A_627 = tpu.memref_slice %arg12[%mul3A_625] : memref<10240xf32, #tpu.memory_space<vmem_shared>> -> memref<640xf32, #tpu.memory_space<vmem_shared>>
      tpu.enqueue_dma source(%dma_start3A_627 : memref<640xf32, #tpu.memory_space<vmem_shared>>) target(%arg9 : memref<640xf32, #tpu.memory_space<vmem>>) target_semaphore(%run_scoped3A : memref<!tpu.dma_semaphore, #tpu.memory_space<semaphore_mem>>)
      %dma_wait3A_628 = tpu.memref_slice %arg12[%mul3A_625] : memref<10240xf32, #tpu.memory_space<vmem_shared>> -> memref<640xf32, #tpu.memory_space<vmem_shared>>
      %dma_wait3A_629 = tpu.memref_slice %arg12[%mul3A_625] : memref<10240xf32, #tpu.memory_space<vmem_shared>> -> memref<640xf32, #tpu.memory_space<vmem_shared>>
      tpu.wait_dma2 semaphore(%run_scoped3A : memref<!tpu.dma_semaphore, #tpu.memory_space<semaphore_mem>>) src(%dma_wait3A_629 : memref<640xf32, #tpu.memory_space<vmem_shared>>) dst(%arg9 : memref<640xf32, #tpu.memory_space<vmem>>)
      tpu.yield
    }) : () -> ()
    "tpu.region"() ({
      %run_scoped3A = tpu.sem_alloc : memref<!tpu.dma_semaphore, #tpu.memory_space<semaphore_mem>>
      %dma_start3A_626 = tpu.memref_slice %arg5[%arg0, %mul3A_625] : memref<2x10240xf32, #tpu.memory_space<hbm>> -> memref<1x640xf32, #tpu.memory_space<hbm>>
      %dma_start3A_627 = tpu.memref_squeeze %dma_start3A_626 : memref<1x640xf32, #tpu.memory_space<hbm>> -> memref<640xf32, #tpu.memory_space<hbm>>
      %dma_start3A_628 = tpu.memref_slice %arg5[%arg0, %mul3A_625] : memref<2x10240xf32, #tpu.memory_space<hbm>> -> memref<1x640xf32, #tpu.memory_space<hbm>>
      %dma_start3A_629 = tpu.memref_squeeze %dma_start3A_628 : memref<1x640xf32, #tpu.memory_space<hbm>> -> memref<640xf32, #tpu.memory_space<hbm>>
      tpu.enqueue_dma source(%arg9 : memref<640xf32, #tpu.memory_space<vmem>>) target(%dma_start3A_629 : memref<640xf32, #tpu.memory_space<hbm>>) target_semaphore(%run_scoped3A : memref<!tpu.dma_semaphore, #tpu.memory_space<semaphore_mem>>)
      %dma_wait3A_630 = tpu.memref_slice %arg5[%arg0, %mul3A_625] : memref<2x10240xf32, #tpu.memory_space<hbm>> -> memref<1x640xf32, #tpu.memory_space<hbm>>
      %dma_wait3A_631 = tpu.memref_squeeze %dma_wait3A_630 : memref<1x640xf32, #tpu.memory_space<hbm>> -> memref<640xf32, #tpu.memory_space<hbm>>
      %dma_wait3A_632 = tpu.memref_slice %arg5[%arg0, %mul3A_625] : memref<2x10240xf32, #tpu.memory_space<hbm>> -> memref<1x640xf32, #tpu.memory_space<hbm>>
      %dma_wait3A_633 = tpu.memref_squeeze %dma_wait3A_632 : memref<1x640xf32, #tpu.memory_space<hbm>> -> memref<640xf32, #tpu.memory_space<hbm>>
      tpu.wait_dma2 semaphore(%run_scoped3A : memref<!tpu.dma_semaphore, #tpu.memory_space<semaphore_mem>>) src(%arg9 : memref<640xf32, #tpu.memory_space<vmem>>) dst(%dma_wait3A_633 : memref<640xf32, #tpu.memory_space<hbm>>)
      tpu.yield
    }) : () -> ()
    return
  }
}

#map = affine_map<(d0, d1) -> (0, 0)>
#map1 = affine_map<(d0, d1) -> (0)>
#map2 = affine_map<(d0, d1) -> (0, 0, 0)>
module attributes {stable_mosaic.version = 14 : i64} {
  func.func @_sc_agg_body(%arg0: i32, %arg1: i32, %arg2: memref<10000x128xf32, #tpu.memory_space<hbm>>, %arg3: memref<640000xi32, #tpu.memory_space<hbm>>, %arg4: memref<2x10240x128xf32, #tpu.memory_space<hbm>>, %arg5: memref<2x10240xf32, #tpu.memory_space<hbm>>, %arg6: memref<4x80xi32, #tpu.memory_space<vmem>>, %arg7: memref<4x80xi32, #tpu.memory_space<vmem>>, %arg8: memref<240x128xf32, #tpu.memory_space<vmem>>, %arg9: memref<640xf32, #tpu.memory_space<vmem>>, %arg10: memref<128xf32, #tpu.memory_space<vmem>>, %arg11: memref<10240x128xf32, #tpu.memory_space<vmem_shared>>, %arg12: memref<10240xf32, #tpu.memory_space<vmem_shared>>, %arg13: memref<3x!tpu.dma_semaphore, #tpu.memory_space<semaphore_mem>>, %arg14: memref<4x!tpu.dma_semaphore, #tpu.memory_space<semaphore_mem>>, %arg15: memref<3x!tpu.dma_semaphore, #tpu.memory_space<semaphore_mem>>, %arg16: memref<3x!tpu.dma_semaphore, #tpu.memory_space<semaphore_mem>>) attributes {dimension_semantics = [#tpu.dimension_semantics<core_parallel>, #tpu.dimension_semantics<subcore_parallel>], iteration_bounds = array<i64: 2, 16>, scalar_prefetch = 0 : i64, scratch_operands = 11 : i64, tpu.core_type = #tpu.core_type<sc_vector_subcore>, window_params = [{transform_indices = #map}, {transform_indices = #map1}, {transform_indices = #map2}, {transform_indices = #map}]} {
    %mul3A = arith.constant 16 : i32
    %mul3A_0 = arith.muli %arg0, %mul3A : i32
    %add3A = arith.addi %mul3A_0, %arg1 : i32
    %mul3A_1 = arith.constant 10000 : i32
    %mul3A_2 = arith.muli %add3A, %mul3A_1 : i32
    %add3A_3 = arith.constant 0 : i32
    %add3A_4 = arith.addi %mul3A_2, %add3A_3 : i32
    %multiple_of3A = tpu.assume_multiple %add3A_4, 8 : i32
    %dma_start3A = arith.constant 0 : i32
    %dma_start3A_5 = arith.constant 0 : i32
    %dma_start3A_6 = arith.constant 0 : i32
    %dma_start3A_7 = tpu.memref_slice %arg6[%dma_start3A, %dma_start3A_6] : memref<4x80xi32, #tpu.memory_space<vmem>> -> memref<1x80xi32, #tpu.memory_space<vmem>>
    %dma_start3A_8 = tpu.memref_squeeze %dma_start3A_7 : memref<1x80xi32, #tpu.memory_space<vmem>> -> memref<80xi32, #tpu.memory_space<vmem>>
    %dma_start3A_9 = tpu.memref_slice %arg3[%multiple_of3A] : memref<640000xi32, #tpu.memory_space<hbm>> -> memref<80xi32, #tpu.memory_space<hbm>>
    %dma_start3A_10 = tpu.memref_slice %arg14[%dma_start3A_5] : memref<4x!tpu.dma_semaphore, #tpu.memory_space<semaphore_mem>> -> memref<1x!tpu.dma_semaphore, #tpu.memory_space<semaphore_mem>>
    %dma_start3A_11 = tpu.memref_squeeze %dma_start3A_10 : memref<1x!tpu.dma_semaphore, #tpu.memory_space<semaphore_mem>> -> memref<!tpu.dma_semaphore, #tpu.memory_space<semaphore_mem>>
    %dma_start3A_12 = arith.constant 0 : i32
    %dma_start3A_13 = tpu.memref_slice %arg6[%dma_start3A, %dma_start3A_12] : memref<4x80xi32, #tpu.memory_space<vmem>> -> memref<1x80xi32, #tpu.memory_space<vmem>>
    %dma_start3A_14 = tpu.memref_squeeze %dma_start3A_13 : memref<1x80xi32, #tpu.memory_space<vmem>> -> memref<80xi32, #tpu.memory_space<vmem>>
    %dma_start3A_15 = tpu.memref_slice %arg3[%multiple_of3A] : memref<640000xi32, #tpu.memory_space<hbm>> -> memref<80xi32, #tpu.memory_space<hbm>>
    tpu.enqueue_dma source(%dma_start3A_15 : memref<80xi32, #tpu.memory_space<hbm>>) target(%dma_start3A_14 : memref<80xi32, #tpu.memory_space<vmem>>) target_semaphore(%dma_start3A_11 : memref<!tpu.dma_semaphore, #tpu.memory_space<semaphore_mem>>)
    %mul3A_16 = arith.constant 10000 : i32
    %mul3A_17 = arith.muli %add3A, %mul3A_16 : i32
    %add3A_18 = arith.constant 320000 : i32
    %add3A_19 = arith.addi %add3A_18, %mul3A_17 : i32
    %add3A_20 = arith.constant 0 : i32
    %add3A_21 = arith.addi %add3A_19, %add3A_20 : i32
    %multiple_of3A_22 = tpu.assume_multiple %add3A_21, 8 : i32
    %dma_start3A_23 = arith.constant 0 : i32
    %dma_start3A_24 = arith.constant 0 : i32
    %dma_start3A_25 = arith.constant 0 : i32
    %dma_start3A_26 = tpu.memref_slice %arg7[%dma_start3A_23, %dma_start3A_25] : memref<4x80xi32, #tpu.memory_space<vmem>> -> memref<1x80xi32, #tpu.memory_space<vmem>>
    %dma_start3A_27 = tpu.memref_squeeze %dma_start3A_26 : memref<1x80xi32, #tpu.memory_space<vmem>> -> memref<80xi32, #tpu.memory_space<vmem>>
    %dma_start3A_28 = tpu.memref_slice %arg3[%multiple_of3A_22] : memref<640000xi32, #tpu.memory_space<hbm>> -> memref<80xi32, #tpu.memory_space<hbm>>
    %dma_start3A_29 = tpu.memref_slice %arg14[%dma_start3A_24] : memref<4x!tpu.dma_semaphore, #tpu.memory_space<semaphore_mem>> -> memref<1x!tpu.dma_semaphore, #tpu.memory_space<semaphore_mem>>
    %dma_start3A_30 = tpu.memref_squeeze %dma_start3A_29 : memref<1x!tpu.dma_semaphore, #tpu.memory_space<semaphore_mem>> -> memref<!tpu.dma_semaphore, #tpu.memory_space<semaphore_mem>>
    %dma_start3A_31 = arith.constant 0 : i32
    %dma_start3A_32 = tpu.memref_slice %arg7[%dma_start3A_23, %dma_start3A_31] : memref<4x80xi32, #tpu.memory_space<vmem>> -> memref<1x80xi32, #tpu.memory_space<vmem>>
    %dma_start3A_33 = tpu.memref_squeeze %dma_start3A_32 : memref<1x80xi32, #tpu.memory_space<vmem>> -> memref<80xi32, #tpu.memory_space<vmem>>
    %dma_start3A_34 = tpu.memref_slice %arg3[%multiple_of3A_22] : memref<640000xi32, #tpu.memory_space<hbm>> -> memref<80xi32, #tpu.memory_space<hbm>>
    tpu.enqueue_dma source(%dma_start3A_34 : memref<80xi32, #tpu.memory_space<hbm>>) target(%dma_start3A_33 : memref<80xi32, #tpu.memory_space<vmem>>) target_semaphore(%dma_start3A_30 : memref<!tpu.dma_semaphore, #tpu.memory_space<semaphore_mem>>)
    %mul3A_35 = arith.constant 10000 : i32
    %mul3A_36 = arith.muli %add3A, %mul3A_35 : i32
    %add3A_37 = arith.constant 80 : i32
    %add3A_38 = arith.addi %mul3A_36, %add3A_37 : i32
    %multiple_of3A_39 = tpu.assume_multiple %add3A_38, 8 : i32
    %dma_start3A_40 = arith.constant 1 : i32
    %dma_start3A_41 = arith.constant 1 : i32
    %dma_start3A_42 = arith.constant 0 : i32
    %dma_start3A_43 = tpu.memref_slice %arg6[%dma_start3A_40, %dma_start3A_42] : memref<4x80xi32, #tpu.memory_space<vmem>> -> memref<1x80xi32, #tpu.memory_space<vmem>>
    %dma_start3A_44 = tpu.memref_squeeze %dma_start3A_43 : memref<1x80xi32, #tpu.memory_space<vmem>> -> memref<80xi32, #tpu.memory_space<vmem>>
    %dma_start3A_45 = tpu.memref_slice %arg3[%multiple_of3A_39] : memref<640000xi32, #tpu.memory_space<hbm>> -> memref<80xi32, #tpu.memory_space<hbm>>
    %dma_start3A_46 = tpu.memref_slice %arg14[%dma_start3A_41] : memref<4x!tpu.dma_semaphore, #tpu.memory_space<semaphore_mem>> -> memref<1x!tpu.dma_semaphore, #tpu.memory_space<semaphore_mem>>
    %dma_start3A_47 = tpu.memref_squeeze %dma_start3A_46 : memref<1x!tpu.dma_semaphore, #tpu.memory_space<semaphore_mem>> -> memref<!tpu.dma_semaphore, #tpu.memory_space<semaphore_mem>>
    %dma_start3A_48 = arith.constant 0 : i32
    %dma_start3A_49 = tpu.memref_slice %arg6[%dma_start3A_40, %dma_start3A_48] : memref<4x80xi32, #tpu.memory_space<vmem>> -> memref<1x80xi32, #tpu.memory_space<vmem>>
    %dma_start3A_50 = tpu.memref_squeeze %dma_start3A_49 : memref<1x80xi32, #tpu.memory_space<vmem>> -> memref<80xi32, #tpu.memory_space<vmem>>
    %dma_start3A_51 = tpu.memref_slice %arg3[%multiple_of3A_39] : memref<640000xi32, #tpu.memory_space<hbm>> -> memref<80xi32, #tpu.memory_space<hbm>>
    tpu.enqueue_dma source(%dma_start3A_51 : memref<80xi32, #tpu.memory_space<hbm>>) target(%dma_start3A_50 : memref<80xi32, #tpu.memory_space<vmem>>) target_semaphore(%dma_start3A_47 : memref<!tpu.dma_semaphore, #tpu.memory_space<semaphore_mem>>)
    %mul3A_52 = arith.constant 10000 : i32
    %mul3A_53 = arith.muli %add3A, %mul3A_52 : i32
    %add3A_54 = arith.constant 320000 : i32
    %add3A_55 = arith.addi %add3A_54, %mul3A_53 : i32
    %add3A_56 = arith.constant 80 : i32
    %add3A_57 = arith.addi %add3A_55, %add3A_56 : i32
    %multiple_of3A_58 = tpu.assume_multiple %add3A_57, 8 : i32
    %dma_start3A_59 = arith.constant 1 : i32
    %dma_start3A_60 = arith.constant 1 : i32
    %dma_start3A_61 = arith.constant 0 : i32
    %dma_start3A_62 = tpu.memref_slice %arg7[%dma_start3A_59, %dma_start3A_61] : memref<4x80xi32, #tpu.memory_space<vmem>> -> memref<1x80xi32, #tpu.memory_space<vmem>>
    %dma_start3A_63 = tpu.memref_squeeze %dma_start3A_62 : memref<1x80xi32, #tpu.memory_space<vmem>> -> memref<80xi32, #tpu.memory_space<vmem>>
    %dma_start3A_64 = tpu.memref_slice %arg3[%multiple_of3A_58] : memref<640000xi32, #tpu.memory_space<hbm>> -> memref<80xi32, #tpu.memory_space<hbm>>
    %dma_start3A_65 = tpu.memref_slice %arg14[%dma_start3A_60] : memref<4x!tpu.dma_semaphore, #tpu.memory_space<semaphore_mem>> -> memref<1x!tpu.dma_semaphore, #tpu.memory_space<semaphore_mem>>
    %dma_start3A_66 = tpu.memref_squeeze %dma_start3A_65 : memref<1x!tpu.dma_semaphore, #tpu.memory_space<semaphore_mem>> -> memref<!tpu.dma_semaphore, #tpu.memory_space<semaphore_mem>>
    %dma_start3A_67 = arith.constant 0 : i32
    %dma_start3A_68 = tpu.memref_slice %arg7[%dma_start3A_59, %dma_start3A_67] : memref<4x80xi32, #tpu.memory_space<vmem>> -> memref<1x80xi32, #tpu.memory_space<vmem>>
    %dma_start3A_69 = tpu.memref_squeeze %dma_start3A_68 : memref<1x80xi32, #tpu.memory_space<vmem>> -> memref<80xi32, #tpu.memory_space<vmem>>
    %dma_start3A_70 = tpu.memref_slice %arg3[%multiple_of3A_58] : memref<640000xi32, #tpu.memory_space<hbm>> -> memref<80xi32, #tpu.memory_space<hbm>>
    tpu.enqueue_dma source(%dma_start3A_70 : memref<80xi32, #tpu.memory_space<hbm>>) target(%dma_start3A_69 : memref<80xi32, #tpu.memory_space<vmem>>) target_semaphore(%dma_start3A_66 : memref<!tpu.dma_semaphore, #tpu.memory_space<semaphore_mem>>)
    %scan3A = arith.constant 0 : i32
    %scan3A_71 = arith.constant 0 : i32
    %scan3A_72 = arith.constant 1024 : i32
    %scan3A_73 = arith.addi %scan3A_71, %scan3A_72 : i32
    %scan3A_74 = arith.constant 1 : i32
    %scan3A_75 = scf.for %scan3A_626 = %scan3A_71 to %scan3A_73 step %scan3A_74 iter_args(%scan3A_627 = %scan3A) -> (i32)  : i32 {
      %jit3A = arith.constant 8 : i32
      %div3A = arith.divsi %scan3A_626, %jit3A : i32
      %sign3A = arith.constant 0 : i32
      %sign3A_628 = arith.cmpi sgt, %scan3A_626, %sign3A : i32
      %sign3A_629 = arith.extui %sign3A_628 : i1 to i32
      %sign3A_630 = arith.constant 0 : i32
      %sign3A_631 = arith.cmpi slt, %scan3A_626, %sign3A_630 : i32
      %sign3A_632 = arith.extui %sign3A_631 : i1 to i32
      %sign3A_633 = arith.subi %sign3A_629, %sign3A_632 : i32
      %sign3A_634 = arith.constant 0 : i32
      %sign3A_635 = arith.cmpi sgt, %jit3A, %sign3A_634 : i32
      %sign3A_636 = arith.extui %sign3A_635 : i1 to i32
      %sign3A_637 = arith.constant 0 : i32
      %sign3A_638 = arith.cmpi slt, %jit3A, %sign3A_637 : i32
      %sign3A_639 = arith.extui %sign3A_638 : i1 to i32
      %sign3A_640 = arith.subi %sign3A_636, %sign3A_639 : i32
      %ne3A = arith.cmpi ne, %sign3A_633, %sign3A_640 : i32
      %rem3A = arith.remsi %scan3A_626, %jit3A : i32
      %ne3A_641 = arith.constant 0 : i32
      %ne3A_642 = arith.cmpi ne, %rem3A, %ne3A_641 : i32
      %and3A = arith.andi %ne3A, %ne3A_642 : i1
      %sub3A = arith.constant 1 : i32
      %sub3A_643 = arith.subi %div3A, %sub3A : i32
      %select_n3A = arith.select %and3A, %sub3A_643, %div3A : i32
      %jit3A_644 = arith.constant 8 : i32
      %eq3A = arith.constant 0 : i32
      %eq3A_645 = arith.cmpi eq, %jit3A_644, %eq3A : i32
      %jit3A_646 = arith.constant 1 : i32
      %select_n3A_647 = arith.select %eq3A_645, %jit3A_646, %jit3A_644 : i32
      %rem3A_648 = arith.remsi %scan3A_626, %select_n3A_647 : i32
      %ne3A_649 = arith.constant 0 : i32
      %ne3A_650 = arith.cmpi ne, %rem3A_648, %ne3A_649 : i32
      %lt3A = arith.constant 0 : i32
      %lt3A_651 = arith.cmpi slt, %rem3A_648, %lt3A : i32
      %lt3A_652 = arith.constant 0 : i32
      %lt3A_653 = arith.cmpi slt, %select_n3A_647, %lt3A_652 : i32
      %ne3A_654 = arith.xori %lt3A_651, %lt3A_653 : i1
      %and3A_655 = arith.andi %ne3A_654, %ne3A_650 : i1
      %add3A_656 = arith.addi %rem3A_648, %select_n3A_647 : i32
      %select_n3A_657 = arith.select %and3A_655, %add3A_656, %rem3A_648 : i32
      %mul3A_658 = arith.constant 16 : i32
      %mul3A_659 = arith.muli %select_n3A_657, %mul3A_658 : i32
      %broadcast_in_dim3A = arith.constant 0.000000e+00 : f32
      %broadcast_in_dim3A_660 = vector.broadcast %broadcast_in_dim3A : f32 to vector<16xf32>
      %swap3A = arith.index_cast %select_n3A : i32 to index
      %swap3A_661 = arith.index_cast %mul3A_659 : i32 to index
      %swap3A_662 = tpu.vector_load %arg8[%swap3A, %swap3A_661] {strides = array<i32>} : memref<240x128xf32, #tpu.memory_space<vmem>>, vector<1x16xf32>,
      %swap3A_663 = vector.shape_cast %swap3A_662 : vector<1x16xf32> to vector<16xf32>
      %swap3A_664 = vector.shape_cast %broadcast_in_dim3A_660 : vector<16xf32> to vector<1x16xf32>
      tpu.vector_store %arg8[%swap3A, %swap3A_661], %swap3A_664 {strides = array<i32>} : memref<240x128xf32, #tpu.memory_space<vmem>>, vector<1x16xf32>,
      %scan3A_665 = arith.constant 0 : i32
      scf.yield %scan3A_665 : i32
    }
    %scan3A_76 = arith.constant 1024 : i32
    %scan3A_77 = arith.constant 0 : i32
    %scan3A_78 = arith.constant 0 : i32
    %scan3A_79 = arith.constant 40 : i32
    %scan3A_80 = arith.addi %scan3A_78, %scan3A_79 : i32
    %scan3A_81 = arith.constant 1 : i32
    %scan3A_82 = scf.for %scan3A_626 = %scan3A_78 to %scan3A_80 step %scan3A_81 iter_args(%scan3A_627 = %scan3A_77) -> (i32)  : i32 {
      %broadcast_in_dim3A = arith.constant 0.000000e+00 : f32
      %broadcast_in_dim3A_628 = vector.broadcast %broadcast_in_dim3A : f32 to vector<16xf32>
      %mul3A_629 = arith.constant 16 : i32
      %mul3A_630 = arith.muli %scan3A_626, %mul3A_629 : i32
      %swap3A = arith.index_cast %mul3A_630 : i32 to index
      %swap3A_631 = tpu.vector_load %arg9[%swap3A] {strides = array<i32>} : memref<640xf32, #tpu.memory_space<vmem>>, vector<16xf32>,
      %swap3A_632 = vector.shape_cast %swap3A_631 : vector<16xf32> to vector<16xf32>
      %swap3A_633 = vector.shape_cast %broadcast_in_dim3A_628 : vector<16xf32> to vector<16xf32>
      tpu.vector_store %arg9[%swap3A], %swap3A_633 {strides = array<i32>} : memref<640xf32, #tpu.memory_space<vmem>>, vector<16xf32>,
      %scan3A_634 = arith.constant 0 : i32
      scf.yield %scan3A_634 : i32
    }
    %scan3A_83 = arith.constant 40 : i32
    %scan3A_84 = arith.constant 0 : i32
    %scan3A_85 = arith.constant 0 : i32
    %scan3A_86 = arith.constant 8 : i32
    %scan3A_87 = arith.addi %scan3A_85, %scan3A_86 : i32
    %scan3A_88 = arith.constant 1 : i32
    %scan3A_89 = scf.for %scan3A_626 = %scan3A_85 to %scan3A_87 step %scan3A_88 iter_args(%scan3A_627 = %scan3A_84) -> (i32)  : i32 {
      %broadcast_in_dim3A = arith.constant 1.000000e+00 : f32
      %broadcast_in_dim3A_628 = vector.broadcast %broadcast_in_dim3A : f32 to vector<16xf32>
      %mul3A_629 = arith.constant 16 : i32
      %mul3A_630 = arith.muli %scan3A_626, %mul3A_629 : i32
      %swap3A = arith.index_cast %mul3A_630 : i32 to index
      %swap3A_631 = tpu.vector_load %arg10[%swap3A] {strides = array<i32>} : memref<128xf32, #tpu.memory_space<vmem>>, vector<16xf32>,
      %swap3A_632 = vector.shape_cast %swap3A_631 : vector<16xf32> to vector<16xf32>
      %swap3A_633 = vector.shape_cast %broadcast_in_dim3A_628 : vector<16xf32> to vector<16xf32>
      tpu.vector_store %arg10[%swap3A], %swap3A_633 {strides = array<i32>} : memref<128xf32, #tpu.memory_space<vmem>>, vector<16xf32>,
      %scan3A_634 = arith.constant 0 : i32
      scf.yield %scan3A_634 : i32
    }
    %scan3A_90 = arith.constant 8 : i32
    %mul3A_91 = arith.constant 640 : i32
    %mul3A_92 = arith.muli %arg1, %mul3A_91 : i32
    %add3A_93 = arith.constant 0 : i32
    %add3A_94 = arith.addi %mul3A_92, %add3A_93 : i32
    "tpu.region"() ({
      %run_scoped3A = tpu.sem_alloc : memref<!tpu.dma_semaphore, #tpu.memory_space<semaphore_mem>>
      %dma_start3A_626 = arith.constant 0 : i32
      %dma_start3A_627 = arith.constant 0 : i32
      %dma_start3A_628 = tpu.memref_slice %arg8[%dma_start3A_626, %dma_start3A_627] : memref<240x128xf32, #tpu.memory_space<vmem>> -> memref<128x128xf32, #tpu.memory_space<vmem>>
      %dma_start3A_629 = arith.constant 0 : i32
      %dma_start3A_630 = tpu.memref_slice %arg11[%add3A_94, %dma_start3A_629] : memref<10240x128xf32, #tpu.memory_space<vmem_shared>> -> memref<128x128xf32, #tpu.memory_space<vmem_shared>>
      %dma_start3A_631 = arith.constant 0 : i32
      %dma_start3A_632 = tpu.memref_slice %arg11[%add3A_94, %dma_start3A_631] : memref<10240x128xf32, #tpu.memory_space<vmem_shared>> -> memref<128x128xf32, #tpu.memory_space<vmem_shared>>
      %dma_start3A_633 = arith.constant 0 : i32
      %dma_start3A_634 = arith.constant 0 : i32
      %dma_start3A_635 = tpu.memref_slice %arg8[%dma_start3A_633, %dma_start3A_634] : memref<240x128xf32, #tpu.memory_space<vmem>> -> memref<128x128xf32, #tpu.memory_space<vmem>>
      tpu.enqueue_dma source(%dma_start3A_635 : memref<128x128xf32, #tpu.memory_space<vmem>>) target(%dma_start3A_632 : memref<128x128xf32, #tpu.memory_space<vmem_shared>>) target_semaphore(%run_scoped3A : memref<!tpu.dma_semaphore, #tpu.memory_space<semaphore_mem>>)
      %dma_wait3A_636 = arith.constant 0 : i32
      %dma_wait3A_637 = arith.constant 0 : i32
      %dma_wait3A_638 = tpu.memref_slice %arg8[%dma_wait3A_636, %dma_wait3A_637] : memref<240x128xf32, #tpu.memory_space<vmem>> -> memref<128x128xf32, #tpu.memory_space<vmem>>
      %dma_wait3A_639 = arith.constant 0 : i32
      %dma_wait3A_640 = tpu.memref_slice %arg11[%add3A_94, %dma_wait3A_639] : memref<10240x128xf32, #tpu.memory_space<vmem_shared>> -> memref<128x128xf32, #tpu.memory_space<vmem_shared>>
      %dma_wait3A_641 = arith.constant 0 : i32
      %dma_wait3A_642 = tpu.memref_slice %arg11[%add3A_94, %dma_wait3A_641] : memref<10240x128xf32, #tpu.memory_space<vmem_shared>> -> memref<128x128xf32, #tpu.memory_space<vmem_shared>>
      %dma_wait3A_643 = arith.constant 0 : i32
      %dma_wait3A_644 = arith.constant 0 : i32
      %dma_wait3A_645 = tpu.memref_slice %arg8[%dma_wait3A_643, %dma_wait3A_644] : memref<240x128xf32, #tpu.memory_space<vmem>> -> memref<128x128xf32, #tpu.memory_space<vmem>>
      tpu.wait_dma2 semaphore(%run_scoped3A : memref<!tpu.dma_semaphore, #tpu.memory_space<semaphore_mem>>) src(%dma_wait3A_645 : memref<128x128xf32, #tpu.memory_space<vmem>>) dst(%dma_wait3A_642 : memref<128x128xf32, #tpu.memory_space<vmem_shared>>)
      tpu.yield
    }) : () -> ()
    %mul3A_95 = arith.constant 640 : i32
    %mul3A_96 = arith.muli %arg1, %mul3A_95 : i32
    %add3A_97 = arith.constant 128 : i32
    %add3A_98 = arith.addi %mul3A_96, %add3A_97 : i32
    "tpu.region"() ({
      %run_scoped3A = tpu.sem_alloc : memref<!tpu.dma_semaphore, #tpu.memory_space<semaphore_mem>>
      %dma_start3A_626 = arith.constant 0 : i32
      %dma_start3A_627 = arith.constant 0 : i32
      %dma_start3A_628 = tpu.memref_slice %arg8[%dma_start3A_626, %dma_start3A_627] : memref<240x128xf32, #tpu.memory_space<vmem>> -> memref<128x128xf32, #tpu.memory_space<vmem>>
      %dma_start3A_629 = arith.constant 0 : i32
      %dma_start3A_630 = tpu.memref_slice %arg11[%add3A_98, %dma_start3A_629] : memref<10240x128xf32, #tpu.memory_space<vmem_shared>> -> memref<128x128xf32, #tpu.memory_space<vmem_shared>>
      %dma_start3A_631 = arith.constant 0 : i32
      %dma_start3A_632 = tpu.memref_slice %arg11[%add3A_98, %dma_start3A_631] : memref<10240x128xf32, #tpu.memory_space<vmem_shared>> -> memref<128x128xf32, #tpu.memory_space<vmem_shared>>
      %dma_start3A_633 = arith.constant 0 : i32
      %dma_start3A_634 = arith.constant 0 : i32
      %dma_start3A_635 = tpu.memref_slice %arg8[%dma_start3A_633, %dma_start3A_634] : memref<240x128xf32, #tpu.memory_space<vmem>> -> memref<128x128xf32, #tpu.memory_space<vmem>>
      tpu.enqueue_dma source(%dma_start3A_635 : memref<128x128xf32, #tpu.memory_space<vmem>>) target(%dma_start3A_632 : memref<128x128xf32, #tpu.memory_space<vmem_shared>>) target_semaphore(%run_scoped3A : memref<!tpu.dma_semaphore, #tpu.memory_space<semaphore_mem>>)
      %dma_wait3A_636 = arith.constant 0 : i32
      %dma_wait3A_637 = arith.constant 0 : i32
      %dma_wait3A_638 = tpu.memref_slice %arg8[%dma_wait3A_636, %dma_wait3A_637] : memref<240x128xf32, #tpu.memory_space<vmem>> -> memref<128x128xf32, #tpu.memory_space<vmem>>
      %dma_wait3A_639 = arith.constant 0 : i32
      %dma_wait3A_640 = tpu.memref_slice %arg11[%add3A_98, %dma_wait3A_639] : memref<10240x128xf32, #tpu.memory_space<vmem_shared>> -> memref<128x128xf32, #tpu.memory_space<vmem_shared>>
      %dma_wait3A_641 = arith.constant 0 : i32
      %dma_wait3A_642 = tpu.memref_slice %arg11[%add3A_98, %dma_wait3A_641] : memref<10240x128xf32, #tpu.memory_space<vmem_shared>> -> memref<128x128xf32, #tpu.memory_space<vmem_shared>>
      %dma_wait3A_643 = arith.constant 0 : i32
      %dma_wait3A_644 = arith.constant 0 : i32
      %dma_wait3A_645 = tpu.memref_slice %arg8[%dma_wait3A_643, %dma_wait3A_644] : memref<240x128xf32, #tpu.memory_space<vmem>> -> memref<128x128xf32, #tpu.memory_space<vmem>>
      tpu.wait_dma2 semaphore(%run_scoped3A : memref<!tpu.dma_semaphore, #tpu.memory_space<semaphore_mem>>) src(%dma_wait3A_645 : memref<128x128xf32, #tpu.memory_space<vmem>>) dst(%dma_wait3A_642 : memref<128x128xf32, #tpu.memory_space<vmem_shared>>)
      tpu.yield
    }) : () -> ()
    %mul3A_99 = arith.constant 640 : i32
    %mul3A_100 = arith.muli %arg1, %mul3A_99 : i32
    %add3A_101 = arith.constant 256 : i32
    %add3A_102 = arith.addi %mul3A_100, %add3A_101 : i32
    "tpu.region"() ({
      %run_scoped3A = tpu.sem_alloc : memref<!tpu.dma_semaphore, #tpu.memory_space<semaphore_mem>>
      %dma_start3A_626 = arith.constant 0 : i32
      %dma_start3A_627 = arith.constant 0 : i32
      %dma_start3A_628 = tpu.memref_slice %arg8[%dma_start3A_626, %dma_start3A_627] : memref<240x128xf32, #tpu.memory_space<vmem>> -> memref<128x128xf32, #tpu.memory_space<vmem>>
      %dma_start3A_629 = arith.constant 0 : i32
      %dma_start3A_630 = tpu.memref_slice %arg11[%add3A_102, %dma_start3A_629] : memref<10240x128xf32, #tpu.memory_space<vmem_shared>> -> memref<128x128xf32, #tpu.memory_space<vmem_shared>>
      %dma_start3A_631 = arith.constant 0 : i32
      %dma_start3A_632 = tpu.memref_slice %arg11[%add3A_102, %dma_start3A_631] : memref<10240x128xf32, #tpu.memory_space<vmem_shared>> -> memref<128x128xf32, #tpu.memory_space<vmem_shared>>
      %dma_start3A_633 = arith.constant 0 : i32
      %dma_start3A_634 = arith.constant 0 : i32
      %dma_start3A_635 = tpu.memref_slice %arg8[%dma_start3A_633, %dma_start3A_634] : memref<240x128xf32, #tpu.memory_space<vmem>> -> memref<128x128xf32, #tpu.memory_space<vmem>>
      tpu.enqueue_dma source(%dma_start3A_635 : memref<128x128xf32, #tpu.memory_space<vmem>>) target(%dma_start3A_632 : memref<128x128xf32, #tpu.memory_space<vmem_shared>>) target_semaphore(%run_scoped3A : memref<!tpu.dma_semaphore, #tpu.memory_space<semaphore_mem>>)
      %dma_wait3A_636 = arith.constant 0 : i32
      %dma_wait3A_637 = arith.constant 0 : i32
      %dma_wait3A_638 = tpu.memref_slice %arg8[%dma_wait3A_636, %dma_wait3A_637] : memref<240x128xf32, #tpu.memory_space<vmem>> -> memref<128x128xf32, #tpu.memory_space<vmem>>
      %dma_wait3A_639 = arith.constant 0 : i32
      %dma_wait3A_640 = tpu.memref_slice %arg11[%add3A_102, %dma_wait3A_639] : memref<10240x128xf32, #tpu.memory_space<vmem_shared>> -> memref<128x128xf32, #tpu.memory_space<vmem_shared>>
      %dma_wait3A_641 = arith.constant 0 : i32
      %dma_wait3A_642 = tpu.memref_slice %arg11[%add3A_102, %dma_wait3A_641] : memref<10240x128xf32, #tpu.memory_space<vmem_shared>> -> memref<128x128xf32, #tpu.memory_space<vmem_shared>>
      %dma_wait3A_643 = arith.constant 0 : i32
      %dma_wait3A_644 = arith.constant 0 : i32
      %dma_wait3A_645 = tpu.memref_slice %arg8[%dma_wait3A_643, %dma_wait3A_644] : memref<240x128xf32, #tpu.memory_space<vmem>> -> memref<128x128xf32, #tpu.memory_space<vmem>>
      tpu.wait_dma2 semaphore(%run_scoped3A : memref<!tpu.dma_semaphore, #tpu.memory_space<semaphore_mem>>) src(%dma_wait3A_645 : memref<128x128xf32, #tpu.memory_space<vmem>>) dst(%dma_wait3A_642 : memref<128x128xf32, #tpu.memory_space<vmem_shared>>)
      tpu.yield
    }) : () -> ()
    %mul3A_103 = arith.constant 640 : i32
    %mul3A_104 = arith.muli %arg1, %mul3A_103 : i32
    %add3A_105 = arith.constant 384 : i32
    %add3A_106 = arith.addi %mul3A_104, %add3A_105 : i32
    "tpu.region"() ({
      %run_scoped3A = tpu.sem_alloc : memref<!tpu.dma_semaphore, #tpu.memory_space<semaphore_mem>>
      %dma_start3A_626 = arith.constant 0 : i32
      %dma_start3A_627 = arith.constant 0 : i32
      %dma_start3A_628 = tpu.memref_slice %arg8[%dma_start3A_626, %dma_start3A_627] : memref<240x128xf32, #tpu.memory_space<vmem>> -> memref<128x128xf32, #tpu.memory_space<vmem>>
      %dma_start3A_629 = arith.constant 0 : i32
      %dma_start3A_630 = tpu.memref_slice %arg11[%add3A_106, %dma_start3A_629] : memref<10240x128xf32, #tpu.memory_space<vmem_shared>> -> memref<128x128xf32, #tpu.memory_space<vmem_shared>>
      %dma_start3A_631 = arith.constant 0 : i32
      %dma_start3A_632 = tpu.memref_slice %arg11[%add3A_106, %dma_start3A_631] : memref<10240x128xf32, #tpu.memory_space<vmem_shared>> -> memref<128x128xf32, #tpu.memory_space<vmem_shared>>
      %dma_start3A_633 = arith.constant 0 : i32
      %dma_start3A_634 = arith.constant 0 : i32
      %dma_start3A_635 = tpu.memref_slice %arg8[%dma_start3A_633, %dma_start3A_634] : memref<240x128xf32, #tpu.memory_space<vmem>> -> memref<128x128xf32, #tpu.memory_space<vmem>>
      tpu.enqueue_dma source(%dma_start3A_635 : memref<128x128xf32, #tpu.memory_space<vmem>>) target(%dma_start3A_632 : memref<128x128xf32, #tpu.memory_space<vmem_shared>>) target_semaphore(%run_scoped3A : memref<!tpu.dma_semaphore, #tpu.memory_space<semaphore_mem>>)
      %dma_wait3A_636 = arith.constant 0 : i32
      %dma_wait3A_637 = arith.constant 0 : i32
      %dma_wait3A_638 = tpu.memref_slice %arg8[%dma_wait3A_636, %dma_wait3A_637] : memref<240x128xf32, #tpu.memory_space<vmem>> -> memref<128x128xf32, #tpu.memory_space<vmem>>
      %dma_wait3A_639 = arith.constant 0 : i32
      %dma_wait3A_640 = tpu.memref_slice %arg11[%add3A_106, %dma_wait3A_639] : memref<10240x128xf32, #tpu.memory_space<vmem_shared>> -> memref<128x128xf32, #tpu.memory_space<vmem_shared>>
      %dma_wait3A_641 = arith.constant 0 : i32
      %dma_wait3A_642 = tpu.memref_slice %arg11[%add3A_106, %dma_wait3A_641] : memref<10240x128xf32, #tpu.memory_space<vmem_shared>> -> memref<128x128xf32, #tpu.memory_space<vmem_shared>>
      %dma_wait3A_643 = arith.constant 0 : i32
      %dma_wait3A_644 = arith.constant 0 : i32
      %dma_wait3A_645 = tpu.memref_slice %arg8[%dma_wait3A_643, %dma_wait3A_644] : memref<240x128xf32, #tpu.memory_space<vmem>> -> memref<128x128xf32, #tpu.memory_space<vmem>>
      tpu.wait_dma2 semaphore(%run_scoped3A : memref<!tpu.dma_semaphore, #tpu.memory_space<semaphore_mem>>) src(%dma_wait3A_645 : memref<128x128xf32, #tpu.memory_space<vmem>>) dst(%dma_wait3A_642 : memref<128x128xf32, #tpu.memory_space<vmem_shared>>)
      tpu.yield
    }) : () -> ()
    %mul3A_107 = arith.constant 640 : i32
    %mul3A_108 = arith.muli %arg1, %mul3A_107 : i32
    %add3A_109 = arith.constant 512 : i32
    %add3A_110 = arith.addi %mul3A_108, %add3A_109 : i32
    "tpu.region"() ({
      %run_scoped3A = tpu.sem_alloc : memref<!tpu.dma_semaphore, #tpu.memory_space<semaphore_mem>>
      %dma_start3A_626 = arith.constant 0 : i32
      %dma_start3A_627 = arith.constant 0 : i32
      %dma_start3A_628 = tpu.memref_slice %arg8[%dma_start3A_626, %dma_start3A_627] : memref<240x128xf32, #tpu.memory_space<vmem>> -> memref<128x128xf32, #tpu.memory_space<vmem>>
      %dma_start3A_629 = arith.constant 0 : i32
      %dma_start3A_630 = tpu.memref_slice %arg11[%add3A_110, %dma_start3A_629] : memref<10240x128xf32, #tpu.memory_space<vmem_shared>> -> memref<128x128xf32, #tpu.memory_space<vmem_shared>>
      %dma_start3A_631 = arith.constant 0 : i32
      %dma_start3A_632 = tpu.memref_slice %arg11[%add3A_110, %dma_start3A_631] : memref<10240x128xf32, #tpu.memory_space<vmem_shared>> -> memref<128x128xf32, #tpu.memory_space<vmem_shared>>
      %dma_start3A_633 = arith.constant 0 : i32
      %dma_start3A_634 = arith.constant 0 : i32
      %dma_start3A_635 = tpu.memref_slice %arg8[%dma_start3A_633, %dma_start3A_634] : memref<240x128xf32, #tpu.memory_space<vmem>> -> memref<128x128xf32, #tpu.memory_space<vmem>>
      tpu.enqueue_dma source(%dma_start3A_635 : memref<128x128xf32, #tpu.memory_space<vmem>>) target(%dma_start3A_632 : memref<128x128xf32, #tpu.memory_space<vmem_shared>>) target_semaphore(%run_scoped3A : memref<!tpu.dma_semaphore, #tpu.memory_space<semaphore_mem>>)
      %dma_wait3A_636 = arith.constant 0 : i32
      %dma_wait3A_637 = arith.constant 0 : i32
      %dma_wait3A_638 = tpu.memref_slice %arg8[%dma_wait3A_636, %dma_wait3A_637] : memref<240x128xf32, #tpu.memory_space<vmem>> -> memref<128x128xf32, #tpu.memory_space<vmem>>
      %dma_wait3A_639 = arith.constant 0 : i32
      %dma_wait3A_640 = tpu.memref_slice %arg11[%add3A_110, %dma_wait3A_639] : memref<10240x128xf32, #tpu.memory_space<vmem_shared>> -> memref<128x128xf32, #tpu.memory_space<vmem_shared>>
      %dma_wait3A_641 = arith.constant 0 : i32
      %dma_wait3A_642 = tpu.memref_slice %arg11[%add3A_110, %dma_wait3A_641] : memref<10240x128xf32, #tpu.memory_space<vmem_shared>> -> memref<128x128xf32, #tpu.memory_space<vmem_shared>>
      %dma_wait3A_643 = arith.constant 0 : i32
      %dma_wait3A_644 = arith.constant 0 : i32
      %dma_wait3A_645 = tpu.memref_slice %arg8[%dma_wait3A_643, %dma_wait3A_644] : memref<240x128xf32, #tpu.memory_space<vmem>> -> memref<128x128xf32, #tpu.memory_space<vmem>>
      tpu.wait_dma2 semaphore(%run_scoped3A : memref<!tpu.dma_semaphore, #tpu.memory_space<semaphore_mem>>) src(%dma_wait3A_645 : memref<128x128xf32, #tpu.memory_space<vmem>>) dst(%dma_wait3A_642 : memref<128x128xf32, #tpu.memory_space<vmem_shared>>)
      tpu.yield
    }) : () -> ()
    %mul3A_111 = arith.constant 640 : i32
    %mul3A_112 = arith.muli %arg1, %mul3A_111 : i32
    "tpu.region"() ({
      %run_scoped3A = tpu.sem_alloc : memref<!tpu.dma_semaphore, #tpu.memory_space<semaphore_mem>>
      %dma_start3A_626 = tpu.memref_slice %arg12[%mul3A_112] : memref<10240xf32, #tpu.memory_space<vmem_shared>> -> memref<640xf32, #tpu.memory_space<vmem_shared>>
      %dma_start3A_627 = tpu.memref_slice %arg12[%mul3A_112] : memref<10240xf32, #tpu.memory_space<vmem_shared>> -> memref<640xf32, #tpu.memory_space<vmem_shared>>
      tpu.enqueue_dma source(%arg9 : memref<640xf32, #tpu.memory_space<vmem>>) target(%dma_start3A_627 : memref<640xf32, #tpu.memory_space<vmem_shared>>) target_semaphore(%run_scoped3A : memref<!tpu.dma_semaphore, #tpu.memory_space<semaphore_mem>>)
      %dma_wait3A_628 = tpu.memref_slice %arg12[%mul3A_112] : memref<10240xf32, #tpu.memory_space<vmem_shared>> -> memref<640xf32, #tpu.memory_space<vmem_shared>>
      %dma_wait3A_629 = tpu.memref_slice %arg12[%mul3A_112] : memref<10240xf32, #tpu.memory_space<vmem_shared>> -> memref<640xf32, #tpu.memory_space<vmem_shared>>
      tpu.wait_dma2 semaphore(%run_scoped3A : memref<!tpu.dma_semaphore, #tpu.memory_space<semaphore_mem>>) src(%arg9 : memref<640xf32, #tpu.memory_space<vmem>>) dst(%dma_wait3A_629 : memref<640xf32, #tpu.memory_space<vmem_shared>>)
      tpu.yield
    }) : () -> ()
    %barrier3A = arith.constant 0 : index
    tpu.barrier barrier_id(%barrier3A)
    %mul3A_113 = arith.constant 10000 : i32
    %mul3A_114 = arith.muli %add3A, %mul3A_113 : i32
    %add3A_115 = arith.constant 0 : i32
    %add3A_116 = arith.addi %mul3A_114, %add3A_115 : i32
    %multiple_of3A_117 = tpu.assume_multiple %add3A_116, 8 : i32
    %dma_wait3A = arith.constant 0 : i32
    %dma_wait3A_118 = arith.constant 0 : i32
    %dma_wait3A_119 = arith.constant 0 : i32
    %dma_wait3A_120 = tpu.memref_slice %arg6[%dma_wait3A, %dma_wait3A_119] : memref<4x80xi32, #tpu.memory_space<vmem>> -> memref<1x80xi32, #tpu.memory_space<vmem>>
    %dma_wait3A_121 = tpu.memref_squeeze %dma_wait3A_120 : memref<1x80xi32, #tpu.memory_space<vmem>> -> memref<80xi32, #tpu.memory_space<vmem>>
    %dma_wait3A_122 = tpu.memref_slice %arg3[%multiple_of3A_117] : memref<640000xi32, #tpu.memory_space<hbm>> -> memref<80xi32, #tpu.memory_space<hbm>>
    %dma_wait3A_123 = tpu.memref_slice %arg14[%dma_wait3A_118] : memref<4x!tpu.dma_semaphore, #tpu.memory_space<semaphore_mem>> -> memref<1x!tpu.dma_semaphore, #tpu.memory_space<semaphore_mem>>
    %dma_wait3A_124 = tpu.memref_squeeze %dma_wait3A_123 : memref<1x!tpu.dma_semaphore, #tpu.memory_space<semaphore_mem>> -> memref<!tpu.dma_semaphore, #tpu.memory_space<semaphore_mem>>
    %dma_wait3A_125 = arith.constant 0 : i32
    %dma_wait3A_126 = tpu.memref_slice %arg6[%dma_wait3A, %dma_wait3A_125] : memref<4x80xi32, #tpu.memory_space<vmem>> -> memref<1x80xi32, #tpu.memory_space<vmem>>
    %dma_wait3A_127 = tpu.memref_squeeze %dma_wait3A_126 : memref<1x80xi32, #tpu.memory_space<vmem>> -> memref<80xi32, #tpu.memory_space<vmem>>
    %dma_wait3A_128 = tpu.memref_slice %arg3[%multiple_of3A_117] : memref<640000xi32, #tpu.memory_space<hbm>> -> memref<80xi32, #tpu.memory_space<hbm>>
    tpu.wait_dma2 semaphore(%dma_wait3A_124 : memref<!tpu.dma_semaphore, #tpu.memory_space<semaphore_mem>>) src(%dma_wait3A_128 : memref<80xi32, #tpu.memory_space<hbm>>) dst(%dma_wait3A_127 : memref<80xi32, #tpu.memory_space<vmem>>)
    %dma_wait3A_129 = arith.constant 0 : i32
    %dma_wait3A_130 = arith.constant 0 : i32
    %dma_wait3A_131 = arith.constant 0 : i32
    %dma_wait3A_132 = tpu.memref_slice %arg7[%dma_wait3A_129, %dma_wait3A_131] : memref<4x80xi32, #tpu.memory_space<vmem>> -> memref<1x80xi32, #tpu.memory_space<vmem>>
    %dma_wait3A_133 = tpu.memref_squeeze %dma_wait3A_132 : memref<1x80xi32, #tpu.memory_space<vmem>> -> memref<80xi32, #tpu.memory_space<vmem>>
    %dma_wait3A_134 = tpu.memref_slice %arg3[%multiple_of3A_117] : memref<640000xi32, #tpu.memory_space<hbm>> -> memref<80xi32, #tpu.memory_space<hbm>>
    %dma_wait3A_135 = tpu.memref_slice %arg14[%dma_wait3A_130] : memref<4x!tpu.dma_semaphore, #tpu.memory_space<semaphore_mem>> -> memref<1x!tpu.dma_semaphore, #tpu.memory_space<semaphore_mem>>
    %dma_wait3A_136 = tpu.memref_squeeze %dma_wait3A_135 : memref<1x!tpu.dma_semaphore, #tpu.memory_space<semaphore_mem>> -> memref<!tpu.dma_semaphore, #tpu.memory_space<semaphore_mem>>
    %dma_wait3A_137 = arith.constant 0 : i32
    %dma_wait3A_138 = tpu.memref_slice %arg7[%dma_wait3A_129, %dma_wait3A_137] : memref<4x80xi32, #tpu.memory_space<vmem>> -> memref<1x80xi32, #tpu.memory_space<vmem>>
    %dma_wait3A_139 = tpu.memref_squeeze %dma_wait3A_138 : memref<1x80xi32, #tpu.memory_space<vmem>> -> memref<80xi32, #tpu.memory_space<vmem>>
    %dma_wait3A_140 = tpu.memref_slice %arg3[%multiple_of3A_117] : memref<640000xi32, #tpu.memory_space<hbm>> -> memref<80xi32, #tpu.memory_space<hbm>>
    tpu.wait_dma2 semaphore(%dma_wait3A_136 : memref<!tpu.dma_semaphore, #tpu.memory_space<semaphore_mem>>) src(%dma_wait3A_140 : memref<80xi32, #tpu.memory_space<hbm>>) dst(%dma_wait3A_139 : memref<80xi32, #tpu.memory_space<vmem>>)
    %dma_start3A_141 = arith.constant 0 : i32
    %dma_start3A_142 = arith.constant 0 : i32
    %dma_start3A_143 = arith.constant 0 : i32
    %dma_start3A_144 = arith.constant 0 : i32
    %dma_start3A_145 = tpu.memref_slice %arg8[%dma_start3A_143, %dma_start3A_144] : memref<240x128xf32, #tpu.memory_space<vmem>> -> memref<80x128xf32, #tpu.memory_space<vmem>>
    %dma_start3A_146 = arith.constant 0 : i32
    %dma_start3A_147 = tpu.memref_slice %arg6[%dma_start3A_141, %dma_start3A_146] : memref<4x80xi32, #tpu.memory_space<vmem>> -> memref<1x80xi32, #tpu.memory_space<vmem>>
    %dma_start3A_148 = tpu.memref_squeeze %dma_start3A_147 : memref<1x80xi32, #tpu.memory_space<vmem>> -> memref<80xi32, #tpu.memory_space<vmem>>
    %dma_start3A_149 = arith.constant 0 : i32
    %dma_start3A_150 = arith.constant 0 : i32
    %dma_start3A_151 = tpu.memref_slice %arg2[%dma_start3A_149, %dma_start3A_150] : memref<10000x128xf32, #tpu.memory_space<hbm>> -> memref<10000x128xf32, #tpu.memory_space<hbm>>
    %dma_start3A_152 = tpu.memref_slice %arg13[%dma_start3A_142] : memref<3x!tpu.dma_semaphore, #tpu.memory_space<semaphore_mem>> -> memref<1x!tpu.dma_semaphore, #tpu.memory_space<semaphore_mem>>
    %dma_start3A_153 = tpu.memref_squeeze %dma_start3A_152 : memref<1x!tpu.dma_semaphore, #tpu.memory_space<semaphore_mem>> -> memref<!tpu.dma_semaphore, #tpu.memory_space<semaphore_mem>>
    tpu.enqueue_indirect_dma source(%dma_start3A_151 : memref<10000x128xf32, #tpu.memory_space<hbm>>) target(%dma_start3A_145 : memref<80x128xf32, #tpu.memory_space<vmem>>) offsets(%dma_start3A_148 : memref<80xi32, #tpu.memory_space<vmem>>) semaphore(%dma_start3A_153 : memref<!tpu.dma_semaphore, #tpu.memory_space<semaphore_mem>>)
    %mul3A_154 = arith.constant 10000 : i32
    %mul3A_155 = arith.muli %add3A, %mul3A_154 : i32
    %add3A_156 = arith.constant 160 : i32
    %add3A_157 = arith.addi %mul3A_155, %add3A_156 : i32
    %multiple_of3A_158 = tpu.assume_multiple %add3A_157, 8 : i32
    %dma_start3A_159 = arith.constant 2 : i32
    %dma_start3A_160 = arith.constant 2 : i32
    %dma_start3A_161 = arith.constant 0 : i32
    %dma_start3A_162 = tpu.memref_slice %arg6[%dma_start3A_159, %dma_start3A_161] : memref<4x80xi32, #tpu.memory_space<vmem>> -> memref<1x80xi32, #tpu.memory_space<vmem>>
    %dma_start3A_163 = tpu.memref_squeeze %dma_start3A_162 : memref<1x80xi32, #tpu.memory_space<vmem>> -> memref<80xi32, #tpu.memory_space<vmem>>
    %dma_start3A_164 = tpu.memref_slice %arg3[%multiple_of3A_158] : memref<640000xi32, #tpu.memory_space<hbm>> -> memref<80xi32, #tpu.memory_space<hbm>>
    %dma_start3A_165 = tpu.memref_slice %arg14[%dma_start3A_160] : memref<4x!tpu.dma_semaphore, #tpu.memory_space<semaphore_mem>> -> memref<1x!tpu.dma_semaphore, #tpu.memory_space<semaphore_mem>>
    %dma_start3A_166 = tpu.memref_squeeze %dma_start3A_165 : memref<1x!tpu.dma_semaphore, #tpu.memory_space<semaphore_mem>> -> memref<!tpu.dma_semaphore, #tpu.memory_space<semaphore_mem>>
    %dma_start3A_167 = arith.constant 0 : i32
    %dma_start3A_168 = tpu.memref_slice %arg6[%dma_start3A_159, %dma_start3A_167] : memref<4x80xi32, #tpu.memory_space<vmem>> -> memref<1x80xi32, #tpu.memory_space<vmem>>
    %dma_start3A_169 = tpu.memref_squeeze %dma_start3A_168 : memref<1x80xi32, #tpu.memory_space<vmem>> -> memref<80xi32, #tpu.memory_space<vmem>>
    %dma_start3A_170 = tpu.memref_slice %arg3[%multiple_of3A_158] : memref<640000xi32, #tpu.memory_space<hbm>> -> memref<80xi32, #tpu.memory_space<hbm>>
    tpu.enqueue_dma source(%dma_start3A_170 : memref<80xi32, #tpu.memory_space<hbm>>) target(%dma_start3A_169 : memref<80xi32, #tpu.memory_space<vmem>>) target_semaphore(%dma_start3A_166 : memref<!tpu.dma_semaphore, #tpu.memory_space<semaphore_mem>>)
    %mul3A_171 = arith.constant 10000 : i32
    %mul3A_172 = arith.muli %add3A, %mul3A_171 : i32
    %add3A_173 = arith.constant 320000 : i32
    %add3A_174 = arith.addi %add3A_173, %mul3A_172 : i32
    %add3A_175 = arith.constant 160 : i32
    %add3A_176 = arith.addi %add3A_174, %add3A_175 : i32
    %multiple_of3A_177 = tpu.assume_multiple %add3A_176, 8 : i32
    %dma_start3A_178 = arith.constant 2 : i32
    %dma_start3A_179 = arith.constant 2 : i32
    %dma_start3A_180 = arith.constant 0 : i32
    %dma_start3A_181 = tpu.memref_slice %arg7[%dma_start3A_178, %dma_start3A_180] : memref<4x80xi32, #tpu.memory_space<vmem>> -> memref<1x80xi32, #tpu.memory_space<vmem>>
    %dma_start3A_182 = tpu.memref_squeeze %dma_start3A_181 : memref<1x80xi32, #tpu.memory_space<vmem>> -> memref<80xi32, #tpu.memory_space<vmem>>
    %dma_start3A_183 = tpu.memref_slice %arg3[%multiple_of3A_177] : memref<640000xi32, #tpu.memory_space<hbm>> -> memref<80xi32, #tpu.memory_space<hbm>>
    %dma_start3A_184 = tpu.memref_slice %arg14[%dma_start3A_179] : memref<4x!tpu.dma_semaphore, #tpu.memory_space<semaphore_mem>> -> memref<1x!tpu.dma_semaphore, #tpu.memory_space<semaphore_mem>>
    %dma_start3A_185 = tpu.memref_squeeze %dma_start3A_184 : memref<1x!tpu.dma_semaphore, #tpu.memory_space<semaphore_mem>> -> memref<!tpu.dma_semaphore, #tpu.memory_space<semaphore_mem>>
    %dma_start3A_186 = arith.constant 0 : i32
    %dma_start3A_187 = tpu.memref_slice %arg7[%dma_start3A_178, %dma_start3A_186] : memref<4x80xi32, #tpu.memory_space<vmem>> -> memref<1x80xi32, #tpu.memory_space<vmem>>
    %dma_start3A_188 = tpu.memref_squeeze %dma_start3A_187 : memref<1x80xi32, #tpu.memory_space<vmem>> -> memref<80xi32, #tpu.memory_space<vmem>>
    %dma_start3A_189 = tpu.memref_slice %arg3[%multiple_of3A_177] : memref<640000xi32, #tpu.memory_space<hbm>> -> memref<80xi32, #tpu.memory_space<hbm>>
    tpu.enqueue_dma source(%dma_start3A_189 : memref<80xi32, #tpu.memory_space<hbm>>) target(%dma_start3A_188 : memref<80xi32, #tpu.memory_space<vmem>>) target_semaphore(%dma_start3A_185 : memref<!tpu.dma_semaphore, #tpu.memory_space<semaphore_mem>>)
    %mul3A_190 = arith.constant 10000 : i32
    %mul3A_191 = arith.muli %add3A, %mul3A_190 : i32
    %add3A_192 = arith.constant 80 : i32
    %add3A_193 = arith.addi %mul3A_191, %add3A_192 : i32
    %multiple_of3A_194 = tpu.assume_multiple %add3A_193, 8 : i32
    %dma_wait3A_195 = arith.constant 1 : i32
    %dma_wait3A_196 = arith.constant 1 : i32
    %dma_wait3A_197 = arith.constant 0 : i32
    %dma_wait3A_198 = tpu.memref_slice %arg6[%dma_wait3A_195, %dma_wait3A_197] : memref<4x80xi32, #tpu.memory_space<vmem>> -> memref<1x80xi32, #tpu.memory_space<vmem>>
    %dma_wait3A_199 = tpu.memref_squeeze %dma_wait3A_198 : memref<1x80xi32, #tpu.memory_space<vmem>> -> memref<80xi32, #tpu.memory_space<vmem>>
    %dma_wait3A_200 = tpu.memref_slice %arg3[%multiple_of3A_194] : memref<640000xi32, #tpu.memory_space<hbm>> -> memref<80xi32, #tpu.memory_space<hbm>>
    %dma_wait3A_201 = tpu.memref_slice %arg14[%dma_wait3A_196] : memref<4x!tpu.dma_semaphore, #tpu.memory_space<semaphore_mem>> -> memref<1x!tpu.dma_semaphore, #tpu.memory_space<semaphore_mem>>
    %dma_wait3A_202 = tpu.memref_squeeze %dma_wait3A_201 : memref<1x!tpu.dma_semaphore, #tpu.memory_space<semaphore_mem>> -> memref<!tpu.dma_semaphore, #tpu.memory_space<semaphore_mem>>
    %dma_wait3A_203 = arith.constant 0 : i32
    %dma_wait3A_204 = tpu.memref_slice %arg6[%dma_wait3A_195, %dma_wait3A_203] : memref<4x80xi32, #tpu.memory_space<vmem>> -> memref<1x80xi32, #tpu.memory_space<vmem>>
    %dma_wait3A_205 = tpu.memref_squeeze %dma_wait3A_204 : memref<1x80xi32, #tpu.memory_space<vmem>> -> memref<80xi32, #tpu.memory_space<vmem>>
    %dma_wait3A_206 = tpu.memref_slice %arg3[%multiple_of3A_194] : memref<640000xi32, #tpu.memory_space<hbm>> -> memref<80xi32, #tpu.memory_space<hbm>>
    tpu.wait_dma2 semaphore(%dma_wait3A_202 : memref<!tpu.dma_semaphore, #tpu.memory_space<semaphore_mem>>) src(%dma_wait3A_206 : memref<80xi32, #tpu.memory_space<hbm>>) dst(%dma_wait3A_205 : memref<80xi32, #tpu.memory_space<vmem>>)
    %dma_wait3A_207 = arith.constant 1 : i32
    %dma_wait3A_208 = arith.constant 1 : i32
    %dma_wait3A_209 = arith.constant 0 : i32
    %dma_wait3A_210 = tpu.memref_slice %arg7[%dma_wait3A_207, %dma_wait3A_209] : memref<4x80xi32, #tpu.memory_space<vmem>> -> memref<1x80xi32, #tpu.memory_space<vmem>>
    %dma_wait3A_211 = tpu.memref_squeeze %dma_wait3A_210 : memref<1x80xi32, #tpu.memory_space<vmem>> -> memref<80xi32, #tpu.memory_space<vmem>>
    %dma_wait3A_212 = tpu.memref_slice %arg3[%multiple_of3A_194] : memref<640000xi32, #tpu.memory_space<hbm>> -> memref<80xi32, #tpu.memory_space<hbm>>
    %dma_wait3A_213 = tpu.memref_slice %arg14[%dma_wait3A_208] : memref<4x!tpu.dma_semaphore, #tpu.memory_space<semaphore_mem>> -> memref<1x!tpu.dma_semaphore, #tpu.memory_space<semaphore_mem>>
    %dma_wait3A_214 = tpu.memref_squeeze %dma_wait3A_213 : memref<1x!tpu.dma_semaphore, #tpu.memory_space<semaphore_mem>> -> memref<!tpu.dma_semaphore, #tpu.memory_space<semaphore_mem>>
    %dma_wait3A_215 = arith.constant 0 : i32
    %dma_wait3A_216 = tpu.memref_slice %arg7[%dma_wait3A_207, %dma_wait3A_215] : memref<4x80xi32, #tpu.memory_space<vmem>> -> memref<1x80xi32, #tpu.memory_space<vmem>>
    %dma_wait3A_217 = tpu.memref_squeeze %dma_wait3A_216 : memref<1x80xi32, #tpu.memory_space<vmem>> -> memref<80xi32, #tpu.memory_space<vmem>>
    %dma_wait3A_218 = tpu.memref_slice %arg3[%multiple_of3A_194] : memref<640000xi32, #tpu.memory_space<hbm>> -> memref<80xi32, #tpu.memory_space<hbm>>
    tpu.wait_dma2 semaphore(%dma_wait3A_214 : memref<!tpu.dma_semaphore, #tpu.memory_space<semaphore_mem>>) src(%dma_wait3A_218 : memref<80xi32, #tpu.memory_space<hbm>>) dst(%dma_wait3A_217 : memref<80xi32, #tpu.memory_space<vmem>>)
    %dma_start3A_219 = arith.constant 1 : i32
    %dma_start3A_220 = arith.constant 1 : i32
    %dma_start3A_221 = arith.constant 80 : i32
    %dma_start3A_222 = arith.constant 0 : i32
    %dma_start3A_223 = tpu.memref_slice %arg8[%dma_start3A_221, %dma_start3A_222] : memref<240x128xf32, #tpu.memory_space<vmem>> -> memref<80x128xf32, #tpu.memory_space<vmem>>
    %dma_start3A_224 = arith.constant 0 : i32
    %dma_start3A_225 = tpu.memref_slice %arg6[%dma_start3A_219, %dma_start3A_224] : memref<4x80xi32, #tpu.memory_space<vmem>> -> memref<1x80xi32, #tpu.memory_space<vmem>>
    %dma_start3A_226 = tpu.memref_squeeze %dma_start3A_225 : memref<1x80xi32, #tpu.memory_space<vmem>> -> memref<80xi32, #tpu.memory_space<vmem>>
    %dma_start3A_227 = arith.constant 0 : i32
    %dma_start3A_228 = arith.constant 0 : i32
    %dma_start3A_229 = tpu.memref_slice %arg2[%dma_start3A_227, %dma_start3A_228] : memref<10000x128xf32, #tpu.memory_space<hbm>> -> memref<10000x128xf32, #tpu.memory_space<hbm>>
    %dma_start3A_230 = tpu.memref_slice %arg13[%dma_start3A_220] : memref<3x!tpu.dma_semaphore, #tpu.memory_space<semaphore_mem>> -> memref<1x!tpu.dma_semaphore, #tpu.memory_space<semaphore_mem>>
    %dma_start3A_231 = tpu.memref_squeeze %dma_start3A_230 : memref<1x!tpu.dma_semaphore, #tpu.memory_space<semaphore_mem>> -> memref<!tpu.dma_semaphore, #tpu.memory_space<semaphore_mem>>
    tpu.enqueue_indirect_dma source(%dma_start3A_229 : memref<10000x128xf32, #tpu.memory_space<hbm>>) target(%dma_start3A_223 : memref<80x128xf32, #tpu.memory_space<vmem>>) offsets(%dma_start3A_226 : memref<80xi32, #tpu.memory_space<vmem>>) semaphore(%dma_start3A_231 : memref<!tpu.dma_semaphore, #tpu.memory_space<semaphore_mem>>)
    %dma_wait3A_232 = arith.constant 0 : i32
    %dma_wait3A_233 = arith.constant 0 : i32
    %dma_wait3A_234 = arith.constant 0 : i32
    %dma_wait3A_235 = arith.constant 0 : i32
    %dma_wait3A_236 = tpu.memref_slice %arg8[%dma_wait3A_234, %dma_wait3A_235] : memref<240x128xf32, #tpu.memory_space<vmem>> -> memref<80x128xf32, #tpu.memory_space<vmem>>
    %dma_wait3A_237 = arith.constant 0 : i32
    %dma_wait3A_238 = tpu.memref_slice %arg6[%dma_wait3A_232, %dma_wait3A_237] : memref<4x80xi32, #tpu.memory_space<vmem>> -> memref<1x80xi32, #tpu.memory_space<vmem>>
    %dma_wait3A_239 = tpu.memref_squeeze %dma_wait3A_238 : memref<1x80xi32, #tpu.memory_space<vmem>> -> memref<80xi32, #tpu.memory_space<vmem>>
    %dma_wait3A_240 = arith.constant 0 : i32
    %dma_wait3A_241 = arith.constant 0 : i32
    %dma_wait3A_242 = tpu.memref_slice %arg2[%dma_wait3A_240, %dma_wait3A_241] : memref<10000x128xf32, #tpu.memory_space<hbm>> -> memref<10000x128xf32, #tpu.memory_space<hbm>>
    %dma_wait3A_243 = tpu.memref_slice %arg13[%dma_wait3A_233] : memref<3x!tpu.dma_semaphore, #tpu.memory_space<semaphore_mem>> -> memref<1x!tpu.dma_semaphore, #tpu.memory_space<semaphore_mem>>
    %dma_wait3A_244 = tpu.memref_squeeze %dma_wait3A_243 : memref<1x!tpu.dma_semaphore, #tpu.memory_space<semaphore_mem>> -> memref<!tpu.dma_semaphore, #tpu.memory_space<semaphore_mem>>
    tpu.wait_indirect_dma semaphore(%dma_wait3A_244 : memref<!tpu.dma_semaphore, #tpu.memory_space<semaphore_mem>>) src(%dma_wait3A_242 : memref<10000x128xf32, #tpu.memory_space<hbm>>) dst(%dma_wait3A_236 : memref<80x128xf32, #tpu.memory_space<vmem>>)
    %dma_start3A_245 = arith.constant 0 : i32
    %dma_start3A_246 = arith.constant 0 : i32
    %dma_start3A_247 = arith.constant 0 : i32
    %dma_start3A_248 = arith.constant 0 : i32
    %dma_start3A_249 = tpu.memref_slice %arg8[%dma_start3A_247, %dma_start3A_248] : memref<240x128xf32, #tpu.memory_space<vmem>> -> memref<80x128xf32, #tpu.memory_space<vmem>>
    %dma_start3A_250 = arith.constant 0 : i32
    %dma_start3A_251 = tpu.memref_slice %arg7[%dma_start3A_245, %dma_start3A_250] : memref<4x80xi32, #tpu.memory_space<vmem>> -> memref<1x80xi32, #tpu.memory_space<vmem>>
    %dma_start3A_252 = tpu.memref_squeeze %dma_start3A_251 : memref<1x80xi32, #tpu.memory_space<vmem>> -> memref<80xi32, #tpu.memory_space<vmem>>
    %dma_start3A_253 = arith.constant 0 : i32
    %dma_start3A_254 = arith.constant 0 : i32
    %dma_start3A_255 = tpu.memref_slice %arg11[%dma_start3A_253, %dma_start3A_254] : memref<10240x128xf32, #tpu.memory_space<vmem_shared>> -> memref<10240x128xf32, #tpu.memory_space<vmem_shared>>
    %dma_start3A_256 = tpu.memref_slice %arg15[%dma_start3A_246] : memref<3x!tpu.dma_semaphore, #tpu.memory_space<semaphore_mem>> -> memref<1x!tpu.dma_semaphore, #tpu.memory_space<semaphore_mem>>
    %dma_start3A_257 = tpu.memref_squeeze %dma_start3A_256 : memref<1x!tpu.dma_semaphore, #tpu.memory_space<semaphore_mem>> -> memref<!tpu.dma_semaphore, #tpu.memory_space<semaphore_mem>>
    tpu.enqueue_indirect_dma source(%dma_start3A_249 : memref<80x128xf32, #tpu.memory_space<vmem>>) target(%dma_start3A_255 : memref<10240x128xf32, #tpu.memory_space<vmem_shared>>) offsets(%dma_start3A_252 : memref<80xi32, #tpu.memory_space<vmem>>) semaphore(%dma_start3A_257 : memref<!tpu.dma_semaphore, #tpu.memory_space<semaphore_mem>>) {add = true}
    %dma_start3A_258 = arith.constant 0 : i32
    %dma_start3A_259 = arith.constant 0 : i32
    %dma_start3A_260 = arith.constant 0 : i32
    %dma_start3A_261 = tpu.memref_slice %arg10[%dma_start3A_260] : memref<128xf32, #tpu.memory_space<vmem>> -> memref<80xf32, #tpu.memory_space<vmem>>
    %dma_start3A_262 = arith.constant 0 : i32
    %dma_start3A_263 = tpu.memref_slice %arg7[%dma_start3A_258, %dma_start3A_262] : memref<4x80xi32, #tpu.memory_space<vmem>> -> memref<1x80xi32, #tpu.memory_space<vmem>>
    %dma_start3A_264 = tpu.memref_squeeze %dma_start3A_263 : memref<1x80xi32, #tpu.memory_space<vmem>> -> memref<80xi32, #tpu.memory_space<vmem>>
    %dma_start3A_265 = arith.constant 0 : i32
    %dma_start3A_266 = tpu.memref_slice %arg12[%dma_start3A_265] : memref<10240xf32, #tpu.memory_space<vmem_shared>> -> memref<10240xf32, #tpu.memory_space<vmem_shared>>
    %dma_start3A_267 = tpu.memref_slice %arg16[%dma_start3A_259] : memref<3x!tpu.dma_semaphore, #tpu.memory_space<semaphore_mem>> -> memref<1x!tpu.dma_semaphore, #tpu.memory_space<semaphore_mem>>
    %dma_start3A_268 = tpu.memref_squeeze %dma_start3A_267 : memref<1x!tpu.dma_semaphore, #tpu.memory_space<semaphore_mem>> -> memref<!tpu.dma_semaphore, #tpu.memory_space<semaphore_mem>>
    tpu.enqueue_indirect_dma source(%dma_start3A_261 : memref<80xf32, #tpu.memory_space<vmem>>) target(%dma_start3A_266 : memref<10240xf32, #tpu.memory_space<vmem_shared>>) offsets(%dma_start3A_264 : memref<80xi32, #tpu.memory_space<vmem>>) semaphore(%dma_start3A_268 : memref<!tpu.dma_semaphore, #tpu.memory_space<semaphore_mem>>) {add = true}
    %mul3A_269 = arith.constant 10000 : i32
    %mul3A_270 = arith.muli %add3A, %mul3A_269 : i32
    %add3A_271 = arith.constant 240 : i32
    %add3A_272 = arith.addi %mul3A_270, %add3A_271 : i32
    %multiple_of3A_273 = tpu.assume_multiple %add3A_272, 8 : i32
    %dma_start3A_274 = arith.constant 3 : i32
    %dma_start3A_275 = arith.constant 3 : i32
    %dma_start3A_276 = arith.constant 0 : i32
    %dma_start3A_277 = tpu.memref_slice %arg6[%dma_start3A_274, %dma_start3A_276] : memref<4x80xi32, #tpu.memory_space<vmem>> -> memref<1x80xi32, #tpu.memory_space<vmem>>
    %dma_start3A_278 = tpu.memref_squeeze %dma_start3A_277 : memref<1x80xi32, #tpu.memory_space<vmem>> -> memref<80xi32, #tpu.memory_space<vmem>>
    %dma_start3A_279 = tpu.memref_slice %arg3[%multiple_of3A_273] : memref<640000xi32, #tpu.memory_space<hbm>> -> memref<80xi32, #tpu.memory_space<hbm>>
    %dma_start3A_280 = tpu.memref_slice %arg14[%dma_start3A_275] : memref<4x!tpu.dma_semaphore, #tpu.memory_space<semaphore_mem>> -> memref<1x!tpu.dma_semaphore, #tpu.memory_space<semaphore_mem>>
    %dma_start3A_281 = tpu.memref_squeeze %dma_start3A_280 : memref<1x!tpu.dma_semaphore, #tpu.memory_space<semaphore_mem>> -> memref<!tpu.dma_semaphore, #tpu.memory_space<semaphore_mem>>
    %dma_start3A_282 = arith.constant 0 : i32
    %dma_start3A_283 = tpu.memref_slice %arg6[%dma_start3A_274, %dma_start3A_282] : memref<4x80xi32, #tpu.memory_space<vmem>> -> memref<1x80xi32, #tpu.memory_space<vmem>>
    %dma_start3A_284 = tpu.memref_squeeze %dma_start3A_283 : memref<1x80xi32, #tpu.memory_space<vmem>> -> memref<80xi32, #tpu.memory_space<vmem>>
    %dma_start3A_285 = tpu.memref_slice %arg3[%multiple_of3A_273] : memref<640000xi32, #tpu.memory_space<hbm>> -> memref<80xi32, #tpu.memory_space<hbm>>
    tpu.enqueue_dma source(%dma_start3A_285 : memref<80xi32, #tpu.memory_space<hbm>>) target(%dma_start3A_284 : memref<80xi32, #tpu.memory_space<vmem>>) target_semaphore(%dma_start3A_281 : memref<!tpu.dma_semaphore, #tpu.memory_space<semaphore_mem>>)
    %mul3A_286 = arith.constant 10000 : i32
    %mul3A_287 = arith.muli %add3A, %mul3A_286 : i32
    %add3A_288 = arith.constant 320000 : i32
    %add3A_289 = arith.addi %add3A_288, %mul3A_287 : i32
    %add3A_290 = arith.constant 240 : i32
    %add3A_291 = arith.addi %add3A_289, %add3A_290 : i32
    %multiple_of3A_292 = tpu.assume_multiple %add3A_291, 8 : i32
    %dma_start3A_293 = arith.constant 3 : i32
    %dma_start3A_294 = arith.constant 3 : i32
    %dma_start3A_295 = arith.constant 0 : i32
    %dma_start3A_296 = tpu.memref_slice %arg7[%dma_start3A_293, %dma_start3A_295] : memref<4x80xi32, #tpu.memory_space<vmem>> -> memref<1x80xi32, #tpu.memory_space<vmem>>
    %dma_start3A_297 = tpu.memref_squeeze %dma_start3A_296 : memref<1x80xi32, #tpu.memory_space<vmem>> -> memref<80xi32, #tpu.memory_space<vmem>>
    %dma_start3A_298 = tpu.memref_slice %arg3[%multiple_of3A_292] : memref<640000xi32, #tpu.memory_space<hbm>> -> memref<80xi32, #tpu.memory_space<hbm>>
    %dma_start3A_299 = tpu.memref_slice %arg14[%dma_start3A_294] : memref<4x!tpu.dma_semaphore, #tpu.memory_space<semaphore_mem>> -> memref<1x!tpu.dma_semaphore, #tpu.memory_space<semaphore_mem>>
    %dma_start3A_300 = tpu.memref_squeeze %dma_start3A_299 : memref<1x!tpu.dma_semaphore, #tpu.memory_space<semaphore_mem>> -> memref<!tpu.dma_semaphore, #tpu.memory_space<semaphore_mem>>
    %dma_start3A_301 = arith.constant 0 : i32
    %dma_start3A_302 = tpu.memref_slice %arg7[%dma_start3A_293, %dma_start3A_301] : memref<4x80xi32, #tpu.memory_space<vmem>> -> memref<1x80xi32, #tpu.memory_space<vmem>>
    %dma_start3A_303 = tpu.memref_squeeze %dma_start3A_302 : memref<1x80xi32, #tpu.memory_space<vmem>> -> memref<80xi32, #tpu.memory_space<vmem>>
    %dma_start3A_304 = tpu.memref_slice %arg3[%multiple_of3A_292] : memref<640000xi32, #tpu.memory_space<hbm>> -> memref<80xi32, #tpu.memory_space<hbm>>
    tpu.enqueue_dma source(%dma_start3A_304 : memref<80xi32, #tpu.memory_space<hbm>>) target(%dma_start3A_303 : memref<80xi32, #tpu.memory_space<vmem>>) target_semaphore(%dma_start3A_300 : memref<!tpu.dma_semaphore, #tpu.memory_space<semaphore_mem>>)
    %mul3A_305 = arith.constant 10000 : i32
    %mul3A_306 = arith.muli %add3A, %mul3A_305 : i32
    %add3A_307 = arith.constant 160 : i32
    %add3A_308 = arith.addi %mul3A_306, %add3A_307 : i32
    %multiple_of3A_309 = tpu.assume_multiple %add3A_308, 8 : i32
    %dma_wait3A_310 = arith.constant 2 : i32
    %dma_wait3A_311 = arith.constant 2 : i32
    %dma_wait3A_312 = arith.constant 0 : i32
    %dma_wait3A_313 = tpu.memref_slice %arg6[%dma_wait3A_310, %dma_wait3A_312] : memref<4x80xi32, #tpu.memory_space<vmem>> -> memref<1x80xi32, #tpu.memory_space<vmem>>
    %dma_wait3A_314 = tpu.memref_squeeze %dma_wait3A_313 : memref<1x80xi32, #tpu.memory_space<vmem>> -> memref<80xi32, #tpu.memory_space<vmem>>
    %dma_wait3A_315 = tpu.memref_slice %arg3[%multiple_of3A_309] : memref<640000xi32, #tpu.memory_space<hbm>> -> memref<80xi32, #tpu.memory_space<hbm>>
    %dma_wait3A_316 = tpu.memref_slice %arg14[%dma_wait3A_311] : memref<4x!tpu.dma_semaphore, #tpu.memory_space<semaphore_mem>> -> memref<1x!tpu.dma_semaphore, #tpu.memory_space<semaphore_mem>>
    %dma_wait3A_317 = tpu.memref_squeeze %dma_wait3A_316 : memref<1x!tpu.dma_semaphore, #tpu.memory_space<semaphore_mem>> -> memref<!tpu.dma_semaphore, #tpu.memory_space<semaphore_mem>>
    %dma_wait3A_318 = arith.constant 0 : i32
    %dma_wait3A_319 = tpu.memref_slice %arg6[%dma_wait3A_310, %dma_wait3A_318] : memref<4x80xi32, #tpu.memory_space<vmem>> -> memref<1x80xi32, #tpu.memory_space<vmem>>
    %dma_wait3A_320 = tpu.memref_squeeze %dma_wait3A_319 : memref<1x80xi32, #tpu.memory_space<vmem>> -> memref<80xi32, #tpu.memory_space<vmem>>
    %dma_wait3A_321 = tpu.memref_slice %arg3[%multiple_of3A_309] : memref<640000xi32, #tpu.memory_space<hbm>> -> memref<80xi32, #tpu.memory_space<hbm>>
    tpu.wait_dma2 semaphore(%dma_wait3A_317 : memref<!tpu.dma_semaphore, #tpu.memory_space<semaphore_mem>>) src(%dma_wait3A_321 : memref<80xi32, #tpu.memory_space<hbm>>) dst(%dma_wait3A_320 : memref<80xi32, #tpu.memory_space<vmem>>)
    %dma_wait3A_322 = arith.constant 2 : i32
    %dma_wait3A_323 = arith.constant 2 : i32
    %dma_wait3A_324 = arith.constant 0 : i32
    %dma_wait3A_325 = tpu.memref_slice %arg7[%dma_wait3A_322, %dma_wait3A_324] : memref<4x80xi32, #tpu.memory_space<vmem>> -> memref<1x80xi32, #tpu.memory_space<vmem>>
    %dma_wait3A_326 = tpu.memref_squeeze %dma_wait3A_325 : memref<1x80xi32, #tpu.memory_space<vmem>> -> memref<80xi32, #tpu.memory_space<vmem>>
    %dma_wait3A_327 = tpu.memref_slice %arg3[%multiple_of3A_309] : memref<640000xi32, #tpu.memory_space<hbm>> -> memref<80xi32, #tpu.memory_space<hbm>>
    %dma_wait3A_328 = tpu.memref_slice %arg14[%dma_wait3A_323] : memref<4x!tpu.dma_semaphore, #tpu.memory_space<semaphore_mem>> -> memref<1x!tpu.dma_semaphore, #tpu.memory_space<semaphore_mem>>
    %dma_wait3A_329 = tpu.memref_squeeze %dma_wait3A_328 : memref<1x!tpu.dma_semaphore, #tpu.memory_space<semaphore_mem>> -> memref<!tpu.dma_semaphore, #tpu.memory_space<semaphore_mem>>
    %dma_wait3A_330 = arith.constant 0 : i32
    %dma_wait3A_331 = tpu.memref_slice %arg7[%dma_wait3A_322, %dma_wait3A_330] : memref<4x80xi32, #tpu.memory_space<vmem>> -> memref<1x80xi32, #tpu.memory_space<vmem>>
    %dma_wait3A_332 = tpu.memref_squeeze %dma_wait3A_331 : memref<1x80xi32, #tpu.memory_space<vmem>> -> memref<80xi32, #tpu.memory_space<vmem>>
    %dma_wait3A_333 = tpu.memref_slice %arg3[%multiple_of3A_309] : memref<640000xi32, #tpu.memory_space<hbm>> -> memref<80xi32, #tpu.memory_space<hbm>>
    tpu.wait_dma2 semaphore(%dma_wait3A_329 : memref<!tpu.dma_semaphore, #tpu.memory_space<semaphore_mem>>) src(%dma_wait3A_333 : memref<80xi32, #tpu.memory_space<hbm>>) dst(%dma_wait3A_332 : memref<80xi32, #tpu.memory_space<vmem>>)
    %dma_start3A_334 = arith.constant 2 : i32
    %dma_start3A_335 = arith.constant 2 : i32
    %dma_start3A_336 = arith.constant 160 : i32
    %dma_start3A_337 = arith.constant 0 : i32
    %dma_start3A_338 = tpu.memref_slice %arg8[%dma_start3A_336, %dma_start3A_337] : memref<240x128xf32, #tpu.memory_space<vmem>> -> memref<80x128xf32, #tpu.memory_space<vmem>>
    %dma_start3A_339 = arith.constant 0 : i32
    %dma_start3A_340 = tpu.memref_slice %arg6[%dma_start3A_334, %dma_start3A_339] : memref<4x80xi32, #tpu.memory_space<vmem>> -> memref<1x80xi32, #tpu.memory_space<vmem>>
    %dma_start3A_341 = tpu.memref_squeeze %dma_start3A_340 : memref<1x80xi32, #tpu.memory_space<vmem>> -> memref<80xi32, #tpu.memory_space<vmem>>
    %dma_start3A_342 = arith.constant 0 : i32
    %dma_start3A_343 = arith.constant 0 : i32
    %dma_start3A_344 = tpu.memref_slice %arg2[%dma_start3A_342, %dma_start3A_343] : memref<10000x128xf32, #tpu.memory_space<hbm>> -> memref<10000x128xf32, #tpu.memory_space<hbm>>
    %dma_start3A_345 = tpu.memref_slice %arg13[%dma_start3A_335] : memref<3x!tpu.dma_semaphore, #tpu.memory_space<semaphore_mem>> -> memref<1x!tpu.dma_semaphore, #tpu.memory_space<semaphore_mem>>
    %dma_start3A_346 = tpu.memref_squeeze %dma_start3A_345 : memref<1x!tpu.dma_semaphore, #tpu.memory_space<semaphore_mem>> -> memref<!tpu.dma_semaphore, #tpu.memory_space<semaphore_mem>>
    tpu.enqueue_indirect_dma source(%dma_start3A_344 : memref<10000x128xf32, #tpu.memory_space<hbm>>) target(%dma_start3A_338 : memref<80x128xf32, #tpu.memory_space<vmem>>) offsets(%dma_start3A_341 : memref<80xi32, #tpu.memory_space<vmem>>) semaphore(%dma_start3A_346 : memref<!tpu.dma_semaphore, #tpu.memory_space<semaphore_mem>>)
    %dma_wait3A_347 = arith.constant 1 : i32
    %dma_wait3A_348 = arith.constant 1 : i32
    %dma_wait3A_349 = arith.constant 80 : i32
    %dma_wait3A_350 = arith.constant 0 : i32
    %dma_wait3A_351 = tpu.memref_slice %arg8[%dma_wait3A_349, %dma_wait3A_350] : memref<240x128xf32, #tpu.memory_space<vmem>> -> memref<80x128xf32, #tpu.memory_space<vmem>>
    %dma_wait3A_352 = arith.constant 0 : i32
    %dma_wait3A_353 = tpu.memref_slice %arg6[%dma_wait3A_347, %dma_wait3A_352] : memref<4x80xi32, #tpu.memory_space<vmem>> -> memref<1x80xi32, #tpu.memory_space<vmem>>
    %dma_wait3A_354 = tpu.memref_squeeze %dma_wait3A_353 : memref<1x80xi32, #tpu.memory_space<vmem>> -> memref<80xi32, #tpu.memory_space<vmem>>
    %dma_wait3A_355 = arith.constant 0 : i32
    %dma_wait3A_356 = arith.constant 0 : i32
    %dma_wait3A_357 = tpu.memref_slice %arg2[%dma_wait3A_355, %dma_wait3A_356] : memref<10000x128xf32, #tpu.memory_space<hbm>> -> memref<10000x128xf32, #tpu.memory_space<hbm>>
    %dma_wait3A_358 = tpu.memref_slice %arg13[%dma_wait3A_348] : memref<3x!tpu.dma_semaphore, #tpu.memory_space<semaphore_mem>> -> memref<1x!tpu.dma_semaphore, #tpu.memory_space<semaphore_mem>>
    %dma_wait3A_359 = tpu.memref_squeeze %dma_wait3A_358 : memref<1x!tpu.dma_semaphore, #tpu.memory_space<semaphore_mem>> -> memref<!tpu.dma_semaphore, #tpu.memory_space<semaphore_mem>>
    tpu.wait_indirect_dma semaphore(%dma_wait3A_359 : memref<!tpu.dma_semaphore, #tpu.memory_space<semaphore_mem>>) src(%dma_wait3A_357 : memref<10000x128xf32, #tpu.memory_space<hbm>>) dst(%dma_wait3A_351 : memref<80x128xf32, #tpu.memory_space<vmem>>)
    %dma_start3A_360 = arith.constant 1 : i32
    %dma_start3A_361 = arith.constant 1 : i32
    %dma_start3A_362 = arith.constant 80 : i32
    %dma_start3A_363 = arith.constant 0 : i32
    %dma_start3A_364 = tpu.memref_slice %arg8[%dma_start3A_362, %dma_start3A_363] : memref<240x128xf32, #tpu.memory_space<vmem>> -> memref<80x128xf32, #tpu.memory_space<vmem>>
    %dma_start3A_365 = arith.constant 0 : i32
    %dma_start3A_366 = tpu.memref_slice %arg7[%dma_start3A_360, %dma_start3A_365] : memref<4x80xi32, #tpu.memory_space<vmem>> -> memref<1x80xi32, #tpu.memory_space<vmem>>
    %dma_start3A_367 = tpu.memref_squeeze %dma_start3A_366 : memref<1x80xi32, #tpu.memory_space<vmem>> -> memref<80xi32, #tpu.memory_space<vmem>>
    %dma_start3A_368 = arith.constant 0 : i32
    %dma_start3A_369 = arith.constant 0 : i32
    %dma_start3A_370 = tpu.memref_slice %arg11[%dma_start3A_368, %dma_start3A_369] : memref<10240x128xf32, #tpu.memory_space<vmem_shared>> -> memref<10240x128xf32, #tpu.memory_space<vmem_shared>>
    %dma_start3A_371 = tpu.memref_slice %arg15[%dma_start3A_361] : memref<3x!tpu.dma_semaphore, #tpu.memory_space<semaphore_mem>> -> memref<1x!tpu.dma_semaphore, #tpu.memory_space<semaphore_mem>>
    %dma_start3A_372 = tpu.memref_squeeze %dma_start3A_371 : memref<1x!tpu.dma_semaphore, #tpu.memory_space<semaphore_mem>> -> memref<!tpu.dma_semaphore, #tpu.memory_space<semaphore_mem>>
    tpu.enqueue_indirect_dma source(%dma_start3A_364 : memref<80x128xf32, #tpu.memory_space<vmem>>) target(%dma_start3A_370 : memref<10240x128xf32, #tpu.memory_space<vmem_shared>>) offsets(%dma_start3A_367 : memref<80xi32, #tpu.memory_space<vmem>>) semaphore(%dma_start3A_372 : memref<!tpu.dma_semaphore, #tpu.memory_space<semaphore_mem>>) {add = true}
    %dma_start3A_373 = arith.constant 1 : i32
    %dma_start3A_374 = arith.constant 1 : i32
    %dma_start3A_375 = arith.constant 0 : i32
    %dma_start3A_376 = tpu.memref_slice %arg10[%dma_start3A_375] : memref<128xf32, #tpu.memory_space<vmem>> -> memref<80xf32, #tpu.memory_space<vmem>>
    %dma_start3A_377 = arith.constant 0 : i32
    %dma_start3A_378 = tpu.memref_slice %arg7[%dma_start3A_373, %dma_start3A_377] : memref<4x80xi32, #tpu.memory_space<vmem>> -> memref<1x80xi32, #tpu.memory_space<vmem>>
    %dma_start3A_379 = tpu.memref_squeeze %dma_start3A_378 : memref<1x80xi32, #tpu.memory_space<vmem>> -> memref<80xi32, #tpu.memory_space<vmem>>
    %dma_start3A_380 = arith.constant 0 : i32
    %dma_start3A_381 = tpu.memref_slice %arg12[%dma_start3A_380] : memref<10240xf32, #tpu.memory_space<vmem_shared>> -> memref<10240xf32, #tpu.memory_space<vmem_shared>>
    %dma_start3A_382 = tpu.memref_slice %arg16[%dma_start3A_374] : memref<3x!tpu.dma_semaphore, #tpu.memory_space<semaphore_mem>> -> memref<1x!tpu.dma_semaphore, #tpu.memory_space<semaphore_mem>>
    %dma_start3A_383 = tpu.memref_squeeze %dma_start3A_382 : memref<1x!tpu.dma_semaphore, #tpu.memory_space<semaphore_mem>> -> memref<!tpu.dma_semaphore, #tpu.memory_space<semaphore_mem>>
    tpu.enqueue_indirect_dma source(%dma_start3A_376 : memref<80xf32, #tpu.memory_space<vmem>>) target(%dma_start3A_381 : memref<10240xf32, #tpu.memory_space<vmem_shared>>) offsets(%dma_start3A_379 : memref<80xi32, #tpu.memory_space<vmem>>) semaphore(%dma_start3A_383 : memref<!tpu.dma_semaphore, #tpu.memory_space<semaphore_mem>>) {add = true}
    %scan3A_384 = arith.constant 0 : i32
    %scan3A_385 = arith.constant 2 : i32
    %scan3A_386 = arith.constant 121 : i32
    %scan3A_387 = arith.addi %scan3A_385, %scan3A_386 : i32
    %scan3A_388 = arith.constant 1 : i32
    %scan3A_389 = scf.for %scan3A_626 = %scan3A_385 to %scan3A_387 step %scan3A_388 iter_args(%scan3A_627 = %scan3A_384) -> (i32)  : i32 {
      %sub3A = arith.constant 2 : i32
      %sub3A_628 = arith.subi %scan3A_626, %sub3A : i32
      %jit3A = arith.constant 4 : i32
      %eq3A = arith.constant 0 : i32
      %eq3A_629 = arith.cmpi eq, %jit3A, %eq3A : i32
      %jit3A_630 = arith.constant 1 : i32
      %select_n3A = arith.select %eq3A_629, %jit3A_630, %jit3A : i32
      %rem3A = arith.remsi %sub3A_628, %select_n3A : i32
      %ne3A = arith.constant 0 : i32
      %ne3A_631 = arith.cmpi ne, %rem3A, %ne3A : i32
      %lt3A = arith.constant 0 : i32
      %lt3A_632 = arith.cmpi slt, %rem3A, %lt3A : i32
      %lt3A_633 = arith.constant 0 : i32
      %lt3A_634 = arith.cmpi slt, %select_n3A, %lt3A_633 : i32
      %ne3A_635 = arith.xori %lt3A_632, %lt3A_634 : i1
      %and3A = arith.andi %ne3A_635, %ne3A_631 : i1
      %add3A_636 = arith.addi %rem3A, %select_n3A : i32
      %select_n3A_637 = arith.select %and3A, %add3A_636, %rem3A : i32
      %jit3A_638 = arith.constant 3 : i32
      %eq3A_639 = arith.constant 0 : i32
      %eq3A_640 = arith.cmpi eq, %jit3A_638, %eq3A_639 : i32
      %jit3A_641 = arith.constant 1 : i32
      %select_n3A_642 = arith.select %eq3A_640, %jit3A_641, %jit3A_638 : i32
      %rem3A_643 = arith.remsi %sub3A_628, %select_n3A_642 : i32
      %ne3A_644 = arith.constant 0 : i32
      %ne3A_645 = arith.cmpi ne, %rem3A_643, %ne3A_644 : i32
      %lt3A_646 = arith.constant 0 : i32
      %lt3A_647 = arith.cmpi slt, %rem3A_643, %lt3A_646 : i32
      %lt3A_648 = arith.constant 0 : i32
      %lt3A_649 = arith.cmpi slt, %select_n3A_642, %lt3A_648 : i32
      %ne3A_650 = arith.xori %lt3A_647, %lt3A_649 : i1
      %and3A_651 = arith.andi %ne3A_650, %ne3A_645 : i1
      %add3A_652 = arith.addi %rem3A_643, %select_n3A_642 : i32
      %select_n3A_653 = arith.select %and3A_651, %add3A_652, %rem3A_643 : i32
      %mul3A_654 = arith.constant 80 : i32
      %mul3A_655 = arith.muli %select_n3A_653, %mul3A_654 : i32
      %jit3A_656 = arith.constant 3 : i32
      %eq3A_657 = arith.constant 0 : i32
      %eq3A_658 = arith.cmpi eq, %jit3A_656, %eq3A_657 : i32
      %jit3A_659 = arith.constant 1 : i32
      %select_n3A_660 = arith.select %eq3A_658, %jit3A_659, %jit3A_656 : i32
      %rem3A_661 = arith.remsi %sub3A_628, %select_n3A_660 : i32
      %ne3A_662 = arith.constant 0 : i32
      %ne3A_663 = arith.cmpi ne, %rem3A_661, %ne3A_662 : i32
      %lt3A_664 = arith.constant 0 : i32
      %lt3A_665 = arith.cmpi slt, %rem3A_661, %lt3A_664 : i32
      %lt3A_666 = arith.constant 0 : i32
      %lt3A_667 = arith.cmpi slt, %select_n3A_660, %lt3A_666 : i32
      %ne3A_668 = arith.xori %lt3A_665, %lt3A_667 : i1
      %and3A_669 = arith.andi %ne3A_668, %ne3A_663 : i1
      %add3A_670 = arith.addi %rem3A_661, %select_n3A_660 : i32
      %select_n3A_671 = arith.select %and3A_669, %add3A_670, %rem3A_661 : i32
      %dma_wait3A_672 = arith.constant 0 : i32
      %dma_wait3A_673 = tpu.memref_slice %arg8[%mul3A_655, %dma_wait3A_672] : memref<240x128xf32, #tpu.memory_space<vmem>> -> memref<80x128xf32, #tpu.memory_space<vmem>>
      %dma_wait3A_674 = arith.constant 0 : i32
      %dma_wait3A_675 = tpu.memref_slice %arg7[%select_n3A_637, %dma_wait3A_674] : memref<4x80xi32, #tpu.memory_space<vmem>> -> memref<1x80xi32, #tpu.memory_space<vmem>>
      %dma_wait3A_676 = tpu.memref_squeeze %dma_wait3A_675 : memref<1x80xi32, #tpu.memory_space<vmem>> -> memref<80xi32, #tpu.memory_space<vmem>>
      %dma_wait3A_677 = arith.constant 0 : i32
      %dma_wait3A_678 = arith.constant 0 : i32
      %dma_wait3A_679 = tpu.memref_slice %arg11[%dma_wait3A_677, %dma_wait3A_678] : memref<10240x128xf32, #tpu.memory_space<vmem_shared>> -> memref<10240x128xf32, #tpu.memory_space<vmem_shared>>
      %dma_wait3A_680 = tpu.memref_slice %arg15[%select_n3A_671] : memref<3x!tpu.dma_semaphore, #tpu.memory_space<semaphore_mem>> -> memref<1x!tpu.dma_semaphore, #tpu.memory_space<semaphore_mem>>
      %dma_wait3A_681 = tpu.memref_squeeze %dma_wait3A_680 : memref<1x!tpu.dma_semaphore, #tpu.memory_space<semaphore_mem>> -> memref<!tpu.dma_semaphore, #tpu.memory_space<semaphore_mem>>
      tpu.wait_indirect_dma semaphore(%dma_wait3A_681 : memref<!tpu.dma_semaphore, #tpu.memory_space<semaphore_mem>>) src(%dma_wait3A_673 : memref<80x128xf32, #tpu.memory_space<vmem>>) dst(%dma_wait3A_679 : memref<10240x128xf32, #tpu.memory_space<vmem_shared>>)
      %jit3A_682 = arith.constant 3 : i32
      %eq3A_683 = arith.constant 0 : i32
      %eq3A_684 = arith.cmpi eq, %jit3A_682, %eq3A_683 : i32
      %jit3A_685 = arith.constant 1 : i32
      %select_n3A_686 = arith.select %eq3A_684, %jit3A_685, %jit3A_682 : i32
      %rem3A_687 = arith.remsi %sub3A_628, %select_n3A_686 : i32
      %ne3A_688 = arith.constant 0 : i32
      %ne3A_689 = arith.cmpi ne, %rem3A_687, %ne3A_688 : i32
      %lt3A_690 = arith.constant 0 : i32
      %lt3A_691 = arith.cmpi slt, %rem3A_687, %lt3A_690 : i32
      %lt3A_692 = arith.constant 0 : i32
      %lt3A_693 = arith.cmpi slt, %select_n3A_686, %lt3A_692 : i32
      %ne3A_694 = arith.xori %lt3A_691, %lt3A_693 : i1
      %and3A_695 = arith.andi %ne3A_694, %ne3A_689 : i1
      %add3A_696 = arith.addi %rem3A_687, %select_n3A_686 : i32
      %select_n3A_697 = arith.select %and3A_695, %add3A_696, %rem3A_687 : i32
      %dma_wait3A_698 = arith.constant 0 : i32
      %dma_wait3A_699 = tpu.memref_slice %arg10[%dma_wait3A_698] : memref<128xf32, #tpu.memory_space<vmem>> -> memref<80xf32, #tpu.memory_space<vmem>>
      %dma_wait3A_700 = arith.constant 0 : i32
      %dma_wait3A_701 = tpu.memref_slice %arg7[%select_n3A_637, %dma_wait3A_700] : memref<4x80xi32, #tpu.memory_space<vmem>> -> memref<1x80xi32, #tpu.memory_space<vmem>>
      %dma_wait3A_702 = tpu.memref_squeeze %dma_wait3A_701 : memref<1x80xi32, #tpu.memory_space<vmem>> -> memref<80xi32, #tpu.memory_space<vmem>>
      %dma_wait3A_703 = arith.constant 0 : i32
      %dma_wait3A_704 = tpu.memref_slice %arg12[%dma_wait3A_703] : memref<10240xf32, #tpu.memory_space<vmem_shared>> -> memref<10240xf32, #tpu.memory_space<vmem_shared>>
      %dma_wait3A_705 = tpu.memref_slice %arg16[%select_n3A_697] : memref<3x!tpu.dma_semaphore, #tpu.memory_space<semaphore_mem>> -> memref<1x!tpu.dma_semaphore, #tpu.memory_space<semaphore_mem>>
      %dma_wait3A_706 = tpu.memref_squeeze %dma_wait3A_705 : memref<1x!tpu.dma_semaphore, #tpu.memory_space<semaphore_mem>> -> memref<!tpu.dma_semaphore, #tpu.memory_space<semaphore_mem>>
      tpu.wait_indirect_dma semaphore(%dma_wait3A_706 : memref<!tpu.dma_semaphore, #tpu.memory_space<semaphore_mem>>) src(%dma_wait3A_699 : memref<80xf32, #tpu.memory_space<vmem>>) dst(%dma_wait3A_704 : memref<10240xf32, #tpu.memory_space<vmem_shared>>)
      %add3A_707 = arith.constant 2 : i32
      %add3A_708 = arith.addi %scan3A_626, %add3A_707 : i32
      %mul3A_709 = arith.constant 10000 : i32
      %mul3A_710 = arith.muli %add3A, %mul3A_709 : i32
      %mul3A_711 = arith.constant 80 : i32
      %mul3A_712 = arith.muli %add3A_708, %mul3A_711 : i32
      %add3A_713 = arith.addi %mul3A_710, %mul3A_712 : i32
      %multiple_of3A_714 = tpu.assume_multiple %add3A_713, 8 : i32
      %jit3A_715 = arith.constant 4 : i32
      %eq3A_716 = arith.constant 0 : i32
      %eq3A_717 = arith.cmpi eq, %jit3A_715, %eq3A_716 : i32
      %jit3A_718 = arith.constant 1 : i32
      %select_n3A_719 = arith.select %eq3A_717, %jit3A_718, %jit3A_715 : i32
      %rem3A_720 = arith.remsi %add3A_708, %select_n3A_719 : i32
      %ne3A_721 = arith.constant 0 : i32
      %ne3A_722 = arith.cmpi ne, %rem3A_720, %ne3A_721 : i32
      %lt3A_723 = arith.constant 0 : i32
      %lt3A_724 = arith.cmpi slt, %rem3A_720, %lt3A_723 : i32
      %lt3A_725 = arith.constant 0 : i32
      %lt3A_726 = arith.cmpi slt, %select_n3A_719, %lt3A_725 : i32
      %ne3A_727 = arith.xori %lt3A_724, %lt3A_726 : i1
      %and3A_728 = arith.andi %ne3A_727, %ne3A_722 : i1
      %add3A_729 = arith.addi %rem3A_720, %select_n3A_719 : i32
      %select_n3A_730 = arith.select %and3A_728, %add3A_729, %rem3A_720 : i32
      %jit3A_731 = arith.constant 4 : i32
      %eq3A_732 = arith.constant 0 : i32
      %eq3A_733 = arith.cmpi eq, %jit3A_731, %eq3A_732 : i32
      %jit3A_734 = arith.constant 1 : i32
      %select_n3A_735 = arith.select %eq3A_733, %jit3A_734, %jit3A_731 : i32
      %rem3A_736 = arith.remsi %add3A_708, %select_n3A_735 : i32
      %ne3A_737 = arith.constant 0 : i32
      %ne3A_738 = arith.cmpi ne, %rem3A_736, %ne3A_737 : i32
      %lt3A_739 = arith.constant 0 : i32
      %lt3A_740 = arith.cmpi slt, %rem3A_736, %lt3A_739 : i32
      %lt3A_741 = arith.constant 0 : i32
      %lt3A_742 = arith.cmpi slt, %select_n3A_735, %lt3A_741 : i32
      %ne3A_743 = arith.xori %lt3A_740, %lt3A_742 : i1
      %and3A_744 = arith.andi %ne3A_743, %ne3A_738 : i1
      %add3A_745 = arith.addi %rem3A_736, %select_n3A_735 : i32
      %select_n3A_746 = arith.select %and3A_744, %add3A_745, %rem3A_736 : i32
      %dma_start3A_747 = arith.constant 0 : i32
      %dma_start3A_748 = tpu.memref_slice %arg6[%select_n3A_730, %dma_start3A_747] : memref<4x80xi32, #tpu.memory_space<vmem>> -> memref<1x80xi32, #tpu.memory_space<vmem>>
      %dma_start3A_749 = tpu.memref_squeeze %dma_start3A_748 : memref<1x80xi32, #tpu.memory_space<vmem>> -> memref<80xi32, #tpu.memory_space<vmem>>
      %dma_start3A_750 = tpu.memref_slice %arg3[%multiple_of3A_714] : memref<640000xi32, #tpu.memory_space<hbm>> -> memref<80xi32, #tpu.memory_space<hbm>>
      %dma_start3A_751 = tpu.memref_slice %arg14[%select_n3A_746] : memref<4x!tpu.dma_semaphore, #tpu.memory_space<semaphore_mem>> -> memref<1x!tpu.dma_semaphore, #tpu.memory_space<semaphore_mem>>
      %dma_start3A_752 = tpu.memref_squeeze %dma_start3A_751 : memref<1x!tpu.dma_semaphore, #tpu.memory_space<semaphore_mem>> -> memref<!tpu.dma_semaphore, #tpu.memory_space<semaphore_mem>>
      %dma_start3A_753 = arith.constant 0 : i32
      %dma_start3A_754 = tpu.memref_slice %arg6[%select_n3A_730, %dma_start3A_753] : memref<4x80xi32, #tpu.memory_space<vmem>> -> memref<1x80xi32, #tpu.memory_space<vmem>>
      %dma_start3A_755 = tpu.memref_squeeze %dma_start3A_754 : memref<1x80xi32, #tpu.memory_space<vmem>> -> memref<80xi32, #tpu.memory_space<vmem>>
      %dma_start3A_756 = tpu.memref_slice %arg3[%multiple_of3A_714] : memref<640000xi32, #tpu.memory_space<hbm>> -> memref<80xi32, #tpu.memory_space<hbm>>
      tpu.enqueue_dma source(%dma_start3A_756 : memref<80xi32, #tpu.memory_space<hbm>>) target(%dma_start3A_755 : memref<80xi32, #tpu.memory_space<vmem>>) target_semaphore(%dma_start3A_752 : memref<!tpu.dma_semaphore, #tpu.memory_space<semaphore_mem>>)
      %mul3A_757 = arith.constant 10000 : i32
      %mul3A_758 = arith.muli %add3A, %mul3A_757 : i32
      %add3A_759 = arith.constant 320000 : i32
      %add3A_760 = arith.addi %add3A_759, %mul3A_758 : i32
      %mul3A_761 = arith.constant 80 : i32
      %mul3A_762 = arith.muli %add3A_708, %mul3A_761 : i32
      %add3A_763 = arith.addi %add3A_760, %mul3A_762 : i32
      %multiple_of3A_764 = tpu.assume_multiple %add3A_763, 8 : i32
      %jit3A_765 = arith.constant 4 : i32
      %eq3A_766 = arith.constant 0 : i32
      %eq3A_767 = arith.cmpi eq, %jit3A_765, %eq3A_766 : i32
      %jit3A_768 = arith.constant 1 : i32
      %select_n3A_769 = arith.select %eq3A_767, %jit3A_768, %jit3A_765 : i32
      %rem3A_770 = arith.remsi %add3A_708, %select_n3A_769 : i32
      %ne3A_771 = arith.constant 0 : i32
      %ne3A_772 = arith.cmpi ne, %rem3A_770, %ne3A_771 : i32
      %lt3A_773 = arith.constant 0 : i32
      %lt3A_774 = arith.cmpi slt, %rem3A_770, %lt3A_773 : i32
      %lt3A_775 = arith.constant 0 : i32
      %lt3A_776 = arith.cmpi slt, %select_n3A_769, %lt3A_775 : i32
      %ne3A_777 = arith.xori %lt3A_774, %lt3A_776 : i1
      %and3A_778 = arith.andi %ne3A_777, %ne3A_772 : i1
      %add3A_779 = arith.addi %rem3A_770, %select_n3A_769 : i32
      %select_n3A_780 = arith.select %and3A_778, %add3A_779, %rem3A_770 : i32
      %jit3A_781 = arith.constant 4 : i32
      %eq3A_782 = arith.constant 0 : i32
      %eq3A_783 = arith.cmpi eq, %jit3A_781, %eq3A_782 : i32
      %jit3A_784 = arith.constant 1 : i32
      %select_n3A_785 = arith.select %eq3A_783, %jit3A_784, %jit3A_781 : i32
      %rem3A_786 = arith.remsi %add3A_708, %select_n3A_785 : i32
      %ne3A_787 = arith.constant 0 : i32
      %ne3A_788 = arith.cmpi ne, %rem3A_786, %ne3A_787 : i32
      %lt3A_789 = arith.constant 0 : i32
      %lt3A_790 = arith.cmpi slt, %rem3A_786, %lt3A_789 : i32
      %lt3A_791 = arith.constant 0 : i32
      %lt3A_792 = arith.cmpi slt, %select_n3A_785, %lt3A_791 : i32
      %ne3A_793 = arith.xori %lt3A_790, %lt3A_792 : i1
      %and3A_794 = arith.andi %ne3A_793, %ne3A_788 : i1
      %add3A_795 = arith.addi %rem3A_786, %select_n3A_785 : i32
      %select_n3A_796 = arith.select %and3A_794, %add3A_795, %rem3A_786 : i32
      %dma_start3A_797 = arith.constant 0 : i32
      %dma_start3A_798 = tpu.memref_slice %arg7[%select_n3A_780, %dma_start3A_797] : memref<4x80xi32, #tpu.memory_space<vmem>> -> memref<1x80xi32, #tpu.memory_space<vmem>>
      %dma_start3A_799 = tpu.memref_squeeze %dma_start3A_798 : memref<1x80xi32, #tpu.memory_space<vmem>> -> memref<80xi32, #tpu.memory_space<vmem>>
      %dma_start3A_800 = tpu.memref_slice %arg3[%multiple_of3A_764] : memref<640000xi32, #tpu.memory_space<hbm>> -> memref<80xi32, #tpu.memory_space<hbm>>
      %dma_start3A_801 = tpu.memref_slice %arg14[%select_n3A_796] : memref<4x!tpu.dma_semaphore, #tpu.memory_space<semaphore_mem>> -> memref<1x!tpu.dma_semaphore, #tpu.memory_space<semaphore_mem>>
      %dma_start3A_802 = tpu.memref_squeeze %dma_start3A_801 : memref<1x!tpu.dma_semaphore, #tpu.memory_space<semaphore_mem>> -> memref<!tpu.dma_semaphore, #tpu.memory_space<semaphore_mem>>
      %dma_start3A_803 = arith.constant 0 : i32
      %dma_start3A_804 = tpu.memref_slice %arg7[%select_n3A_780, %dma_start3A_803] : memref<4x80xi32, #tpu.memory_space<vmem>> -> memref<1x80xi32, #tpu.memory_space<vmem>>
      %dma_start3A_805 = tpu.memref_squeeze %dma_start3A_804 : memref<1x80xi32, #tpu.memory_space<vmem>> -> memref<80xi32, #tpu.memory_space<vmem>>
      %dma_start3A_806 = tpu.memref_slice %arg3[%multiple_of3A_764] : memref<640000xi32, #tpu.memory_space<hbm>> -> memref<80xi32, #tpu.memory_space<hbm>>
      tpu.enqueue_dma source(%dma_start3A_806 : memref<80xi32, #tpu.memory_space<hbm>>) target(%dma_start3A_805 : memref<80xi32, #tpu.memory_space<vmem>>) target_semaphore(%dma_start3A_802 : memref<!tpu.dma_semaphore, #tpu.memory_space<semaphore_mem>>)
      %add3A_807 = arith.constant 1 : i32
      %add3A_808 = arith.addi %scan3A_626, %add3A_807 : i32
      %mul3A_809 = arith.constant 10000 : i32
      %mul3A_810 = arith.muli %add3A, %mul3A_809 : i32
      %mul3A_811 = arith.constant 80 : i32
      %mul3A_812 = arith.muli %add3A_808, %mul3A_811 : i32
      %add3A_813 = arith.addi %mul3A_810, %mul3A_812 : i32
      %multiple_of3A_814 = tpu.assume_multiple %add3A_813, 8 : i32
      %jit3A_815 = arith.constant 4 : i32
      %eq3A_816 = arith.constant 0 : i32
      %eq3A_817 = arith.cmpi eq, %jit3A_815, %eq3A_816 : i32
      %jit3A_818 = arith.constant 1 : i32
      %select_n3A_819 = arith.select %eq3A_817, %jit3A_818, %jit3A_815 : i32
      %rem3A_820 = arith.remsi %add3A_808, %select_n3A_819 : i32
      %ne3A_821 = arith.constant 0 : i32
      %ne3A_822 = arith.cmpi ne, %rem3A_820, %ne3A_821 : i32
      %lt3A_823 = arith.constant 0 : i32
      %lt3A_824 = arith.cmpi slt, %rem3A_820, %lt3A_823 : i32
      %lt3A_825 = arith.constant 0 : i32
      %lt3A_826 = arith.cmpi slt, %select_n3A_819, %lt3A_825 : i32
      %ne3A_827 = arith.xori %lt3A_824, %lt3A_826 : i1
      %and3A_828 = arith.andi %ne3A_827, %ne3A_822 : i1
      %add3A_829 = arith.addi %rem3A_820, %select_n3A_819 : i32
      %select_n3A_830 = arith.select %and3A_828, %add3A_829, %rem3A_820 : i32
      %jit3A_831 = arith.constant 4 : i32
      %eq3A_832 = arith.constant 0 : i32
      %eq3A_833 = arith.cmpi eq, %jit3A_831, %eq3A_832 : i32
      %jit3A_834 = arith.constant 1 : i32
      %select_n3A_835 = arith.select %eq3A_833, %jit3A_834, %jit3A_831 : i32
      %rem3A_836 = arith.remsi %add3A_808, %select_n3A_835 : i32
      %ne3A_837 = arith.constant 0 : i32
      %ne3A_838 = arith.cmpi ne, %rem3A_836, %ne3A_837 : i32
      %lt3A_839 = arith.constant 0 : i32
      %lt3A_840 = arith.cmpi slt, %rem3A_836, %lt3A_839 : i32
      %lt3A_841 = arith.constant 0 : i32
      %lt3A_842 = arith.cmpi slt, %select_n3A_835, %lt3A_841 : i32
      %ne3A_843 = arith.xori %lt3A_840, %lt3A_842 : i1
      %and3A_844 = arith.andi %ne3A_843, %ne3A_838 : i1
      %add3A_845 = arith.addi %rem3A_836, %select_n3A_835 : i32
      %select_n3A_846 = arith.select %and3A_844, %add3A_845, %rem3A_836 : i32
      %dma_wait3A_847 = arith.constant 0 : i32
      %dma_wait3A_848 = tpu.memref_slice %arg6[%select_n3A_830, %dma_wait3A_847] : memref<4x80xi32, #tpu.memory_space<vmem>> -> memref<1x80xi32, #tpu.memory_space<vmem>>
      %dma_wait3A_849 = tpu.memref_squeeze %dma_wait3A_848 : memref<1x80xi32, #tpu.memory_space<vmem>> -> memref<80xi32, #tpu.memory_space<vmem>>
      %dma_wait3A_850 = tpu.memref_slice %arg3[%multiple_of3A_814] : memref<640000xi32, #tpu.memory_space<hbm>> -> memref<80xi32, #tpu.memory_space<hbm>>
      %dma_wait3A_851 = tpu.memref_slice %arg14[%select_n3A_846] : memref<4x!tpu.dma_semaphore, #tpu.memory_space<semaphore_mem>> -> memref<1x!tpu.dma_semaphore, #tpu.memory_space<semaphore_mem>>
      %dma_wait3A_852 = tpu.memref_squeeze %dma_wait3A_851 : memref<1x!tpu.dma_semaphore, #tpu.memory_space<semaphore_mem>> -> memref<!tpu.dma_semaphore, #tpu.memory_space<semaphore_mem>>
      %dma_wait3A_853 = arith.constant 0 : i32
      %dma_wait3A_854 = tpu.memref_slice %arg6[%select_n3A_830, %dma_wait3A_853] : memref<4x80xi32, #tpu.memory_space<vmem>> -> memref<1x80xi32, #tpu.memory_space<vmem>>
      %dma_wait3A_855 = tpu.memref_squeeze %dma_wait3A_854 : memref<1x80xi32, #tpu.memory_space<vmem>> -> memref<80xi32, #tpu.memory_space<vmem>>
      %dma_wait3A_856 = tpu.memref_slice %arg3[%multiple_of3A_814] : memref<640000xi32, #tpu.memory_space<hbm>> -> memref<80xi32, #tpu.memory_space<hbm>>
      tpu.wait_dma2 semaphore(%dma_wait3A_852 : memref<!tpu.dma_semaphore, #tpu.memory_space<semaphore_mem>>) src(%dma_wait3A_856 : memref<80xi32, #tpu.memory_space<hbm>>) dst(%dma_wait3A_855 : memref<80xi32, #tpu.memory_space<vmem>>)
      %jit3A_857 = arith.constant 4 : i32
      %eq3A_858 = arith.constant 0 : i32
      %eq3A_859 = arith.cmpi eq, %jit3A_857, %eq3A_858 : i32
      %jit3A_860 = arith.constant 1 : i32
      %select_n3A_861 = arith.select %eq3A_859, %jit3A_860, %jit3A_857 : i32
      %rem3A_862 = arith.remsi %add3A_808, %select_n3A_861 : i32
      %ne3A_863 = arith.constant 0 : i32
      %ne3A_864 = arith.cmpi ne, %rem3A_862, %ne3A_863 : i32
      %lt3A_865 = arith.constant 0 : i32
      %lt3A_866 = arith.cmpi slt, %rem3A_862, %lt3A_865 : i32
      %lt3A_867 = arith.constant 0 : i32
      %lt3A_868 = arith.cmpi slt, %select_n3A_861, %lt3A_867 : i32
      %ne3A_869 = arith.xori %lt3A_866, %lt3A_868 : i1
      %and3A_870 = arith.andi %ne3A_869, %ne3A_864 : i1
      %add3A_871 = arith.addi %rem3A_862, %select_n3A_861 : i32
      %select_n3A_872 = arith.select %and3A_870, %add3A_871, %rem3A_862 : i32
      %jit3A_873 = arith.constant 4 : i32
      %eq3A_874 = arith.constant 0 : i32
      %eq3A_875 = arith.cmpi eq, %jit3A_873, %eq3A_874 : i32
      %jit3A_876 = arith.constant 1 : i32
      %select_n3A_877 = arith.select %eq3A_875, %jit3A_876, %jit3A_873 : i32
      %rem3A_878 = arith.remsi %add3A_808, %select_n3A_877 : i32
      %ne3A_879 = arith.constant 0 : i32
      %ne3A_880 = arith.cmpi ne, %rem3A_878, %ne3A_879 : i32
      %lt3A_881 = arith.constant 0 : i32
      %lt3A_882 = arith.cmpi slt, %rem3A_878, %lt3A_881 : i32
      %lt3A_883 = arith.constant 0 : i32
      %lt3A_884 = arith.cmpi slt, %select_n3A_877, %lt3A_883 : i32
      %ne3A_885 = arith.xori %lt3A_882, %lt3A_884 : i1
      %and3A_886 = arith.andi %ne3A_885, %ne3A_880 : i1
      %add3A_887 = arith.addi %rem3A_878, %select_n3A_877 : i32
      %select_n3A_888 = arith.select %and3A_886, %add3A_887, %rem3A_878 : i32
      %dma_wait3A_889 = arith.constant 0 : i32
      %dma_wait3A_890 = tpu.memref_slice %arg7[%select_n3A_872, %dma_wait3A_889] : memref<4x80xi32, #tpu.memory_space<vmem>> -> memref<1x80xi32, #tpu.memory_space<vmem>>
      %dma_wait3A_891 = tpu.memref_squeeze %dma_wait3A_890 : memref<1x80xi32, #tpu.memory_space<vmem>> -> memref<80xi32, #tpu.memory_space<vmem>>
      %dma_wait3A_892 = tpu.memref_slice %arg3[%multiple_of3A_814] : memref<640000xi32, #tpu.memory_space<hbm>> -> memref<80xi32, #tpu.memory_space<hbm>>
      %dma_wait3A_893 = tpu.memref_slice %arg14[%select_n3A_888] : memref<4x!tpu.dma_semaphore, #tpu.memory_space<semaphore_mem>> -> memref<1x!tpu.dma_semaphore, #tpu.memory_space<semaphore_mem>>
      %dma_wait3A_894 = tpu.memref_squeeze %dma_wait3A_893 : memref<1x!tpu.dma_semaphore, #tpu.memory_space<semaphore_mem>> -> memref<!tpu.dma_semaphore, #tpu.memory_space<semaphore_mem>>
      %dma_wait3A_895 = arith.constant 0 : i32
      %dma_wait3A_896 = tpu.memref_slice %arg7[%select_n3A_872, %dma_wait3A_895] : memref<4x80xi32, #tpu.memory_space<vmem>> -> memref<1x80xi32, #tpu.memory_space<vmem>>
      %dma_wait3A_897 = tpu.memref_squeeze %dma_wait3A_896 : memref<1x80xi32, #tpu.memory_space<vmem>> -> memref<80xi32, #tpu.memory_space<vmem>>
      %dma_wait3A_898 = tpu.memref_slice %arg3[%multiple_of3A_814] : memref<640000xi32, #tpu.memory_space<hbm>> -> memref<80xi32, #tpu.memory_space<hbm>>
      tpu.wait_dma2 semaphore(%dma_wait3A_894 : memref<!tpu.dma_semaphore, #tpu.memory_space<semaphore_mem>>) src(%dma_wait3A_898 : memref<80xi32, #tpu.memory_space<hbm>>) dst(%dma_wait3A_897 : memref<80xi32, #tpu.memory_space<vmem>>)
      %add3A_899 = arith.constant 1 : i32
      %add3A_900 = arith.addi %scan3A_626, %add3A_899 : i32
      %jit3A_901 = arith.constant 4 : i32
      %eq3A_902 = arith.constant 0 : i32
      %eq3A_903 = arith.cmpi eq, %jit3A_901, %eq3A_902 : i32
      %jit3A_904 = arith.constant 1 : i32
      %select_n3A_905 = arith.select %eq3A_903, %jit3A_904, %jit3A_901 : i32
      %rem3A_906 = arith.remsi %add3A_900, %select_n3A_905 : i32
      %ne3A_907 = arith.constant 0 : i32
      %ne3A_908 = arith.cmpi ne, %rem3A_906, %ne3A_907 : i32
      %lt3A_909 = arith.constant 0 : i32
      %lt3A_910 = arith.cmpi slt, %rem3A_906, %lt3A_909 : i32
      %lt3A_911 = arith.constant 0 : i32
      %lt3A_912 = arith.cmpi slt, %select_n3A_905, %lt3A_911 : i32
      %ne3A_913 = arith.xori %lt3A_910, %lt3A_912 : i1
      %and3A_914 = arith.andi %ne3A_913, %ne3A_908 : i1
      %add3A_915 = arith.addi %rem3A_906, %select_n3A_905 : i32
      %select_n3A_916 = arith.select %and3A_914, %add3A_915, %rem3A_906 : i32
      %jit3A_917 = arith.constant 3 : i32
      %eq3A_918 = arith.constant 0 : i32
      %eq3A_919 = arith.cmpi eq, %jit3A_917, %eq3A_918 : i32
      %jit3A_920 = arith.constant 1 : i32
      %select_n3A_921 = arith.select %eq3A_919, %jit3A_920, %jit3A_917 : i32
      %rem3A_922 = arith.remsi %add3A_900, %select_n3A_921 : i32
      %ne3A_923 = arith.constant 0 : i32
      %ne3A_924 = arith.cmpi ne, %rem3A_922, %ne3A_923 : i32
      %lt3A_925 = arith.constant 0 : i32
      %lt3A_926 = arith.cmpi slt, %rem3A_922, %lt3A_925 : i32
      %lt3A_927 = arith.constant 0 : i32
      %lt3A_928 = arith.cmpi slt, %select_n3A_921, %lt3A_927 : i32
      %ne3A_929 = arith.xori %lt3A_926, %lt3A_928 : i1
      %and3A_930 = arith.andi %ne3A_929, %ne3A_924 : i1
      %add3A_931 = arith.addi %rem3A_922, %select_n3A_921 : i32
      %select_n3A_932 = arith.select %and3A_930, %add3A_931, %rem3A_922 : i32
      %mul3A_933 = arith.constant 80 : i32
      %mul3A_934 = arith.muli %select_n3A_932, %mul3A_933 : i32
      %jit3A_935 = arith.constant 3 : i32
      %eq3A_936 = arith.constant 0 : i32
      %eq3A_937 = arith.cmpi eq, %jit3A_935, %eq3A_936 : i32
      %jit3A_938 = arith.constant 1 : i32
      %select_n3A_939 = arith.select %eq3A_937, %jit3A_938, %jit3A_935 : i32
      %rem3A_940 = arith.remsi %add3A_900, %select_n3A_939 : i32
      %ne3A_941 = arith.constant 0 : i32
      %ne3A_942 = arith.cmpi ne, %rem3A_940, %ne3A_941 : i32
      %lt3A_943 = arith.constant 0 : i32
      %lt3A_944 = arith.cmpi slt, %rem3A_940, %lt3A_943 : i32
      %lt3A_945 = arith.constant 0 : i32
      %lt3A_946 = arith.cmpi slt, %select_n3A_939, %lt3A_945 : i32
      %ne3A_947 = arith.xori %lt3A_944, %lt3A_946 : i1
      %and3A_948 = arith.andi %ne3A_947, %ne3A_942 : i1
      %add3A_949 = arith.addi %rem3A_940, %select_n3A_939 : i32
      %select_n3A_950 = arith.select %and3A_948, %add3A_949, %rem3A_940 : i32
      %dma_start3A_951 = arith.constant 0 : i32
      %dma_start3A_952 = tpu.memref_slice %arg8[%mul3A_934, %dma_start3A_951] : memref<240x128xf32, #tpu.memory_space<vmem>> -> memref<80x128xf32, #tpu.memory_space<vmem>>
      %dma_start3A_953 = arith.constant 0 : i32
      %dma_start3A_954 = tpu.memref_slice %arg6[%select_n3A_916, %dma_start3A_953] : memref<4x80xi32, #tpu.memory_space<vmem>> -> memref<1x80xi32, #tpu.memory_space<vmem>>
      %dma_start3A_955 = tpu.memref_squeeze %dma_start3A_954 : memref<1x80xi32, #tpu.memory_space<vmem>> -> memref<80xi32, #tpu.memory_space<vmem>>
      %dma_start3A_956 = arith.constant 0 : i32
      %dma_start3A_957 = arith.constant 0 : i32
      %dma_start3A_958 = tpu.memref_slice %arg2[%dma_start3A_956, %dma_start3A_957] : memref<10000x128xf32, #tpu.memory_space<hbm>> -> memref<10000x128xf32, #tpu.memory_space<hbm>>
      %dma_start3A_959 = tpu.memref_slice %arg13[%select_n3A_950] : memref<3x!tpu.dma_semaphore, #tpu.memory_space<semaphore_mem>> -> memref<1x!tpu.dma_semaphore, #tpu.memory_space<semaphore_mem>>
      %dma_start3A_960 = tpu.memref_squeeze %dma_start3A_959 : memref<1x!tpu.dma_semaphore, #tpu.memory_space<semaphore_mem>> -> memref<!tpu.dma_semaphore, #tpu.memory_space<semaphore_mem>>
      tpu.enqueue_indirect_dma source(%dma_start3A_958 : memref<10000x128xf32, #tpu.memory_space<hbm>>) target(%dma_start3A_952 : memref<80x128xf32, #tpu.memory_space<vmem>>) offsets(%dma_start3A_955 : memref<80xi32, #tpu.memory_space<vmem>>) semaphore(%dma_start3A_960 : memref<!tpu.dma_semaphore, #tpu.memory_space<semaphore_mem>>)
      %jit3A_961 = arith.constant 4 : i32
      %eq3A_962 = arith.constant 0 : i32
      %eq3A_963 = arith.cmpi eq, %jit3A_961, %eq3A_962 : i32
      %jit3A_964 = arith.constant 1 : i32
      %select_n3A_965 = arith.select %eq3A_963, %jit3A_964, %jit3A_961 : i32
      %rem3A_966 = arith.remsi %scan3A_626, %select_n3A_965 : i32
      %ne3A_967 = arith.constant 0 : i32
      %ne3A_968 = arith.cmpi ne, %rem3A_966, %ne3A_967 : i32
      %lt3A_969 = arith.constant 0 : i32
      %lt3A_970 = arith.cmpi slt, %rem3A_966, %lt3A_969 : i32
      %lt3A_971 = arith.constant 0 : i32
      %lt3A_972 = arith.cmpi slt, %select_n3A_965, %lt3A_971 : i32
      %ne3A_973 = arith.xori %lt3A_970, %lt3A_972 : i1
      %and3A_974 = arith.andi %ne3A_973, %ne3A_968 : i1
      %add3A_975 = arith.addi %rem3A_966, %select_n3A_965 : i32
      %select_n3A_976 = arith.select %and3A_974, %add3A_975, %rem3A_966 : i32
      %jit3A_977 = arith.constant 3 : i32
      %eq3A_978 = arith.constant 0 : i32
      %eq3A_979 = arith.cmpi eq, %jit3A_977, %eq3A_978 : i32
      %jit3A_980 = arith.constant 1 : i32
      %select_n3A_981 = arith.select %eq3A_979, %jit3A_980, %jit3A_977 : i32
      %rem3A_982 = arith.remsi %scan3A_626, %select_n3A_981 : i32
      %ne3A_983 = arith.constant 0 : i32
      %ne3A_984 = arith.cmpi ne, %rem3A_982, %ne3A_983 : i32
      %lt3A_985 = arith.constant 0 : i32
      %lt3A_986 = arith.cmpi slt, %rem3A_982, %lt3A_985 : i32
      %lt3A_987 = arith.constant 0 : i32
      %lt3A_988 = arith.cmpi slt, %select_n3A_981, %lt3A_987 : i32
      %ne3A_989 = arith.xori %lt3A_986, %lt3A_988 : i1
      %and3A_990 = arith.andi %ne3A_989, %ne3A_984 : i1
      %add3A_991 = arith.addi %rem3A_982, %select_n3A_981 : i32
      %select_n3A_992 = arith.select %and3A_990, %add3A_991, %rem3A_982 : i32
      %mul3A_993 = arith.constant 80 : i32
      %mul3A_994 = arith.muli %select_n3A_992, %mul3A_993 : i32
      %jit3A_995 = arith.constant 3 : i32
      %eq3A_996 = arith.constant 0 : i32
      %eq3A_997 = arith.cmpi eq, %jit3A_995, %eq3A_996 : i32
      %jit3A_998 = arith.constant 1 : i32
      %select_n3A_999 = arith.select %eq3A_997, %jit3A_998, %jit3A_995 : i32
      %rem3A_1000 = arith.remsi %scan3A_626, %select_n3A_999 : i32
      %ne3A_1001 = arith.constant 0 : i32
      %ne3A_1002 = arith.cmpi ne, %rem3A_1000, %ne3A_1001 : i32
      %lt3A_1003 = arith.constant 0 : i32
      %lt3A_1004 = arith.cmpi slt, %rem3A_1000, %lt3A_1003 : i32
      %lt3A_1005 = arith.constant 0 : i32
      %lt3A_1006 = arith.cmpi slt, %select_n3A_999, %lt3A_1005 : i32
      %ne3A_1007 = arith.xori %lt3A_1004, %lt3A_1006 : i1
      %and3A_1008 = arith.andi %ne3A_1007, %ne3A_1002 : i1
      %add3A_1009 = arith.addi %rem3A_1000, %select_n3A_999 : i32
      %select_n3A_1010 = arith.select %and3A_1008, %add3A_1009, %rem3A_1000 : i32
      %dma_wait3A_1011 = arith.constant 0 : i32
      %dma_wait3A_1012 = tpu.memref_slice %arg8[%mul3A_994, %dma_wait3A_1011] : memref<240x128xf32, #tpu.memory_space<vmem>> -> memref<80x128xf32, #tpu.memory_space<vmem>>
      %dma_wait3A_1013 = arith.constant 0 : i32
      %dma_wait3A_1014 = tpu.memref_slice %arg6[%select_n3A_976, %dma_wait3A_1013] : memref<4x80xi32, #tpu.memory_space<vmem>> -> memref<1x80xi32, #tpu.memory_space<vmem>>
      %dma_wait3A_1015 = tpu.memref_squeeze %dma_wait3A_1014 : memref<1x80xi32, #tpu.memory_space<vmem>> -> memref<80xi32, #tpu.memory_space<vmem>>
      %dma_wait3A_1016 = arith.constant 0 : i32
      %dma_wait3A_1017 = arith.constant 0 : i32
      %dma_wait3A_1018 = tpu.memref_slice %arg2[%dma_wait3A_1016, %dma_wait3A_1017] : memref<10000x128xf32, #tpu.memory_space<hbm>> -> memref<10000x128xf32, #tpu.memory_space<hbm>>
      %dma_wait3A_1019 = tpu.memref_slice %arg13[%select_n3A_1010] : memref<3x!tpu.dma_semaphore, #tpu.memory_space<semaphore_mem>> -> memref<1x!tpu.dma_semaphore, #tpu.memory_space<semaphore_mem>>
      %dma_wait3A_1020 = tpu.memref_squeeze %dma_wait3A_1019 : memref<1x!tpu.dma_semaphore, #tpu.memory_space<semaphore_mem>> -> memref<!tpu.dma_semaphore, #tpu.memory_space<semaphore_mem>>
      tpu.wait_indirect_dma semaphore(%dma_wait3A_1020 : memref<!tpu.dma_semaphore, #tpu.memory_space<semaphore_mem>>) src(%dma_wait3A_1018 : memref<10000x128xf32, #tpu.memory_space<hbm>>) dst(%dma_wait3A_1012 : memref<80x128xf32, #tpu.memory_space<vmem>>)
      %jit3A_1021 = arith.constant 4 : i32
      %eq3A_1022 = arith.constant 0 : i32
      %eq3A_1023 = arith.cmpi eq, %jit3A_1021, %eq3A_1022 : i32
      %jit3A_1024 = arith.constant 1 : i32
      %select_n3A_1025 = arith.select %eq3A_1023, %jit3A_1024, %jit3A_1021 : i32
      %rem3A_1026 = arith.remsi %scan3A_626, %select_n3A_1025 : i32
      %ne3A_1027 = arith.constant 0 : i32
      %ne3A_1028 = arith.cmpi ne, %rem3A_1026, %ne3A_1027 : i32
      %lt3A_1029 = arith.constant 0 : i32
      %lt3A_1030 = arith.cmpi slt, %rem3A_1026, %lt3A_1029 : i32
      %lt3A_1031 = arith.constant 0 : i32
      %lt3A_1032 = arith.cmpi slt, %select_n3A_1025, %lt3A_1031 : i32
      %ne3A_1033 = arith.xori %lt3A_1030, %lt3A_1032 : i1
      %and3A_1034 = arith.andi %ne3A_1033, %ne3A_1028 : i1
      %add3A_1035 = arith.addi %rem3A_1026, %select_n3A_1025 : i32
      %select_n3A_1036 = arith.select %and3A_1034, %add3A_1035, %rem3A_1026 : i32
      %jit3A_1037 = arith.constant 3 : i32
      %eq3A_1038 = arith.constant 0 : i32
      %eq3A_1039 = arith.cmpi eq, %jit3A_1037, %eq3A_1038 : i32
      %jit3A_1040 = arith.constant 1 : i32
      %select_n3A_1041 = arith.select %eq3A_1039, %jit3A_1040, %jit3A_1037 : i32
      %rem3A_1042 = arith.remsi %scan3A_626, %select_n3A_1041 : i32
      %ne3A_1043 = arith.constant 0 : i32
      %ne3A_1044 = arith.cmpi ne, %rem3A_1042, %ne3A_1043 : i32
      %lt3A_1045 = arith.constant 0 : i32
      %lt3A_1046 = arith.cmpi slt, %rem3A_1042, %lt3A_1045 : i32
      %lt3A_1047 = arith.constant 0 : i32
      %lt3A_1048 = arith.cmpi slt, %select_n3A_1041, %lt3A_1047 : i32
      %ne3A_1049 = arith.xori %lt3A_1046, %lt3A_1048 : i1
      %and3A_1050 = arith.andi %ne3A_1049, %ne3A_1044 : i1
      %add3A_1051 = arith.addi %rem3A_1042, %select_n3A_1041 : i32
      %select_n3A_1052 = arith.select %and3A_1050, %add3A_1051, %rem3A_1042 : i32
      %mul3A_1053 = arith.constant 80 : i32
      %mul3A_1054 = arith.muli %select_n3A_1052, %mul3A_1053 : i32
      %jit3A_1055 = arith.constant 3 : i32
      %eq3A_1056 = arith.constant 0 : i32
      %eq3A_1057 = arith.cmpi eq, %jit3A_1055, %eq3A_1056 : i32
      %jit3A_1058 = arith.constant 1 : i32
      %select_n3A_1059 = arith.select %eq3A_1057, %jit3A_1058, %jit3A_1055 : i32
      %rem3A_1060 = arith.remsi %scan3A_626, %select_n3A_1059 : i32
      %ne3A_1061 = arith.constant 0 : i32
      %ne3A_1062 = arith.cmpi ne, %rem3A_1060, %ne3A_1061 : i32
      %lt3A_1063 = arith.constant 0 : i32
      %lt3A_1064 = arith.cmpi slt, %rem3A_1060, %lt3A_1063 : i32
      %lt3A_1065 = arith.constant 0 : i32
      %lt3A_1066 = arith.cmpi slt, %select_n3A_1059, %lt3A_1065 : i32
      %ne3A_1067 = arith.xori %lt3A_1064, %lt3A_1066 : i1
      %and3A_1068 = arith.andi %ne3A_1067, %ne3A_1062 : i1
      %add3A_1069 = arith.addi %rem3A_1060, %select_n3A_1059 : i32
      %select_n3A_1070 = arith.select %and3A_1068, %add3A_1069, %rem3A_1060 : i32
      %dma_start3A_1071 = arith.constant 0 : i32
      %dma_start3A_1072 = tpu.memref_slice %arg8[%mul3A_1054, %dma_start3A_1071] : memref<240x128xf32, #tpu.memory_space<vmem>> -> memref<80x128xf32, #tpu.memory_space<vmem>>
      %dma_start3A_1073 = arith.constant 0 : i32
      %dma_start3A_1074 = tpu.memref_slice %arg7[%select_n3A_1036, %dma_start3A_1073] : memref<4x80xi32, #tpu.memory_space<vmem>> -> memref<1x80xi32, #tpu.memory_space<vmem>>
      %dma_start3A_1075 = tpu.memref_squeeze %dma_start3A_1074 : memref<1x80xi32, #tpu.memory_space<vmem>> -> memref<80xi32, #tpu.memory_space<vmem>>
      %dma_start3A_1076 = arith.constant 0 : i32
      %dma_start3A_1077 = arith.constant 0 : i32
      %dma_start3A_1078 = tpu.memref_slice %arg11[%dma_start3A_1076, %dma_start3A_1077] : memref<10240x128xf32, #tpu.memory_space<vmem_shared>> -> memref<10240x128xf32, #tpu.memory_space<vmem_shared>>
      %dma_start3A_1079 = tpu.memref_slice %arg15[%select_n3A_1070] : memref<3x!tpu.dma_semaphore, #tpu.memory_space<semaphore_mem>> -> memref<1x!tpu.dma_semaphore, #tpu.memory_space<semaphore_mem>>
      %dma_start3A_1080 = tpu.memref_squeeze %dma_start3A_1079 : memref<1x!tpu.dma_semaphore, #tpu.memory_space<semaphore_mem>> -> memref<!tpu.dma_semaphore, #tpu.memory_space<semaphore_mem>>
      tpu.enqueue_indirect_dma source(%dma_start3A_1072 : memref<80x128xf32, #tpu.memory_space<vmem>>) target(%dma_start3A_1078 : memref<10240x128xf32, #tpu.memory_space<vmem_shared>>) offsets(%dma_start3A_1075 : memref<80xi32, #tpu.memory_space<vmem>>) semaphore(%dma_start3A_1080 : memref<!tpu.dma_semaphore, #tpu.memory_space<semaphore_mem>>) {add = true}
      %jit3A_1081 = arith.constant 3 : i32
      %eq3A_1082 = arith.constant 0 : i32
      %eq3A_1083 = arith.cmpi eq, %jit3A_1081, %eq3A_1082 : i32
      %jit3A_1084 = arith.constant 1 : i32
      %select_n3A_1085 = arith.select %eq3A_1083, %jit3A_1084, %jit3A_1081 : i32
      %rem3A_1086 = arith.remsi %scan3A_626, %select_n3A_1085 : i32
      %ne3A_1087 = arith.constant 0 : i32
      %ne3A_1088 = arith.cmpi ne, %rem3A_1086, %ne3A_1087 : i32
      %lt3A_1089 = arith.constant 0 : i32
      %lt3A_1090 = arith.cmpi slt, %rem3A_1086, %lt3A_1089 : i32
      %lt3A_1091 = arith.constant 0 : i32
      %lt3A_1092 = arith.cmpi slt, %select_n3A_1085, %lt3A_1091 : i32
      %ne3A_1093 = arith.xori %lt3A_1090, %lt3A_1092 : i1
      %and3A_1094 = arith.andi %ne3A_1093, %ne3A_1088 : i1
      %add3A_1095 = arith.addi %rem3A_1086, %select_n3A_1085 : i32
      %select_n3A_1096 = arith.select %and3A_1094, %add3A_1095, %rem3A_1086 : i32
      %dma_start3A_1097 = arith.constant 0 : i32
      %dma_start3A_1098 = tpu.memref_slice %arg10[%dma_start3A_1097] : memref<128xf32, #tpu.memory_space<vmem>> -> memref<80xf32, #tpu.memory_space<vmem>>
      %dma_start3A_1099 = arith.constant 0 : i32
      %dma_start3A_1100 = tpu.memref_slice %arg7[%select_n3A_1036, %dma_start3A_1099] : memref<4x80xi32, #tpu.memory_space<vmem>> -> memref<1x80xi32, #tpu.memory_space<vmem>>
      %dma_start3A_1101 = tpu.memref_squeeze %dma_start3A_1100 : memref<1x80xi32, #tpu.memory_space<vmem>> -> memref<80xi32, #tpu.memory_space<vmem>>
      %dma_start3A_1102 = arith.constant 0 : i32
      %dma_start3A_1103 = tpu.memref_slice %arg12[%dma_start3A_1102] : memref<10240xf32, #tpu.memory_space<vmem_shared>> -> memref<10240xf32, #tpu.memory_space<vmem_shared>>
      %dma_start3A_1104 = tpu.memref_slice %arg16[%select_n3A_1096] : memref<3x!tpu.dma_semaphore, #tpu.memory_space<semaphore_mem>> -> memref<1x!tpu.dma_semaphore, #tpu.memory_space<semaphore_mem>>
      %dma_start3A_1105 = tpu.memref_squeeze %dma_start3A_1104 : memref<1x!tpu.dma_semaphore, #tpu.memory_space<semaphore_mem>> -> memref<!tpu.dma_semaphore, #tpu.memory_space<semaphore_mem>>
      tpu.enqueue_indirect_dma source(%dma_start3A_1098 : memref<80xf32, #tpu.memory_space<vmem>>) target(%dma_start3A_1103 : memref<10240xf32, #tpu.memory_space<vmem_shared>>) offsets(%dma_start3A_1101 : memref<80xi32, #tpu.memory_space<vmem>>) semaphore(%dma_start3A_1105 : memref<!tpu.dma_semaphore, #tpu.memory_space<semaphore_mem>>) {add = true}
      %scan3A_1106 = arith.constant 0 : i32
      scf.yield %scan3A_1106 : i32
    }
    %scan3A_390 = arith.constant 121 : i32
    %dma_wait3A_391 = arith.constant 1 : i32
    %dma_wait3A_392 = arith.constant 1 : i32
    %dma_wait3A_393 = arith.constant 80 : i32
    %dma_wait3A_394 = arith.constant 0 : i32
    %dma_wait3A_395 = tpu.memref_slice %arg8[%dma_wait3A_393, %dma_wait3A_394] : memref<240x128xf32, #tpu.memory_space<vmem>> -> memref<80x128xf32, #tpu.memory_space<vmem>>
    %dma_wait3A_396 = arith.constant 0 : i32
    %dma_wait3A_397 = tpu.memref_slice %arg7[%dma_wait3A_391, %dma_wait3A_396] : memref<4x80xi32, #tpu.memory_space<vmem>> -> memref<1x80xi32, #tpu.memory_space<vmem>>
    %dma_wait3A_398 = tpu.memref_squeeze %dma_wait3A_397 : memref<1x80xi32, #tpu.memory_space<vmem>> -> memref<80xi32, #tpu.memory_space<vmem>>
    %dma_wait3A_399 = arith.constant 0 : i32
    %dma_wait3A_400 = arith.constant 0 : i32
    %dma_wait3A_401 = tpu.memref_slice %arg11[%dma_wait3A_399, %dma_wait3A_400] : memref<10240x128xf32, #tpu.memory_space<vmem_shared>> -> memref<10240x128xf32, #tpu.memory_space<vmem_shared>>
    %dma_wait3A_402 = tpu.memref_slice %arg15[%dma_wait3A_392] : memref<3x!tpu.dma_semaphore, #tpu.memory_space<semaphore_mem>> -> memref<1x!tpu.dma_semaphore, #tpu.memory_space<semaphore_mem>>
    %dma_wait3A_403 = tpu.memref_squeeze %dma_wait3A_402 : memref<1x!tpu.dma_semaphore, #tpu.memory_space<semaphore_mem>> -> memref<!tpu.dma_semaphore, #tpu.memory_space<semaphore_mem>>
    tpu.wait_indirect_dma semaphore(%dma_wait3A_403 : memref<!tpu.dma_semaphore, #tpu.memory_space<semaphore_mem>>) src(%dma_wait3A_395 : memref<80x128xf32, #tpu.memory_space<vmem>>) dst(%dma_wait3A_401 : memref<10240x128xf32, #tpu.memory_space<vmem_shared>>)
    %dma_wait3A_404 = arith.constant 1 : i32
    %dma_wait3A_405 = arith.constant 1 : i32
    %dma_wait3A_406 = arith.constant 0 : i32
    %dma_wait3A_407 = tpu.memref_slice %arg10[%dma_wait3A_406] : memref<128xf32, #tpu.memory_space<vmem>> -> memref<80xf32, #tpu.memory_space<vmem>>
    %dma_wait3A_408 = arith.constant 0 : i32
    %dma_wait3A_409 = tpu.memref_slice %arg7[%dma_wait3A_404, %dma_wait3A_408] : memref<4x80xi32, #tpu.memory_space<vmem>> -> memref<1x80xi32, #tpu.memory_space<vmem>>
    %dma_wait3A_410 = tpu.memref_squeeze %dma_wait3A_409 : memref<1x80xi32, #tpu.memory_space<vmem>> -> memref<80xi32, #tpu.memory_space<vmem>>
    %dma_wait3A_411 = arith.constant 0 : i32
    %dma_wait3A_412 = tpu.memref_slice %arg12[%dma_wait3A_411] : memref<10240xf32, #tpu.memory_space<vmem_shared>> -> memref<10240xf32, #tpu.memory_space<vmem_shared>>
    %dma_wait3A_413 = tpu.memref_slice %arg16[%dma_wait3A_405] : memref<3x!tpu.dma_semaphore, #tpu.memory_space<semaphore_mem>> -> memref<1x!tpu.dma_semaphore, #tpu.memory_space<semaphore_mem>>
    %dma_wait3A_414 = tpu.memref_squeeze %dma_wait3A_413 : memref<1x!tpu.dma_semaphore, #tpu.memory_space<semaphore_mem>> -> memref<!tpu.dma_semaphore, #tpu.memory_space<semaphore_mem>>
    tpu.wait_indirect_dma semaphore(%dma_wait3A_414 : memref<!tpu.dma_semaphore, #tpu.memory_space<semaphore_mem>>) src(%dma_wait3A_407 : memref<80xf32, #tpu.memory_space<vmem>>) dst(%dma_wait3A_412 : memref<10240xf32, #tpu.memory_space<vmem_shared>>)
    %mul3A_415 = arith.constant 10000 : i32
    %mul3A_416 = arith.muli %add3A, %mul3A_415 : i32
    %add3A_417 = arith.constant 9920 : i32
    %add3A_418 = arith.addi %mul3A_416, %add3A_417 : i32
    %multiple_of3A_419 = tpu.assume_multiple %add3A_418, 8 : i32
    %dma_wait3A_420 = arith.constant 0 : i32
    %dma_wait3A_421 = arith.constant 0 : i32
    %dma_wait3A_422 = arith.constant 0 : i32
    %dma_wait3A_423 = tpu.memref_slice %arg6[%dma_wait3A_420, %dma_wait3A_422] : memref<4x80xi32, #tpu.memory_space<vmem>> -> memref<1x80xi32, #tpu.memory_space<vmem>>
    %dma_wait3A_424 = tpu.memref_squeeze %dma_wait3A_423 : memref<1x80xi32, #tpu.memory_space<vmem>> -> memref<80xi32, #tpu.memory_space<vmem>>
    %dma_wait3A_425 = tpu.memref_slice %arg3[%multiple_of3A_419] : memref<640000xi32, #tpu.memory_space<hbm>> -> memref<80xi32, #tpu.memory_space<hbm>>
    %dma_wait3A_426 = tpu.memref_slice %arg14[%dma_wait3A_421] : memref<4x!tpu.dma_semaphore, #tpu.memory_space<semaphore_mem>> -> memref<1x!tpu.dma_semaphore, #tpu.memory_space<semaphore_mem>>
    %dma_wait3A_427 = tpu.memref_squeeze %dma_wait3A_426 : memref<1x!tpu.dma_semaphore, #tpu.memory_space<semaphore_mem>> -> memref<!tpu.dma_semaphore, #tpu.memory_space<semaphore_mem>>
    %dma_wait3A_428 = arith.constant 0 : i32
    %dma_wait3A_429 = tpu.memref_slice %arg6[%dma_wait3A_420, %dma_wait3A_428] : memref<4x80xi32, #tpu.memory_space<vmem>> -> memref<1x80xi32, #tpu.memory_space<vmem>>
    %dma_wait3A_430 = tpu.memref_squeeze %dma_wait3A_429 : memref<1x80xi32, #tpu.memory_space<vmem>> -> memref<80xi32, #tpu.memory_space<vmem>>
    %dma_wait3A_431 = tpu.memref_slice %arg3[%multiple_of3A_419] : memref<640000xi32, #tpu.memory_space<hbm>> -> memref<80xi32, #tpu.memory_space<hbm>>
    tpu.wait_dma2 semaphore(%dma_wait3A_427 : memref<!tpu.dma_semaphore, #tpu.memory_space<semaphore_mem>>) src(%dma_wait3A_431 : memref<80xi32, #tpu.memory_space<hbm>>) dst(%dma_wait3A_430 : memref<80xi32, #tpu.memory_space<vmem>>)
    %dma_wait3A_432 = arith.constant 0 : i32
    %dma_wait3A_433 = arith.constant 0 : i32
    %dma_wait3A_434 = arith.constant 0 : i32
    %dma_wait3A_435 = tpu.memref_slice %arg7[%dma_wait3A_432, %dma_wait3A_434] : memref<4x80xi32, #tpu.memory_space<vmem>> -> memref<1x80xi32, #tpu.memory_space<vmem>>
    %dma_wait3A_436 = tpu.memref_squeeze %dma_wait3A_435 : memref<1x80xi32, #tpu.memory_space<vmem>> -> memref<80xi32, #tpu.memory_space<vmem>>
    %dma_wait3A_437 = tpu.memref_slice %arg3[%multiple_of3A_419] : memref<640000xi32, #tpu.memory_space<hbm>> -> memref<80xi32, #tpu.memory_space<hbm>>
    %dma_wait3A_438 = tpu.memref_slice %arg14[%dma_wait3A_433] : memref<4x!tpu.dma_semaphore, #tpu.memory_space<semaphore_mem>> -> memref<1x!tpu.dma_semaphore, #tpu.memory_space<semaphore_mem>>
    %dma_wait3A_439 = tpu.memref_squeeze %dma_wait3A_438 : memref<1x!tpu.dma_semaphore, #tpu.memory_space<semaphore_mem>> -> memref<!tpu.dma_semaphore, #tpu.memory_space<semaphore_mem>>
    %dma_wait3A_440 = arith.constant 0 : i32
    %dma_wait3A_441 = tpu.memref_slice %arg7[%dma_wait3A_432, %dma_wait3A_440] : memref<4x80xi32, #tpu.memory_space<vmem>> -> memref<1x80xi32, #tpu.memory_space<vmem>>
    %dma_wait3A_442 = tpu.memref_squeeze %dma_wait3A_441 : memref<1x80xi32, #tpu.memory_space<vmem>> -> memref<80xi32, #tpu.memory_space<vmem>>
    %dma_wait3A_443 = tpu.memref_slice %arg3[%multiple_of3A_419] : memref<640000xi32, #tpu.memory_space<hbm>> -> memref<80xi32, #tpu.memory_space<hbm>>
    tpu.wait_dma2 semaphore(%dma_wait3A_439 : memref<!tpu.dma_semaphore, #tpu.memory_space<semaphore_mem>>) src(%dma_wait3A_443 : memref<80xi32, #tpu.memory_space<hbm>>) dst(%dma_wait3A_442 : memref<80xi32, #tpu.memory_space<vmem>>)
    %dma_start3A_444 = arith.constant 0 : i32
    %dma_start3A_445 = arith.constant 1 : i32
    %dma_start3A_446 = arith.constant 80 : i32
    %dma_start3A_447 = arith.constant 0 : i32
    %dma_start3A_448 = tpu.memref_slice %arg8[%dma_start3A_446, %dma_start3A_447] : memref<240x128xf32, #tpu.memory_space<vmem>> -> memref<80x128xf32, #tpu.memory_space<vmem>>
    %dma_start3A_449 = arith.constant 0 : i32
    %dma_start3A_450 = tpu.memref_slice %arg6[%dma_start3A_444, %dma_start3A_449] : memref<4x80xi32, #tpu.memory_space<vmem>> -> memref<1x80xi32, #tpu.memory_space<vmem>>
    %dma_start3A_451 = tpu.memref_squeeze %dma_start3A_450 : memref<1x80xi32, #tpu.memory_space<vmem>> -> memref<80xi32, #tpu.memory_space<vmem>>
    %dma_start3A_452 = arith.constant 0 : i32
    %dma_start3A_453 = arith.constant 0 : i32
    %dma_start3A_454 = tpu.memref_slice %arg2[%dma_start3A_452, %dma_start3A_453] : memref<10000x128xf32, #tpu.memory_space<hbm>> -> memref<10000x128xf32, #tpu.memory_space<hbm>>
    %dma_start3A_455 = tpu.memref_slice %arg13[%dma_start3A_445] : memref<3x!tpu.dma_semaphore, #tpu.memory_space<semaphore_mem>> -> memref<1x!tpu.dma_semaphore, #tpu.memory_space<semaphore_mem>>
    %dma_start3A_456 = tpu.memref_squeeze %dma_start3A_455 : memref<1x!tpu.dma_semaphore, #tpu.memory_space<semaphore_mem>> -> memref<!tpu.dma_semaphore, #tpu.memory_space<semaphore_mem>>
    tpu.enqueue_indirect_dma source(%dma_start3A_454 : memref<10000x128xf32, #tpu.memory_space<hbm>>) target(%dma_start3A_448 : memref<80x128xf32, #tpu.memory_space<vmem>>) offsets(%dma_start3A_451 : memref<80xi32, #tpu.memory_space<vmem>>) semaphore(%dma_start3A_456 : memref<!tpu.dma_semaphore, #tpu.memory_space<semaphore_mem>>)
    %dma_wait3A_457 = arith.constant 3 : i32
    %dma_wait3A_458 = arith.constant 0 : i32
    %dma_wait3A_459 = arith.constant 0 : i32
    %dma_wait3A_460 = arith.constant 0 : i32
    %dma_wait3A_461 = tpu.memref_slice %arg8[%dma_wait3A_459, %dma_wait3A_460] : memref<240x128xf32, #tpu.memory_space<vmem>> -> memref<80x128xf32, #tpu.memory_space<vmem>>
    %dma_wait3A_462 = arith.constant 0 : i32
    %dma_wait3A_463 = tpu.memref_slice %arg6[%dma_wait3A_457, %dma_wait3A_462] : memref<4x80xi32, #tpu.memory_space<vmem>> -> memref<1x80xi32, #tpu.memory_space<vmem>>
    %dma_wait3A_464 = tpu.memref_squeeze %dma_wait3A_463 : memref<1x80xi32, #tpu.memory_space<vmem>> -> memref<80xi32, #tpu.memory_space<vmem>>
    %dma_wait3A_465 = arith.constant 0 : i32
    %dma_wait3A_466 = arith.constant 0 : i32
    %dma_wait3A_467 = tpu.memref_slice %arg2[%dma_wait3A_465, %dma_wait3A_466] : memref<10000x128xf32, #tpu.memory_space<hbm>> -> memref<10000x128xf32, #tpu.memory_space<hbm>>
    %dma_wait3A_468 = tpu.memref_slice %arg13[%dma_wait3A_458] : memref<3x!tpu.dma_semaphore, #tpu.memory_space<semaphore_mem>> -> memref<1x!tpu.dma_semaphore, #tpu.memory_space<semaphore_mem>>
    %dma_wait3A_469 = tpu.memref_squeeze %dma_wait3A_468 : memref<1x!tpu.dma_semaphore, #tpu.memory_space<semaphore_mem>> -> memref<!tpu.dma_semaphore, #tpu.memory_space<semaphore_mem>>
    tpu.wait_indirect_dma semaphore(%dma_wait3A_469 : memref<!tpu.dma_semaphore, #tpu.memory_space<semaphore_mem>>) src(%dma_wait3A_467 : memref<10000x128xf32, #tpu.memory_space<hbm>>) dst(%dma_wait3A_461 : memref<80x128xf32, #tpu.memory_space<vmem>>)
    %dma_start3A_470 = arith.constant 3 : i32
    %dma_start3A_471 = arith.constant 0 : i32
    %dma_start3A_472 = arith.constant 0 : i32
    %dma_start3A_473 = arith.constant 0 : i32
    %dma_start3A_474 = tpu.memref_slice %arg8[%dma_start3A_472, %dma_start3A_473] : memref<240x128xf32, #tpu.memory_space<vmem>> -> memref<80x128xf32, #tpu.memory_space<vmem>>
    %dma_start3A_475 = arith.constant 0 : i32
    %dma_start3A_476 = tpu.memref_slice %arg7[%dma_start3A_470, %dma_start3A_475] : memref<4x80xi32, #tpu.memory_space<vmem>> -> memref<1x80xi32, #tpu.memory_space<vmem>>
    %dma_start3A_477 = tpu.memref_squeeze %dma_start3A_476 : memref<1x80xi32, #tpu.memory_space<vmem>> -> memref<80xi32, #tpu.memory_space<vmem>>
    %dma_start3A_478 = arith.constant 0 : i32
    %dma_start3A_479 = arith.constant 0 : i32
    %dma_start3A_480 = tpu.memref_slice %arg11[%dma_start3A_478, %dma_start3A_479] : memref<10240x128xf32, #tpu.memory_space<vmem_shared>> -> memref<10240x128xf32, #tpu.memory_space<vmem_shared>>
    %dma_start3A_481 = tpu.memref_slice %arg15[%dma_start3A_471] : memref<3x!tpu.dma_semaphore, #tpu.memory_space<semaphore_mem>> -> memref<1x!tpu.dma_semaphore, #tpu.memory_space<semaphore_mem>>
    %dma_start3A_482 = tpu.memref_squeeze %dma_start3A_481 : memref<1x!tpu.dma_semaphore, #tpu.memory_space<semaphore_mem>> -> memref<!tpu.dma_semaphore, #tpu.memory_space<semaphore_mem>>
    tpu.enqueue_indirect_dma source(%dma_start3A_474 : memref<80x128xf32, #tpu.memory_space<vmem>>) target(%dma_start3A_480 : memref<10240x128xf32, #tpu.memory_space<vmem_shared>>) offsets(%dma_start3A_477 : memref<80xi32, #tpu.memory_space<vmem>>) semaphore(%dma_start3A_482 : memref<!tpu.dma_semaphore, #tpu.memory_space<semaphore_mem>>) {add = true}
    %dma_start3A_483 = arith.constant 3 : i32
    %dma_start3A_484 = arith.constant 0 : i32
    %dma_start3A_485 = arith.constant 0 : i32
    %dma_start3A_486 = tpu.memref_slice %arg10[%dma_start3A_485] : memref<128xf32, #tpu.memory_space<vmem>> -> memref<80xf32, #tpu.memory_space<vmem>>
    %dma_start3A_487 = arith.constant 0 : i32
    %dma_start3A_488 = tpu.memref_slice %arg7[%dma_start3A_483, %dma_start3A_487] : memref<4x80xi32, #tpu.memory_space<vmem>> -> memref<1x80xi32, #tpu.memory_space<vmem>>
    %dma_start3A_489 = tpu.memref_squeeze %dma_start3A_488 : memref<1x80xi32, #tpu.memory_space<vmem>> -> memref<80xi32, #tpu.memory_space<vmem>>
    %dma_start3A_490 = arith.constant 0 : i32
    %dma_start3A_491 = tpu.memref_slice %arg12[%dma_start3A_490] : memref<10240xf32, #tpu.memory_space<vmem_shared>> -> memref<10240xf32, #tpu.memory_space<vmem_shared>>
    %dma_start3A_492 = tpu.memref_slice %arg16[%dma_start3A_484] : memref<3x!tpu.dma_semaphore, #tpu.memory_space<semaphore_mem>> -> memref<1x!tpu.dma_semaphore, #tpu.memory_space<semaphore_mem>>
    %dma_start3A_493 = tpu.memref_squeeze %dma_start3A_492 : memref<1x!tpu.dma_semaphore, #tpu.memory_space<semaphore_mem>> -> memref<!tpu.dma_semaphore, #tpu.memory_space<semaphore_mem>>
    tpu.enqueue_indirect_dma source(%dma_start3A_486 : memref<80xf32, #tpu.memory_space<vmem>>) target(%dma_start3A_491 : memref<10240xf32, #tpu.memory_space<vmem_shared>>) offsets(%dma_start3A_489 : memref<80xi32, #tpu.memory_space<vmem>>) semaphore(%dma_start3A_493 : memref<!tpu.dma_semaphore, #tpu.memory_space<semaphore_mem>>) {add = true}
    %dma_wait3A_494 = arith.constant 2 : i32
    %dma_wait3A_495 = arith.constant 2 : i32
    %dma_wait3A_496 = arith.constant 160 : i32
    %dma_wait3A_497 = arith.constant 0 : i32
    %dma_wait3A_498 = tpu.memref_slice %arg8[%dma_wait3A_496, %dma_wait3A_497] : memref<240x128xf32, #tpu.memory_space<vmem>> -> memref<80x128xf32, #tpu.memory_space<vmem>>
    %dma_wait3A_499 = arith.constant 0 : i32
    %dma_wait3A_500 = tpu.memref_slice %arg7[%dma_wait3A_494, %dma_wait3A_499] : memref<4x80xi32, #tpu.memory_space<vmem>> -> memref<1x80xi32, #tpu.memory_space<vmem>>
    %dma_wait3A_501 = tpu.memref_squeeze %dma_wait3A_500 : memref<1x80xi32, #tpu.memory_space<vmem>> -> memref<80xi32, #tpu.memory_space<vmem>>
    %dma_wait3A_502 = arith.constant 0 : i32
    %dma_wait3A_503 = arith.constant 0 : i32
    %dma_wait3A_504 = tpu.memref_slice %arg11[%dma_wait3A_502, %dma_wait3A_503] : memref<10240x128xf32, #tpu.memory_space<vmem_shared>> -> memref<10240x128xf32, #tpu.memory_space<vmem_shared>>
    %dma_wait3A_505 = tpu.memref_slice %arg15[%dma_wait3A_495] : memref<3x!tpu.dma_semaphore, #tpu.memory_space<semaphore_mem>> -> memref<1x!tpu.dma_semaphore, #tpu.memory_space<semaphore_mem>>
    %dma_wait3A_506 = tpu.memref_squeeze %dma_wait3A_505 : memref<1x!tpu.dma_semaphore, #tpu.memory_space<semaphore_mem>> -> memref<!tpu.dma_semaphore, #tpu.memory_space<semaphore_mem>>
    tpu.wait_indirect_dma semaphore(%dma_wait3A_506 : memref<!tpu.dma_semaphore, #tpu.memory_space<semaphore_mem>>) src(%dma_wait3A_498 : memref<80x128xf32, #tpu.memory_space<vmem>>) dst(%dma_wait3A_504 : memref<10240x128xf32, #tpu.memory_space<vmem_shared>>)
    %dma_wait3A_507 = arith.constant 2 : i32
    %dma_wait3A_508 = arith.constant 2 : i32
    %dma_wait3A_509 = arith.constant 0 : i32
    %dma_wait3A_510 = tpu.memref_slice %arg10[%dma_wait3A_509] : memref<128xf32, #tpu.memory_space<vmem>> -> memref<80xf32, #tpu.memory_space<vmem>>
    %dma_wait3A_511 = arith.constant 0 : i32
    %dma_wait3A_512 = tpu.memref_slice %arg7[%dma_wait3A_507, %dma_wait3A_511] : memref<4x80xi32, #tpu.memory_space<vmem>> -> memref<1x80xi32, #tpu.memory_space<vmem>>
    %dma_wait3A_513 = tpu.memref_squeeze %dma_wait3A_512 : memref<1x80xi32, #tpu.memory_space<vmem>> -> memref<80xi32, #tpu.memory_space<vmem>>
    %dma_wait3A_514 = arith.constant 0 : i32
    %dma_wait3A_515 = tpu.memref_slice %arg12[%dma_wait3A_514] : memref<10240xf32, #tpu.memory_space<vmem_shared>> -> memref<10240xf32, #tpu.memory_space<vmem_shared>>
    %dma_wait3A_516 = tpu.memref_slice %arg16[%dma_wait3A_508] : memref<3x!tpu.dma_semaphore, #tpu.memory_space<semaphore_mem>> -> memref<1x!tpu.dma_semaphore, #tpu.memory_space<semaphore_mem>>
    %dma_wait3A_517 = tpu.memref_squeeze %dma_wait3A_516 : memref<1x!tpu.dma_semaphore, #tpu.memory_space<semaphore_mem>> -> memref<!tpu.dma_semaphore, #tpu.memory_space<semaphore_mem>>
    tpu.wait_indirect_dma semaphore(%dma_wait3A_517 : memref<!tpu.dma_semaphore, #tpu.memory_space<semaphore_mem>>) src(%dma_wait3A_510 : memref<80xf32, #tpu.memory_space<vmem>>) dst(%dma_wait3A_515 : memref<10240xf32, #tpu.memory_space<vmem_shared>>)
    %dma_wait3A_518 = arith.constant 0 : i32
    %dma_wait3A_519 = arith.constant 1 : i32
    %dma_wait3A_520 = arith.constant 80 : i32
    %dma_wait3A_521 = arith.constant 0 : i32
    %dma_wait3A_522 = tpu.memref_slice %arg8[%dma_wait3A_520, %dma_wait3A_521] : memref<240x128xf32, #tpu.memory_space<vmem>> -> memref<80x128xf32, #tpu.memory_space<vmem>>
    %dma_wait3A_523 = arith.constant 0 : i32
    %dma_wait3A_524 = tpu.memref_slice %arg6[%dma_wait3A_518, %dma_wait3A_523] : memref<4x80xi32, #tpu.memory_space<vmem>> -> memref<1x80xi32, #tpu.memory_space<vmem>>
    %dma_wait3A_525 = tpu.memref_squeeze %dma_wait3A_524 : memref<1x80xi32, #tpu.memory_space<vmem>> -> memref<80xi32, #tpu.memory_space<vmem>>
    %dma_wait3A_526 = arith.constant 0 : i32
    %dma_wait3A_527 = arith.constant 0 : i32
    %dma_wait3A_528 = tpu.memref_slice %arg2[%dma_wait3A_526, %dma_wait3A_527] : memref<10000x128xf32, #tpu.memory_space<hbm>> -> memref<10000x128xf32, #tpu.memory_space<hbm>>
    %dma_wait3A_529 = tpu.memref_slice %arg13[%dma_wait3A_519] : memref<3x!tpu.dma_semaphore, #tpu.memory_space<semaphore_mem>> -> memref<1x!tpu.dma_semaphore, #tpu.memory_space<semaphore_mem>>
    %dma_wait3A_530 = tpu.memref_squeeze %dma_wait3A_529 : memref<1x!tpu.dma_semaphore, #tpu.memory_space<semaphore_mem>> -> memref<!tpu.dma_semaphore, #tpu.memory_space<semaphore_mem>>
    tpu.wait_indirect_dma semaphore(%dma_wait3A_530 : memref<!tpu.dma_semaphore, #tpu.memory_space<semaphore_mem>>) src(%dma_wait3A_528 : memref<10000x128xf32, #tpu.memory_space<hbm>>) dst(%dma_wait3A_522 : memref<80x128xf32, #tpu.memory_space<vmem>>)
    %dma_start3A_531 = arith.constant 0 : i32
    %dma_start3A_532 = arith.constant 1 : i32
    %dma_start3A_533 = arith.constant 80 : i32
    %dma_start3A_534 = arith.constant 0 : i32
    %dma_start3A_535 = tpu.memref_slice %arg8[%dma_start3A_533, %dma_start3A_534] : memref<240x128xf32, #tpu.memory_space<vmem>> -> memref<80x128xf32, #tpu.memory_space<vmem>>
    %dma_start3A_536 = arith.constant 0 : i32
    %dma_start3A_537 = tpu.memref_slice %arg7[%dma_start3A_531, %dma_start3A_536] : memref<4x80xi32, #tpu.memory_space<vmem>> -> memref<1x80xi32, #tpu.memory_space<vmem>>
    %dma_start3A_538 = tpu.memref_squeeze %dma_start3A_537 : memref<1x80xi32, #tpu.memory_space<vmem>> -> memref<80xi32, #tpu.memory_space<vmem>>
    %dma_start3A_539 = arith.constant 0 : i32
    %dma_start3A_540 = arith.constant 0 : i32
    %dma_start3A_541 = tpu.memref_slice %arg11[%dma_start3A_539, %dma_start3A_540] : memref<10240x128xf32, #tpu.memory_space<vmem_shared>> -> memref<10240x128xf32, #tpu.memory_space<vmem_shared>>
    %dma_start3A_542 = tpu.memref_slice %arg15[%dma_start3A_532] : memref<3x!tpu.dma_semaphore, #tpu.memory_space<semaphore_mem>> -> memref<1x!tpu.dma_semaphore, #tpu.memory_space<semaphore_mem>>
    %dma_start3A_543 = tpu.memref_squeeze %dma_start3A_542 : memref<1x!tpu.dma_semaphore, #tpu.memory_space<semaphore_mem>> -> memref<!tpu.dma_semaphore, #tpu.memory_space<semaphore_mem>>
    tpu.enqueue_indirect_dma source(%dma_start3A_535 : memref<80x128xf32, #tpu.memory_space<vmem>>) target(%dma_start3A_541 : memref<10240x128xf32, #tpu.memory_space<vmem_shared>>) offsets(%dma_start3A_538 : memref<80xi32, #tpu.memory_space<vmem>>) semaphore(%dma_start3A_543 : memref<!tpu.dma_semaphore, #tpu.memory_space<semaphore_mem>>) {add = true}
    %dma_start3A_544 = arith.constant 0 : i32
    %dma_start3A_545 = arith.constant 1 : i32
    %dma_start3A_546 = arith.constant 0 : i32
    %dma_start3A_547 = tpu.memref_slice %arg10[%dma_start3A_546] : memref<128xf32, #tpu.memory_space<vmem>> -> memref<80xf32, #tpu.memory_space<vmem>>
    %dma_start3A_548 = arith.constant 0 : i32
    %dma_start3A_549 = tpu.memref_slice %arg7[%dma_start3A_544, %dma_start3A_548] : memref<4x80xi32, #tpu.memory_space<vmem>> -> memref<1x80xi32, #tpu.memory_space<vmem>>
    %dma_start3A_550 = tpu.memref_squeeze %dma_start3A_549 : memref<1x80xi32, #tpu.memory_space<vmem>> -> memref<80xi32, #tpu.memory_space<vmem>>
    %dma_start3A_551 = arith.constant 0 : i32
    %dma_start3A_552 = tpu.memref_slice %arg12[%dma_start3A_551] : memref<10240xf32, #tpu.memory_space<vmem_shared>> -> memref<10240xf32, #tpu.memory_space<vmem_shared>>
    %dma_start3A_553 = tpu.memref_slice %arg16[%dma_start3A_545] : memref<3x!tpu.dma_semaphore, #tpu.memory_space<semaphore_mem>> -> memref<1x!tpu.dma_semaphore, #tpu.memory_space<semaphore_mem>>
    %dma_start3A_554 = tpu.memref_squeeze %dma_start3A_553 : memref<1x!tpu.dma_semaphore, #tpu.memory_space<semaphore_mem>> -> memref<!tpu.dma_semaphore, #tpu.memory_space<semaphore_mem>>
    tpu.enqueue_indirect_dma source(%dma_start3A_547 : memref<80xf32, #tpu.memory_space<vmem>>) target(%dma_start3A_552 : memref<10240xf32, #tpu.memory_space<vmem_shared>>) offsets(%dma_start3A_550 : memref<80xi32, #tpu.memory_space<vmem>>) semaphore(%dma_start3A_554 : memref<!tpu.dma_semaphore, #tpu.memory_space<semaphore_mem>>) {add = true}
    %dma_wait3A_555 = arith.constant 3 : i32
    %dma_wait3A_556 = arith.constant 0 : i32
    %dma_wait3A_557 = arith.constant 0 : i32
    %dma_wait3A_558 = arith.constant 0 : i32
    %dma_wait3A_559 = tpu.memref_slice %arg8[%dma_wait3A_557, %dma_wait3A_558] : memref<240x128xf32, #tpu.memory_space<vmem>> -> memref<80x128xf32, #tpu.memory_space<vmem>>
    %dma_wait3A_560 = arith.constant 0 : i32
    %dma_wait3A_561 = tpu.memref_slice %arg7[%dma_wait3A_555, %dma_wait3A_560] : memref<4x80xi32, #tpu.memory_space<vmem>> -> memref<1x80xi32, #tpu.memory_space<vmem>>
    %dma_wait3A_562 = tpu.memref_squeeze %dma_wait3A_561 : memref<1x80xi32, #tpu.memory_space<vmem>> -> memref<80xi32, #tpu.memory_space<vmem>>
    %dma_wait3A_563 = arith.constant 0 : i32
    %dma_wait3A_564 = arith.constant 0 : i32
    %dma_wait3A_565 = tpu.memref_slice %arg11[%dma_wait3A_563, %dma_wait3A_564] : memref<10240x128xf32, #tpu.memory_space<vmem_shared>> -> memref<10240x128xf32, #tpu.memory_space<vmem_shared>>
    %dma_wait3A_566 = tpu.memref_slice %arg15[%dma_wait3A_556] : memref<3x!tpu.dma_semaphore, #tpu.memory_space<semaphore_mem>> -> memref<1x!tpu.dma_semaphore, #tpu.memory_space<semaphore_mem>>
    %dma_wait3A_567 = tpu.memref_squeeze %dma_wait3A_566 : memref<1x!tpu.dma_semaphore, #tpu.memory_space<semaphore_mem>> -> memref<!tpu.dma_semaphore, #tpu.memory_space<semaphore_mem>>
    tpu.wait_indirect_dma semaphore(%dma_wait3A_567 : memref<!tpu.dma_semaphore, #tpu.memory_space<semaphore_mem>>) src(%dma_wait3A_559 : memref<80x128xf32, #tpu.memory_space<vmem>>) dst(%dma_wait3A_565 : memref<10240x128xf32, #tpu.memory_space<vmem_shared>>)
    %dma_wait3A_568 = arith.constant 3 : i32
    %dma_wait3A_569 = arith.constant 0 : i32
    %dma_wait3A_570 = arith.constant 0 : i32
    %dma_wait3A_571 = tpu.memref_slice %arg10[%dma_wait3A_570] : memref<128xf32, #tpu.memory_space<vmem>> -> memref<80xf32, #tpu.memory_space<vmem>>
    %dma_wait3A_572 = arith.constant 0 : i32
    %dma_wait3A_573 = tpu.memref_slice %arg7[%dma_wait3A_568, %dma_wait3A_572] : memref<4x80xi32, #tpu.memory_space<vmem>> -> memref<1x80xi32, #tpu.memory_space<vmem>>
    %dma_wait3A_574 = tpu.memref_squeeze %dma_wait3A_573 : memref<1x80xi32, #tpu.memory_space<vmem>> -> memref<80xi32, #tpu.memory_space<vmem>>
    %dma_wait3A_575 = arith.constant 0 : i32
    %dma_wait3A_576 = tpu.memref_slice %arg12[%dma_wait3A_575] : memref<10240xf32, #tpu.memory_space<vmem_shared>> -> memref<10240xf32, #tpu.memory_space<vmem_shared>>
    %dma_wait3A_577 = tpu.memref_slice %arg16[%dma_wait3A_569] : memref<3x!tpu.dma_semaphore, #tpu.memory_space<semaphore_mem>> -> memref<1x!tpu.dma_semaphore, #tpu.memory_space<semaphore_mem>>
    %dma_wait3A_578 = tpu.memref_squeeze %dma_wait3A_577 : memref<1x!tpu.dma_semaphore, #tpu.memory_space<semaphore_mem>> -> memref<!tpu.dma_semaphore, #tpu.memory_space<semaphore_mem>>
    tpu.wait_indirect_dma semaphore(%dma_wait3A_578 : memref<!tpu.dma_semaphore, #tpu.memory_space<semaphore_mem>>) src(%dma_wait3A_571 : memref<80xf32, #tpu.memory_space<vmem>>) dst(%dma_wait3A_576 : memref<10240xf32, #tpu.memory_space<vmem_shared>>)
    %dma_wait3A_579 = arith.constant 0 : i32
    %dma_wait3A_580 = arith.constant 1 : i32
    %dma_wait3A_581 = arith.constant 80 : i32
    %dma_wait3A_582 = arith.constant 0 : i32
    %dma_wait3A_583 = tpu.memref_slice %arg8[%dma_wait3A_581, %dma_wait3A_582] : memref<240x128xf32, #tpu.memory_space<vmem>> -> memref<80x128xf32, #tpu.memory_space<vmem>>
    %dma_wait3A_584 = arith.constant 0 : i32
    %dma_wait3A_585 = tpu.memref_slice %arg7[%dma_wait3A_579, %dma_wait3A_584] : memref<4x80xi32, #tpu.memory_space<vmem>> -> memref<1x80xi32, #tpu.memory_space<vmem>>
    %dma_wait3A_586 = tpu.memref_squeeze %dma_wait3A_585 : memref<1x80xi32, #tpu.memory_space<vmem>> -> memref<80xi32, #tpu.memory_space<vmem>>
    %dma_wait3A_587 = arith.constant 0 : i32
    %dma_wait3A_588 = arith.constant 0 : i32
    %dma_wait3A_589 = tpu.memref_slice %arg11[%dma_wait3A_587, %dma_wait3A_588] : memref<10240x128xf32, #tpu.memory_space<vmem_shared>> -> memref<10240x128xf32, #tpu.memory_space<vmem_shared>>
    %dma_wait3A_590 = tpu.memref_slice %arg15[%dma_wait3A_580] : memref<3x!tpu.dma_semaphore, #tpu.memory_space<semaphore_mem>> -> memref<1x!tpu.dma_semaphore, #tpu.memory_space<semaphore_mem>>
    %dma_wait3A_591 = tpu.memref_squeeze %dma_wait3A_590 : memref<1x!tpu.dma_semaphore, #tpu.memory_space<semaphore_mem>> -> memref<!tpu.dma_semaphore, #tpu.memory_space<semaphore_mem>>
    tpu.wait_indirect_dma semaphore(%dma_wait3A_591 : memref<!tpu.dma_semaphore, #tpu.memory_space<semaphore_mem>>) src(%dma_wait3A_583 : memref<80x128xf32, #tpu.memory_space<vmem>>) dst(%dma_wait3A_589 : memref<10240x128xf32, #tpu.memory_space<vmem_shared>>)
    %dma_wait3A_592 = arith.constant 0 : i32
    %dma_wait3A_593 = arith.constant 1 : i32
    %dma_wait3A_594 = arith.constant 0 : i32
    %dma_wait3A_595 = tpu.memref_slice %arg10[%dma_wait3A_594] : memref<128xf32, #tpu.memory_space<vmem>> -> memref<80xf32, #tpu.memory_space<vmem>>
    %dma_wait3A_596 = arith.constant 0 : i32
    %dma_wait3A_597 = tpu.memref_slice %arg7[%dma_wait3A_592, %dma_wait3A_596] : memref<4x80xi32, #tpu.memory_space<vmem>> -> memref<1x80xi32, #tpu.memory_space<vmem>>
    %dma_wait3A_598 = tpu.memref_squeeze %dma_wait3A_597 : memref<1x80xi32, #tpu.memory_space<vmem>> -> memref<80xi32, #tpu.memory_space<vmem>>
    %dma_wait3A_599 = arith.constant 0 : i32
    %dma_wait3A_600 = tpu.memref_slice %arg12[%dma_wait3A_599] : memref<10240xf32, #tpu.memory_space<vmem_shared>> -> memref<10240xf32, #tpu.memory_space<vmem_shared>>
    %dma_wait3A_601 = tpu.memref_slice %arg16[%dma_wait3A_593] : memref<3x!tpu.dma_semaphore, #tpu.memory_space<semaphore_mem>> -> memref<1x!tpu.dma_semaphore, #tpu.memory_space<semaphore_mem>>
    %dma_wait3A_602 = tpu.memref_squeeze %dma_wait3A_601 : memref<1x!tpu.dma_semaphore, #tpu.memory_space<semaphore_mem>> -> memref<!tpu.dma_semaphore, #tpu.memory_space<semaphore_mem>>
    tpu.wait_indirect_dma semaphore(%dma_wait3A_602 : memref<!tpu.dma_semaphore, #tpu.memory_space<semaphore_mem>>) src(%dma_wait3A_595 : memref<80xf32, #tpu.memory_space<vmem>>) dst(%dma_wait3A_600 : memref<10240xf32, #tpu.memory_space<vmem_shared>>)
    %barrier3A_603 = arith.constant 0 : index
    tpu.barrier barrier_id(%barrier3A_603)
    %mul3A_604 = arith.constant 640 : i32
    %mul3A_605 = arith.muli %arg1, %mul3A_604 : i32
    %add3A_606 = arith.constant 0 : i32
    %add3A_607 = arith.addi %mul3A_605, %add3A_606 : i32
    "tpu.region"() ({
      %run_scoped3A = tpu.sem_alloc : memref<!tpu.dma_semaphore, #tpu.memory_space<semaphore_mem>>
      %dma_start3A_626 = arith.constant 0 : i32
      %dma_start3A_627 = arith.constant 0 : i32
      %dma_start3A_628 = tpu.memref_slice %arg8[%dma_start3A_626, %dma_start3A_627] : memref<240x128xf32, #tpu.memory_space<vmem>> -> memref<128x128xf32, #tpu.memory_space<vmem>>
      %dma_start3A_629 = arith.constant 0 : i32
      %dma_start3A_630 = tpu.memref_slice %arg11[%add3A_607, %dma_start3A_629] : memref<10240x128xf32, #tpu.memory_space<vmem_shared>> -> memref<128x128xf32, #tpu.memory_space<vmem_shared>>
      %dma_start3A_631 = arith.constant 0 : i32
      %dma_start3A_632 = arith.constant 0 : i32
      %dma_start3A_633 = tpu.memref_slice %arg8[%dma_start3A_631, %dma_start3A_632] : memref<240x128xf32, #tpu.memory_space<vmem>> -> memref<128x128xf32, #tpu.memory_space<vmem>>
      %dma_start3A_634 = arith.constant 0 : i32
      %dma_start3A_635 = tpu.memref_slice %arg11[%add3A_607, %dma_start3A_634] : memref<10240x128xf32, #tpu.memory_space<vmem_shared>> -> memref<128x128xf32, #tpu.memory_space<vmem_shared>>
      tpu.enqueue_dma source(%dma_start3A_635 : memref<128x128xf32, #tpu.memory_space<vmem_shared>>) target(%dma_start3A_633 : memref<128x128xf32, #tpu.memory_space<vmem>>) target_semaphore(%run_scoped3A : memref<!tpu.dma_semaphore, #tpu.memory_space<semaphore_mem>>)
      %dma_wait3A_636 = arith.constant 0 : i32
      %dma_wait3A_637 = arith.constant 0 : i32
      %dma_wait3A_638 = tpu.memref_slice %arg8[%dma_wait3A_636, %dma_wait3A_637] : memref<240x128xf32, #tpu.memory_space<vmem>> -> memref<128x128xf32, #tpu.memory_space<vmem>>
      %dma_wait3A_639 = arith.constant 0 : i32
      %dma_wait3A_640 = tpu.memref_slice %arg11[%add3A_607, %dma_wait3A_639] : memref<10240x128xf32, #tpu.memory_space<vmem_shared>> -> memref<128x128xf32, #tpu.memory_space<vmem_shared>>
      %dma_wait3A_641 = arith.constant 0 : i32
      %dma_wait3A_642 = arith.constant 0 : i32
      %dma_wait3A_643 = tpu.memref_slice %arg8[%dma_wait3A_641, %dma_wait3A_642] : memref<240x128xf32, #tpu.memory_space<vmem>> -> memref<128x128xf32, #tpu.memory_space<vmem>>
      %dma_wait3A_644 = arith.constant 0 : i32
      %dma_wait3A_645 = tpu.memref_slice %arg11[%add3A_607, %dma_wait3A_644] : memref<10240x128xf32, #tpu.memory_space<vmem_shared>> -> memref<128x128xf32, #tpu.memory_space<vmem_shared>>
      tpu.wait_dma2 semaphore(%run_scoped3A : memref<!tpu.dma_semaphore, #tpu.memory_space<semaphore_mem>>) src(%dma_wait3A_645 : memref<128x128xf32, #tpu.memory_space<vmem_shared>>) dst(%dma_wait3A_643 : memref<128x128xf32, #tpu.memory_space<vmem>>)
      tpu.yield
    }) : () -> ()
    "tpu.region"() ({
      %run_scoped3A = tpu.sem_alloc : memref<!tpu.dma_semaphore, #tpu.memory_space<semaphore_mem>>
      %dma_start3A_626 = arith.constant 0 : i32
      %dma_start3A_627 = arith.constant 0 : i32
      %dma_start3A_628 = tpu.memref_slice %arg8[%dma_start3A_626, %dma_start3A_627] : memref<240x128xf32, #tpu.memory_space<vmem>> -> memref<128x128xf32, #tpu.memory_space<vmem>>
      %dma_start3A_629 = arith.constant 0 : i32
      %dma_start3A_630 = tpu.memref_slice %arg4[%arg0, %add3A_607, %dma_start3A_629] : memref<2x10240x128xf32, #tpu.memory_space<hbm>> -> memref<1x128x128xf32, #tpu.memory_space<hbm>>
      %dma_start3A_631 = tpu.memref_squeeze %dma_start3A_630 : memref<1x128x128xf32, #tpu.memory_space<hbm>> -> memref<128x128xf32, #tpu.memory_space<hbm>>
      %dma_start3A_632 = arith.constant 0 : i32
      %dma_start3A_633 = tpu.memref_slice %arg4[%arg0, %add3A_607, %dma_start3A_632] : memref<2x10240x128xf32, #tpu.memory_space<hbm>> -> memref<1x128x128xf32, #tpu.memory_space<hbm>>
      %dma_start3A_634 = tpu.memref_squeeze %dma_start3A_633 : memref<1x128x128xf32, #tpu.memory_space<hbm>> -> memref<128x128xf32, #tpu.memory_space<hbm>>
      %dma_start3A_635 = arith.constant 0 : i32
      %dma_start3A_636 = arith.constant 0 : i32
      %dma_start3A_637 = tpu.memref_slice %arg8[%dma_start3A_635, %dma_start3A_636] : memref<240x128xf32, #tpu.memory_space<vmem>> -> memref<128x128xf32, #tpu.memory_space<vmem>>
      tpu.enqueue_dma source(%dma_start3A_637 : memref<128x128xf32, #tpu.memory_space<vmem>>) target(%dma_start3A_634 : memref<128x128xf32, #tpu.memory_space<hbm>>) target_semaphore(%run_scoped3A : memref<!tpu.dma_semaphore, #tpu.memory_space<semaphore_mem>>)
      %dma_wait3A_638 = arith.constant 0 : i32
      %dma_wait3A_639 = arith.constant 0 : i32
      %dma_wait3A_640 = tpu.memref_slice %arg8[%dma_wait3A_638, %dma_wait3A_639] : memref<240x128xf32, #tpu.memory_space<vmem>> -> memref<128x128xf32, #tpu.memory_space<vmem>>
      %dma_wait3A_641 = arith.constant 0 : i32
      %dma_wait3A_642 = tpu.memref_slice %arg4[%arg0, %add3A_607, %dma_wait3A_641] : memref<2x10240x128xf32, #tpu.memory_space<hbm>> -> memref<1x128x128xf32, #tpu.memory_space<hbm>>
      %dma_wait3A_643 = tpu.memref_squeeze %dma_wait3A_642 : memref<1x128x128xf32, #tpu.memory_space<hbm>> -> memref<128x128xf32, #tpu.memory_space<hbm>>
      %dma_wait3A_644 = arith.constant 0 : i32
      %dma_wait3A_645 = tpu.memref_slice %arg4[%arg0, %add3A_607, %dma_wait3A_644] : memref<2x10240x128xf32, #tpu.memory_space<hbm>> -> memref<1x128x128xf32, #tpu.memory_space<hbm>>
      %dma_wait3A_646 = tpu.memref_squeeze %dma_wait3A_645 : memref<1x128x128xf32, #tpu.memory_space<hbm>> -> memref<128x128xf32, #tpu.memory_space<hbm>>
      %dma_wait3A_647 = arith.constant 0 : i32
      %dma_wait3A_648 = arith.constant 0 : i32
      %dma_wait3A_649 = tpu.memref_slice %arg8[%dma_wait3A_647, %dma_wait3A_648] : memref<240x128xf32, #tpu.memory_space<vmem>> -> memref<128x128xf32, #tpu.memory_space<vmem>>
      tpu.wait_dma2 semaphore(%run_scoped3A : memref<!tpu.dma_semaphore, #tpu.memory_space<semaphore_mem>>) src(%dma_wait3A_649 : memref<128x128xf32, #tpu.memory_space<vmem>>) dst(%dma_wait3A_646 : memref<128x128xf32, #tpu.memory_space<hbm>>)
      tpu.yield
    }) : () -> ()
    %mul3A_608 = arith.constant 640 : i32
    %mul3A_609 = arith.muli %arg1, %mul3A_608 : i32
    %add3A_610 = arith.constant 128 : i32
    %add3A_611 = arith.addi %mul3A_609, %add3A_610 : i32
    "tpu.region"() ({
      %run_scoped3A = tpu.sem_alloc : memref<!tpu.dma_semaphore, #tpu.memory_space<semaphore_mem>>
      %dma_start3A_626 = arith.constant 0 : i32
      %dma_start3A_627 = arith.constant 0 : i32
      %dma_start3A_628 = tpu.memref_slice %arg8[%dma_start3A_626, %dma_start3A_627] : memref<240x128xf32, #tpu.memory_space<vmem>> -> memref<128x128xf32, #tpu.memory_space<vmem>>
      %dma_start3A_629 = arith.constant 0 : i32
      %dma_start3A_630 = tpu.memref_slice %arg11[%add3A_611, %dma_start3A_629] : memref<10240x128xf32, #tpu.memory_space<vmem_shared>> -> memref<128x128xf32, #tpu.memory_space<vmem_shared>>
      %dma_start3A_631 = arith.constant 0 : i32
      %dma_start3A_632 = arith.constant 0 : i32
      %dma_start3A_633 = tpu.memref_slice %arg8[%dma_start3A_631, %dma_start3A_632] : memref<240x128xf32, #tpu.memory_space<vmem>> -> memref<128x128xf32, #tpu.memory_space<vmem>>
      %dma_start3A_634 = arith.constant 0 : i32
      %dma_start3A_635 = tpu.memref_slice %arg11[%add3A_611, %dma_start3A_634] : memref<10240x128xf32, #tpu.memory_space<vmem_shared>> -> memref<128x128xf32, #tpu.memory_space<vmem_shared>>
      tpu.enqueue_dma source(%dma_start3A_635 : memref<128x128xf32, #tpu.memory_space<vmem_shared>>) target(%dma_start3A_633 : memref<128x128xf32, #tpu.memory_space<vmem>>) target_semaphore(%run_scoped3A : memref<!tpu.dma_semaphore, #tpu.memory_space<semaphore_mem>>)
      %dma_wait3A_636 = arith.constant 0 : i32
      %dma_wait3A_637 = arith.constant 0 : i32
      %dma_wait3A_638 = tpu.memref_slice %arg8[%dma_wait3A_636, %dma_wait3A_637] : memref<240x128xf32, #tpu.memory_space<vmem>> -> memref<128x128xf32, #tpu.memory_space<vmem>>
      %dma_wait3A_639 = arith.constant 0 : i32
      %dma_wait3A_640 = tpu.memref_slice %arg11[%add3A_611, %dma_wait3A_639] : memref<10240x128xf32, #tpu.memory_space<vmem_shared>> -> memref<128x128xf32, #tpu.memory_space<vmem_shared>>
      %dma_wait3A_641 = arith.constant 0 : i32
      %dma_wait3A_642 = arith.constant 0 : i32
      %dma_wait3A_643 = tpu.memref_slice %arg8[%dma_wait3A_641, %dma_wait3A_642] : memref<240x128xf32, #tpu.memory_space<vmem>> -> memref<128x128xf32, #tpu.memory_space<vmem>>
      %dma_wait3A_644 = arith.constant 0 : i32
      %dma_wait3A_645 = tpu.memref_slice %arg11[%add3A_611, %dma_wait3A_644] : memref<10240x128xf32, #tpu.memory_space<vmem_shared>> -> memref<128x128xf32, #tpu.memory_space<vmem_shared>>
      tpu.wait_dma2 semaphore(%run_scoped3A : memref<!tpu.dma_semaphore, #tpu.memory_space<semaphore_mem>>) src(%dma_wait3A_645 : memref<128x128xf32, #tpu.memory_space<vmem_shared>>) dst(%dma_wait3A_643 : memref<128x128xf32, #tpu.memory_space<vmem>>)
      tpu.yield
    }) : () -> ()
    "tpu.region"() ({
      %run_scoped3A = tpu.sem_alloc : memref<!tpu.dma_semaphore, #tpu.memory_space<semaphore_mem>>
      %dma_start3A_626 = arith.constant 0 : i32
      %dma_start3A_627 = arith.constant 0 : i32
      %dma_start3A_628 = tpu.memref_slice %arg8[%dma_start3A_626, %dma_start3A_627] : memref<240x128xf32, #tpu.memory_space<vmem>> -> memref<128x128xf32, #tpu.memory_space<vmem>>
      %dma_start3A_629 = arith.constant 0 : i32
      %dma_start3A_630 = tpu.memref_slice %arg4[%arg0, %add3A_611, %dma_start3A_629] : memref<2x10240x128xf32, #tpu.memory_space<hbm>> -> memref<1x128x128xf32, #tpu.memory_space<hbm>>
      %dma_start3A_631 = tpu.memref_squeeze %dma_start3A_630 : memref<1x128x128xf32, #tpu.memory_space<hbm>> -> memref<128x128xf32, #tpu.memory_space<hbm>>
      %dma_start3A_632 = arith.constant 0 : i32
      %dma_start3A_633 = tpu.memref_slice %arg4[%arg0, %add3A_611, %dma_start3A_632] : memref<2x10240x128xf32, #tpu.memory_space<hbm>> -> memref<1x128x128xf32, #tpu.memory_space<hbm>>
      %dma_start3A_634 = tpu.memref_squeeze %dma_start3A_633 : memref<1x128x128xf32, #tpu.memory_space<hbm>> -> memref<128x128xf32, #tpu.memory_space<hbm>>
      %dma_start3A_635 = arith.constant 0 : i32
      %dma_start3A_636 = arith.constant 0 : i32
      %dma_start3A_637 = tpu.memref_slice %arg8[%dma_start3A_635, %dma_start3A_636] : memref<240x128xf32, #tpu.memory_space<vmem>> -> memref<128x128xf32, #tpu.memory_space<vmem>>
      tpu.enqueue_dma source(%dma_start3A_637 : memref<128x128xf32, #tpu.memory_space<vmem>>) target(%dma_start3A_634 : memref<128x128xf32, #tpu.memory_space<hbm>>) target_semaphore(%run_scoped3A : memref<!tpu.dma_semaphore, #tpu.memory_space<semaphore_mem>>)
      %dma_wait3A_638 = arith.constant 0 : i32
      %dma_wait3A_639 = arith.constant 0 : i32
      %dma_wait3A_640 = tpu.memref_slice %arg8[%dma_wait3A_638, %dma_wait3A_639] : memref<240x128xf32, #tpu.memory_space<vmem>> -> memref<128x128xf32, #tpu.memory_space<vmem>>
      %dma_wait3A_641 = arith.constant 0 : i32
      %dma_wait3A_642 = tpu.memref_slice %arg4[%arg0, %add3A_611, %dma_wait3A_641] : memref<2x10240x128xf32, #tpu.memory_space<hbm>> -> memref<1x128x128xf32, #tpu.memory_space<hbm>>
      %dma_wait3A_643 = tpu.memref_squeeze %dma_wait3A_642 : memref<1x128x128xf32, #tpu.memory_space<hbm>> -> memref<128x128xf32, #tpu.memory_space<hbm>>
      %dma_wait3A_644 = arith.constant 0 : i32
      %dma_wait3A_645 = tpu.memref_slice %arg4[%arg0, %add3A_611, %dma_wait3A_644] : memref<2x10240x128xf32, #tpu.memory_space<hbm>> -> memref<1x128x128xf32, #tpu.memory_space<hbm>>
      %dma_wait3A_646 = tpu.memref_squeeze %dma_wait3A_645 : memref<1x128x128xf32, #tpu.memory_space<hbm>> -> memref<128x128xf32, #tpu.memory_space<hbm>>
      %dma_wait3A_647 = arith.constant 0 : i32
      %dma_wait3A_648 = arith.constant 0 : i32
      %dma_wait3A_649 = tpu.memref_slice %arg8[%dma_wait3A_647, %dma_wait3A_648] : memref<240x128xf32, #tpu.memory_space<vmem>> -> memref<128x128xf32, #tpu.memory_space<vmem>>
      tpu.wait_dma2 semaphore(%run_scoped3A : memref<!tpu.dma_semaphore, #tpu.memory_space<semaphore_mem>>) src(%dma_wait3A_649 : memref<128x128xf32, #tpu.memory_space<vmem>>) dst(%dma_wait3A_646 : memref<128x128xf32, #tpu.memory_space<hbm>>)
      tpu.yield
    }) : () -> ()
    %mul3A_612 = arith.constant 640 : i32
    %mul3A_613 = arith.muli %arg1, %mul3A_612 : i32
    %add3A_614 = arith.constant 256 : i32
    %add3A_615 = arith.addi %mul3A_613, %add3A_614 : i32
    "tpu.region"() ({
      %run_scoped3A = tpu.sem_alloc : memref<!tpu.dma_semaphore, #tpu.memory_space<semaphore_mem>>
      %dma_start3A_626 = arith.constant 0 : i32
      %dma_start3A_627 = arith.constant 0 : i32
      %dma_start3A_628 = tpu.memref_slice %arg8[%dma_start3A_626, %dma_start3A_627] : memref<240x128xf32, #tpu.memory_space<vmem>> -> memref<128x128xf32, #tpu.memory_space<vmem>>
      %dma_start3A_629 = arith.constant 0 : i32
      %dma_start3A_630 = tpu.memref_slice %arg11[%add3A_615, %dma_start3A_629] : memref<10240x128xf32, #tpu.memory_space<vmem_shared>> -> memref<128x128xf32, #tpu.memory_space<vmem_shared>>
      %dma_start3A_631 = arith.constant 0 : i32
      %dma_start3A_632 = arith.constant 0 : i32
      %dma_start3A_633 = tpu.memref_slice %arg8[%dma_start3A_631, %dma_start3A_632] : memref<240x128xf32, #tpu.memory_space<vmem>> -> memref<128x128xf32, #tpu.memory_space<vmem>>
      %dma_start3A_634 = arith.constant 0 : i32
      %dma_start3A_635 = tpu.memref_slice %arg11[%add3A_615, %dma_start3A_634] : memref<10240x128xf32, #tpu.memory_space<vmem_shared>> -> memref<128x128xf32, #tpu.memory_space<vmem_shared>>
      tpu.enqueue_dma source(%dma_start3A_635 : memref<128x128xf32, #tpu.memory_space<vmem_shared>>) target(%dma_start3A_633 : memref<128x128xf32, #tpu.memory_space<vmem>>) target_semaphore(%run_scoped3A : memref<!tpu.dma_semaphore, #tpu.memory_space<semaphore_mem>>)
      %dma_wait3A_636 = arith.constant 0 : i32
      %dma_wait3A_637 = arith.constant 0 : i32
      %dma_wait3A_638 = tpu.memref_slice %arg8[%dma_wait3A_636, %dma_wait3A_637] : memref<240x128xf32, #tpu.memory_space<vmem>> -> memref<128x128xf32, #tpu.memory_space<vmem>>
      %dma_wait3A_639 = arith.constant 0 : i32
      %dma_wait3A_640 = tpu.memref_slice %arg11[%add3A_615, %dma_wait3A_639] : memref<10240x128xf32, #tpu.memory_space<vmem_shared>> -> memref<128x128xf32, #tpu.memory_space<vmem_shared>>
      %dma_wait3A_641 = arith.constant 0 : i32
      %dma_wait3A_642 = arith.constant 0 : i32
      %dma_wait3A_643 = tpu.memref_slice %arg8[%dma_wait3A_641, %dma_wait3A_642] : memref<240x128xf32, #tpu.memory_space<vmem>> -> memref<128x128xf32, #tpu.memory_space<vmem>>
      %dma_wait3A_644 = arith.constant 0 : i32
      %dma_wait3A_645 = tpu.memref_slice %arg11[%add3A_615, %dma_wait3A_644] : memref<10240x128xf32, #tpu.memory_space<vmem_shared>> -> memref<128x128xf32, #tpu.memory_space<vmem_shared>>
      tpu.wait_dma2 semaphore(%run_scoped3A : memref<!tpu.dma_semaphore, #tpu.memory_space<semaphore_mem>>) src(%dma_wait3A_645 : memref<128x128xf32, #tpu.memory_space<vmem_shared>>) dst(%dma_wait3A_643 : memref<128x128xf32, #tpu.memory_space<vmem>>)
      tpu.yield
    }) : () -> ()
    "tpu.region"() ({
      %run_scoped3A = tpu.sem_alloc : memref<!tpu.dma_semaphore, #tpu.memory_space<semaphore_mem>>
      %dma_start3A_626 = arith.constant 0 : i32
      %dma_start3A_627 = arith.constant 0 : i32
      %dma_start3A_628 = tpu.memref_slice %arg8[%dma_start3A_626, %dma_start3A_627] : memref<240x128xf32, #tpu.memory_space<vmem>> -> memref<128x128xf32, #tpu.memory_space<vmem>>
      %dma_start3A_629 = arith.constant 0 : i32
      %dma_start3A_630 = tpu.memref_slice %arg4[%arg0, %add3A_615, %dma_start3A_629] : memref<2x10240x128xf32, #tpu.memory_space<hbm>> -> memref<1x128x128xf32, #tpu.memory_space<hbm>>
      %dma_start3A_631 = tpu.memref_squeeze %dma_start3A_630 : memref<1x128x128xf32, #tpu.memory_space<hbm>> -> memref<128x128xf32, #tpu.memory_space<hbm>>
      %dma_start3A_632 = arith.constant 0 : i32
      %dma_start3A_633 = tpu.memref_slice %arg4[%arg0, %add3A_615, %dma_start3A_632] : memref<2x10240x128xf32, #tpu.memory_space<hbm>> -> memref<1x128x128xf32, #tpu.memory_space<hbm>>
      %dma_start3A_634 = tpu.memref_squeeze %dma_start3A_633 : memref<1x128x128xf32, #tpu.memory_space<hbm>> -> memref<128x128xf32, #tpu.memory_space<hbm>>
      %dma_start3A_635 = arith.constant 0 : i32
      %dma_start3A_636 = arith.constant 0 : i32
      %dma_start3A_637 = tpu.memref_slice %arg8[%dma_start3A_635, %dma_start3A_636] : memref<240x128xf32, #tpu.memory_space<vmem>> -> memref<128x128xf32, #tpu.memory_space<vmem>>
      tpu.enqueue_dma source(%dma_start3A_637 : memref<128x128xf32, #tpu.memory_space<vmem>>) target(%dma_start3A_634 : memref<128x128xf32, #tpu.memory_space<hbm>>) target_semaphore(%run_scoped3A : memref<!tpu.dma_semaphore, #tpu.memory_space<semaphore_mem>>)
      %dma_wait3A_638 = arith.constant 0 : i32
      %dma_wait3A_639 = arith.constant 0 : i32
      %dma_wait3A_640 = tpu.memref_slice %arg8[%dma_wait3A_638, %dma_wait3A_639] : memref<240x128xf32, #tpu.memory_space<vmem>> -> memref<128x128xf32, #tpu.memory_space<vmem>>
      %dma_wait3A_641 = arith.constant 0 : i32
      %dma_wait3A_642 = tpu.memref_slice %arg4[%arg0, %add3A_615, %dma_wait3A_641] : memref<2x10240x128xf32, #tpu.memory_space<hbm>> -> memref<1x128x128xf32, #tpu.memory_space<hbm>>
      %dma_wait3A_643 = tpu.memref_squeeze %dma_wait3A_642 : memref<1x128x128xf32, #tpu.memory_space<hbm>> -> memref<128x128xf32, #tpu.memory_space<hbm>>
      %dma_wait3A_644 = arith.constant 0 : i32
      %dma_wait3A_645 = tpu.memref_slice %arg4[%arg0, %add3A_615, %dma_wait3A_644] : memref<2x10240x128xf32, #tpu.memory_space<hbm>> -> memref<1x128x128xf32, #tpu.memory_space<hbm>>
      %dma_wait3A_646 = tpu.memref_squeeze %dma_wait3A_645 : memref<1x128x128xf32, #tpu.memory_space<hbm>> -> memref<128x128xf32, #tpu.memory_space<hbm>>
      %dma_wait3A_647 = arith.constant 0 : i32
      %dma_wait3A_648 = arith.constant 0 : i32
      %dma_wait3A_649 = tpu.memref_slice %arg8[%dma_wait3A_647, %dma_wait3A_648] : memref<240x128xf32, #tpu.memory_space<vmem>> -> memref<128x128xf32, #tpu.memory_space<vmem>>
      tpu.wait_dma2 semaphore(%run_scoped3A : memref<!tpu.dma_semaphore, #tpu.memory_space<semaphore_mem>>) src(%dma_wait3A_649 : memref<128x128xf32, #tpu.memory_space<vmem>>) dst(%dma_wait3A_646 : memref<128x128xf32, #tpu.memory_space<hbm>>)
      tpu.yield
    }) : () -> ()
    %mul3A_616 = arith.constant 640 : i32
    %mul3A_617 = arith.muli %arg1, %mul3A_616 : i32
    %add3A_618 = arith.constant 384 : i32
    %add3A_619 = arith.addi %mul3A_617, %add3A_618 : i32
    "tpu.region"() ({
      %run_scoped3A = tpu.sem_alloc : memref<!tpu.dma_semaphore, #tpu.memory_space<semaphore_mem>>
      %dma_start3A_626 = arith.constant 0 : i32
      %dma_start3A_627 = arith.constant 0 : i32
      %dma_start3A_628 = tpu.memref_slice %arg8[%dma_start3A_626, %dma_start3A_627] : memref<240x128xf32, #tpu.memory_space<vmem>> -> memref<128x128xf32, #tpu.memory_space<vmem>>
      %dma_start3A_629 = arith.constant 0 : i32
      %dma_start3A_630 = tpu.memref_slice %arg11[%add3A_619, %dma_start3A_629] : memref<10240x128xf32, #tpu.memory_space<vmem_shared>> -> memref<128x128xf32, #tpu.memory_space<vmem_shared>>
      %dma_start3A_631 = arith.constant 0 : i32
      %dma_start3A_632 = arith.constant 0 : i32
      %dma_start3A_633 = tpu.memref_slice %arg8[%dma_start3A_631, %dma_start3A_632] : memref<240x128xf32, #tpu.memory_space<vmem>> -> memref<128x128xf32, #tpu.memory_space<vmem>>
      %dma_start3A_634 = arith.constant 0 : i32
      %dma_start3A_635 = tpu.memref_slice %arg11[%add3A_619, %dma_start3A_634] : memref<10240x128xf32, #tpu.memory_space<vmem_shared>> -> memref<128x128xf32, #tpu.memory_space<vmem_shared>>
      tpu.enqueue_dma source(%dma_start3A_635 : memref<128x128xf32, #tpu.memory_space<vmem_shared>>) target(%dma_start3A_633 : memref<128x128xf32, #tpu.memory_space<vmem>>) target_semaphore(%run_scoped3A : memref<!tpu.dma_semaphore, #tpu.memory_space<semaphore_mem>>)
      %dma_wait3A_636 = arith.constant 0 : i32
      %dma_wait3A_637 = arith.constant 0 : i32
      %dma_wait3A_638 = tpu.memref_slice %arg8[%dma_wait3A_636, %dma_wait3A_637] : memref<240x128xf32, #tpu.memory_space<vmem>> -> memref<128x128xf32, #tpu.memory_space<vmem>>
      %dma_wait3A_639 = arith.constant 0 : i32
      %dma_wait3A_640 = tpu.memref_slice %arg11[%add3A_619, %dma_wait3A_639] : memref<10240x128xf32, #tpu.memory_space<vmem_shared>> -> memref<128x128xf32, #tpu.memory_space<vmem_shared>>
      %dma_wait3A_641 = arith.constant 0 : i32
      %dma_wait3A_642 = arith.constant 0 : i32
      %dma_wait3A_643 = tpu.memref_slice %arg8[%dma_wait3A_641, %dma_wait3A_642] : memref<240x128xf32, #tpu.memory_space<vmem>> -> memref<128x128xf32, #tpu.memory_space<vmem>>
      %dma_wait3A_644 = arith.constant 0 : i32
      %dma_wait3A_645 = tpu.memref_slice %arg11[%add3A_619, %dma_wait3A_644] : memref<10240x128xf32, #tpu.memory_space<vmem_shared>> -> memref<128x128xf32, #tpu.memory_space<vmem_shared>>
      tpu.wait_dma2 semaphore(%run_scoped3A : memref<!tpu.dma_semaphore, #tpu.memory_space<semaphore_mem>>) src(%dma_wait3A_645 : memref<128x128xf32, #tpu.memory_space<vmem_shared>>) dst(%dma_wait3A_643 : memref<128x128xf32, #tpu.memory_space<vmem>>)
      tpu.yield
    }) : () -> ()
    "tpu.region"() ({
      %run_scoped3A = tpu.sem_alloc : memref<!tpu.dma_semaphore, #tpu.memory_space<semaphore_mem>>
      %dma_start3A_626 = arith.constant 0 : i32
      %dma_start3A_627 = arith.constant 0 : i32
      %dma_start3A_628 = tpu.memref_slice %arg8[%dma_start3A_626, %dma_start3A_627] : memref<240x128xf32, #tpu.memory_space<vmem>> -> memref<128x128xf32, #tpu.memory_space<vmem>>
      %dma_start3A_629 = arith.constant 0 : i32
      %dma_start3A_630 = tpu.memref_slice %arg4[%arg0, %add3A_619, %dma_start3A_629] : memref<2x10240x128xf32, #tpu.memory_space<hbm>> -> memref<1x128x128xf32, #tpu.memory_space<hbm>>
      %dma_start3A_631 = tpu.memref_squeeze %dma_start3A_630 : memref<1x128x128xf32, #tpu.memory_space<hbm>> -> memref<128x128xf32, #tpu.memory_space<hbm>>
      %dma_start3A_632 = arith.constant 0 : i32
      %dma_start3A_633 = tpu.memref_slice %arg4[%arg0, %add3A_619, %dma_start3A_632] : memref<2x10240x128xf32, #tpu.memory_space<hbm>> -> memref<1x128x128xf32, #tpu.memory_space<hbm>>
      %dma_start3A_634 = tpu.memref_squeeze %dma_start3A_633 : memref<1x128x128xf32, #tpu.memory_space<hbm>> -> memref<128x128xf32, #tpu.memory_space<hbm>>
      %dma_start3A_635 = arith.constant 0 : i32
      %dma_start3A_636 = arith.constant 0 : i32
      %dma_start3A_637 = tpu.memref_slice %arg8[%dma_start3A_635, %dma_start3A_636] : memref<240x128xf32, #tpu.memory_space<vmem>> -> memref<128x128xf32, #tpu.memory_space<vmem>>
      tpu.enqueue_dma source(%dma_start3A_637 : memref<128x128xf32, #tpu.memory_space<vmem>>) target(%dma_start3A_634 : memref<128x128xf32, #tpu.memory_space<hbm>>) target_semaphore(%run_scoped3A : memref<!tpu.dma_semaphore, #tpu.memory_space<semaphore_mem>>)
      %dma_wait3A_638 = arith.constant 0 : i32
      %dma_wait3A_639 = arith.constant 0 : i32
      %dma_wait3A_640 = tpu.memref_slice %arg8[%dma_wait3A_638, %dma_wait3A_639] : memref<240x128xf32, #tpu.memory_space<vmem>> -> memref<128x128xf32, #tpu.memory_space<vmem>>
      %dma_wait3A_641 = arith.constant 0 : i32
      %dma_wait3A_642 = tpu.memref_slice %arg4[%arg0, %add3A_619, %dma_wait3A_641] : memref<2x10240x128xf32, #tpu.memory_space<hbm>> -> memref<1x128x128xf32, #tpu.memory_space<hbm>>
      %dma_wait3A_643 = tpu.memref_squeeze %dma_wait3A_642 : memref<1x128x128xf32, #tpu.memory_space<hbm>> -> memref<128x128xf32, #tpu.memory_space<hbm>>
      %dma_wait3A_644 = arith.constant 0 : i32
      %dma_wait3A_645 = tpu.memref_slice %arg4[%arg0, %add3A_619, %dma_wait3A_644] : memref<2x10240x128xf32, #tpu.memory_space<hbm>> -> memref<1x128x128xf32, #tpu.memory_space<hbm>>
      %dma_wait3A_646 = tpu.memref_squeeze %dma_wait3A_645 : memref<1x128x128xf32, #tpu.memory_space<hbm>> -> memref<128x128xf32, #tpu.memory_space<hbm>>
      %dma_wait3A_647 = arith.constant 0 : i32
      %dma_wait3A_648 = arith.constant 0 : i32
      %dma_wait3A_649 = tpu.memref_slice %arg8[%dma_wait3A_647, %dma_wait3A_648] : memref<240x128xf32, #tpu.memory_space<vmem>> -> memref<128x128xf32, #tpu.memory_space<vmem>>
      tpu.wait_dma2 semaphore(%run_scoped3A : memref<!tpu.dma_semaphore, #tpu.memory_space<semaphore_mem>>) src(%dma_wait3A_649 : memref<128x128xf32, #tpu.memory_space<vmem>>) dst(%dma_wait3A_646 : memref<128x128xf32, #tpu.memory_space<hbm>>)
      tpu.yield
    }) : () -> ()
    %mul3A_620 = arith.constant 640 : i32
    %mul3A_621 = arith.muli %arg1, %mul3A_620 : i32
    %add3A_622 = arith.constant 512 : i32
    %add3A_623 = arith.addi %mul3A_621, %add3A_622 : i32
    "tpu.region"() ({
      %run_scoped3A = tpu.sem_alloc : memref<!tpu.dma_semaphore, #tpu.memory_space<semaphore_mem>>
      %dma_start3A_626 = arith.constant 0 : i32
      %dma_start3A_627 = arith.constant 0 : i32
      %dma_start3A_628 = tpu.memref_slice %arg8[%dma_start3A_626, %dma_start3A_627] : memref<240x128xf32, #tpu.memory_space<vmem>> -> memref<128x128xf32, #tpu.memory_space<vmem>>
      %dma_start3A_629 = arith.constant 0 : i32
      %dma_start3A_630 = tpu.memref_slice %arg11[%add3A_623, %dma_start3A_629] : memref<10240x128xf32, #tpu.memory_space<vmem_shared>> -> memref<128x128xf32, #tpu.memory_space<vmem_shared>>
      %dma_start3A_631 = arith.constant 0 : i32
      %dma_start3A_632 = arith.constant 0 : i32
      %dma_start3A_633 = tpu.memref_slice %arg8[%dma_start3A_631, %dma_start3A_632] : memref<240x128xf32, #tpu.memory_space<vmem>> -> memref<128x128xf32, #tpu.memory_space<vmem>>
      %dma_start3A_634 = arith.constant 0 : i32
      %dma_start3A_635 = tpu.memref_slice %arg11[%add3A_623, %dma_start3A_634] : memref<10240x128xf32, #tpu.memory_space<vmem_shared>> -> memref<128x128xf32, #tpu.memory_space<vmem_shared>>
      tpu.enqueue_dma source(%dma_start3A_635 : memref<128x128xf32, #tpu.memory_space<vmem_shared>>) target(%dma_start3A_633 : memref<128x128xf32, #tpu.memory_space<vmem>>) target_semaphore(%run_scoped3A : memref<!tpu.dma_semaphore, #tpu.memory_space<semaphore_mem>>)
      %dma_wait3A_636 = arith.constant 0 : i32
      %dma_wait3A_637 = arith.constant 0 : i32
      %dma_wait3A_638 = tpu.memref_slice %arg8[%dma_wait3A_636, %dma_wait3A_637] : memref<240x128xf32, #tpu.memory_space<vmem>> -> memref<128x128xf32, #tpu.memory_space<vmem>>
      %dma_wait3A_639 = arith.constant 0 : i32
      %dma_wait3A_640 = tpu.memref_slice %arg11[%add3A_623, %dma_wait3A_639] : memref<10240x128xf32, #tpu.memory_space<vmem_shared>> -> memref<128x128xf32, #tpu.memory_space<vmem_shared>>
      %dma_wait3A_641 = arith.constant 0 : i32
      %dma_wait3A_642 = arith.constant 0 : i32
      %dma_wait3A_643 = tpu.memref_slice %arg8[%dma_wait3A_641, %dma_wait3A_642] : memref<240x128xf32, #tpu.memory_space<vmem>> -> memref<128x128xf32, #tpu.memory_space<vmem>>
      %dma_wait3A_644 = arith.constant 0 : i32
      %dma_wait3A_645 = tpu.memref_slice %arg11[%add3A_623, %dma_wait3A_644] : memref<10240x128xf32, #tpu.memory_space<vmem_shared>> -> memref<128x128xf32, #tpu.memory_space<vmem_shared>>
      tpu.wait_dma2 semaphore(%run_scoped3A : memref<!tpu.dma_semaphore, #tpu.memory_space<semaphore_mem>>) src(%dma_wait3A_645 : memref<128x128xf32, #tpu.memory_space<vmem_shared>>) dst(%dma_wait3A_643 : memref<128x128xf32, #tpu.memory_space<vmem>>)
      tpu.yield
    }) : () -> ()
    "tpu.region"() ({
      %run_scoped3A = tpu.sem_alloc : memref<!tpu.dma_semaphore, #tpu.memory_space<semaphore_mem>>
      %dma_start3A_626 = arith.constant 0 : i32
      %dma_start3A_627 = arith.constant 0 : i32
      %dma_start3A_628 = tpu.memref_slice %arg8[%dma_start3A_626, %dma_start3A_627] : memref<240x128xf32, #tpu.memory_space<vmem>> -> memref<128x128xf32, #tpu.memory_space<vmem>>
      %dma_start3A_629 = arith.constant 0 : i32
      %dma_start3A_630 = tpu.memref_slice %arg4[%arg0, %add3A_623, %dma_start3A_629] : memref<2x10240x128xf32, #tpu.memory_space<hbm>> -> memref<1x128x128xf32, #tpu.memory_space<hbm>>
      %dma_start3A_631 = tpu.memref_squeeze %dma_start3A_630 : memref<1x128x128xf32, #tpu.memory_space<hbm>> -> memref<128x128xf32, #tpu.memory_space<hbm>>
      %dma_start3A_632 = arith.constant 0 : i32
      %dma_start3A_633 = tpu.memref_slice %arg4[%arg0, %add3A_623, %dma_start3A_632] : memref<2x10240x128xf32, #tpu.memory_space<hbm>> -> memref<1x128x128xf32, #tpu.memory_space<hbm>>
      %dma_start3A_634 = tpu.memref_squeeze %dma_start3A_633 : memref<1x128x128xf32, #tpu.memory_space<hbm>> -> memref<128x128xf32, #tpu.memory_space<hbm>>
      %dma_start3A_635 = arith.constant 0 : i32
      %dma_start3A_636 = arith.constant 0 : i32
      %dma_start3A_637 = tpu.memref_slice %arg8[%dma_start3A_635, %dma_start3A_636] : memref<240x128xf32, #tpu.memory_space<vmem>> -> memref<128x128xf32, #tpu.memory_space<vmem>>
      tpu.enqueue_dma source(%dma_start3A_637 : memref<128x128xf32, #tpu.memory_space<vmem>>) target(%dma_start3A_634 : memref<128x128xf32, #tpu.memory_space<hbm>>) target_semaphore(%run_scoped3A : memref<!tpu.dma_semaphore, #tpu.memory_space<semaphore_mem>>)
      %dma_wait3A_638 = arith.constant 0 : i32
      %dma_wait3A_639 = arith.constant 0 : i32
      %dma_wait3A_640 = tpu.memref_slice %arg8[%dma_wait3A_638, %dma_wait3A_639] : memref<240x128xf32, #tpu.memory_space<vmem>> -> memref<128x128xf32, #tpu.memory_space<vmem>>
      %dma_wait3A_641 = arith.constant 0 : i32
      %dma_wait3A_642 = tpu.memref_slice %arg4[%arg0, %add3A_623, %dma_wait3A_641] : memref<2x10240x128xf32, #tpu.memory_space<hbm>> -> memref<1x128x128xf32, #tpu.memory_space<hbm>>
      %dma_wait3A_643 = tpu.memref_squeeze %dma_wait3A_642 : memref<1x128x128xf32, #tpu.memory_space<hbm>> -> memref<128x128xf32, #tpu.memory_space<hbm>>
      %dma_wait3A_644 = arith.constant 0 : i32
      %dma_wait3A_645 = tpu.memref_slice %arg4[%arg0, %add3A_623, %dma_wait3A_644] : memref<2x10240x128xf32, #tpu.memory_space<hbm>> -> memref<1x128x128xf32, #tpu.memory_space<hbm>>
      %dma_wait3A_646 = tpu.memref_squeeze %dma_wait3A_645 : memref<1x128x128xf32, #tpu.memory_space<hbm>> -> memref<128x128xf32, #tpu.memory_space<hbm>>
      %dma_wait3A_647 = arith.constant 0 : i32
      %dma_wait3A_648 = arith.constant 0 : i32
      %dma_wait3A_649 = tpu.memref_slice %arg8[%dma_wait3A_647, %dma_wait3A_648] : memref<240x128xf32, #tpu.memory_space<vmem>> -> memref<128x128xf32, #tpu.memory_space<vmem>>
      tpu.wait_dma2 semaphore(%run_scoped3A : memref<!tpu.dma_semaphore, #tpu.memory_space<semaphore_mem>>) src(%dma_wait3A_649 : memref<128x128xf32, #tpu.memory_space<vmem>>) dst(%dma_wait3A_646 : memref<128x128xf32, #tpu.memory_space<hbm>>)
      tpu.yield
    }) : () -> ()
    %mul3A_624 = arith.constant 640 : i32
    %mul3A_625 = arith.muli %arg1, %mul3A_624 : i32
    "tpu.region"() ({
      %run_scoped3A = tpu.sem_alloc : memref<!tpu.dma_semaphore, #tpu.memory_space<semaphore_mem>>
      %dma_start3A_626 = tpu.memref_slice %arg12[%mul3A_625] : memref<10240xf32, #tpu.memory_space<vmem_shared>> -> memref<640xf32, #tpu.memory_space<vmem_shared>>
      %dma_start3A_627 = tpu.memref_slice %arg12[%mul3A_625] : memref<10240xf32, #tpu.memory_space<vmem_shared>> -> memref<640xf32, #tpu.memory_space<vmem_shared>>
      tpu.enqueue_dma source(%dma_start3A_627 : memref<640xf32, #tpu.memory_space<vmem_shared>>) target(%arg9 : memref<640xf32, #tpu.memory_space<vmem>>) target_semaphore(%run_scoped3A : memref<!tpu.dma_semaphore, #tpu.memory_space<semaphore_mem>>)
      %dma_wait3A_628 = tpu.memref_slice %arg12[%mul3A_625] : memref<10240xf32, #tpu.memory_space<vmem_shared>> -> memref<640xf32, #tpu.memory_space<vmem_shared>>
      %dma_wait3A_629 = tpu.memref_slice %arg12[%mul3A_625] : memref<10240xf32, #tpu.memory_space<vmem_shared>> -> memref<640xf32, #tpu.memory_space<vmem_shared>>
      tpu.wait_dma2 semaphore(%run_scoped3A : memref<!tpu.dma_semaphore, #tpu.memory_space<semaphore_mem>>) src(%dma_wait3A_629 : memref<640xf32, #tpu.memory_space<vmem_shared>>) dst(%arg9 : memref<640xf32, #tpu.memory_space<vmem>>)
      tpu.yield
    }) : () -> ()
    "tpu.region"() ({
      %run_scoped3A = tpu.sem_alloc : memref<!tpu.dma_semaphore, #tpu.memory_space<semaphore_mem>>
      %dma_start3A_626 = tpu.memref_slice %arg5[%arg0, %mul3A_625] : memref<2x10240xf32, #tpu.memory_space<hbm>> -> memref<1x640xf32, #tpu.memory_space<hbm>>
      %dma_start3A_627 = tpu.memref_squeeze %dma_start3A_626 : memref<1x640xf32, #tpu.memory_space<hbm>> -> memref<640xf32, #tpu.memory_space<hbm>>
      %dma_start3A_628 = tpu.memref_slice %arg5[%arg0, %mul3A_625] : memref<2x10240xf32, #tpu.memory_space<hbm>> -> memref<1x640xf32, #tpu.memory_space<hbm>>
      %dma_start3A_629 = tpu.memref_squeeze %dma_start3A_628 : memref<1x640xf32, #tpu.memory_space<hbm>> -> memref<640xf32, #tpu.memory_space<hbm>>
      tpu.enqueue_dma source(%arg9 : memref<640xf32, #tpu.memory_space<vmem>>) target(%dma_start3A_629 : memref<640xf32, #tpu.memory_space<hbm>>) target_semaphore(%run_scoped3A : memref<!tpu.dma_semaphore, #tpu.memory_space<semaphore_mem>>)
      %dma_wait3A_630 = tpu.memref_slice %arg5[%arg0, %mul3A_625] : memref<2x10240xf32, #tpu.memory_space<hbm>> -> memref<1x640xf32, #tpu.memory_space<hbm>>
      %dma_wait3A_631 = tpu.memref_squeeze %dma_wait3A_630 : memref<1x640xf32, #tpu.memory_space<hbm>> -> memref<640xf32, #tpu.memory_space<hbm>>
      %dma_wait3A_632 = tpu.memref_slice %arg5[%arg0, %mul3A_625] : memref<2x10240xf32, #tpu.memory_space<hbm>> -> memref<1x640xf32, #tpu.memory_space<hbm>>
      %dma_wait3A_633 = tpu.memref_squeeze %dma_wait3A_632 : memref<1x640xf32, #tpu.memory_space<hbm>> -> memref<640xf32, #tpu.memory_space<hbm>>
      tpu.wait_dma2 semaphore(%run_scoped3A : memref<!tpu.dma_semaphore, #tpu.memory_space<semaphore_mem>>) src(%arg9 : memref<640xf32, #tpu.memory_space<vmem>>) dst(%dma_wait3A_633 : memref<640xf32, #tpu.memory_space<hbm>>)
      tpu.yield
    }) : () -> ()
    return
  }
}

module attributes {stable_mosaic.version = 14 : i64} {
  func.func @_proj_body(%arg0: i32, %arg1: memref<2048x128xf32, #tpu.memory_space<vmem>>, %arg2: memref<128x256xbf16, #tpu.memory_space<vmem>>, %arg3: memref<2048x128xf32, #tpu.memory_space<vmem>>, %arg4: memref<2048x128xf32, #tpu.memory_space<vmem>>) attributes {dimension_semantics = [#tpu.dimension_semantics<arbitrary>], iteration_bounds = array<i64: 5>, scalar_prefetch = 0 : i64, scratch_operands = 0 : i64, tpu.core_type = #tpu.core_type<tc>, window_params = [{transform_indices = @transform_0, window_bounds = array<i64: 2048, 128>}, {pipeline_mode = #tpu.pipeline_mode<synchronous>, transform_indices = @transform_1, window_bounds = array<i64: 128, 256>}, {transform_indices = @transform_2, window_bounds = array<i64: 2048, 128>}, {transform_indices = @transform_3, window_bounds = array<i64: 2048, 128>}]} {
    %get3A = arith.constant 0 : index
    %get3A_0 = arith.constant 0 : index
    %get3A_1 = vector.load %arg1[%get3A, %get3A_0] : memref<2048x128xf32, #tpu.memory_space<vmem>>, vector<2048x128xf32>
    %convert_element_type3A = arith.truncf %get3A_1 : vector<2048x128xf32> to vector<2048x128xbf16>
    %get3A_2 = arith.constant 0 : index
    %get3A_3 = arith.constant 0 : index
    %get3A_4 = vector.load %arg2[%get3A_2, %get3A_3] : memref<128x256xbf16, #tpu.memory_space<vmem>>, vector<128x256xbf16>
    %dot_general3A = arith.constant dense<0.000000e+00> : vector<2048x256xf32>
    %dot_general3A_5 = tpu.matmul %convert_element_type3A, %get3A_4, %dot_general3A {dimension_numbers = #tpu.dot_dimension_numbers<[1], [0], [0], [1], [0, 0, 1, 1], [], []>, transpose_lhs_hint = false} : vector<2048x128xbf16>, vector<128x256xbf16>, vector<2048x256xf32> -> vector<2048x256xf32>
    %slice3A = vector.extract_strided_slice %dot_general3A_5 {offsets = [0, 0], sizes = [2048, 128], strides = [1, 1]} : vector<2048x256xf32> to vector<2048x128xf32>
    %swap3A = arith.constant 0 : index
    %swap3A_6 = arith.constant 0 : index
    %swap3A_7 = vector.load %arg3[%swap3A, %swap3A_6] : memref<2048x128xf32, #tpu.memory_space<vmem>>, vector<2048x128xf32>
    tpu.vector_store %arg3[%swap3A, %swap3A_6], %slice3A {strides = array<i32>} : memref<2048x128xf32, #tpu.memory_space<vmem>>, vector<2048x128xf32>,
    %slice3A_8 = vector.extract_strided_slice %dot_general3A_5 {offsets = [0, 128], sizes = [2048, 128], strides = [1, 1]} : vector<2048x256xf32> to vector<2048x128xf32>
    %swap3A_9 = arith.constant 0 : index
    %swap3A_10 = arith.constant 0 : index
    %swap3A_11 = vector.load %arg4[%swap3A_9, %swap3A_10] : memref<2048x128xf32, #tpu.memory_space<vmem>>, vector<2048x128xf32>
    tpu.vector_store %arg4[%swap3A_9, %swap3A_10], %slice3A_8 {strides = array<i32>} : memref<2048x128xf32, #tpu.memory_space<vmem>>, vector<2048x128xf32>,
    return
  }
  func.func @transform_0(%arg0: i32) -> (i32, i32) {
    %c0_i32 = arith.constant 0 : i32
    %c0_i32_0 = arith.constant 0 : i32
    return %arg0, %c0_i32 : i32, i32
  }
  func.func @transform_1(%arg0: i32) -> (i32, i32) {
    %c0_i32 = arith.constant 0 : i32
    %c0_i32_0 = arith.constant 0 : i32
    %c0_i32_1 = arith.constant 0 : i32
    return %c0_i32, %c0_i32_0 : i32, i32
  }
  func.func @transform_2(%arg0: i32) -> (i32, i32) {
    %c0_i32 = arith.constant 0 : i32
    %c0_i32_0 = arith.constant 0 : i32
    return %arg0, %c0_i32 : i32, i32
  }
  func.func @transform_3(%arg0: i32) -> (i32, i32) {
    %c0_i32 = arith.constant 0 : i32
    %c0_i32_0 = arith.constant 0 : i32
    return %arg0, %c0_i32 : i32, i32
  }
}

module attributes {stable_mosaic.version = 14 : i64} {
  func.func @_mid_body(%arg0: i32, %arg1: memref<2x2048x128xf32, #tpu.memory_space<vmem>>, %arg2: memref<2x2048x1xf32, #tpu.memory_space<vmem>>, %arg3: memref<2048x128xf32, #tpu.memory_space<vmem>>, %arg4: memref<1x128xf32, #tpu.memory_space<vmem>>, %arg5: memref<1x128xf32, #tpu.memory_space<vmem>>, %arg6: memref<1x128xf32, #tpu.memory_space<vmem>>, %arg7: memref<128x256xbf16, #tpu.memory_space<vmem>>, %arg8: memref<2048x128xf32, #tpu.memory_space<vmem>>, %arg9: memref<2048x128xf32, #tpu.memory_space<vmem>>) attributes {dimension_semantics = [#tpu.dimension_semantics<arbitrary>], iteration_bounds = array<i64: 5>, scalar_prefetch = 0 : i64, scratch_operands = 0 : i64, tpu.core_type = #tpu.core_type<tc>, window_params = [{transform_indices = @transform_0, window_bounds = array<i64: 2, 2048, 128>}, {transform_indices = @transform_1, window_bounds = array<i64: 2, 2048, 1>}, {transform_indices = @transform_2, window_bounds = array<i64: 2048, 128>}, {pipeline_mode = #tpu.pipeline_mode<synchronous>, transform_indices = @transform_3, window_bounds = array<i64: 1, 128>}, {pipeline_mode = #tpu.pipeline_mode<synchronous>, transform_indices = @transform_4, window_bounds = array<i64: 1, 128>}, {pipeline_mode = #tpu.pipeline_mode<synchronous>, transform_indices = @transform_5, window_bounds = array<i64: 1, 128>}, {pipeline_mode = #tpu.pipeline_mode<synchronous>, transform_indices = @transform_6, window_bounds = array<i64: 128, 256>}, {transform_indices = @transform_7, window_bounds = array<i64: 2048, 128>}, {transform_indices = @transform_8, window_bounds = array<i64: 2048, 128>}]} {
    %get3A = arith.constant 0 : index
    %get3A_0 = arith.constant 0 : index
    %get3A_1 = arith.constant 0 : index
    %get3A_2 = vector.load %arg1[%get3A, %get3A_0, %get3A_1] : memref<2x2048x128xf32, #tpu.memory_space<vmem>>, vector<1x2048x128xf32>
    %get3A_3 = vector.shape_cast %get3A_2 : vector<1x2048x128xf32> to vector<2048x128xf32>
    %get3A_4 = arith.constant 1 : index
    %get3A_5 = arith.constant 0 : index
    %get3A_6 = arith.constant 0 : index
    %get3A_7 = vector.load %arg1[%get3A_4, %get3A_5, %get3A_6] : memref<2x2048x128xf32, #tpu.memory_space<vmem>>, vector<1x2048x128xf32>
    %get3A_8 = vector.shape_cast %get3A_7 : vector<1x2048x128xf32> to vector<2048x128xf32>
    %add3A = arith.addf %get3A_3, %get3A_8 : vector<2048x128xf32>
    %get3A_9 = arith.constant 0 : index
    %get3A_10 = arith.constant 0 : index
    %get3A_11 = arith.constant 0 : index
    %get3A_12 = vector.load %arg2[%get3A_9, %get3A_10, %get3A_11] : memref<2x2048x1xf32, #tpu.memory_space<vmem>>, vector<1x2048x1xf32>
    %get3A_13 = vector.shape_cast %get3A_12 : vector<1x2048x1xf32> to vector<2048x1xf32>
    %get3A_14 = arith.constant 1 : index
    %get3A_15 = arith.constant 0 : index
    %get3A_16 = arith.constant 0 : index
    %get3A_17 = vector.load %arg2[%get3A_14, %get3A_15, %get3A_16] : memref<2x2048x1xf32, #tpu.memory_space<vmem>>, vector<1x2048x1xf32>
    %get3A_18 = vector.shape_cast %get3A_17 : vector<1x2048x1xf32> to vector<2048x1xf32>
    %add3A_19 = arith.addf %get3A_13, %get3A_18 : vector<2048x1xf32>
    %max3A = arith.constant 1.000000e+00 : f32
    %max3A_20 = vector.broadcast %max3A : f32 to vector<2048x1xf32>
    %max3A_21 = arith.maximumf %add3A_19, %max3A_20 : vector<2048x1xf32>
    %div3A = arith.constant 1.000000e+00 : f32
    %div3A_22 = vector.broadcast %div3A : f32 to vector<2048x1xf32>
    %div3A_23 = arith.divf %div3A_22, %max3A_21 : vector<2048x1xf32>
    %mul3A = vector.broadcast %div3A_23 : vector<2048x1xf32> to vector<2048x128xf32>
    %mul3A_24 = arith.mulf %add3A, %mul3A : vector<2048x128xf32>
    %get3A_25 = arith.constant 0 : index
    %get3A_26 = arith.constant 0 : index
    %get3A_27 = vector.load %arg4[%get3A_25, %get3A_26] : memref<1x128xf32, #tpu.memory_space<vmem>>, vector<1x128xf32>
    %add3A_28 = vector.broadcast %get3A_27 : vector<1x128xf32> to vector<2048x128xf32>
    %add3A_29 = arith.addf %mul3A_24, %add3A_28 : vector<2048x128xf32>
    %get3A_30 = arith.constant 0 : index
    %get3A_31 = arith.constant 0 : index
    %get3A_32 = vector.load %arg3[%get3A_30, %get3A_31] : memref<2048x128xf32, #tpu.memory_space<vmem>>, vector<2048x128xf32>
    %add3A_33 = arith.addf %add3A_29, %get3A_32 : vector<2048x128xf32>
    %get3A_34 = arith.constant 0 : index
    %get3A_35 = arith.constant 0 : index
    %get3A_36 = vector.load %arg5[%get3A_34, %get3A_35] : memref<1x128xf32, #tpu.memory_space<vmem>>, vector<1x128xf32>
    %mul3A_37 = vector.broadcast %get3A_36 : vector<1x128xf32> to vector<2048x128xf32>
    %mul3A_38 = arith.mulf %add3A_33, %mul3A_37 : vector<2048x128xf32>
    %get3A_39 = arith.constant 0 : index
    %get3A_40 = arith.constant 0 : index
    %get3A_41 = vector.load %arg6[%get3A_39, %get3A_40] : memref<1x128xf32, #tpu.memory_space<vmem>>, vector<1x128xf32>
    %add3A_42 = vector.broadcast %get3A_41 : vector<1x128xf32> to vector<2048x128xf32>
    %add3A_43 = arith.addf %mul3A_38, %add3A_42 : vector<2048x128xf32>
    %max3A_44 = arith.constant 0.000000e+00 : f32
    %max3A_45 = vector.broadcast %max3A_44 : f32 to vector<2048x128xf32>
    %max3A_46 = arith.maximumf %add3A_43, %max3A_45 : vector<2048x128xf32>
    %convert_element_type3A = arith.truncf %max3A_46 : vector<2048x128xf32> to vector<2048x128xbf16>
    %get3A_47 = arith.constant 0 : index
    %get3A_48 = arith.constant 0 : index
    %get3A_49 = vector.load %arg7[%get3A_47, %get3A_48] : memref<128x256xbf16, #tpu.memory_space<vmem>>, vector<128x256xbf16>
    %dot_general3A = arith.constant dense<0.000000e+00> : vector<2048x256xf32>
    %dot_general3A_50 = tpu.matmul %convert_element_type3A, %get3A_49, %dot_general3A {dimension_numbers = #tpu.dot_dimension_numbers<[1], [0], [0], [1], [0, 0, 1, 1], [], []>, transpose_lhs_hint = false} : vector<2048x128xbf16>, vector<128x256xbf16>, vector<2048x256xf32> -> vector<2048x256xf32>
    %slice3A = vector.extract_strided_slice %dot_general3A_50 {offsets = [0, 0], sizes = [2048, 128], strides = [1, 1]} : vector<2048x256xf32> to vector<2048x128xf32>
    %swap3A = arith.constant 0 : index
    %swap3A_51 = arith.constant 0 : index
    %swap3A_52 = vector.load %arg8[%swap3A, %swap3A_51] : memref<2048x128xf32, #tpu.memory_space<vmem>>, vector<2048x128xf32>
    tpu.vector_store %arg8[%swap3A, %swap3A_51], %slice3A {strides = array<i32>} : memref<2048x128xf32, #tpu.memory_space<vmem>>, vector<2048x128xf32>,
    %slice3A_53 = vector.extract_strided_slice %dot_general3A_50 {offsets = [0, 128], sizes = [2048, 128], strides = [1, 1]} : vector<2048x256xf32> to vector<2048x128xf32>
    %swap3A_54 = arith.constant 0 : index
    %swap3A_55 = arith.constant 0 : index
    %swap3A_56 = vector.load %arg9[%swap3A_54, %swap3A_55] : memref<2048x128xf32, #tpu.memory_space<vmem>>, vector<2048x128xf32>
    tpu.vector_store %arg9[%swap3A_54, %swap3A_55], %slice3A_53 {strides = array<i32>} : memref<2048x128xf32, #tpu.memory_space<vmem>>, vector<2048x128xf32>,
    return
  }
  func.func @transform_0(%arg0: i32) -> (i32, i32, i32) {
    %c0_i32 = arith.constant 0 : i32
    %c0_i32_0 = arith.constant 0 : i32
    %c0_i32_1 = arith.constant 0 : i32
    return %c0_i32, %arg0, %c0_i32_0 : i32, i32, i32
  }
  func.func @transform_1(%arg0: i32) -> (i32, i32, i32) {
    %c0_i32 = arith.constant 0 : i32
    %c0_i32_0 = arith.constant 0 : i32
    %c0_i32_1 = arith.constant 0 : i32
    return %c0_i32, %arg0, %c0_i32_0 : i32, i32, i32
  }
  func.func @transform_2(%arg0: i32) -> (i32, i32) {
    %c0_i32 = arith.constant 0 : i32
    %c0_i32_0 = arith.constant 0 : i32
    return %arg0, %c0_i32 : i32, i32
  }
  func.func @transform_3(%arg0: i32) -> (i32, i32) {
    %c0_i32 = arith.constant 0 : i32
    %c0_i32_0 = arith.constant 0 : i32
    %c0_i32_1 = arith.constant 0 : i32
    return %c0_i32, %c0_i32_0 : i32, i32
  }
  func.func @transform_4(%arg0: i32) -> (i32, i32) {
    %c0_i32 = arith.constant 0 : i32
    %c0_i32_0 = arith.constant 0 : i32
    %c0_i32_1 = arith.constant 0 : i32
    return %c0_i32, %c0_i32_0 : i32, i32
  }
  func.func @transform_5(%arg0: i32) -> (i32, i32) {
    %c0_i32 = arith.constant 0 : i32
    %c0_i32_0 = arith.constant 0 : i32
    %c0_i32_1 = arith.constant 0 : i32
    return %c0_i32, %c0_i32_0 : i32, i32
  }
  func.func @transform_6(%arg0: i32) -> (i32, i32) {
    %c0_i32 = arith.constant 0 : i32
    %c0_i32_0 = arith.constant 0 : i32
    %c0_i32_1 = arith.constant 0 : i32
    return %c0_i32, %c0_i32_0 : i32, i32
  }
  func.func @transform_7(%arg0: i32) -> (i32, i32) {
    %c0_i32 = arith.constant 0 : i32
    %c0_i32_0 = arith.constant 0 : i32
    return %arg0, %c0_i32 : i32, i32
  }
  func.func @transform_8(%arg0: i32) -> (i32, i32) {
    %c0_i32 = arith.constant 0 : i32
    %c0_i32_0 = arith.constant 0 : i32
    return %arg0, %c0_i32 : i32, i32
  }
}

module attributes {stable_mosaic.version = 14 : i64} {
  func.func @_final_body(%arg0: i32, %arg1: memref<2x2048x128xf32, #tpu.memory_space<vmem>>, %arg2: memref<2x2048x1xf32, #tpu.memory_space<vmem>>, %arg3: memref<2048x128xf32, #tpu.memory_space<vmem>>, %arg4: memref<1x128xf32, #tpu.memory_space<vmem>>, %arg5: memref<2048x128xf32, #tpu.memory_space<vmem>>) attributes {dimension_semantics = [#tpu.dimension_semantics<arbitrary>], iteration_bounds = array<i64: 5>, scalar_prefetch = 0 : i64, scratch_operands = 0 : i64, tpu.core_type = #tpu.core_type<tc>, window_params = [{transform_indices = @transform_0, window_bounds = array<i64: 2, 2048, 128>}, {transform_indices = @transform_1, window_bounds = array<i64: 2, 2048, 1>}, {transform_indices = @transform_2, window_bounds = array<i64: 2048, 128>}, {pipeline_mode = #tpu.pipeline_mode<synchronous>, transform_indices = @transform_3, window_bounds = array<i64: 1, 128>}, {transform_indices = @transform_4, window_bounds = array<i64: 2048, 128>}]} {
    %get3A = arith.constant 0 : index
    %get3A_0 = arith.constant 0 : index
    %get3A_1 = arith.constant 0 : index
    %get3A_2 = vector.load %arg1[%get3A, %get3A_0, %get3A_1] : memref<2x2048x128xf32, #tpu.memory_space<vmem>>, vector<1x2048x128xf32>
    %get3A_3 = vector.shape_cast %get3A_2 : vector<1x2048x128xf32> to vector<2048x128xf32>
    %get3A_4 = arith.constant 1 : index
    %get3A_5 = arith.constant 0 : index
    %get3A_6 = arith.constant 0 : index
    %get3A_7 = vector.load %arg1[%get3A_4, %get3A_5, %get3A_6] : memref<2x2048x128xf32, #tpu.memory_space<vmem>>, vector<1x2048x128xf32>
    %get3A_8 = vector.shape_cast %get3A_7 : vector<1x2048x128xf32> to vector<2048x128xf32>
    %add3A = arith.addf %get3A_3, %get3A_8 : vector<2048x128xf32>
    %get3A_9 = arith.constant 0 : index
    %get3A_10 = arith.constant 0 : index
    %get3A_11 = arith.constant 0 : index
    %get3A_12 = vector.load %arg2[%get3A_9, %get3A_10, %get3A_11] : memref<2x2048x1xf32, #tpu.memory_space<vmem>>, vector<1x2048x1xf32>
    %get3A_13 = vector.shape_cast %get3A_12 : vector<1x2048x1xf32> to vector<2048x1xf32>
    %get3A_14 = arith.constant 1 : index
    %get3A_15 = arith.constant 0 : index
    %get3A_16 = arith.constant 0 : index
    %get3A_17 = vector.load %arg2[%get3A_14, %get3A_15, %get3A_16] : memref<2x2048x1xf32, #tpu.memory_space<vmem>>, vector<1x2048x1xf32>
    %get3A_18 = vector.shape_cast %get3A_17 : vector<1x2048x1xf32> to vector<2048x1xf32>
    %add3A_19 = arith.addf %get3A_13, %get3A_18 : vector<2048x1xf32>
    %max3A = arith.constant 1.000000e+00 : f32
    %max3A_20 = vector.broadcast %max3A : f32 to vector<2048x1xf32>
    %max3A_21 = arith.maximumf %add3A_19, %max3A_20 : vector<2048x1xf32>
    %div3A = arith.constant 1.000000e+00 : f32
    %div3A_22 = vector.broadcast %div3A : f32 to vector<2048x1xf32>
    %div3A_23 = arith.divf %div3A_22, %max3A_21 : vector<2048x1xf32>
    %mul3A = vector.broadcast %div3A_23 : vector<2048x1xf32> to vector<2048x128xf32>
    %mul3A_24 = arith.mulf %add3A, %mul3A : vector<2048x128xf32>
    %get3A_25 = arith.constant 0 : index
    %get3A_26 = arith.constant 0 : index
    %get3A_27 = vector.load %arg4[%get3A_25, %get3A_26] : memref<1x128xf32, #tpu.memory_space<vmem>>, vector<1x128xf32>
    %add3A_28 = vector.broadcast %get3A_27 : vector<1x128xf32> to vector<2048x128xf32>
    %add3A_29 = arith.addf %mul3A_24, %add3A_28 : vector<2048x128xf32>
    %get3A_30 = arith.constant 0 : index
    %get3A_31 = arith.constant 0 : index
    %get3A_32 = vector.load %arg3[%get3A_30, %get3A_31] : memref<2048x128xf32, #tpu.memory_space<vmem>>, vector<2048x128xf32>
    %add3A_33 = arith.addf %add3A_29, %get3A_32 : vector<2048x128xf32>
    %swap3A = arith.constant 0 : index
    %swap3A_34 = arith.constant 0 : index
    %swap3A_35 = vector.load %arg5[%swap3A, %swap3A_34] : memref<2048x128xf32, #tpu.memory_space<vmem>>, vector<2048x128xf32>
    tpu.vector_store %arg5[%swap3A, %swap3A_34], %add3A_33 {strides = array<i32>} : memref<2048x128xf32, #tpu.memory_space<vmem>>, vector<2048x128xf32>,
    return
  }
  func.func @transform_0(%arg0: i32) -> (i32, i32, i32) {
    %c0_i32 = arith.constant 0 : i32
    %c0_i32_0 = arith.constant 0 : i32
    %c0_i32_1 = arith.constant 0 : i32
    return %c0_i32, %arg0, %c0_i32_0 : i32, i32, i32
  }
  func.func @transform_1(%arg0: i32) -> (i32, i32, i32) {
    %c0_i32 = arith.constant 0 : i32
    %c0_i32_0 = arith.constant 0 : i32
    %c0_i32_1 = arith.constant 0 : i32
    return %c0_i32, %arg0, %c0_i32_0 : i32, i32, i32
  }
  func.func @transform_2(%arg0: i32) -> (i32, i32) {
    %c0_i32 = arith.constant 0 : i32
    %c0_i32_0 = arith.constant 0 : i32
    return %arg0, %c0_i32 : i32, i32
  }
  func.func @transform_3(%arg0: i32) -> (i32, i32) {
    %c0_i32 = arith.constant 0 : i32
    %c0_i32_0 = arith.constant 0 : i32
    %c0_i32_1 = arith.constant 0 : i32
    return %c0_i32, %c0_i32_0 : i32, i32
  }
  func.func @transform_4(%arg0: i32) -> (i32, i32) {
    %c0_i32 = arith.constant 0 : i32
    %c0_i32_0 = arith.constant 0 : i32
    return %arg0, %c0_i32 : i32, i32
  }
}

</mosaic_0001>

<sc_bundles>
// kernel: kernel.10.cloned.1.call-start
scs
__scs_entry_jumppad:
0x0: {  	(pc) =	sbr.rel $0x88, $3  }
0x1: {  	(tag) =	ssettag $0x0;
	lr =	simm.s32 $0x1  }
0x2: {  	[smem:$0x3F95] =	sst lr;
	_ =	strace $0xD0000000  }
0x3: {  	_ = 	snop  }
0x4: {  	_ = 	snop  }
0x5: {  	_ = 	snop  }
0x6: {  	_ = 	snop  }
0x7: {  	_ = 	snop  }
__scs_overlays_trampoline_lowered:
0x8: {  	[smem:$0x3FA4] =	sst s0  }
0x9: {  	[smem:$0x3FA5] =	sst s1  }
0xa: {  	[smem:$0x3FA6] =	sst s2  }
0xb: {  	[smem:$0x3FA7] =	sst s3  }
0xc: {  	[smem:$0x3FA8] =	sst s4  }
0xd: {  	[smem:$0x3FA9] =	sst s5  }
0xe: {  	[smem:$0x3FAA] =	sst s6  }
0xf: {  	[smem:$0x3FAB] =	sst s7  }
0x10: {  	[smem:$0x3FAC] =	sst s8  }
0x11: {  	[smem:$0x3FAD] =	sst s9;
	s0 =	simm.s32 @!p0 $0x0  }
0x12: {  	s1 =	sld [smem:$0x3F93];
	s0 =	simm.s32 @p0 $0x1  }
0x13: {  	[smem:$0x3FAE] =	sst s0;
	s0 =	simm.s32 @!p1 $0x0  }
0x14: {  	s2 =	sld [smem:$0x3F92];
	s0 =	simm.s32 @p1 $0x1  }
0x15: {  	[smem:$0x3FAF] =	sst s0;
	s0 =	simm.s32 @!p2 $0x0  }
0x16: {  	s3 =	sld [smem:$0x3FDB];
	s0 =	simm.s32 @p2 $0x1  }
0x17: {  	s4 =	simm.s32 $0x1BF5;
	[smem:$0x3FB1] =	sst s0  }
0x18: {  	s0 =	sld [smem:$0x3F94];
	_ =	swait.ge [sflag:s4], $0x0  }
0x19: {  	s7 =	sld [smem:$0x3F95]  }
0x1a: {  	s8 =	sadd.s32 $0xFFFFE003, lr  }
0x1b: {  	s9 =	sadd.s32 $0xFFFFFEF7, lr;
	s5 =	simm.s32 $0xFFFFFFFF;
	p2 =	slt.u32 s8, $0xFFFFF086  }
0x1c: {  	p1 =	slt.u32 s9, $0xF7A;
	s5 =	simm.s32 @!p2 $0x0  }
0x1d: {  	s5 =	simm.s32 @p1 $0x1;
	p0 =	seq.s32 s7, s2  }
0x1e: {  	s7 =	smul.u32 @!p0 $0xF7A, s2;
	p2 =	seq.s32 @!p0 s5, $0x0  }
0x1f: {  	s9 =	smul.u32 $0xF7A, s1;
	s8 =	simm.s32 @!p0 $0x1BF5;
	p2 =	por !p2, p0  }
0x20: {  	[sflag:s8] =	ssyncset.s32 @!p0 $0xFFFFF086;
	s6 =	sadd.s32 @!p0 s3, s7;
	s7 =	simm.s32 @!p0 $0x108  }
0x21: {  	s3 =	sadd.s32 s3, s9;
	s6 =	sadd.s32 @!p0 $0x88, s6;
	s7 =	simm.s32 @p2 $0x1082  }
0x22: {  	[simem:s7], [sflag:s8] =	dma.local @!p0 [hbm:s6], $0xF7A  }
0x23: {  	s9 =	sor.u32 $0xD0000000, s2;
	s6 =	simm.s32 $0x108;
	_ =	swait.ge @!p0 [sflag:s8], $0x0  }
0x24: {  	s3 =	sadd.s32 $0x88, s3;
	s6 =	simm.s32 @!p1 $0x1082;
	[sflag:s4] =	ssyncset.s32 $0xFFFFF086  }
0x25: {  	[simem:s6], [sflag:s4] =	dma.local [hbm:s3], $0xF7A  }
0x26: {  	[smem:$0x3F95] =	sst s1;
	(tag) =	ssettag s2;
	_ =	strace s9  }
0x27: {  	s1 =	sld [smem:$0x3FA5]  }
0x28: {  	s2 =	sld [smem:$0x3FA6]  }
0x29: {  	s4 =	sld [smem:$0x3FA8]  }
0x2a: {  	p0 =	seq.s32 s5, $0x0;
	s5 =	sld [smem:$0x3FA9]  }
0x2b: {  	s6 =	sld [smem:$0x3FAA]  }
0x2c: {  	s7 =	sld [smem:$0x3FAB]  }
0x2d: {  	s3 =	simm.s32 $0x108;
	s8 =	sld [smem:$0x3FAC]  }
0x2e: {  	s3 =	simm.s32 @!p0 $0x1082;
	s9 =	sld [smem:$0x3FAD]  }
0x2f: {  	lr =	sadd.s32 s0, s3;
	s0 =	sld [smem:$0x3FA4]  }
0x30: {  	s3 =	sld [smem:$0x3FA7]  }
0x31: {  	[smem:$0x3FB0] =	sst s10  }
0x32: {  	s10 =	sld [smem:$0x3FAE];
	_ =	sdelay $0x3  }
0x33: {  	p0 =	seq.s32 s10, $0x1;
	s10 =	sld [smem:$0x3FB0];
	_ =	sdelay $0x3  }
0x34: {  	[smem:$0x3FB0] =	sst s10  }
0x35: {  	s10 =	sld [smem:$0x3FAF];
	_ =	sdelay $0x3  }
0x36: {  	p1 =	seq.s32 s10, $0x1;
	s10 =	sld [smem:$0x3FB0];
	_ =	sdelay $0x3  }
0x37: {  	[smem:$0x3FB0] =	sst s10  }
0x38: {  	s10 =	sld [smem:$0x3FB1]  }
0x39: {  	_ = 	snop;
	(pc) =	sbr.ind lr, $3  }
0x3a: {  	_ = 	snop  }
0x3b: {  	_ = 	snop  }
0x3c: {  	p2 =	seq.s32 s10, $0x1;
	s10 =	sld [smem:$0x3FB0]  }
0x3d: {  	_ =	shalt  }
0x3e: {  	_ =	shalt  }
0x3f: {  	_ =	shalt  }
0x40: {  	_ =	shalt  }
0x41: {  	_ =	shalt  }
0x42: {  	_ =	shalt  }
0x43: {  	_ =	shalt  }
0x44: {  	_ =	shalt  }
0x45: {  	_ =	shalt  }
0x46: {  	_ =	shalt  }
0x47: {  	_ =	shalt  }
0x48: {  	_ =	shalt  }
0x49: {  	_ =	shalt  }
0x4a: {  	_ =	shalt  }
0x4b: {  	_ =	shalt  }
0x4c: {  	_ =	shalt  }
0x4d: {  	_ =	shalt  }
0x4e: {  	_ =	shalt  }
0x4f: {  	_ =	shalt  }
0x50: {  	_ =	shalt  }
0x51: {  	_ =	shalt  }
0x52: {  	_ =	shalt  }
0x53: {  	_ =	shalt  }
0x54: {  	_ =	shalt  }
0x55: {  	_ =	shalt  }
0x56: {  	_ =	shalt  }
0x57: {  	_ =	shalt  }
0x58: {  	_ =	shalt  }
0x59: {  	_ =	shalt  }
0x5a: {  	_ =	shalt  }
0x5b: {  	_ =	shalt  }
0x5c: {  	_ =	shalt  }
0x5d: {  	_ =	shalt  }
0x5e: {  	_ =	shalt  }
0x5f: {  	_ =	shalt  }
0x60: {  	_ =	shalt  }
0x61: {  	_ =	shalt  }
0x62: {  	_ =	shalt  }
0x63: {  	_ =	shalt  }
0x64: {  	_ =	shalt  }
0x65: {  	_ =	shalt  }
0x66: {  	_ =	shalt  }
0x67: {  	_ =	shalt  }
0x68: {  	_ =	shalt  }
0x69: {  	_ =	shalt  }
0x6a: {  	_ =	shalt  }
0x6b: {  	_ =	shalt  }
0x6c: {  	_ =	shalt  }
0x6d: {  	_ =	shalt  }
0x6e: {  	_ =	shalt  }
0x6f: {  	_ =	shalt  }
0x70: {  	_ =	shalt  }
0x71: {  	_ =	shalt  }
0x72: {  	_ =	shalt  }
0x73: {  	_ =	shalt  }
0x74: {  	_ =	shalt  }
0x75: {  	_ =	shalt  }
0x76: {  	_ =	shalt  }
0x77: {  	_ =	shalt  }
0x78: {  	_ =	shalt  }
0x79: {  	_ =	shalt  }
0x7a: {  	_ =	shalt  }
0x7b: {  	_ =	shalt  }
0x7c: {  	_ =	shalt  }
0x7d: {  	_ =	shalt  }
0x7e: {  	_ =	shalt  }
0x7f: {  	_ =	shalt  }
0x80: {  	_ =	shalt  }
0x81: {  	_ =	shalt  }
0x82: {  	_ =	shalt  }
0x83: {  	_ =	shalt  }
0x84: {  	_ =	shalt  }
0x85: {  	_ =	shalt  }
0x86: {  	_ =	shalt  }
0x87: {  	_ =	shalt  }
.Lfunc_end0:
.L_simem_size_0:
called_computation.1_lowered:
.L_overlay_start_0:
0x88: {  	s2 =	sld [smem:$0x3FD9]  }
0x89: {  	s3 =	sld [smem:$0x3FFE];
	_ =	sdelay $0x1  }
0x8a: {  	s1 =	srdreg.scid  }
0x8b: {  	s0 =	sand.u32 $0x1, s1  }
0x8c: {  	s17 =	sshll.u32 s0, $0xA;
	s2 =	sadd.s32 s3, s2  }
0x8d: {  	s2 =	sadd.s32 s2, s17  }
0x8e: {  	[smem:$0x3FBC] =	sst s2  }
0x8f: {  	_ = 	snop  }
0x90: {  	s2 =	sld [smem:$0x3FD0];
	(tm) =	ssettm $0x1  }
0x91: {  	s18 =	sld [smem:$0x3FFB];
	_ =	sdelay $0x3  }
0x92: {  	_ =	strace s18  }
0x93: {  	s3 =	sld [smem:$0x3FFC];
	_ =	sdelay $0x3  }
0x94: {  	_ =	strace s3  }
0x95: {  	s3 =	sld [smem:$0x3FFD];
	_ =	sdelay $0x3  }
0x96: {  	_ =	strace s3  }
0x97: {  	_ =	strace $0x8FFFFFFF  }
0x98: {  	s19 =	sld [smem:$0x3FDB];
	_ =	sdelay $0x1  }
0x99: {  	s4 =	simm.s32 $_scs_section_size  }
0x9a: {  	s5 =	simm.s32 $_size__tile_overlayer_lowered;
	s6 =	simm.s32 $_tile_overlayer_lowered  }
0x9b: {  	s22 =	simm.s32 $0x1BFF;
	s21 =	sshll.u32 s6, $0x1;
	s3 =	sadd.s32 s4, s19  }
0x9c: {  	s7 =	simm.s32 $0x0;
	s20 =	sshll.u32 s5, $0x1;
	s5 =	sadd.s32 s21, s3  }
0x9d: {  	[timem:s7], [sflag:s22] =	dma.local [hbm:s5], s20  }
0x9e: {  	_ =	swait.ge [sflag:s22], s20  }
0x9f: {  	s4 =	ssub.s32 $0x0, s20;
	[sflag:s22] =	ssyncset.done $0x0  }
0xa0: {  	[sflag:s22] =	ssyncadd.s32 s4;
	_ =	sdelay $0x1  }
0xa1: {  	s23 =	simm.s32 $0x1B8B  }
0xa2: {  	_ =	swait.ge [sflag:s23], $0x1  }
0xa3: {  	[sflag:s23] =	ssyncset.done $0x0  }
0xa4: {  	s25 =	simm.s32 $0x1B8E;
	s24 =	sld [smem:$0x3FFE];
	[sflag:s23] =	ssyncadd.s32 $0xFFFFFFFF  }
0xa5: {  	s26 =	simm.s32 $execute0_lowered;
	[smem:$0x3FD2] =	sst s25  }
0xa6: {  	s5 =	sshll.u32 s26, $0x1;
	_ =	strace $0x80000049;
	[dreg:$0x1] =	wrdreg $0xFFFFFFFF  }
0xa7: {  	s28 =	simm.s32 $_size_execute0_lowered;
	s3 =	sadd.s32 s3, s5;
	[dreg:$0x0] =	wrdreg $0x0  }
0xa8: {  	s5 =	sshll.u32 s28, $0x1;
	[dreg:$0x2] =	wrdreg s3  }
0xa9: {  	[dreg:$0x3] =	wrdreg s5  }
0xaa: {  	[dreg:$0x4] =	wrdreg $0xC0  }
0xab: {  	_ =	task [dreg:s7], $0x5FFFF  }
0xac: {  	[dreg:$0x1] =	wrdreg $0xFFFFFFFF  }
0xad: {  	[dreg:$0x0] =	wrdreg $0x60  }
0xae: {  	[dreg:$0x2] =	wrdreg s2  }
0xaf: {  	[dreg:$0x3] =	wrdreg s24  }
0xb0: {  	[dreg:$0x4] =	wrdreg $0x7F000  }
0xb1: {  	[dreg:$0x5] =	wrdreg $0x1BF000  }
0xb2: {  	[dreg:$0x6] =	wrdreg $0x9  }
0xb3: {  	_ =	task.clear_ibuf [dreg:s7], $0x7FFFF;
	_ =	strace $0x90000049  }
0xb4: {  	s29 =	simm.s32 $0x9;
	_ =	strace $0x8000004B  }
0xb5: {  	_ =	swait.ge [sflag:s29], $0x1  }
0xb6: {  	[sflag:s29] =	ssyncadd.s32 $0xFFFFFFFF  }
0xb7: {  	_ =	strace $0x9000004B  }
0xb8: {  	_ =	sfence  }
0xb9: {  	s30 =	sld [smem:$0x0];
	_ =	sdelay $0x2  }
0xba: {  	s31 =	sshll.u32 s1, $0xD;
	s1 =	sshrl.u32 s1, $0x2  }
0xbb: {  	s3 =	sand.u32 $0x4000, s31;
	s1 =	sadd.s32 s1, s30  }
0xbc: {  	s0 =	sor.u32 s3, s0;
	s1 =	sshll.u32 s1, $0x11  }
0xbd: {  	s0 =	sor.u32 s1, s0  }
0xbe: {  	s0 =	sadd.s32 $0x8F2B, s0  }
0xbf: {  	[sflag:s0] =	ssyncadd.remote.s32 $0x1  }
0xc0: {  	_ =	sfence.sel $0xFFFF  }
0xc1: {  	[dreg:$0x0] =	wrdreg $0xFFFFFFFF;
	(pc) =	sbr.abs _section_cstart, $3  }
0xc2: {  	[dreg:$0x1] =	wrdreg $0xFFFFFFFF  }
0xc3: {  	_ =	task.clear_ibuf [dreg:s7], $0x2FFFF;
	_ =	strace $0x9FFFFFFF  }
0xc4: {  	(tm) =	ssettm $0x7FFFFFFF  }
0xc5: {  	_ =	shalt  }
tec
execute0_lowered:
.L_overlay_start_1:
0x0: {  	(tag) =	ssettag $0x1  }
0x1: {  	s1 =	rddreg [dreg:$0x0]  }
0x2: {  	s0 =	rddreg [dreg:$0x1]  }
0x3: {  	s3 =	rddreg [dreg:$0x2]  }
0x4: {  	s4 =	rddreg [dreg:$0x3];
	s2 =	srdreg.scid  }
0x5: {  	s15 =	stileid.u32;
	s5 =	simm.s32 $0x0;
	s30 =	simm.s32 $0x380  }
0x6: {  	s31 =	simm.s32 $0x2;
	s28 =	simm.s32 $0x4;
	s6 =	smul.u32 $0x500, s15  }
0x7: {  	s2 =	sand.u32 $0x1, s2;
	[smem:$0x7FF] =	sst s5;
	s23 =	smul.u32 $0x50000, s15  }
0x8: {  	s9 =	sadd.s32 $0x17200, s0;
	s13 =	smul.u32 $0x2710, s15;
	s7 =	sshll.u32 s2, $0x4  }
0x9: {  	s8 =	sshll.u32 s2, $0x7;
	_ =	strace $0x8000004A;
	s25 =	smul.u32 $0x140000, s2  }
0xa: {  	s21 =	ssub.s32 $0x2, s2;
	s2 =	smul.u32 $0x27100, s2;
	s6 =	sor.u32 s8, s6  }
0xb: {  	s7 =	sor.u32 s15, s7;
	s8 =	sadd.s32 $0x2E00, s0;
	s6 =	sshrl.u32 s6, $0x3  }
0xc: {  	s10 =	sshrl.u32 s21, $0x1;
	s7 =	smul.u32 $0x2710, s7;
	s0 =	sadd.s32 s6, s0  }
0xd: {  	s6 =	ssub.s32 s21, s10;
	s10 =	sshrl.u32 s23, $0x2;
	s0 =	sadd.s32 $0x16800, s0  }
0xe: {  	s7 =	sshrl.u32 s7, $0x3;
	s18 =	sadd.s32 s10, s3;
	[dreg:$0x17] =	wrdreg s0  }
0xf: {  	s2 =	sadd.s32 s13, s2;
	s17 =	sadd.s32 s8, s7;
	[dreg:$0x9] =	wrdreg s18  }
0x10: {  	s7 =	smul.u32 $0x280, s15;
	s22 =	sadd.s32 $0x9C40, s17;
	[dreg:$0x5] =	wrdreg s17  }
0x11: {  	s15 =	smul.u32 $0x14000, s15;
	s11 =	sadd.s32 $0xA, s17;
	[dreg:$0x6] =	wrdreg s22  }
0x12: {  	s24 =	sadd.s32 $0x9C4A, s17;
	s23 =	sadd.s32 $0x14, s17;
	[dreg:$0x7] =	wrdreg s11  }
0x13: {  	[dreg:$0x8] =	wrdreg s24;
	s12 =	sshll.u32 s7, $0x7;
	s29 =	sadd.s32 s15, s25  }
0x14: {  	[dreg:$0x16] =	wrdreg s23;
	s24 =	smax.u32 s6, $0x1;
	s23 =	simm.s32 $0x2C00  }
0x15: {  	s26 =	sadd.s32 $0x4000, s12;
	s14 =	sadd.s32 $0x8000, s12;
	s16 =	sadd.s32 $0xC000, s12  }
0x16: {  	s12 =	sadd.s32 $0x10000, s12;
	s13 =	sshrl.u32 s29, $0x3;
	[dreg:$0x18] =	wrdreg s24  }
0x17: {  	s29 =	sadd.s32 $0x9C5E, s17;
	s24 =	simm.s32 $0x1;
	s19 =	sadd.s32 s26, s3  }
0x18: {  	s20 =	sadd.s32 s14, s3;
	s21 =	sadd.s32 s16, s3;
	s10 =	sadd.s32 s25, s26  }
0x19: {  	s13 =	sadd.s32 s9, s13;
	s11 =	sadd.s32 s25, s12;
	[dreg:$0x1b] =	wrdreg s29  }
0x1a: {  	s12 =	sadd.s32 s12, s3;
	s26 =	sadd.s32 $0x1E, s17;
	[dreg:$0xd] =	wrdreg s13  }
0x1b: {  	s10 =	sshrl.u32 s10, $0x3;
	s13 =	sadd.s32 s25, s14;
	[dreg:$0x1a] =	wrdreg s26  }
0x1c: {  	s14 =	sadd.s32 s25, s16;
	s11 =	sshrl.u32 s11, $0x3;
	[dreg:$0xa] =	wrdreg s19  }
0x1d: {  	s16 =	sadd.s32 $0x4E340, s2;
	s2 =	sadd.s32 $0x140, s2;
	[dreg:$0xb] =	wrdreg s20  }
0x1e: {  	s25 =	sadd.s32 $0x9C54, s17;
	s17 =	simm.s32 $0x7E80;
	[dreg:$0xc] =	wrdreg s21  }
0x1f: {  	s26 =	simm.s32 $0xC;
	[dreg:$0x12] =	wrdreg s12;
	s10 =	sadd.s32 s9, s10  }
0x20: {  	s15 =	sshrl.u32 s14, $0x3;
	s2 =	sshrl.u32 s2, $0x3;
	[dreg:$0x19] =	wrdreg s25  }
0x21: {  	s14 =	simm.s32 $0x200;
	[dreg:$0xe] =	wrdreg s10;
	s2 =	sadd.s32 s2, s8  }
0x22: {  	s10 =	sshrl.u32 s13, $0x3;
	s13 =	sadd.s32 s7, s4;
	[dreg:$0x15] =	wrdreg s2  }
0x23: {  	s25 =	simm.s32 $0x9;
	s10 =	sadd.s32 s9, s10;
	[dreg:$0x13] =	wrdreg s13  }
0x24: {  	s7 =	simm.s32 $0xE;
	[dreg:$0xf] =	wrdreg s10;
	s10 =	sadd.s32 s9, s15  }
0x25: {  	s2 =	simm.s32 $0x400;
	s9 =	sadd.s32 s9, s11;
	[dreg:$0x10] =	wrdreg s10  }
0x26: {  	s15 =	simm.s32 $0x80;
	[dreg:$0x11] =	wrdreg s9;
	s9 =	sshrl.u32 s16, $0x3  }
0x27: {  	s16 =	simm.s32 $0x280;
	s22 =	sadd.s32 s9, s8;
	s9 =	simm.s32 $0x50  }
0x28: {  	v0 =	vimm.f32 $0.0e+00;
	v1 =	vimm.f32 $1.000000000e+00;
	s8 =	simm.s32 $0x0;
	[dreg:$0x14] =	wrdreg s22;
	s22 =	simm.s32 $0x7C00  }
.LBB2_1:
0x29: {  	s0 =	rddreg [dreg:$0x5]  }
0x2a: {  	[tilespmem:s5], [sflag:$0x4] =	stream.linear.gather [hbm4b:s0+s5], $0x50, $0x38;
	[tilespmem:$0x1C180] =	vst v63  }
0x2b: {  	s6 =	rddreg [dreg:$0x6]  }
0x2c: {  	[tilespmem:s14], [sflag:$0x4] =	stream.linear.gather [hbm4b:s6+s5], $0x50, $0x38;
	[tilespmem:$0x1C180] =	vst v63  }
0x2d: {  	s10 =	rddreg [dreg:$0x7];
	s29 =	sand.u32 $0xFE00, s5  }
0x2e: {  	[tilespmem:s15], [sflag:$0x5] =	stream.linear.gather [hbm4b:s10+s5], $0x50, $0x38;
	[tilespmem:$0x1C180] =	vst v63  }
0x2f: {  	s11 =	rddreg [dreg:$0x8];
	s6 =	sand.u32 $0x70, s5;
	s10 =	sshrl.u32 s29, $0x2  }
0x30: {  	s0 =	simm.s32 $0x40;
	s10 =	sor.u32 s6, s10;
	s6 =	simm.s32 $0x0  }
0x31: {  	[tilespmem:s16], [sflag:$0x5] =	stream.linear.gather [hbm4b:s11+s5], $0x50, $0x38;
	[tilespmem:$0x1C180] =	vst v63  }
.LBB2_2:
0x32: {  	p0 =	sne.s32 s0, $0xFFC0  }
0x33: {  	[tilespmem:s10+$0x400] =	vst v0;
	s6 =	sadd.s32 $0x10, s6;
	s10 =	smov.u32 s0;
	s0 =	sadd.s32 $0x40, s0  }
.Ltmp0:
0x34: {  	(pc) =	sbr.rel @p0 .LBB2_2-.Ltmp0, $4  }
0x35: {  	_ = 	snop  }
0x36: {  	s10 =	sand.u32 $0xFE00, s10  }
0x37: {  	s11 =	sand.u32 $0x70, s6;
	s10 =	sshrl.u32 s10, $0x2  }
0x38: {  	s10 =	sor.u32 s11, s10  }
0x39: {  	[tilespmem:s10+$0x400] =	vst v0  }
0x3a: {  	[tilespmem:$0x7C00] =	vst v0  }
0x3b: {  	[tilespmem:$0x7C10] =	vst v0  }
0x3c: {  	[tilespmem:$0x7C20] =	vst v0  }
0x3d: {  	[tilespmem:$0x7C30] =	vst v0  }
0x3e: {  	[tilespmem:$0x7C40] =	vst v0  }
0x3f: {  	[tilespmem:$0x7C50] =	vst v0  }
0x40: {  	[tilespmem:$0x7C60] =	vst v0  }
0x41: {  	[tilespmem:$0x7C70] =	vst v0  }
0x42: {  	[tilespmem:$0x7C80] =	vst v0  }
0x43: {  	[tilespmem:$0x7C90] =	vst v0  }
0x44: {  	[tilespmem:$0x7CA0] =	vst v0  }
0x45: {  	[tilespmem:$0x7CB0] =	vst v0  }
0x46: {  	[tilespmem:$0x7CC0] =	vst v0  }
0x47: {  	[tilespmem:$0x7CD0] =	vst v0  }
0x48: {  	[tilespmem:$0x7CE0] =	vst v0  }
0x49: {  	[tilespmem:$0x7CF0] =	vst v0  }
0x4a: {  	[tilespmem:$0x7D00] =	vst v0  }
0x4b: {  	[tilespmem:$0x7D10] =	vst v0  }
0x4c: {  	[tilespmem:$0x7D20] =	vst v0  }
0x4d: {  	[tilespmem:$0x7D30] =	vst v0  }
0x4e: {  	[tilespmem:$0x7D40] =	vst v0  }
0x4f: {  	[tilespmem:$0x7D50] =	vst v0  }
0x50: {  	[tilespmem:$0x7D60] =	vst v0  }
0x51: {  	[tilespmem:$0x7D70] =	vst v0  }
0x52: {  	[tilespmem:$0x7D80] =	vst v0  }
0x53: {  	[tilespmem:$0x7D90] =	vst v0  }
0x54: {  	[tilespmem:$0x7DA0] =	vst v0  }
0x55: {  	[tilespmem:$0x7DB0] =	vst v0  }
0x56: {  	[tilespmem:$0x7DC0] =	vst v0  }
0x57: {  	[tilespmem:$0x7DD0] =	vst v0  }
0x58: {  	[tilespmem:$0x7DE0] =	vst v0  }
0x59: {  	[tilespmem:$0x7DF0] =	vst v0  }
0x5a: {  	[tilespmem:$0x7E00] =	vst v0  }
0x5b: {  	[tilespmem:$0x7E10] =	vst v0  }
0x5c: {  	[tilespmem:$0x7E20] =	vst v0  }
0x5d: {  	[tilespmem:$0x7E30] =	vst v0  }
0x5e: {  	[tilespmem:$0x7E40] =	vst v0  }
0x5f: {  	[tilespmem:$0x7E50] =	vst v0  }
0x60: {  	[tilespmem:$0x7E60] =	vst v0  }
0x61: {  	[tilespmem:$0x7E70] =	vst v0  }
0x62: {  	[tilespmem:$0x7E80] =	vst v1  }
0x63: {  	[tilespmem:$0x7E90] =	vst v1  }
0x64: {  	[tilespmem:$0x7EA0] =	vst v1  }
0x65: {  	[tilespmem:$0x7EB0] =	vst v1  }
0x66: {  	[tilespmem:$0x7EC0] =	vst v1  }
0x67: {  	[tilespmem:$0x7ED0] =	vst v1  }
0x68: {  	[tilespmem:$0x7EE0] =	vst v1  }
0x69: {  	[tilespmem:$0x7EF0] =	vst v1  }
0x6a: {  	[spmem:s18] =	stream.linear.scatter [tilespmem:s2], [sflag:$0xE], $0x4000, $0x38;
	[tilespmem:$0x1C180] =	vst v63  }
0x6b: {  	_ =	swait.ge [sflag:s7], $0x4000  }
0x6c: {  	[sflag:s7] =	ssyncset.done $0x0  }
0x6d: {  	[sflag:s7] =	ssyncadd.s32 $0xFFFFC000  }
0x6e: {  	[spmem:s19] =	stream.linear.scatter [tilespmem:s2], [sflag:$0xE], $0x4000, $0x38;
	[tilespmem:$0x1C180] =	vst v63  }
0x6f: {  	_ =	swait.ge [sflag:s7], $0x4000  }
0x70: {  	[sflag:s7] =	ssyncset.done $0x0  }
0x71: {  	[sflag:s7] =	ssyncadd.s32 $0xFFFFC000  }
0x72: {  	[spmem:s20] =	stream.linear.scatter [tilespmem:s2], [sflag:$0xE], $0x4000, $0x38;
	[tilespmem:$0x1C180] =	vst v63  }
0x73: {  	_ =	swait.ge [sflag:s7], $0x4000  }
0x74: {  	[sflag:s7] =	ssyncset.done $0x0  }
0x75: {  	[sflag:s7] =	ssyncadd.s32 $0xFFFFC000  }
0x76: {  	[spmem:s21] =	stream.linear.scatter [tilespmem:s2], [sflag:$0xE], $0x4000, $0x38;
	[tilespmem:$0x1C180] =	vst v63  }
0x77: {  	_ =	swait.ge [sflag:s7], $0x4000  }
0x78: {  	[sflag:s7] =	ssyncset.done $0x0  }
0x79: {  	[sflag:s7] =	ssyncadd.s32 $0xFFFFC000  }
0x7a: {  	[spmem:s12] =	stream.linear.scatter [tilespmem:s2], [sflag:$0xE], $0x4000, $0x38;
	[tilespmem:$0x1C180] =	vst v63  }
0x7b: {  	_ =	swait.ge [sflag:s7], $0x4000  }
0x7c: {  	[sflag:s7] =	ssyncset.done $0x0  }
0x7d: {  	[sflag:s7] =	ssyncadd.s32 $0xFFFFC000  }
0x7e: {  	[spmem:s13] =	stream.linear.scatter [tilespmem:s22], [sflag:$0xE], $0x280, $0x38;
	[tilespmem:$0x1C180] =	vst v63  }
0x7f: {  	_ =	swait.ge [sflag:s7], $0x280  }
0x80: {  	[sflag:s7] =	ssyncset.done $0x0  }
0x81: {  	[sflag:s7] =	ssyncadd.s32 $0xFFFFFD80  }
0x82: {  	s0 =	simm.s32 $0x4;
	[bflag:$0x0] =	sbarrier.arrive $0xFFFF  }
0x83: {  	_ =	swait.ge [sflag:s0], $0x50  }
0x84: {  	[sflag:s0] =	ssyncset.done $0x0  }
0x85: {  	[sflag:s0] =	ssyncadd.s32 $0xFFFFFFB0  }
0x86: {  	_ =	swait.ge [sflag:s0], $0x50  }
0x87: {  	[sflag:s0] =	ssyncset.done $0x0  }
0x88: {  	[sflag:s0] =	ssyncadd.s32 $0xFFFFFFB0  }
0x89: {  	[tilespmem:s2], [sflag:$0x1] =	stream.indirect.gather [hbm4b:s1+s9], $0x80, s5, s9, $0xb8;
	[tilespmem:$0x1C180] =	vst v63  }
0x8a: {  	s29 =	simm.s32 $0x100;
	s6 =	rddreg [dreg:$0x16]  }
0x8b: {  	[tilespmem:s29], [sflag:$0x6] =	stream.linear.gather [hbm4b:s6+s5], $0x50, $0x38;
	[tilespmem:$0x1C180] =	vst v63  }
0x8c: {  	s21 =	simm.s32 $0x300;
	s22 =	simm.s32 $0x5;
	s20 =	rddreg [dreg:$0x19]  }
0x8d: {  	[tilespmem:s21], [sflag:$0x6] =	stream.linear.gather [hbm4b:s20+s5], $0x50, $0x38;
	[tilespmem:$0x1C180] =	vst v63  }
0x8e: {  	_ =	swait.ge [sflag:s22], $0x50  }
0x8f: {  	[sflag:s22] =	ssyncset.done $0x0  }
0x90: {  	[sflag:s22] =	ssyncadd.s32 $0xFFFFFFB0  }
0x91: {  	_ =	swait.ge [sflag:s22], $0x50  }
0x92: {  	[sflag:s22] =	ssyncset.done $0x0  }
0x93: {  	[sflag:s22] =	ssyncadd.s32 $0xFFFFFFB0  }
0x94: {  	[tilespmem:s23], [sflag:$0x2] =	stream.indirect.gather [hbm4b:s1+s9], $0x80, s15, s9, $0xb8;
	[tilespmem:$0x1C180] =	vst v63  }
0x95: {  	s19 =	smul.u32 $0xAB, s0;
	_ =	swait.ge [sflag:s24], $0x2800  }
0x96: {  	s11 =	simm.s32 $0x180;
	s13 =	simm.s32 $0x6;
	[sflag:s24] =	ssyncset.done $0x0  }
0x97: {  	s20 =	sadd.s32 $0xFFFFFF55, s19;
	s15 =	simm.s32 $0x0;
	[sflag:s24] =	ssyncadd.s32 $0xFFFFD800  }
0x98: {  	[spmem:s3] =	stream.indirect.scatter.add.f32 [tilespmem:s2], [sflag:$0x8], $0x80, s14, s9, $0xb8;
	[tilespmem:$0x1C180] =	vst v63  }
0x99: {  	s0 =	sand.u32 $0x3, s0;
	s21 =	sshrl.u32 s20, $0x9;
	s6 =	smul.u32 $0x56, s15  }
0x9a: {  	[spmem:s4] =	stream.indirect.scatter.add.f32 [tilespmem:s17], [sflag:$0xB], $0x1, s14, s9, $0xb8;
	[tilespmem:$0x1C180] =	vst v63  }
0x9b: {  	s10 =	rddreg [dreg:$0x1a];
	s18 =	sshrl.u32 s6, $0x1F;
	s6 =	sshrl.u32 s6, $0x8  }
0x9c: {  	[tilespmem:s11], [sflag:$0x7] =	stream.linear.gather [hbm4b:s10+s5], $0x50, $0x38;
	[tilespmem:$0x1C180] =	vst v63  }
0x9d: {  	s15 =	simm.s32 $0x1;
	s12 =	rddreg [dreg:$0x1b];
	s6 =	sadd.s32 s18, s6  }
0x9e: {  	[tilespmem:s30], [sflag:$0x7] =	stream.linear.gather [hbm4b:s12+s5], $0x50, $0x38;
	[tilespmem:$0x1C180] =	vst v63  }
0x9f: {  	s18 =	simm.s32 $0x180;
	s10 =	sadd.s32 $0xFFFFFEAA, s19;
	_ =	swait.ge [sflag:s13], $0x50  }
0xa0: {  	s6 =	smul.u32 $0x3, s6;
	s10 =	sshrl.u32 s10, $0x9;
	[sflag:s13] =	ssyncset.done $0x0  }
0xa1: {  	s14 =	simm.s32 $0x5400;
	s10 =	sand.u32 $0x7F, s10;
	[sflag:s13] =	ssyncadd.s32 $0xFFFFFFB0  }
0xa2: {  	s6 =	ssub.s32 $0x0, s6;
	s10 =	smul.u32 $0x3, s10;
	_ =	swait.ge [sflag:s13], $0x50  }
0xa3: {  	s11 =	simm.s32 $0x200;
	s6 =	sshll.u32 s6, $0x18;
	[sflag:s13] =	ssyncset.done $0x0  }
0xa4: {  	s10 =	ssub.s32 $0x4, s10;
	[sflag:s13] =	ssyncadd.s32 $0xFFFFFFB0;
	s13 =	sshra.s32 s6, $0x18  }
0xa5: {  	[tilespmem:s14], [sflag:$0x3] =	stream.indirect.gather [hbm4b:s1+s9], $0x80, s29, s9, $0xb8;
	[tilespmem:$0x1C180] =	vst v63  }
0xa6: {  	s10 =	sadd.s32 $0xFFFFFFFE, s10;
	s6 =	sand.u32 $0x7F, s21;
	p0 =	slt.s32 s13, $0x0  }
0xa7: {  	s12 =	sadd.s32 $0x3, s13;
	s22 =	smul.u32 $0x3, s6;
	_ =	swait.ge [sflag:s31], $0x2800  }
0xa8: {  	s6 =	simm.s32 $0x5;
	s13 =	smov.u32 @p0 s12;
	[sflag:s31] =	ssyncset.done $0x0  }
0xa9: {  	s12 =	sadd.s32 $0x8, s13;
	s14 =	ssub.s32 $0x3, s22;
	[sflag:s31] =	ssyncadd.s32 $0xFFFFD800  }
0xaa: {  	[spmem:s3] =	stream.indirect.scatter.add.f32 [tilespmem:s23], [sflag:$0x9], $0x80, s16, s9, $0xb8;
	[tilespmem:$0x1C180] =	vst v63  }
0xab: {  	s24 =	sadd.s32 $0xB, s13;
	s13 =	simm.s32 $0x1;
	s20 =	sand.u32 $0xFF, s14  }
0xac: {  	[spmem:s4] =	stream.indirect.scatter.add.f32 [tilespmem:s17], [sflag:$0xC], $0x1, s16, s9, $0xb8;
	[tilespmem:$0x1C180] =	vst v63  }
0xad: {  	s14 =	sor.u32 $0x4, s0;
	s0 =	sshll.u32 s0, $0x7;
	_ =	swait.ge [sflag:s12], $0x2800  }
0xae: {  	s31 =	simm.s32 $0x5;
	s23 =	simm.s32 $0x3;
	[sflag:s12] =	ssyncset.done $0x0  }
0xaf: {  	s21 =	smul.u32 $0xA000, s20;
	s19 =	sand.u32 $0x3, s23;
	[sflag:s12] =	ssyncadd.s32 $0xFFFFD800  }
0xb0: {  	s30 =	sor.u32 $0x4, s19;
	s16 =	sor.u32 $0x200, s0;
	_ =	swait.ge [sflag:s24], $0x50  }
0xb1: {  	s12 =	sand.u32 $0xFF, s10;
	[sflag:s24] =	ssyncset.done $0x0;
	s23 =	rddreg [dreg:$0x14]  }
0xb2: {  	s10 =	smul.u32 $0xA000, s12;
	[sflag:s24] =	ssyncadd.s32 $0xFFFFFFB0;
	s24 =	rddreg [dreg:$0x15]  }
0xb3: {  	[tilespmem:s0], [sflag:s14] =	stream.linear.gather [hbm4b:s24+s5], $0x50, $0x38;
	[tilespmem:$0x1C180] =	vst v63  }
0xb4: {  	s22 =	sshrl.u32 s10, $0x2;
	s0 =	sadd.s32 $0xA, s23;
	s10 =	sadd.s32 $0xA, s24  }
.LBB2_4:
0xb5: {  	[tilespmem:s16], [sflag:s14] =	stream.linear.gather [hbm4b:s23+s5], $0x50, $0x38;
	[tilespmem:$0x1C180] =	vst v63  }
0xb6: {  	p0 =	sne.s32 s11, $0x3D00;
	s14 =	sshrl.u32 s21, $0x2;
	_ =	swait.ge [sflag:s30], $0x50  }
0xb7: {  	s16 =	sadd.s32 $0x1, s20;
	s14 =	sor.u32 $0x400, s14;
	[sflag:s30] =	ssyncset.done $0x0  }
0xb8: {  	s20 =	smov.u32 s11;
	s11 =	sadd.s32 $0x80, s11;
	[sflag:s30] =	ssyncadd.s32 $0xFFFFFFB0  }
0xb9: {  	s21 =	sadd.s32 $0x1, s12;
	s23 =	sor.u32 $0x8, s12;
	_ =	swait.ge [sflag:s30], $0x50  }
0xba: {  	s19 =	sshll.u32 s19, $0x7;
	s29 =	sand.u32 $0x180, s29;
	[sflag:s30] =	ssyncset.done $0x0  }
0xbb: {  	s15 =	smul.u32 $0x56, s15;
	[sflag:s30] =	ssyncadd.s32 $0xFFFFFFB0  }
0xbc: {  	s30 =	sor.u32 $0x200, s29;
	s29 =	smov.u32 s18;
	s18 =	smov.u32 s20  }
0xbd: {  	[tilespmem:s14], [sflag:s16] =	stream.indirect.gather [hbm4b:s1+s9], $0x80, s19, s9, $0xb8;
	[tilespmem:$0x1C180] =	vst v63  }
0xbe: {  	s14 =	sshrl.u32 s15, $0x1F;
	s15 =	sshrl.u32 s15, $0x8;
	_ =	swait.ge [sflag:s21], $0x2800  }
0xbf: {  	s14 =	sadd.s32 s14, s15;
	s15 =	smul.u32 $0xAB, s6;
	[sflag:s21] =	ssyncset.done $0x0  }
0xc0: {  	s16 =	sor.u32 $0x400, s22;
	s14 =	smul.u32 $0x3, s14;
	[sflag:s21] =	ssyncadd.s32 $0xFFFFD800  }
0xc1: {  	[spmem:s3] =	stream.indirect.scatter.add.f32 [tilespmem:s16], [sflag:s23], $0x80, s30, s9, $0xb8;
	[tilespmem:$0x1C180] =	vst v63  }
0xc2: {  	s13 =	ssub.s32 s13, s14;
	s14 =	sadd.s32 $0xFFFFFF55, s15;
	s15 =	sadd.s32 $0xFFFFFEAA, s15  }
0xc3: {  	s13 =	sshll.u32 s13, $0x18;
	s15 =	sshrl.u32 s15, $0x9;
	s14 =	sshrl.u32 s14, $0x9  }
0xc4: {  	s13 =	sshra.s32 s13, $0x18;
	s15 =	sand.u32 $0x7F, s15;
	s14 =	sand.u32 $0x7F, s14  }
0xc5: {  	p1 =	slt.s32 s13, $0x0;
	s16 =	sadd.s32 $0x3, s13;
	s15 =	smul.u32 $0x3, s15  }
0xc6: {  	s12 =	sadd.s32 $0xB, s12;
	s14 =	smul.u32 $0x3, s14;
	s13 =	smov.u32 @p1 s16  }
0xc7: {  	s20 =	sadd.s32 $0xFFFFFFFF, s31;
	s6 =	sadd.s32 $0x1, s6;
	s16 =	sadd.s32 $0x8, s13  }
0xc8: {  	s19 =	sand.u32 $0x3, s20;
	s15 =	ssub.s32 s31, s15;
	s14 =	ssub.s32 s20, s14  }
0xc9: {  	s22 =	sadd.s32 $0xB, s13;
	s13 =	sadd.s32 $0xFFFFFFFC, s6;
	s15 =	sadd.s32 $0xFFFFFFFE, s15  }
0xca: {  	[spmem:s4] =	stream.indirect.scatter.add.f32 [tilespmem:s17], [sflag:s12], $0x1, s30, s9, $0xb8;
	[tilespmem:$0x1C180] =	vst v63  }
0xcb: {  	s20 =	sand.u32 $0xFF, s14;
	s12 =	sand.u32 $0x3, s31;
	_ =	swait.ge [sflag:s16], $0x2800  }
0xcc: {  	s21 =	smul.u32 $0xA000, s20;
	s14 =	sor.u32 $0x4, s12;
	[sflag:s16] =	ssyncset.done $0x0  }
0xcd: {  	s23 =	sshll.u32 s12, $0x7;
	s12 =	sand.u32 $0xFF, s15;
	[sflag:s16] =	ssyncadd.s32 $0xFFFFD800  }
0xce: {  	s24 =	smul.u32 $0xA000, s12;
	_ =	swait.ge [sflag:s22], $0x50  }
.Ltmp1:
0xcf: {  	s15 =	sshll.u32 s13, $0x18;
	[sflag:s22] =	ssyncset.done $0x0;
	(pc) =	sbr.rel @p0 .LBB2_4-.Ltmp1, $4  }
0xd0: {  	s30 =	sor.u32 $0x4, s19;
	s31 =	smov.u32 s6;
	[sflag:s22] =	ssyncadd.s32 $0xFFFFFFB0  }
0xd1: {  	s15 =	sshra.s32 s15, $0x18;
	s16 =	sor.u32 $0x200, s23;
	s22 =	sshrl.u32 s24, $0x2  }
0xd2: {  	[tilespmem:s23], [sflag:s14] =	stream.linear.gather [hbm4b:s10+s5], $0x50, $0x38;
	[tilespmem:$0x1C180] =	vst v63  }
0xd3: {  	s10 =	sadd.s32 $0xA, s10;
	s23 =	smov.u32 s0;
	s0 =	sadd.s32 $0xA, s0  }
0xd4: {  	[tilespmem:s16], [sflag:s14] =	stream.linear.gather [hbm4b:s23+s5], $0x50, $0x38;
	[tilespmem:$0x1C180] =	vst v63  }
0xd5: {  	_ =	swait.ge [sflag:s30], $0x50  }
0xd6: {  	[sflag:s30] =	ssyncset.done $0x0  }
0xd7: {  	s11 =	sshrl.u32 s21, $0x2;
	s16 =	sadd.s32 $0x1, s20;
	[sflag:s30] =	ssyncadd.s32 $0xFFFFFFB0  }
0xd8: {  	s19 =	sshll.u32 s19, $0x7;
	s15 =	smul.u32 $0x56, s15;
	_ =	swait.ge [sflag:s30], $0x50  }
0xd9: {  	s23 =	sand.u32 $0x180, s29;
	s11 =	sor.u32 $0x400, s11;
	[sflag:s30] =	ssyncset.done $0x0  }
0xda: {  	s29 =	sshrl.u32 s15, $0x1F;
	s15 =	sshrl.u32 s15, $0x8;
	[sflag:s30] =	ssyncadd.s32 $0xFFFFFFB0  }
0xdb: {  	[tilespmem:s11], [sflag:s16] =	stream.indirect.gather [hbm4b:s1+s9], $0x80, s19, s9, $0xb8;
	[tilespmem:$0x1C180] =	vst v63  }
0xdc: {  	s20 =	sadd.s32 $0x1, s12;
	s11 =	sadd.s32 s29, s15  }
0xdd: {  	_ =	swait.ge [sflag:s20], $0x2800;
	s11 =	smul.u32 $0x3, s11  }
0xde: {  	s21 =	sor.u32 $0x8, s12;
	s24 =	sor.u32 $0x400, s22;
	[sflag:s20] =	ssyncset.done $0x0  }
0xdf: {  	s14 =	sor.u32 $0x200, s23;
	[sflag:s20] =	ssyncadd.s32 $0xFFFFD800;
	s11 =	ssub.s32 s13, s11  }
0xe0: {  	[spmem:s3] =	stream.indirect.scatter.add.f32 [tilespmem:s24], [sflag:s21], $0x80, s14, s9, $0xb8;
	[tilespmem:$0x1C180] =	vst v63  }
0xe1: {  	s11 =	sshll.u32 s11, $0x18  }
0xe2: {  	s15 =	sadd.s32 $0xB, s12;
	s11 =	sshra.s32 s11, $0x18  }
0xe3: {  	[spmem:s4] =	stream.indirect.scatter.add.f32 [tilespmem:s17], [sflag:s15], $0x1, s14, s9, $0xb8;
	[tilespmem:$0x1C180] =	vst v63  }
0xe4: {  	p0 =	slt.s32 s11, $0x0;
	s12 =	sadd.s32 $0x3, s11  }
0xe5: {  	s11 =	smov.u32 @p0 s12  }
0xe6: {  	s12 =	sadd.s32 $0x8, s11  }
0xe7: {  	_ =	swait.ge [sflag:s12], $0x2800  }
0xe8: {  	[sflag:s12] =	ssyncset.done $0x0  }
0xe9: {  	s11 =	sadd.s32 $0xB, s11;
	[sflag:s12] =	ssyncadd.s32 $0xFFFFD800  }
0xea: {  	s6 =	smul.u32 $0xAB, s6;
	s16 =	sand.u32 $0x3, s31;
	_ =	swait.ge [sflag:s11], $0x50  }
0xeb: {  	s19 =	sor.u32 $0x4, s16;
	[sflag:s11] =	ssyncset.done $0x0  }
0xec: {  	s20 =	sadd.s32 $0xFFFFFF55, s6;
	s12 =	sshll.u32 s16, $0x7;
	[sflag:s11] =	ssyncadd.s32 $0xFFFFFFB0  }
0xed: {  	[tilespmem:s12], [sflag:s19] =	stream.linear.gather [hbm4b:s10+s5], $0x50, $0x38;
	[tilespmem:$0x1C180] =	vst v63  }
0xee: {  	s21 =	sshrl.u32 s20, $0x9;
	s12 =	sor.u32 $0x200, s12  }
0xef: {  	[tilespmem:s12], [sflag:s19] =	stream.linear.gather [hbm4b:s0+s5], $0x50, $0x38;
	[tilespmem:$0x1C180] =	vst v63  }
0xf0: {  	s22 =	sadd.s32 $0xFFFFFFFF, s31;
	s0 =	sand.u32 $0x7F, s21  }
0xf1: {  	s23 =	sand.u32 $0x3, s22;
	s0 =	smul.u32 $0x3, s0  }
0xf2: {  	s24 =	sor.u32 $0x4, s23  }
0xf3: {  	s6 =	sadd.s32 $0xFFFFFEAA, s6;
	_ =	swait.ge [sflag:s24], $0x50;
	s0 =	ssub.s32 s22, s0  }
0xf4: {  	s6 =	sshrl.u32 s6, $0x9;
	[sflag:s24] =	ssyncset.done $0x0;
	s0 =	sand.u32 $0xFF, s0  }
0xf5: {  	s6 =	sand.u32 $0x7F, s6;
	[sflag:s24] =	ssyncadd.s32 $0xFFFFFFB0;
	s29 =	smul.u32 $0xA000, s0  }
0xf6: {  	s6 =	smul.u32 $0x3, s6;
	_ =	swait.ge [sflag:s24], $0x50  }
0xf7: {  	s11 =	sshll.u32 s23, $0x7;
	[sflag:s24] =	ssyncset.done $0x0;
	s10 =	sshrl.u32 s29, $0x2  }
0xf8: {  	s0 =	sadd.s32 $0x1, s0;
	[sflag:s24] =	ssyncadd.s32 $0xFFFFFFB0;
	s10 =	sor.u32 $0x400, s10  }
0xf9: {  	[tilespmem:s10], [sflag:s0] =	stream.indirect.gather [hbm4b:s1+s9], $0x80, s11, s9, $0xb8;
	[tilespmem:$0x1C180] =	vst v63  }
0xfa: {  	s11 =	ssub.s32 s31, s6  }
0xfb: {  	s0 =	sadd.s32 $0xFFFFFFFE, s11  }
0xfc: {  	s0 =	sand.u32 $0xFF, s0  }
0xfd: {  	s12 =	sadd.s32 $0x1, s0;
	s13 =	smul.u32 $0xA000, s0  }
0xfe: {  	s14 =	sand.u32 $0x180, s18;
	_ =	swait.ge [sflag:s12], $0x2800  }
0xff: {  	s11 =	sor.u32 $0x200, s14;
	[sflag:s12] =	ssyncset.done $0x0;
	s10 =	sshrl.u32 s13, $0x2  }
0x100: {  	s15 =	sor.u32 $0x8, s0;
	[sflag:s12] =	ssyncadd.s32 $0xFFFFD800;
	s10 =	sor.u32 $0x400, s10  }
0x101: {  	[spmem:s3] =	stream.indirect.scatter.add.f32 [tilespmem:s10], [sflag:s15], $0x80, s11, s9, $0xb8;
	[tilespmem:$0x1C180] =	vst v63  }
0x102: {  	s0 =	sadd.s32 $0xB, s0  }
0x103: {  	[spmem:s4] =	stream.indirect.scatter.add.f32 [tilespmem:s17], [sflag:s0], $0x1, s11, s9, $0xb8;
	[tilespmem:$0x1C180] =	vst v63  }
0x104: {  	_ =	swait.ge [sflag:s25], $0x2800  }
0x105: {  	[sflag:s25] =	ssyncset.done $0x0  }
0x106: {  	[sflag:s25] =	ssyncadd.s32 $0xFFFFD800  }
0x107: {  	_ =	swait.ge [sflag:s26], $0x50  }
0x108: {  	[sflag:s26] =	ssyncset.done $0x0  }
0x109: {  	[sflag:s26] =	ssyncadd.s32 $0xFFFFFFB0  }
0x10a: {  	_ =	swait.ge [sflag:s28], $0x50  }
0x10b: {  	[sflag:s28] =	ssyncset.done $0x0  }
0x10c: {  	[sflag:s28] =	ssyncadd.s32 $0xFFFFFFB0  }
0x10d: {  	_ =	swait.ge [sflag:s28], $0x50  }
0x10e: {  	[sflag:s28] =	ssyncset.done $0x0  }
0x10f: {  	s23 =	simm.s32 $0x2C00;
	s24 =	simm.s32 $0x1;
	[sflag:s28] =	ssyncadd.s32 $0xFFFFFFB0  }
0x110: {  	[tilespmem:s23], [sflag:$0x2] =	stream.indirect.gather [hbm4b:s1+s9], $0x80, s5, s9, $0xb8;
	[tilespmem:$0x1C180] =	vst v63  }
0x111: {  	_ =	swait.ge [sflag:s24], $0x2800  }
0x112: {  	[sflag:s24] =	ssyncset.done $0x0  }
0x113: {  	s30 =	simm.s32 $0x380;
	[sflag:s24] =	ssyncadd.s32 $0xFFFFD800  }
0x114: {  	[spmem:s3] =	stream.indirect.scatter.add.f32 [tilespmem:s2], [sflag:$0x8], $0x80, s30, s9, $0xb8;
	[tilespmem:$0x1C180] =	vst v63  }
0x115: {  	s16 =	simm.s32 $0xA  }
0x116: {  	[spmem:s4] =	stream.indirect.scatter.add.f32 [tilespmem:s17], [sflag:$0xB], $0x1, s30, s9, $0xb8;
	[tilespmem:$0x1C180] =	vst v63  }
0x117: {  	_ =	swait.ge [sflag:s16], $0x2800  }
0x118: {  	[sflag:s16] =	ssyncset.done $0x0  }
0x119: {  	s18 =	simm.s32 $0xD;
	[sflag:s16] =	ssyncadd.s32 $0xFFFFD800  }
0x11a: {  	_ =	swait.ge [sflag:s18], $0x50  }
0x11b: {  	[sflag:s18] =	ssyncset.done $0x0  }
0x11c: {  	s31 =	simm.s32 $0x2;
	[sflag:s18] =	ssyncadd.s32 $0xFFFFFFB0  }
0x11d: {  	_ =	swait.ge [sflag:s31], $0x2800  }
0x11e: {  	[sflag:s31] =	ssyncset.done $0x0  }
0x11f: {  	s14 =	simm.s32 $0x200;
	[sflag:s31] =	ssyncadd.s32 $0xFFFFD800  }
0x120: {  	[spmem:s3] =	stream.indirect.scatter.add.f32 [tilespmem:s23], [sflag:$0x9], $0x80, s14, s9, $0xb8;
	[tilespmem:$0x1C180] =	vst v63  }
0x121: {  	s19 =	simm.s32 $0x8  }
0x122: {  	[spmem:s4] =	stream.indirect.scatter.add.f32 [tilespmem:s17], [sflag:$0xC], $0x1, s14, s9, $0xb8;
	[tilespmem:$0x1C180] =	vst v63  }
0x123: {  	_ =	swait.ge [sflag:s19], $0x2800  }
0x124: {  	[sflag:s19] =	ssyncset.done $0x0  }
0x125: {  	s20 =	simm.s32 $0xB;
	[sflag:s19] =	ssyncadd.s32 $0xFFFFD800  }
0x126: {  	_ =	swait.ge [sflag:s20], $0x50  }
0x127: {  	[sflag:s20] =	ssyncset.done $0x0  }
0x128: {  	[sflag:s20] =	ssyncadd.s32 $0xFFFFFFB0  }
0x129: {  	_ =	swait.ge [sflag:s25], $0x2800  }
0x12a: {  	[sflag:s25] =	ssyncset.done $0x0  }
0x12b: {  	[sflag:s25] =	ssyncadd.s32 $0xFFFFD800  }
0x12c: {  	_ =	swait.ge [sflag:s26], $0x50  }
0x12d: {  	[sflag:s26] =	ssyncset.done $0x0  }
0x12e: {  	[sflag:s26] =	ssyncadd.s32 $0xFFFFFFB0  }
0x12f: {  	[bflag:$0x0] =	sbarrier.arrive $0xFFFF  }
0x130: {  	s18 =	rddreg [dreg:$0x9]  }
0x131: {  	[tilespmem:s2], [sflag:$0xE] =	stream.linear.gather [spmem:s18], $0x4000, $0x38;
	[tilespmem:$0x1C180] =	vst v63  }
0x132: {  	_ =	swait.ge [sflag:s7], $0x4000  }
0x133: {  	[sflag:s7] =	ssyncset.done $0x0  }
0x134: {  	s21 =	rddreg [dreg:$0xd];
	[sflag:s7] =	ssyncadd.s32 $0xFFFFC000  }
0x135: {  	[hbm4b:s21+s5] =	stream.linear.scatter [tilespmem:s2], [sflag:$0xE], $0x4000, $0x38;
	[tilespmem:$0x1C180] =	vst v63  }
0x136: {  	_ =	swait.ge [sflag:s7], $0x4000  }
0x137: {  	[sflag:s7] =	ssyncset.done $0x0  }
0x138: {  	s19 =	rddreg [dreg:$0xa];
	[sflag:s7] =	ssyncadd.s32 $0xFFFFC000  }
0x139: {  	[tilespmem:s2], [sflag:$0xE] =	stream.linear.gather [spmem:s19], $0x4000, $0x38;
	[tilespmem:$0x1C180] =	vst v63  }
0x13a: {  	_ =	swait.ge [sflag:s7], $0x4000  }
0x13b: {  	[sflag:s7] =	ssyncset.done $0x0  }
0x13c: {  	s22 =	rddreg [dreg:$0xe];
	[sflag:s7] =	ssyncadd.s32 $0xFFFFC000  }
0x13d: {  	[hbm4b:s22+s5] =	stream.linear.scatter [tilespmem:s2], [sflag:$0xE], $0x4000, $0x38;
	[tilespmem:$0x1C180] =	vst v63  }
0x13e: {  	_ =	swait.ge [sflag:s7], $0x4000  }
0x13f: {  	[sflag:s7] =	ssyncset.done $0x0  }
0x140: {  	s20 =	rddreg [dreg:$0xb];
	[sflag:s7] =	ssyncadd.s32 $0xFFFFC000  }
0x141: {  	[tilespmem:s2], [sflag:$0xE] =	stream.linear.gather [spmem:s20], $0x4000, $0x38;
	[tilespmem:$0x1C180] =	vst v63  }
0x142: {  	_ =	swait.ge [sflag:s7], $0x4000  }
0x143: {  	[sflag:s7] =	ssyncset.done $0x0  }
0x144: {  	s29 =	rddreg [dreg:$0xf];
	[sflag:s7] =	ssyncadd.s32 $0xFFFFC000  }
0x145: {  	[hbm4b:s29+s5] =	stream.linear.scatter [tilespmem:s2], [sflag:$0xE], $0x4000, $0x38;
	[tilespmem:$0x1C180] =	vst v63  }
0x146: {  	_ =	swait.ge [sflag:s7], $0x4000  }
0x147: {  	[sflag:s7] =	ssyncset.done $0x0  }
0x148: {  	s21 =	rddreg [dreg:$0xc];
	[sflag:s7] =	ssyncadd.s32 $0xFFFFC000  }
0x149: {  	[tilespmem:s2], [sflag:$0xE] =	stream.linear.gather [spmem:s21], $0x4000, $0x38;
	[tilespmem:$0x1C180] =	vst v63  }
0x14a: {  	_ =	swait.ge [sflag:s7], $0x4000  }
0x14b: {  	[sflag:s7] =	ssyncset.done $0x0  }
0x14c: {  	s6 =	rddreg [dreg:$0x10];
	[sflag:s7] =	ssyncadd.s32 $0xFFFFC000  }
0x14d: {  	[hbm4b:s6+s5] =	stream.linear.scatter [tilespmem:s2], [sflag:$0xE], $0x4000, $0x38;
	[tilespmem:$0x1C180] =	vst v63  }
0x14e: {  	_ =	swait.ge [sflag:s7], $0x4000  }
0x14f: {  	[sflag:s7] =	ssyncset.done $0x0  }
0x150: {  	s12 =	rddreg [dreg:$0x12];
	[sflag:s7] =	ssyncadd.s32 $0xFFFFC000  }
0x151: {  	[tilespmem:s2], [sflag:$0xE] =	stream.linear.gather [spmem:s12], $0x4000, $0x38;
	[tilespmem:$0x1C180] =	vst v63  }
0x152: {  	_ =	swait.ge [sflag:s7], $0x4000  }
0x153: {  	[sflag:s7] =	ssyncset.done $0x0  }
0x154: {  	s10 =	rddreg [dreg:$0x11];
	[sflag:s7] =	ssyncadd.s32 $0xFFFFC000  }
0x155: {  	[hbm4b:s10+s5] =	stream.linear.scatter [tilespmem:s2], [sflag:$0xE], $0x4000, $0x38;
	[tilespmem:$0x1C180] =	vst v63  }
0x156: {  	_ =	swait.ge [sflag:s7], $0x4000  }
0x157: {  	[sflag:s7] =	ssyncset.done $0x0  }
0x158: {  	s22 =	simm.s32 $0x7C00;
	s13 =	rddreg [dreg:$0x13];
	[sflag:s7] =	ssyncadd.s32 $0xFFFFC000  }
0x159: {  	[tilespmem:s22], [sflag:$0xE] =	stream.linear.gather [spmem:s13], $0x280, $0x38;
	[tilespmem:$0x1C180] =	vst v63  }
0x15a: {  	_ =	swait.ge [sflag:s7], $0x280  }
0x15b: {  	s15 =	simm.s32 $0x80;
	[sflag:s7] =	ssyncset.done $0x0  }
0x15c: {  	s16 =	simm.s32 $0x100;
	s11 =	rddreg [dreg:$0x17];
	[sflag:s7] =	ssyncadd.s32 $0xFFFFFD80  }
0x15d: {  	[hbm4b:s11+s15] =	stream.strided.scatter [tilespmem:s22], [sflag:$0xE], $0x280, s16, s15, $0x38;
	[tilespmem:$0x1C180] =	vst v63  }
0x15e: {  	_ =	swait.ge [sflag:s7], $0x280  }
0x15f: {  	s8 =	sadd.s32 $0x1, s8;
	s29 =	rddreg [dreg:$0x18]  }
0x160: {  	p0 =	sne.s32 s8, s29  }
.Ltmp2:
0x161: {  	_ = 	snop;
	(pc) =	sbr.rel @p0 .LBB2_1-.Ltmp2, $3  }
0x162: {  	_ =	sdelay $0x1  }
0x163: {  	[sflag:s7] =	ssyncset.done $0x0  }
0x164: {  	s16 =	simm.s32 $0x280;
	[sflag:s7] =	ssyncadd.s32 $0xFFFFFD80  }
0x165: {  	_ =	sfence.sel $0x180000  }
0x166: {  	[bflag:$0x0] =	sbarrier.arrive $0xFFFF  }
0x167: {  	_ =	strace $0x9000004A  }
0x168: {  	s0 =	stileid.u32;
	[bflag:$0x2] =	sbarrier.arrive $0xFFFF  }
0x169: {  	p0 =	sne.s32 s0, $0x0;
	s0 =	rddreg [dreg:$0x4]  }
0x16a: {  	s0 =	sadd.s32 @!p0 $0x100000, s0  }
0x16b: {  	[sflag:s0] =	ssyncadd.tile.s32 @!p0 $0x1;
	_ =	shalt  }
.Lfunc_end2:
_tile_overlayer_lowered:
.L_overlay_start_2:
0x16c: {  	(tag) =	ssettag $0x2  }
0x16d: {  	s0 =	rddreg [dreg:$0x0];
	s2 =	stileid.u32  }
0x16e: {  	s1 =	rddreg [dreg:$0x1];
	p0 =	sne.s32 s2, $0x0  }
0x16f: {  	s3 =	rddreg [dreg:$0x2];
	[bflag:$0x3] =	sbarrier.arrive $0xFFFF;
	s2 =	simm.s32 @!p0 $0x1C0E  }
0x170: {  	[timem:s3], [sflag:s2] =	dma.local @!p0 [hbm:s0], s1  }
0x171: {  	s0 =	simm.s32 @!p0 $0xE  }
0x172: {  	_ =	swait.ge @!p0 [sflag:s0], s1  }
0x173: {  	s1 =	ssub.s32 @!p0 $0x0, s1;
	[sflag:s0] =	ssyncset.done @!p0 $0x0  }
0x174: {  	[sflag:s0] =	ssyncadd.s32 @!p0 s1  }
0x175: {  	[bflag:$0x3] =	sbarrier.arrive $0xFFFF  }
0x176: {  	_ =	shalt  }

// kernel: kernel.7.cloned.1.call-start
scs
__scs_entry_jumppad:
0x0: {  	(pc) =	sbr.rel $0x88, $3  }
0x1: {  	(tag) =	ssettag $0x0;
	lr =	simm.s32 $0x1  }
0x2: {  	[smem:$0x3F95] =	sst lr;
	_ =	strace $0xD0000000  }
0x3: {  	_ = 	snop  }
0x4: {  	_ = 	snop  }
0x5: {  	_ = 	snop  }
0x6: {  	_ = 	snop  }
0x7: {  	_ = 	snop  }
__scs_overlays_trampoline_lowered:
0x8: {  	[smem:$0x3FA4] =	sst s0  }
0x9: {  	[smem:$0x3FA5] =	sst s1  }
0xa: {  	[smem:$0x3FA6] =	sst s2  }
0xb: {  	[smem:$0x3FA7] =	sst s3  }
0xc: {  	[smem:$0x3FA8] =	sst s4  }
0xd: {  	[smem:$0x3FA9] =	sst s5  }
0xe: {  	[smem:$0x3FAA] =	sst s6  }
0xf: {  	[smem:$0x3FAB] =	sst s7  }
0x10: {  	[smem:$0x3FAC] =	sst s8  }
0x11: {  	[smem:$0x3FAD] =	sst s9;
	s0 =	simm.s32 @!p0 $0x0  }
0x12: {  	s1 =	sld [smem:$0x3F93];
	s0 =	simm.s32 @p0 $0x1  }
0x13: {  	[smem:$0x3FAE] =	sst s0;
	s0 =	simm.s32 @!p1 $0x0  }
0x14: {  	s2 =	sld [smem:$0x3F92];
	s0 =	simm.s32 @p1 $0x1  }
0x15: {  	[smem:$0x3FAF] =	sst s0;
	s0 =	simm.s32 @!p2 $0x0  }
0x16: {  	s3 =	sld [smem:$0x3FDB];
	s0 =	simm.s32 @p2 $0x1  }
0x17: {  	s4 =	simm.s32 $0x1BF5;
	[smem:$0x3FB1] =	sst s0  }
0x18: {  	s0 =	sld [smem:$0x3F94];
	_ =	swait.ge [sflag:s4], $0x0  }
0x19: {  	s7 =	sld [smem:$0x3F95]  }
0x1a: {  	s8 =	sadd.s32 $0xFFFFE003, lr  }
0x1b: {  	s9 =	sadd.s32 $0xFFFFFEF7, lr;
	s5 =	simm.s32 $0xFFFFFFFF;
	p2 =	slt.u32 s8, $0xFFFFF086  }
0x1c: {  	p1 =	slt.u32 s9, $0xF7A;
	s5 =	simm.s32 @!p2 $0x0  }
0x1d: {  	s5 =	simm.s32 @p1 $0x1;
	p0 =	seq.s32 s7, s2  }
0x1e: {  	s7 =	smul.u32 @!p0 $0xF7A, s2;
	p2 =	seq.s32 @!p0 s5, $0x0  }
0x1f: {  	s9 =	smul.u32 $0xF7A, s1;
	s8 =	simm.s32 @!p0 $0x1BF5;
	p2 =	por !p2, p0  }
0x20: {  	[sflag:s8] =	ssyncset.s32 @!p0 $0xFFFFF086;
	s6 =	sadd.s32 @!p0 s3, s7;
	s7 =	simm.s32 @!p0 $0x108  }
0x21: {  	s3 =	sadd.s32 s3, s9;
	s6 =	sadd.s32 @!p0 $0x88, s6;
	s7 =	simm.s32 @p2 $0x1082  }
0x22: {  	[simem:s7], [sflag:s8] =	dma.local @!p0 [hbm:s6], $0xF7A  }
0x23: {  	s9 =	sor.u32 $0xD0000000, s2;
	s6 =	simm.s32 $0x108;
	_ =	swait.ge @!p0 [sflag:s8], $0x0  }
0x24: {  	s3 =	sadd.s32 $0x88, s3;
	s6 =	simm.s32 @!p1 $0x1082;
	[sflag:s4] =	ssyncset.s32 $0xFFFFF086  }
0x25: {  	[simem:s6], [sflag:s4] =	dma.local [hbm:s3], $0xF7A  }
0x26: {  	[smem:$0x3F95] =	sst s1;
	(tag) =	ssettag s2;
	_ =	strace s9  }
0x27: {  	s1 =	sld [smem:$0x3FA5]  }
0x28: {  	s2 =	sld [smem:$0x3FA6]  }
0x29: {  	s4 =	sld [smem:$0x3FA8]  }
0x2a: {  	p0 =	seq.s32 s5, $0x0;
	s5 =	sld [smem:$0x3FA9]  }
0x2b: {  	s6 =	sld [smem:$0x3FAA]  }
0x2c: {  	s7 =	sld [smem:$0x3FAB]  }
0x2d: {  	s3 =	simm.s32 $0x108;
	s8 =	sld [smem:$0x3FAC]  }
0x2e: {  	s3 =	simm.s32 @!p0 $0x1082;
	s9 =	sld [smem:$0x3FAD]  }
0x2f: {  	lr =	sadd.s32 s0, s3;
	s0 =	sld [smem:$0x3FA4]  }
0x30: {  	s3 =	sld [smem:$0x3FA7]  }
0x31: {  	[smem:$0x3FB0] =	sst s10  }
0x32: {  	s10 =	sld [smem:$0x3FAE];
	_ =	sdelay $0x3  }
0x33: {  	p0 =	seq.s32 s10, $0x1;
	s10 =	sld [smem:$0x3FB0];
	_ =	sdelay $0x3  }
0x34: {  	[smem:$0x3FB0] =	sst s10  }
0x35: {  	s10 =	sld [smem:$0x3FAF];
	_ =	sdelay $0x3  }
0x36: {  	p1 =	seq.s32 s10, $0x1;
	s10 =	sld [smem:$0x3FB0];
	_ =	sdelay $0x3  }
0x37: {  	[smem:$0x3FB0] =	sst s10  }
0x38: {  	s10 =	sld [smem:$0x3FB1]  }
0x39: {  	_ = 	snop;
	(pc) =	sbr.ind lr, $3  }
0x3a: {  	_ = 	snop  }
0x3b: {  	_ = 	snop  }
0x3c: {  	p2 =	seq.s32 s10, $0x1;
	s10 =	sld [smem:$0x3FB0]  }
0x3d: {  	_ =	shalt  }
0x3e: {  	_ =	shalt  }
0x3f: {  	_ =	shalt  }
0x40: {  	_ =	shalt  }
0x41: {  	_ =	shalt  }
0x42: {  	_ =	shalt  }
0x43: {  	_ =	shalt  }
0x44: {  	_ =	shalt  }
0x45: {  	_ =	shalt  }
0x46: {  	_ =	shalt  }
0x47: {  	_ =	shalt  }
0x48: {  	_ =	shalt  }
0x49: {  	_ =	shalt  }
0x4a: {  	_ =	shalt  }
0x4b: {  	_ =	shalt  }
0x4c: {  	_ =	shalt  }
0x4d: {  	_ =	shalt  }
0x4e: {  	_ =	shalt  }
0x4f: {  	_ =	shalt  }
0x50: {  	_ =	shalt  }
0x51: {  	_ =	shalt  }
0x52: {  	_ =	shalt  }
0x53: {  	_ =	shalt  }
0x54: {  	_ =	shalt  }
0x55: {  	_ =	shalt  }
0x56: {  	_ =	shalt  }
0x57: {  	_ =	shalt  }
0x58: {  	_ =	shalt  }
0x59: {  	_ =	shalt  }
0x5a: {  	_ =	shalt  }
0x5b: {  	_ =	shalt  }
0x5c: {  	_ =	shalt  }
0x5d: {  	_ =	shalt  }
0x5e: {  	_ =	shalt  }
0x5f: {  	_ =	shalt  }
0x60: {  	_ =	shalt  }
0x61: {  	_ =	shalt  }
0x62: {  	_ =	shalt  }
0x63: {  	_ =	shalt  }
0x64: {  	_ =	shalt  }
0x65: {  	_ =	shalt  }
0x66: {  	_ =	shalt  }
0x67: {  	_ =	shalt  }
0x68: {  	_ =	shalt  }
0x69: {  	_ =	shalt  }
0x6a: {  	_ =	shalt  }
0x6b: {  	_ =	shalt  }
0x6c: {  	_ =	shalt  }
0x6d: {  	_ =	shalt  }
0x6e: {  	_ =	shalt  }
0x6f: {  	_ =	shalt  }
0x70: {  	_ =	shalt  }
0x71: {  	_ =	shalt  }
0x72: {  	_ =	shalt  }
0x73: {  	_ =	shalt  }
0x74: {  	_ =	shalt  }
0x75: {  	_ =	shalt  }
0x76: {  	_ =	shalt  }
0x77: {  	_ =	shalt  }
0x78: {  	_ =	shalt  }
0x79: {  	_ =	shalt  }
0x7a: {  	_ =	shalt  }
0x7b: {  	_ =	shalt  }
0x7c: {  	_ =	shalt  }
0x7d: {  	_ =	shalt  }
0x7e: {  	_ =	shalt  }
0x7f: {  	_ =	shalt  }
0x80: {  	_ =	shalt  }
0x81: {  	_ =	shalt  }
0x82: {  	_ =	shalt  }
0x83: {  	_ =	shalt  }
0x84: {  	_ =	shalt  }
0x85: {  	_ =	shalt  }
0x86: {  	_ =	shalt  }
0x87: {  	_ =	shalt  }
.Lfunc_end0:
.L_simem_size_0:
called_computation_lowered:
.L_overlay_start_0:
0x88: {  	s2 =	sld [smem:$0x3FD9]  }
0x89: {  	s3 =	sld [smem:$0x3FFE];
	_ =	sdelay $0x1  }
0x8a: {  	s1 =	srdreg.scid  }
0x8b: {  	s0 =	sand.u32 $0x1, s1  }
0x8c: {  	s17 =	sshll.u32 s0, $0xA;
	s2 =	sadd.s32 s3, s2  }
0x8d: {  	s2 =	sadd.s32 s2, s17  }
0x8e: {  	[smem:$0x3FBC] =	sst s2  }
0x8f: {  	_ = 	snop  }
0x90: {  	s2 =	sld [smem:$0x3FD0];
	(tm) =	ssettm $0x1  }
0x91: {  	s18 =	sld [smem:$0x3FFB];
	_ =	sdelay $0x3  }
0x92: {  	_ =	strace s18  }
0x93: {  	s3 =	sld [smem:$0x3FFC];
	_ =	sdelay $0x3  }
0x94: {  	_ =	strace s3  }
0x95: {  	s3 =	sld [smem:$0x3FFD];
	_ =	sdelay $0x3  }
0x96: {  	_ =	strace s3  }
0x97: {  	_ =	strace $0x8FFFFFFF  }
0x98: {  	s19 =	sld [smem:$0x3FDB];
	_ =	sdelay $0x1  }
0x99: {  	s4 =	simm.s32 $_scs_section_size  }
0x9a: {  	s5 =	simm.s32 $_size__tile_overlayer_lowered;
	s6 =	simm.s32 $_tile_overlayer_lowered  }
0x9b: {  	s22 =	simm.s32 $0x1BFF;
	s21 =	sshll.u32 s6, $0x1;
	s3 =	sadd.s32 s4, s19  }
0x9c: {  	s7 =	simm.s32 $0x0;
	s20 =	sshll.u32 s5, $0x1;
	s5 =	sadd.s32 s21, s3  }
0x9d: {  	[timem:s7], [sflag:s22] =	dma.local [hbm:s5], s20  }
0x9e: {  	_ =	swait.ge [sflag:s22], s20  }
0x9f: {  	s4 =	ssub.s32 $0x0, s20;
	[sflag:s22] =	ssyncset.done $0x0  }
0xa0: {  	[sflag:s22] =	ssyncadd.s32 s4;
	_ =	sdelay $0x1  }
0xa1: {  	s23 =	simm.s32 $0x1B8B  }
0xa2: {  	_ =	swait.ge [sflag:s23], $0x1  }
0xa3: {  	[sflag:s23] =	ssyncset.done $0x0  }
0xa4: {  	s25 =	simm.s32 $0x1B8E;
	s24 =	sld [smem:$0x3FFE];
	[sflag:s23] =	ssyncadd.s32 $0xFFFFFFFF  }
0xa5: {  	s26 =	simm.s32 $execute0_lowered;
	[smem:$0x3FD2] =	sst s25  }
0xa6: {  	s5 =	sshll.u32 s26, $0x1;
	_ =	strace $0x80000046;
	[dreg:$0x1] =	wrdreg $0xFFFFFFFF  }
0xa7: {  	s28 =	simm.s32 $_size_execute0_lowered;
	s3 =	sadd.s32 s3, s5;
	[dreg:$0x0] =	wrdreg $0x0  }
0xa8: {  	s5 =	sshll.u32 s28, $0x1;
	[dreg:$0x2] =	wrdreg s3  }
0xa9: {  	[dreg:$0x3] =	wrdreg s5  }
0xaa: {  	[dreg:$0x4] =	wrdreg $0xC0  }
0xab: {  	_ =	task [dreg:s7], $0x5FFFF  }
0xac: {  	[dreg:$0x1] =	wrdreg $0xFFFFFFFF  }
0xad: {  	[dreg:$0x0] =	wrdreg $0x60  }
0xae: {  	[dreg:$0x2] =	wrdreg s2  }
0xaf: {  	[dreg:$0x3] =	wrdreg s24  }
0xb0: {  	[dreg:$0x4] =	wrdreg $0x7F000  }
0xb1: {  	[dreg:$0x5] =	wrdreg $0x1BF000  }
0xb2: {  	[dreg:$0x6] =	wrdreg $0x9  }
0xb3: {  	_ =	task.clear_ibuf [dreg:s7], $0x7FFFF;
	_ =	strace $0x90000046  }
0xb4: {  	s29 =	simm.s32 $0x9;
	_ =	strace $0x80000048  }
0xb5: {  	_ =	swait.ge [sflag:s29], $0x1  }
0xb6: {  	[sflag:s29] =	ssyncadd.s32 $0xFFFFFFFF  }
0xb7: {  	_ =	strace $0x90000048  }
0xb8: {  	_ =	sfence  }
0xb9: {  	s30 =	sld [smem:$0x0];
	_ =	sdelay $0x2  }
0xba: {  	s31 =	sshll.u32 s1, $0xD;
	s1 =	sshrl.u32 s1, $0x2  }
0xbb: {  	s3 =	sand.u32 $0x4000, s31;
	s1 =	sadd.s32 s1, s30  }
0xbc: {  	s0 =	sor.u32 s3, s0;
	s1 =	sshll.u32 s1, $0x11  }
0xbd: {  	s0 =	sor.u32 s1, s0  }
0xbe: {  	s0 =	sadd.s32 $0x8F2B, s0  }
0xbf: {  	[sflag:s0] =	ssyncadd.remote.s32 $0x1  }
0xc0: {  	_ =	sfence.sel $0xFFFF  }
0xc1: {  	[dreg:$0x0] =	wrdreg $0xFFFFFFFF;
	(pc) =	sbr.abs _section_cstart, $3  }
0xc2: {  	[dreg:$0x1] =	wrdreg $0xFFFFFFFF  }
0xc3: {  	_ =	task.clear_ibuf [dreg:s7], $0x2FFFF;
	_ =	strace $0x9FFFFFFF  }
0xc4: {  	(tm) =	ssettm $0x7FFFFFFF  }
0xc5: {  	_ =	shalt  }
tec
execute0_lowered:
.L_overlay_start_1:
0x0: {  	(tag) =	ssettag $0x1  }
0x1: {  	s1 =	rddreg [dreg:$0x0]  }
0x2: {  	s0 =	rddreg [dreg:$0x1]  }
0x3: {  	s3 =	rddreg [dreg:$0x2]  }
0x4: {  	s4 =	rddreg [dreg:$0x3];
	s2 =	srdreg.scid  }
0x5: {  	s15 =	stileid.u32;
	s5 =	simm.s32 $0x0;
	s30 =	simm.s32 $0x380  }
0x6: {  	s31 =	simm.s32 $0x2;
	s28 =	simm.s32 $0x4;
	s6 =	smul.u32 $0x500, s15  }
0x7: {  	s2 =	sand.u32 $0x1, s2;
	[smem:$0x7FF] =	sst s5;
	s23 =	smul.u32 $0x50000, s15  }
0x8: {  	s9 =	sadd.s32 $0x17200, s0;
	s13 =	smul.u32 $0x2710, s15;
	s7 =	sshll.u32 s2, $0x4  }
0x9: {  	s8 =	sshll.u32 s2, $0x7;
	_ =	strace $0x80000047;
	s25 =	smul.u32 $0x140000, s2  }
0xa: {  	s21 =	ssub.s32 $0x2, s2;
	s2 =	smul.u32 $0x27100, s2;
	s6 =	sor.u32 s8, s6  }
0xb: {  	s7 =	sor.u32 s15, s7;
	s8 =	sadd.s32 $0x2E00, s0;
	s6 =	sshrl.u32 s6, $0x3  }
0xc: {  	s10 =	sshrl.u32 s21, $0x1;
	s7 =	smul.u32 $0x2710, s7;
	s0 =	sadd.s32 s6, s0  }
0xd: {  	s6 =	ssub.s32 s21, s10;
	s10 =	sshrl.u32 s23, $0x2;
	s0 =	sadd.s32 $0x16800, s0  }
0xe: {  	s7 =	sshrl.u32 s7, $0x3;
	s18 =	sadd.s32 s10, s3;
	[dreg:$0x17] =	wrdreg s0  }
0xf: {  	s2 =	sadd.s32 s13, s2;
	s17 =	sadd.s32 s8, s7;
	[dreg:$0x9] =	wrdreg s18  }
0x10: {  	s7 =	smul.u32 $0x280, s15;
	s22 =	sadd.s32 $0x9C40, s17;
	[dreg:$0x5] =	wrdreg s17  }
0x11: {  	s15 =	smul.u32 $0x14000, s15;
	s11 =	sadd.s32 $0xA, s17;
	[dreg:$0x6] =	wrdreg s22  }
0x12: {  	s24 =	sadd.s32 $0x9C4A, s17;
	s23 =	sadd.s32 $0x14, s17;
	[dreg:$0x7] =	wrdreg s11  }
0x13: {  	[dreg:$0x8] =	wrdreg s24;
	s12 =	sshll.u32 s7, $0x7;
	s29 =	sadd.s32 s15, s25  }
0x14: {  	[dreg:$0x16] =	wrdreg s23;
	s24 =	smax.u32 s6, $0x1;
	s23 =	simm.s32 $0x2C00  }
0x15: {  	s26 =	sadd.s32 $0x4000, s12;
	s14 =	sadd.s32 $0x8000, s12;
	s16 =	sadd.s32 $0xC000, s12  }
0x16: {  	s12 =	sadd.s32 $0x10000, s12;
	s13 =	sshrl.u32 s29, $0x3;
	[dreg:$0x18] =	wrdreg s24  }
0x17: {  	s29 =	sadd.s32 $0x9C5E, s17;
	s24 =	simm.s32 $0x1;
	s19 =	sadd.s32 s26, s3  }
0x18: {  	s20 =	sadd.s32 s14, s3;
	s21 =	sadd.s32 s16, s3;
	s10 =	sadd.s32 s25, s26  }
0x19: {  	s13 =	sadd.s32 s9, s13;
	s11 =	sadd.s32 s25, s12;
	[dreg:$0x1b] =	wrdreg s29  }
0x1a: {  	s12 =	sadd.s32 s12, s3;
	s26 =	sadd.s32 $0x1E, s17;
	[dreg:$0xd] =	wrdreg s13  }
0x1b: {  	s10 =	sshrl.u32 s10, $0x3;
	s13 =	sadd.s32 s25, s14;
	[dreg:$0x1a] =	wrdreg s26  }
0x1c: {  	s14 =	sadd.s32 s25, s16;
	s11 =	sshrl.u32 s11, $0x3;
	[dreg:$0xa] =	wrdreg s19  }
0x1d: {  	s16 =	sadd.s32 $0x4E340, s2;
	s2 =	sadd.s32 $0x140, s2;
	[dreg:$0xb] =	wrdreg s20  }
0x1e: {  	s25 =	sadd.s32 $0x9C54, s17;
	s17 =	simm.s32 $0x7E80;
	[dreg:$0xc] =	wrdreg s21  }
0x1f: {  	s26 =	simm.s32 $0xC;
	[dreg:$0x12] =	wrdreg s12;
	s10 =	sadd.s32 s9, s10  }
0x20: {  	s15 =	sshrl.u32 s14, $0x3;
	s2 =	sshrl.u32 s2, $0x3;
	[dreg:$0x19] =	wrdreg s25  }
0x21: {  	s14 =	simm.s32 $0x200;
	[dreg:$0xe] =	wrdreg s10;
	s2 =	sadd.s32 s2, s8  }
0x22: {  	s10 =	sshrl.u32 s13, $0x3;
	s13 =	sadd.s32 s7, s4;
	[dreg:$0x15] =	wrdreg s2  }
0x23: {  	s25 =	simm.s32 $0x9;
	s10 =	sadd.s32 s9, s10;
	[dreg:$0x13] =	wrdreg s13  }
0x24: {  	s7 =	simm.s32 $0xE;
	[dreg:$0xf] =	wrdreg s10;
	s10 =	sadd.s32 s9, s15  }
0x25: {  	s2 =	simm.s32 $0x400;
	s9 =	sadd.s32 s9, s11;
	[dreg:$0x10] =	wrdreg s10  }
0x26: {  	s15 =	simm.s32 $0x80;
	[dreg:$0x11] =	wrdreg s9;
	s9 =	sshrl.u32 s16, $0x3  }
0x27: {  	s16 =	simm.s32 $0x280;
	s22 =	sadd.s32 s9, s8;
	s9 =	simm.s32 $0x50  }
0x28: {  	v0 =	vimm.f32 $0.0e+00;
	v1 =	vimm.f32 $1.000000000e+00;
	s8 =	simm.s32 $0x0;
	[dreg:$0x14] =	wrdreg s22;
	s22 =	simm.s32 $0x7C00  }
.LBB2_1:
0x29: {  	s0 =	rddreg [dreg:$0x5]  }
0x2a: {  	[tilespmem:s5], [sflag:$0x4] =	stream.linear.gather [hbm4b:s0+s5], $0x50, $0x38;
	[tilespmem:$0x1C180] =	vst v63  }
0x2b: {  	s6 =	rddreg [dreg:$0x6]  }
0x2c: {  	[tilespmem:s14], [sflag:$0x4] =	stream.linear.gather [hbm4b:s6+s5], $0x50, $0x38;
	[tilespmem:$0x1C180] =	vst v63  }
0x2d: {  	s10 =	rddreg [dreg:$0x7];
	s29 =	sand.u32 $0xFE00, s5  }
0x2e: {  	[tilespmem:s15], [sflag:$0x5] =	stream.linear.gather [hbm4b:s10+s5], $0x50, $0x38;
	[tilespmem:$0x1C180] =	vst v63  }
0x2f: {  	s11 =	rddreg [dreg:$0x8];
	s6 =	sand.u32 $0x70, s5;
	s10 =	sshrl.u32 s29, $0x2  }
0x30: {  	s0 =	simm.s32 $0x40;
	s10 =	sor.u32 s6, s10;
	s6 =	simm.s32 $0x0  }
0x31: {  	[tilespmem:s16], [sflag:$0x5] =	stream.linear.gather [hbm4b:s11+s5], $0x50, $0x38;
	[tilespmem:$0x1C180] =	vst v63  }
.LBB2_2:
0x32: {  	p0 =	sne.s32 s0, $0xFFC0  }
0x33: {  	[tilespmem:s10+$0x400] =	vst v0;
	s6 =	sadd.s32 $0x10, s6;
	s10 =	smov.u32 s0;
	s0 =	sadd.s32 $0x40, s0  }
.Ltmp0:
0x34: {  	(pc) =	sbr.rel @p0 .LBB2_2-.Ltmp0, $4  }
0x35: {  	_ = 	snop  }
0x36: {  	s10 =	sand.u32 $0xFE00, s10  }
0x37: {  	s11 =	sand.u32 $0x70, s6;
	s10 =	sshrl.u32 s10, $0x2  }
0x38: {  	s10 =	sor.u32 s11, s10  }
0x39: {  	[tilespmem:s10+$0x400] =	vst v0  }
0x3a: {  	[tilespmem:$0x7C00] =	vst v0  }
0x3b: {  	[tilespmem:$0x7C10] =	vst v0  }
0x3c: {  	[tilespmem:$0x7C20] =	vst v0  }
0x3d: {  	[tilespmem:$0x7C30] =	vst v0  }
0x3e: {  	[tilespmem:$0x7C40] =	vst v0  }
0x3f: {  	[tilespmem:$0x7C50] =	vst v0  }
0x40: {  	[tilespmem:$0x7C60] =	vst v0  }
0x41: {  	[tilespmem:$0x7C70] =	vst v0  }
0x42: {  	[tilespmem:$0x7C80] =	vst v0  }
0x43: {  	[tilespmem:$0x7C90] =	vst v0  }
0x44: {  	[tilespmem:$0x7CA0] =	vst v0  }
0x45: {  	[tilespmem:$0x7CB0] =	vst v0  }
0x46: {  	[tilespmem:$0x7CC0] =	vst v0  }
0x47: {  	[tilespmem:$0x7CD0] =	vst v0  }
0x48: {  	[tilespmem:$0x7CE0] =	vst v0  }
0x49: {  	[tilespmem:$0x7CF0] =	vst v0  }
0x4a: {  	[tilespmem:$0x7D00] =	vst v0  }
0x4b: {  	[tilespmem:$0x7D10] =	vst v0  }
0x4c: {  	[tilespmem:$0x7D20] =	vst v0  }
0x4d: {  	[tilespmem:$0x7D30] =	vst v0  }
0x4e: {  	[tilespmem:$0x7D40] =	vst v0  }
0x4f: {  	[tilespmem:$0x7D50] =	vst v0  }
0x50: {  	[tilespmem:$0x7D60] =	vst v0  }
0x51: {  	[tilespmem:$0x7D70] =	vst v0  }
0x52: {  	[tilespmem:$0x7D80] =	vst v0  }
0x53: {  	[tilespmem:$0x7D90] =	vst v0  }
0x54: {  	[tilespmem:$0x7DA0] =	vst v0  }
0x55: {  	[tilespmem:$0x7DB0] =	vst v0  }
0x56: {  	[tilespmem:$0x7DC0] =	vst v0  }
0x57: {  	[tilespmem:$0x7DD0] =	vst v0  }
0x58: {  	[tilespmem:$0x7DE0] =	vst v0  }
0x59: {  	[tilespmem:$0x7DF0] =	vst v0  }
0x5a: {  	[tilespmem:$0x7E00] =	vst v0  }
0x5b: {  	[tilespmem:$0x7E10] =	vst v0  }
0x5c: {  	[tilespmem:$0x7E20] =	vst v0  }
0x5d: {  	[tilespmem:$0x7E30] =	vst v0  }
0x5e: {  	[tilespmem:$0x7E40] =	vst v0  }
0x5f: {  	[tilespmem:$0x7E50] =	vst v0  }
0x60: {  	[tilespmem:$0x7E60] =	vst v0  }
0x61: {  	[tilespmem:$0x7E70] =	vst v0  }
0x62: {  	[tilespmem:$0x7E80] =	vst v1  }
0x63: {  	[tilespmem:$0x7E90] =	vst v1  }
0x64: {  	[tilespmem:$0x7EA0] =	vst v1  }
0x65: {  	[tilespmem:$0x7EB0] =	vst v1  }
0x66: {  	[tilespmem:$0x7EC0] =	vst v1  }
0x67: {  	[tilespmem:$0x7ED0] =	vst v1  }
0x68: {  	[tilespmem:$0x7EE0] =	vst v1  }
0x69: {  	[tilespmem:$0x7EF0] =	vst v1  }
0x6a: {  	[spmem:s18] =	stream.linear.scatter [tilespmem:s2], [sflag:$0xE], $0x4000, $0x38;
	[tilespmem:$0x1C180] =	vst v63  }
0x6b: {  	_ =	swait.ge [sflag:s7], $0x4000  }
0x6c: {  	[sflag:s7] =	ssyncset.done $0x0  }
0x6d: {  	[sflag:s7] =	ssyncadd.s32 $0xFFFFC000  }
0x6e: {  	[spmem:s19] =	stream.linear.scatter [tilespmem:s2], [sflag:$0xE], $0x4000, $0x38;
	[tilespmem:$0x1C180] =	vst v63  }
0x6f: {  	_ =	swait.ge [sflag:s7], $0x4000  }
0x70: {  	[sflag:s7] =	ssyncset.done $0x0  }
0x71: {  	[sflag:s7] =	ssyncadd.s32 $0xFFFFC000  }
0x72: {  	[spmem:s20] =	stream.linear.scatter [tilespmem:s2], [sflag:$0xE], $0x4000, $0x38;
	[tilespmem:$0x1C180] =	vst v63  }
0x73: {  	_ =	swait.ge [sflag:s7], $0x4000  }
0x74: {  	[sflag:s7] =	ssyncset.done $0x0  }
0x75: {  	[sflag:s7] =	ssyncadd.s32 $0xFFFFC000  }
0x76: {  	[spmem:s21] =	stream.linear.scatter [tilespmem:s2], [sflag:$0xE], $0x4000, $0x38;
	[tilespmem:$0x1C180] =	vst v63  }
0x77: {  	_ =	swait.ge [sflag:s7], $0x4000  }
0x78: {  	[sflag:s7] =	ssyncset.done $0x0  }
0x79: {  	[sflag:s7] =	ssyncadd.s32 $0xFFFFC000  }
0x7a: {  	[spmem:s12] =	stream.linear.scatter [tilespmem:s2], [sflag:$0xE], $0x4000, $0x38;
	[tilespmem:$0x1C180] =	vst v63  }
0x7b: {  	_ =	swait.ge [sflag:s7], $0x4000  }
0x7c: {  	[sflag:s7] =	ssyncset.done $0x0  }
0x7d: {  	[sflag:s7] =	ssyncadd.s32 $0xFFFFC000  }
0x7e: {  	[spmem:s13] =	stream.linear.scatter [tilespmem:s22], [sflag:$0xE], $0x280, $0x38;
	[tilespmem:$0x1C180] =	vst v63  }
0x7f: {  	_ =	swait.ge [sflag:s7], $0x280  }
0x80: {  	[sflag:s7] =	ssyncset.done $0x0  }
0x81: {  	[sflag:s7] =	ssyncadd.s32 $0xFFFFFD80  }
0x82: {  	s0 =	simm.s32 $0x4;
	[bflag:$0x0] =	sbarrier.arrive $0xFFFF  }
0x83: {  	_ =	swait.ge [sflag:s0], $0x50  }
0x84: {  	[sflag:s0] =	ssyncset.done $0x0  }
0x85: {  	[sflag:s0] =	ssyncadd.s32 $0xFFFFFFB0  }
0x86: {  	_ =	swait.ge [sflag:s0], $0x50  }
0x87: {  	[sflag:s0] =	ssyncset.done $0x0  }
0x88: {  	[sflag:s0] =	ssyncadd.s32 $0xFFFFFFB0  }
0x89: {  	[tilespmem:s2], [sflag:$0x1] =	stream.indirect.gather [hbm4b:s1+s9], $0x80, s5, s9, $0xb8;
	[tilespmem:$0x1C180] =	vst v63  }
0x8a: {  	s29 =	simm.s32 $0x100;
	s6 =	rddreg [dreg:$0x16]  }
0x8b: {  	[tilespmem:s29], [sflag:$0x6] =	stream.linear.gather [hbm4b:s6+s5], $0x50, $0x38;
	[tilespmem:$0x1C180] =	vst v63  }
0x8c: {  	s21 =	simm.s32 $0x300;
	s22 =	simm.s32 $0x5;
	s20 =	rddreg [dreg:$0x19]  }
0x8d: {  	[tilespmem:s21], [sflag:$0x6] =	stream.linear.gather [hbm4b:s20+s5], $0x50, $0x38;
	[tilespmem:$0x1C180] =	vst v63  }
0x8e: {  	_ =	swait.ge [sflag:s22], $0x50  }
0x8f: {  	[sflag:s22] =	ssyncset.done $0x0  }
0x90: {  	[sflag:s22] =	ssyncadd.s32 $0xFFFFFFB0  }
0x91: {  	_ =	swait.ge [sflag:s22], $0x50  }
0x92: {  	[sflag:s22] =	ssyncset.done $0x0  }
0x93: {  	[sflag:s22] =	ssyncadd.s32 $0xFFFFFFB0  }
0x94: {  	[tilespmem:s23], [sflag:$0x2] =	stream.indirect.gather [hbm4b:s1+s9], $0x80, s15, s9, $0xb8;
	[tilespmem:$0x1C180] =	vst v63  }
0x95: {  	s19 =	smul.u32 $0xAB, s0;
	_ =	swait.ge [sflag:s24], $0x2800  }
0x96: {  	s11 =	simm.s32 $0x180;
	s13 =	simm.s32 $0x6;
	[sflag:s24] =	ssyncset.done $0x0  }
0x97: {  	s20 =	sadd.s32 $0xFFFFFF55, s19;
	s15 =	simm.s32 $0x0;
	[sflag:s24] =	ssyncadd.s32 $0xFFFFD800  }
0x98: {  	[spmem:s3] =	stream.indirect.scatter.add.f32 [tilespmem:s2], [sflag:$0x8], $0x80, s14, s9, $0xb8;
	[tilespmem:$0x1C180] =	vst v63  }
0x99: {  	s0 =	sand.u32 $0x3, s0;
	s21 =	sshrl.u32 s20, $0x9;
	s6 =	smul.u32 $0x56, s15  }
0x9a: {  	[spmem:s4] =	stream.indirect.scatter.add.f32 [tilespmem:s17], [sflag:$0xB], $0x1, s14, s9, $0xb8;
	[tilespmem:$0x1C180] =	vst v63  }
0x9b: {  	s10 =	rddreg [dreg:$0x1a];
	s18 =	sshrl.u32 s6, $0x1F;
	s6 =	sshrl.u32 s6, $0x8  }
0x9c: {  	[tilespmem:s11], [sflag:$0x7] =	stream.linear.gather [hbm4b:s10+s5], $0x50, $0x38;
	[tilespmem:$0x1C180] =	vst v63  }
0x9d: {  	s15 =	simm.s32 $0x1;
	s12 =	rddreg [dreg:$0x1b];
	s6 =	sadd.s32 s18, s6  }
0x9e: {  	[tilespmem:s30], [sflag:$0x7] =	stream.linear.gather [hbm4b:s12+s5], $0x50, $0x38;
	[tilespmem:$0x1C180] =	vst v63  }
0x9f: {  	s18 =	simm.s32 $0x180;
	s10 =	sadd.s32 $0xFFFFFEAA, s19;
	_ =	swait.ge [sflag:s13], $0x50  }
0xa0: {  	s6 =	smul.u32 $0x3, s6;
	s10 =	sshrl.u32 s10, $0x9;
	[sflag:s13] =	ssyncset.done $0x0  }
0xa1: {  	s14 =	simm.s32 $0x5400;
	s10 =	sand.u32 $0x7F, s10;
	[sflag:s13] =	ssyncadd.s32 $0xFFFFFFB0  }
0xa2: {  	s6 =	ssub.s32 $0x0, s6;
	s10 =	smul.u32 $0x3, s10;
	_ =	swait.ge [sflag:s13], $0x50  }
0xa3: {  	s11 =	simm.s32 $0x200;
	s6 =	sshll.u32 s6, $0x18;
	[sflag:s13] =	ssyncset.done $0x0  }
0xa4: {  	s10 =	ssub.s32 $0x4, s10;
	[sflag:s13] =	ssyncadd.s32 $0xFFFFFFB0;
	s13 =	sshra.s32 s6, $0x18  }
0xa5: {  	[tilespmem:s14], [sflag:$0x3] =	stream.indirect.gather [hbm4b:s1+s9], $0x80, s29, s9, $0xb8;
	[tilespmem:$0x1C180] =	vst v63  }
0xa6: {  	s10 =	sadd.s32 $0xFFFFFFFE, s10;
	s6 =	sand.u32 $0x7F, s21;
	p0 =	slt.s32 s13, $0x0  }
0xa7: {  	s12 =	sadd.s32 $0x3, s13;
	s22 =	smul.u32 $0x3, s6;
	_ =	swait.ge [sflag:s31], $0x2800  }
0xa8: {  	s6 =	simm.s32 $0x5;
	s13 =	smov.u32 @p0 s12;
	[sflag:s31] =	ssyncset.done $0x0  }
0xa9: {  	s12 =	sadd.s32 $0x8, s13;
	s14 =	ssub.s32 $0x3, s22;
	[sflag:s31] =	ssyncadd.s32 $0xFFFFD800  }
0xaa: {  	[spmem:s3] =	stream.indirect.scatter.add.f32 [tilespmem:s23], [sflag:$0x9], $0x80, s16, s9, $0xb8;
	[tilespmem:$0x1C180] =	vst v63  }
0xab: {  	s24 =	sadd.s32 $0xB, s13;
	s13 =	simm.s32 $0x1;
	s20 =	sand.u32 $0xFF, s14  }
0xac: {  	[spmem:s4] =	stream.indirect.scatter.add.f32 [tilespmem:s17], [sflag:$0xC], $0x1, s16, s9, $0xb8;
	[tilespmem:$0x1C180] =	vst v63  }
0xad: {  	s14 =	sor.u32 $0x4, s0;
	s0 =	sshll.u32 s0, $0x7;
	_ =	swait.ge [sflag:s12], $0x2800  }
0xae: {  	s31 =	simm.s32 $0x5;
	s23 =	simm.s32 $0x3;
	[sflag:s12] =	ssyncset.done $0x0  }
0xaf: {  	s21 =	smul.u32 $0xA000, s20;
	s19 =	sand.u32 $0x3, s23;
	[sflag:s12] =	ssyncadd.s32 $0xFFFFD800  }
0xb0: {  	s30 =	sor.u32 $0x4, s19;
	s16 =	sor.u32 $0x200, s0;
	_ =	swait.ge [sflag:s24], $0x50  }
0xb1: {  	s12 =	sand.u32 $0xFF, s10;
	[sflag:s24] =	ssyncset.done $0x0;
	s23 =	rddreg [dreg:$0x14]  }
0xb2: {  	s10 =	smul.u32 $0xA000, s12;
	[sflag:s24] =	ssyncadd.s32 $0xFFFFFFB0;
	s24 =	rddreg [dreg:$0x15]  }
0xb3: {  	[tilespmem:s0], [sflag:s14] =	stream.linear.gather [hbm4b:s24+s5], $0x50, $0x38;
	[tilespmem:$0x1C180] =	vst v63  }
0xb4: {  	s22 =	sshrl.u32 s10, $0x2;
	s0 =	sadd.s32 $0xA, s23;
	s10 =	sadd.s32 $0xA, s24  }
.LBB2_4:
0xb5: {  	[tilespmem:s16], [sflag:s14] =	stream.linear.gather [hbm4b:s23+s5], $0x50, $0x38;
	[tilespmem:$0x1C180] =	vst v63  }
0xb6: {  	p0 =	sne.s32 s11, $0x3D00;
	s14 =	sshrl.u32 s21, $0x2;
	_ =	swait.ge [sflag:s30], $0x50  }
0xb7: {  	s16 =	sadd.s32 $0x1, s20;
	s14 =	sor.u32 $0x400, s14;
	[sflag:s30] =	ssyncset.done $0x0  }
0xb8: {  	s20 =	smov.u32 s11;
	s11 =	sadd.s32 $0x80, s11;
	[sflag:s30] =	ssyncadd.s32 $0xFFFFFFB0  }
0xb9: {  	s21 =	sadd.s32 $0x1, s12;
	s23 =	sor.u32 $0x8, s12;
	_ =	swait.ge [sflag:s30], $0x50  }
0xba: {  	s19 =	sshll.u32 s19, $0x7;
	s29 =	sand.u32 $0x180, s29;
	[sflag:s30] =	ssyncset.done $0x0  }
0xbb: {  	s15 =	smul.u32 $0x56, s15;
	[sflag:s30] =	ssyncadd.s32 $0xFFFFFFB0  }
0xbc: {  	s30 =	sor.u32 $0x200, s29;
	s29 =	smov.u32 s18;
	s18 =	smov.u32 s20  }
0xbd: {  	[tilespmem:s14], [sflag:s16] =	stream.indirect.gather [hbm4b:s1+s9], $0x80, s19, s9, $0xb8;
	[tilespmem:$0x1C180] =	vst v63  }
0xbe: {  	s14 =	sshrl.u32 s15, $0x1F;
	s15 =	sshrl.u32 s15, $0x8;
	_ =	swait.ge [sflag:s21], $0x2800  }
0xbf: {  	s14 =	sadd.s32 s14, s15;
	s15 =	smul.u32 $0xAB, s6;
	[sflag:s21] =	ssyncset.done $0x0  }
0xc0: {  	s16 =	sor.u32 $0x400, s22;
	s14 =	smul.u32 $0x3, s14;
	[sflag:s21] =	ssyncadd.s32 $0xFFFFD800  }
0xc1: {  	[spmem:s3] =	stream.indirect.scatter.add.f32 [tilespmem:s16], [sflag:s23], $0x80, s30, s9, $0xb8;
	[tilespmem:$0x1C180] =	vst v63  }
0xc2: {  	s13 =	ssub.s32 s13, s14;
	s14 =	sadd.s32 $0xFFFFFF55, s15;
	s15 =	sadd.s32 $0xFFFFFEAA, s15  }
0xc3: {  	s13 =	sshll.u32 s13, $0x18;
	s15 =	sshrl.u32 s15, $0x9;
	s14 =	sshrl.u32 s14, $0x9  }
0xc4: {  	s13 =	sshra.s32 s13, $0x18;
	s15 =	sand.u32 $0x7F, s15;
	s14 =	sand.u32 $0x7F, s14  }
0xc5: {  	p1 =	slt.s32 s13, $0x0;
	s16 =	sadd.s32 $0x3, s13;
	s15 =	smul.u32 $0x3, s15  }
0xc6: {  	s12 =	sadd.s32 $0xB, s12;
	s14 =	smul.u32 $0x3, s14;
	s13 =	smov.u32 @p1 s16  }
0xc7: {  	s20 =	sadd.s32 $0xFFFFFFFF, s31;
	s6 =	sadd.s32 $0x1, s6;
	s16 =	sadd.s32 $0x8, s13  }
0xc8: {  	s19 =	sand.u32 $0x3, s20;
	s15 =	ssub.s32 s31, s15;
	s14 =	ssub.s32 s20, s14  }
0xc9: {  	s22 =	sadd.s32 $0xB, s13;
	s13 =	sadd.s32 $0xFFFFFFFC, s6;
	s15 =	sadd.s32 $0xFFFFFFFE, s15  }
0xca: {  	[spmem:s4] =	stream.indirect.scatter.add.f32 [tilespmem:s17], [sflag:s12], $0x1, s30, s9, $0xb8;
	[tilespmem:$0x1C180] =	vst v63  }
0xcb: {  	s20 =	sand.u32 $0xFF, s14;
	s12 =	sand.u32 $0x3, s31;
	_ =	swait.ge [sflag:s16], $0x2800  }
0xcc: {  	s21 =	smul.u32 $0xA000, s20;
	s14 =	sor.u32 $0x4, s12;
	[sflag:s16] =	ssyncset.done $0x0  }
0xcd: {  	s23 =	sshll.u32 s12, $0x7;
	s12 =	sand.u32 $0xFF, s15;
	[sflag:s16] =	ssyncadd.s32 $0xFFFFD800  }
0xce: {  	s24 =	smul.u32 $0xA000, s12;
	_ =	swait.ge [sflag:s22], $0x50  }
.Ltmp1:
0xcf: {  	s15 =	sshll.u32 s13, $0x18;
	[sflag:s22] =	ssyncset.done $0x0;
	(pc) =	sbr.rel @p0 .LBB2_4-.Ltmp1, $4  }
0xd0: {  	s30 =	sor.u32 $0x4, s19;
	s31 =	smov.u32 s6;
	[sflag:s22] =	ssyncadd.s32 $0xFFFFFFB0  }
0xd1: {  	s15 =	sshra.s32 s15, $0x18;
	s16 =	sor.u32 $0x200, s23;
	s22 =	sshrl.u32 s24, $0x2  }
0xd2: {  	[tilespmem:s23], [sflag:s14] =	stream.linear.gather [hbm4b:s10+s5], $0x50, $0x38;
	[tilespmem:$0x1C180] =	vst v63  }
0xd3: {  	s10 =	sadd.s32 $0xA, s10;
	s23 =	smov.u32 s0;
	s0 =	sadd.s32 $0xA, s0  }
0xd4: {  	[tilespmem:s16], [sflag:s14] =	stream.linear.gather [hbm4b:s23+s5], $0x50, $0x38;
	[tilespmem:$0x1C180] =	vst v63  }
0xd5: {  	_ =	swait.ge [sflag:s30], $0x50  }
0xd6: {  	[sflag:s30] =	ssyncset.done $0x0  }
0xd7: {  	s11 =	sshrl.u32 s21, $0x2;
	s16 =	sadd.s32 $0x1, s20;
	[sflag:s30] =	ssyncadd.s32 $0xFFFFFFB0  }
0xd8: {  	s19 =	sshll.u32 s19, $0x7;
	s15 =	smul.u32 $0x56, s15;
	_ =	swait.ge [sflag:s30], $0x50  }
0xd9: {  	s23 =	sand.u32 $0x180, s29;
	s11 =	sor.u32 $0x400, s11;
	[sflag:s30] =	ssyncset.done $0x0  }
0xda: {  	s29 =	sshrl.u32 s15, $0x1F;
	s15 =	sshrl.u32 s15, $0x8;
	[sflag:s30] =	ssyncadd.s32 $0xFFFFFFB0  }
0xdb: {  	[tilespmem:s11], [sflag:s16] =	stream.indirect.gather [hbm4b:s1+s9], $0x80, s19, s9, $0xb8;
	[tilespmem:$0x1C180] =	vst v63  }
0xdc: {  	s20 =	sadd.s32 $0x1, s12;
	s11 =	sadd.s32 s29, s15  }
0xdd: {  	_ =	swait.ge [sflag:s20], $0x2800;
	s11 =	smul.u32 $0x3, s11  }
0xde: {  	s21 =	sor.u32 $0x8, s12;
	s24 =	sor.u32 $0x400, s22;
	[sflag:s20] =	ssyncset.done $0x0  }
0xdf: {  	s14 =	sor.u32 $0x200, s23;
	[sflag:s20] =	ssyncadd.s32 $0xFFFFD800;
	s11 =	ssub.s32 s13, s11  }
0xe0: {  	[spmem:s3] =	stream.indirect.scatter.add.f32 [tilespmem:s24], [sflag:s21], $0x80, s14, s9, $0xb8;
	[tilespmem:$0x1C180] =	vst v63  }
0xe1: {  	s11 =	sshll.u32 s11, $0x18  }
0xe2: {  	s15 =	sadd.s32 $0xB, s12;
	s11 =	sshra.s32 s11, $0x18  }
0xe3: {  	[spmem:s4] =	stream.indirect.scatter.add.f32 [tilespmem:s17], [sflag:s15], $0x1, s14, s9, $0xb8;
	[tilespmem:$0x1C180] =	vst v63  }
0xe4: {  	p0 =	slt.s32 s11, $0x0;
	s12 =	sadd.s32 $0x3, s11  }
0xe5: {  	s11 =	smov.u32 @p0 s12  }
0xe6: {  	s12 =	sadd.s32 $0x8, s11  }
0xe7: {  	_ =	swait.ge [sflag:s12], $0x2800  }
0xe8: {  	[sflag:s12] =	ssyncset.done $0x0  }
0xe9: {  	s11 =	sadd.s32 $0xB, s11;
	[sflag:s12] =	ssyncadd.s32 $0xFFFFD800  }
0xea: {  	s6 =	smul.u32 $0xAB, s6;
	s16 =	sand.u32 $0x3, s31;
	_ =	swait.ge [sflag:s11], $0x50  }
0xeb: {  	s19 =	sor.u32 $0x4, s16;
	[sflag:s11] =	ssyncset.done $0x0  }
0xec: {  	s20 =	sadd.s32 $0xFFFFFF55, s6;
	s12 =	sshll.u32 s16, $0x7;
	[sflag:s11] =	ssyncadd.s32 $0xFFFFFFB0  }
0xed: {  	[tilespmem:s12], [sflag:s19] =	stream.linear.gather [hbm4b:s10+s5], $0x50, $0x38;
	[tilespmem:$0x1C180] =	vst v63  }
0xee: {  	s21 =	sshrl.u32 s20, $0x9;
	s12 =	sor.u32 $0x200, s12  }
0xef: {  	[tilespmem:s12], [sflag:s19] =	stream.linear.gather [hbm4b:s0+s5], $0x50, $0x38;
	[tilespmem:$0x1C180] =	vst v63  }
0xf0: {  	s22 =	sadd.s32 $0xFFFFFFFF, s31;
	s0 =	sand.u32 $0x7F, s21  }
0xf1: {  	s23 =	sand.u32 $0x3, s22;
	s0 =	smul.u32 $0x3, s0  }
0xf2: {  	s24 =	sor.u32 $0x4, s23  }
0xf3: {  	s6 =	sadd.s32 $0xFFFFFEAA, s6;
	_ =	swait.ge [sflag:s24], $0x50;
	s0 =	ssub.s32 s22, s0  }
0xf4: {  	s6 =	sshrl.u32 s6, $0x9;
	[sflag:s24] =	ssyncset.done $0x0;
	s0 =	sand.u32 $0xFF, s0  }
0xf5: {  	s6 =	sand.u32 $0x7F, s6;
	[sflag:s24] =	ssyncadd.s32 $0xFFFFFFB0;
	s29 =	smul.u32 $0xA000, s0  }
0xf6: {  	s6 =	smul.u32 $0x3, s6;
	_ =	swait.ge [sflag:s24], $0x50  }
0xf7: {  	s11 =	sshll.u32 s23, $0x7;
	[sflag:s24] =	ssyncset.done $0x0;
	s10 =	sshrl.u32 s29, $0x2  }
0xf8: {  	s0 =	sadd.s32 $0x1, s0;
	[sflag:s24] =	ssyncadd.s32 $0xFFFFFFB0;
	s10 =	sor.u32 $0x400, s10  }
0xf9: {  	[tilespmem:s10], [sflag:s0] =	stream.indirect.gather [hbm4b:s1+s9], $0x80, s11, s9, $0xb8;
	[tilespmem:$0x1C180] =	vst v63  }
0xfa: {  	s11 =	ssub.s32 s31, s6  }
0xfb: {  	s0 =	sadd.s32 $0xFFFFFFFE, s11  }
0xfc: {  	s0 =	sand.u32 $0xFF, s0  }
0xfd: {  	s12 =	sadd.s32 $0x1, s0;
	s13 =	smul.u32 $0xA000, s0  }
0xfe: {  	s14 =	sand.u32 $0x180, s18;
	_ =	swait.ge [sflag:s12], $0x2800  }
0xff: {  	s11 =	sor.u32 $0x200, s14;
	[sflag:s12] =	ssyncset.done $0x0;
	s10 =	sshrl.u32 s13, $0x2  }
0x100: {  	s15 =	sor.u32 $0x8, s0;
	[sflag:s12] =	ssyncadd.s32 $0xFFFFD800;
	s10 =	sor.u32 $0x400, s10  }
0x101: {  	[spmem:s3] =	stream.indirect.scatter.add.f32 [tilespmem:s10], [sflag:s15], $0x80, s11, s9, $0xb8;
	[tilespmem:$0x1C180] =	vst v63  }
0x102: {  	s0 =	sadd.s32 $0xB, s0  }
0x103: {  	[spmem:s4] =	stream.indirect.scatter.add.f32 [tilespmem:s17], [sflag:s0], $0x1, s11, s9, $0xb8;
	[tilespmem:$0x1C180] =	vst v63  }
0x104: {  	_ =	swait.ge [sflag:s25], $0x2800  }
0x105: {  	[sflag:s25] =	ssyncset.done $0x0  }
0x106: {  	[sflag:s25] =	ssyncadd.s32 $0xFFFFD800  }
0x107: {  	_ =	swait.ge [sflag:s26], $0x50  }
0x108: {  	[sflag:s26] =	ssyncset.done $0x0  }
0x109: {  	[sflag:s26] =	ssyncadd.s32 $0xFFFFFFB0  }
0x10a: {  	_ =	swait.ge [sflag:s28], $0x50  }
0x10b: {  	[sflag:s28] =	ssyncset.done $0x0  }
0x10c: {  	[sflag:s28] =	ssyncadd.s32 $0xFFFFFFB0  }
0x10d: {  	_ =	swait.ge [sflag:s28], $0x50  }
0x10e: {  	[sflag:s28] =	ssyncset.done $0x0  }
0x10f: {  	s23 =	simm.s32 $0x2C00;
	s24 =	simm.s32 $0x1;
	[sflag:s28] =	ssyncadd.s32 $0xFFFFFFB0  }
0x110: {  	[tilespmem:s23], [sflag:$0x2] =	stream.indirect.gather [hbm4b:s1+s9], $0x80, s5, s9, $0xb8;
	[tilespmem:$0x1C180] =	vst v63  }
0x111: {  	_ =	swait.ge [sflag:s24], $0x2800  }
0x112: {  	[sflag:s24] =	ssyncset.done $0x0  }
0x113: {  	s30 =	simm.s32 $0x380;
	[sflag:s24] =	ssyncadd.s32 $0xFFFFD800  }
0x114: {  	[spmem:s3] =	stream.indirect.scatter.add.f32 [tilespmem:s2], [sflag:$0x8], $0x80, s30, s9, $0xb8;
	[tilespmem:$0x1C180] =	vst v63  }
0x115: {  	s16 =	simm.s32 $0xA  }
0x116: {  	[spmem:s4] =	stream.indirect.scatter.add.f32 [tilespmem:s17], [sflag:$0xB], $0x1, s30, s9, $0xb8;
	[tilespmem:$0x1C180] =	vst v63  }
0x117: {  	_ =	swait.ge [sflag:s16], $0x2800  }
0x118: {  	[sflag:s16] =	ssyncset.done $0x0  }
0x119: {  	s18 =	simm.s32 $0xD;
	[sflag:s16] =	ssyncadd.s32 $0xFFFFD800  }
0x11a: {  	_ =	swait.ge [sflag:s18], $0x50  }
0x11b: {  	[sflag:s18] =	ssyncset.done $0x0  }
0x11c: {  	s31 =	simm.s32 $0x2;
	[sflag:s18] =	ssyncadd.s32 $0xFFFFFFB0  }
0x11d: {  	_ =	swait.ge [sflag:s31], $0x2800  }
0x11e: {  	[sflag:s31] =	ssyncset.done $0x0  }
0x11f: {  	s14 =	simm.s32 $0x200;
	[sflag:s31] =	ssyncadd.s32 $0xFFFFD800  }
0x120: {  	[spmem:s3] =	stream.indirect.scatter.add.f32 [tilespmem:s23], [sflag:$0x9], $0x80, s14, s9, $0xb8;
	[tilespmem:$0x1C180] =	vst v63  }
0x121: {  	s19 =	simm.s32 $0x8  }
0x122: {  	[spmem:s4] =	stream.indirect.scatter.add.f32 [tilespmem:s17], [sflag:$0xC], $0x1, s14, s9, $0xb8;
	[tilespmem:$0x1C180] =	vst v63  }
0x123: {  	_ =	swait.ge [sflag:s19], $0x2800  }
0x124: {  	[sflag:s19] =	ssyncset.done $0x0  }
0x125: {  	s20 =	simm.s32 $0xB;
	[sflag:s19] =	ssyncadd.s32 $0xFFFFD800  }
0x126: {  	_ =	swait.ge [sflag:s20], $0x50  }
0x127: {  	[sflag:s20] =	ssyncset.done $0x0  }
0x128: {  	[sflag:s20] =	ssyncadd.s32 $0xFFFFFFB0  }
0x129: {  	_ =	swait.ge [sflag:s25], $0x2800  }
0x12a: {  	[sflag:s25] =	ssyncset.done $0x0  }
0x12b: {  	[sflag:s25] =	ssyncadd.s32 $0xFFFFD800  }
0x12c: {  	_ =	swait.ge [sflag:s26], $0x50  }
0x12d: {  	[sflag:s26] =	ssyncset.done $0x0  }
0x12e: {  	[sflag:s26] =	ssyncadd.s32 $0xFFFFFFB0  }
0x12f: {  	[bflag:$0x0] =	sbarrier.arrive $0xFFFF  }
0x130: {  	s18 =	rddreg [dreg:$0x9]  }
0x131: {  	[tilespmem:s2], [sflag:$0xE] =	stream.linear.gather [spmem:s18], $0x4000, $0x38;
	[tilespmem:$0x1C180] =	vst v63  }
0x132: {  	_ =	swait.ge [sflag:s7], $0x4000  }
0x133: {  	[sflag:s7] =	ssyncset.done $0x0  }
0x134: {  	s21 =	rddreg [dreg:$0xd];
	[sflag:s7] =	ssyncadd.s32 $0xFFFFC000  }
0x135: {  	[hbm4b:s21+s5] =	stream.linear.scatter [tilespmem:s2], [sflag:$0xE], $0x4000, $0x38;
	[tilespmem:$0x1C180] =	vst v63  }
0x136: {  	_ =	swait.ge [sflag:s7], $0x4000  }
0x137: {  	[sflag:s7] =	ssyncset.done $0x0  }
0x138: {  	s19 =	rddreg [dreg:$0xa];
	[sflag:s7] =	ssyncadd.s32 $0xFFFFC000  }
0x139: {  	[tilespmem:s2], [sflag:$0xE] =	stream.linear.gather [spmem:s19], $0x4000, $0x38;
	[tilespmem:$0x1C180] =	vst v63  }
0x13a: {  	_ =	swait.ge [sflag:s7], $0x4000  }
0x13b: {  	[sflag:s7] =	ssyncset.done $0x0  }
0x13c: {  	s22 =	rddreg [dreg:$0xe];
	[sflag:s7] =	ssyncadd.s32 $0xFFFFC000  }
0x13d: {  	[hbm4b:s22+s5] =	stream.linear.scatter [tilespmem:s2], [sflag:$0xE], $0x4000, $0x38;
	[tilespmem:$0x1C180] =	vst v63  }
0x13e: {  	_ =	swait.ge [sflag:s7], $0x4000  }
0x13f: {  	[sflag:s7] =	ssyncset.done $0x0  }
0x140: {  	s20 =	rddreg [dreg:$0xb];
	[sflag:s7] =	ssyncadd.s32 $0xFFFFC000  }
0x141: {  	[tilespmem:s2], [sflag:$0xE] =	stream.linear.gather [spmem:s20], $0x4000, $0x38;
	[tilespmem:$0x1C180] =	vst v63  }
0x142: {  	_ =	swait.ge [sflag:s7], $0x4000  }
0x143: {  	[sflag:s7] =	ssyncset.done $0x0  }
0x144: {  	s29 =	rddreg [dreg:$0xf];
	[sflag:s7] =	ssyncadd.s32 $0xFFFFC000  }
0x145: {  	[hbm4b:s29+s5] =	stream.linear.scatter [tilespmem:s2], [sflag:$0xE], $0x4000, $0x38;
	[tilespmem:$0x1C180] =	vst v63  }
0x146: {  	_ =	swait.ge [sflag:s7], $0x4000  }
0x147: {  	[sflag:s7] =	ssyncset.done $0x0  }
0x148: {  	s21 =	rddreg [dreg:$0xc];
	[sflag:s7] =	ssyncadd.s32 $0xFFFFC000  }
0x149: {  	[tilespmem:s2], [sflag:$0xE] =	stream.linear.gather [spmem:s21], $0x4000, $0x38;
	[tilespmem:$0x1C180] =	vst v63  }
0x14a: {  	_ =	swait.ge [sflag:s7], $0x4000  }
0x14b: {  	[sflag:s7] =	ssyncset.done $0x0  }
0x14c: {  	s6 =	rddreg [dreg:$0x10];
	[sflag:s7] =	ssyncadd.s32 $0xFFFFC000  }
0x14d: {  	[hbm4b:s6+s5] =	stream.linear.scatter [tilespmem:s2], [sflag:$0xE], $0x4000, $0x38;
	[tilespmem:$0x1C180] =	vst v63  }
0x14e: {  	_ =	swait.ge [sflag:s7], $0x4000  }
0x14f: {  	[sflag:s7] =	ssyncset.done $0x0  }
0x150: {  	s12 =	rddreg [dreg:$0x12];
	[sflag:s7] =	ssyncadd.s32 $0xFFFFC000  }
0x151: {  	[tilespmem:s2], [sflag:$0xE] =	stream.linear.gather [spmem:s12], $0x4000, $0x38;
	[tilespmem:$0x1C180] =	vst v63  }
0x152: {  	_ =	swait.ge [sflag:s7], $0x4000  }
0x153: {  	[sflag:s7] =	ssyncset.done $0x0  }
0x154: {  	s10 =	rddreg [dreg:$0x11];
	[sflag:s7] =	ssyncadd.s32 $0xFFFFC000  }
0x155: {  	[hbm4b:s10+s5] =	stream.linear.scatter [tilespmem:s2], [sflag:$0xE], $0x4000, $0x38;
	[tilespmem:$0x1C180] =	vst v63  }
0x156: {  	_ =	swait.ge [sflag:s7], $0x4000  }
0x157: {  	[sflag:s7] =	ssyncset.done $0x0  }
0x158: {  	s22 =	simm.s32 $0x7C00;
	s13 =	rddreg [dreg:$0x13];
	[sflag:s7] =	ssyncadd.s32 $0xFFFFC000  }
0x159: {  	[tilespmem:s22], [sflag:$0xE] =	stream.linear.gather [spmem:s13], $0x280, $0x38;
	[tilespmem:$0x1C180] =	vst v63  }
0x15a: {  	_ =	swait.ge [sflag:s7], $0x280  }
0x15b: {  	s15 =	simm.s32 $0x80;
	[sflag:s7] =	ssyncset.done $0x0  }
0x15c: {  	s16 =	simm.s32 $0x100;
	s11 =	rddreg [dreg:$0x17];
	[sflag:s7] =	ssyncadd.s32 $0xFFFFFD80  }
0x15d: {  	[hbm4b:s11+s15] =	stream.strided.scatter [tilespmem:s22], [sflag:$0xE], $0x280, s16, s15, $0x38;
	[tilespmem:$0x1C180] =	vst v63  }
0x15e: {  	_ =	swait.ge [sflag:s7], $0x280  }
0x15f: {  	s8 =	sadd.s32 $0x1, s8;
	s29 =	rddreg [dreg:$0x18]  }
0x160: {  	p0 =	sne.s32 s8, s29  }
.Ltmp2:
0x161: {  	_ = 	snop;
	(pc) =	sbr.rel @p0 .LBB2_1-.Ltmp2, $3  }
0x162: {  	_ =	sdelay $0x1  }
0x163: {  	[sflag:s7] =	ssyncset.done $0x0  }
0x164: {  	s16 =	simm.s32 $0x280;
	[sflag:s7] =	ssyncadd.s32 $0xFFFFFD80  }
0x165: {  	_ =	sfence.sel $0x180000  }
0x166: {  	[bflag:$0x0] =	sbarrier.arrive $0xFFFF  }
0x167: {  	_ =	strace $0x90000047  }
0x168: {  	s0 =	stileid.u32;
	[bflag:$0x2] =	sbarrier.arrive $0xFFFF  }
0x169: {  	p0 =	sne.s32 s0, $0x0;
	s0 =	rddreg [dreg:$0x4]  }
0x16a: {  	s0 =	sadd.s32 @!p0 $0x100000, s0  }
0x16b: {  	[sflag:s0] =	ssyncadd.tile.s32 @!p0 $0x1;
	_ =	shalt  }
.Lfunc_end2:
_tile_overlayer_lowered:
.L_overlay_start_2:
0x16c: {  	(tag) =	ssettag $0x2  }
0x16d: {  	s0 =	rddreg [dreg:$0x0];
	s2 =	stileid.u32  }
0x16e: {  	s1 =	rddreg [dreg:$0x1];
	p0 =	sne.s32 s2, $0x0  }
0x16f: {  	s3 =	rddreg [dreg:$0x2];
	[bflag:$0x3] =	sbarrier.arrive $0xFFFF;
	s2 =	simm.s32 @!p0 $0x1C0E  }
0x170: {  	[timem:s3], [sflag:s2] =	dma.local @!p0 [hbm:s0], s1  }
0x171: {  	s0 =	simm.s32 @!p0 $0xE  }
0x172: {  	_ =	swait.ge @!p0 [sflag:s0], s1  }
0x173: {  	s1 =	ssub.s32 @!p0 $0x0, s1;
	[sflag:s0] =	ssyncset.done @!p0 $0x0  }
0x174: {  	[sflag:s0] =	ssyncadd.s32 @!p0 s1  }
0x175: {  	[bflag:$0x3] =	sbarrier.arrive $0xFFFF  }
0x176: {  	_ =	shalt  }

</sc_bundles>
